<compile_context>
chip_gen: v7x
topology: tpu7x:2x2x1
jax: 0.10.2.dev20260603
libtpu: 0.0.44.dev20260713+nightly
codegen_flags: <defaults>
</compile_context>

<pallas_src>
import functools

import jax
import jax.numpy as jnp
from jax import lax
from jax.experimental import pallas as pl
from jax.experimental.pallas import tpu as pltpu
from jax.experimental.pallas import tpu_sc as plsc

_N = 50000
_E = 800000
_B = 1024
_H = 128
_NF = 9

_NP = 51200
_CHUNK = 12800
_AROWS = 12928
_ZR = 808
_DR = 800
_GB = 64
_ESS = 1152
_NSS = 44
_NBS = _ESS // _GB
_EPT = _NSS * _ESS
_EP = 16 * _EPT
_PGB = 128

_R = 512
_GRID = _NP // _R

_PRT = _NP // 32
_PNB = _PRT // _PGB
_PTAIL = _PRT - _PNB * _PGB
_PACC = 1152


def _node_mlp(x_p, W1, b1, W2, b2):
    def body(x_ref, w1_ref, b1_ref, w2_ref, b2_ref, o_ref):
        t = jnp.maximum(
            jnp.dot(x_ref[...], w1_ref[...], preferred_element_type=jnp.float32)
            + b1_ref[...], 0.0)
        o_ref[...] = (
            jnp.dot(t, w2_ref[...], preferred_element_type=jnp.float32)
            + b2_ref[...])
    return pl.pallas_call(
        body,
        grid=(_GRID,),
        in_specs=[
            pl.BlockSpec((_R, _NF), lambda i: (i, 0)),
            pl.BlockSpec((_NF, _H), lambda i: (0, 0)),
            pl.BlockSpec((1, _H), lambda i: (0, 0)),
            pl.BlockSpec((_H, _H), lambda i: (0, 0)),
            pl.BlockSpec((1, _H), lambda i: (0, 0)),
        ],
        out_specs=pl.BlockSpec((_R, _H), lambda i: (i, 0)),
        out_shape=jax.ShapeDtypeStruct((_NP, _H), jnp.float32),
    )(x_p, W1, b1.reshape(1, _H), W2, b2.reshape(1, _H))


def _gin_stats(h, agg, W1, b1, W2, b2):
    def body(h_ref, a_ref, w1_ref, b1_ref, w2_ref, b2_ref, y_ref, st_ref,
             acc_ref):
        i = pl.program_id(0)
        u = h_ref[...] + a_ref[...]
        t = jnp.maximum(
            jnp.dot(u, w1_ref[...], preferred_element_type=jnp.float32)
            + b1_ref[...], 0.0)
        y = jnp.maximum(
            jnp.dot(t, w2_ref[...], preferred_element_type=jnp.float32)
            + b2_ref[...], 0.0)
        y_ref[...] = y
        gidx = i * _R + lax.broadcasted_iota(jnp.int32, (_R, _H), 0)
        ym = jnp.where(gidx < _N, y, 0.0)
        ps = ym.reshape(_R // 8, 8, _H).sum(axis=0)
        pq = (ym * ym).reshape(_R // 8, 8, _H).sum(axis=0)

        @pl.when(i == 0)
        def _():
            acc_ref[...] = jnp.zeros_like(acc_ref)

        acc_ref[0:8] += ps
        acc_ref[8:16] += pq
        st_ref[...] = acc_ref[...]

    return pl.pallas_call(
        body,
        grid=(_GRID,),
        in_specs=[
            pl.BlockSpec((_R, _H), lambda i: (i, 0)),
            pl.BlockSpec((_R, _H), lambda i: (i, 0)),
            pl.BlockSpec((_H, _H), lambda i: (0, 0)),
            pl.BlockSpec((1, _H), lambda i: (0, 0)),
            pl.BlockSpec((_H, _H), lambda i: (0, 0)),
            pl.BlockSpec((1, _H), lambda i: (0, 0)),
        ],
        out_specs=[
            pl.BlockSpec((_R, _H), lambda i: (i, 0)),
            pl.BlockSpec((16, _H), lambda i: (0, 0)),
        ],
        out_shape=[
            jax.ShapeDtypeStruct((_NP, _H), jnp.float32),
            jax.ShapeDtypeStruct((16, _H), jnp.float32),
        ],
        scratch_shapes=[pltpu.VMEM((16, _H), jnp.float32)],
    )(h, agg, W1, b1.reshape(1, _H), W2, b2.reshape(1, _H))


def _affine(y, st, g, b):
    def body(y_ref, st_ref, g_ref, b_ref, o_ref):
        sm = st_ref[0:8].sum(axis=0, keepdims=True)
        sq = st_ref[8:16].sum(axis=0, keepdims=True)
        mean = sm / _N
        var = sq / _N - mean * mean
        s = g_ref[...] * lax.rsqrt(var + 1e-5)
        t = b_ref[...] - mean * s
        o_ref[...] = y_ref[...] * s + t

    return pl.pallas_call(
        body,
        grid=(_GRID,),
        in_specs=[
            pl.BlockSpec((_R, _H), lambda i: (i, 0)),
            pl.BlockSpec((16, _H), lambda i: (0, 0)),
            pl.BlockSpec((1, _H), lambda i: (0, 0)),
            pl.BlockSpec((1, _H), lambda i: (0, 0)),
        ],
        out_specs=pl.BlockSpec((_R, _H), lambda i: (i, 0)),
        out_shape=jax.ShapeDtypeStruct((_NP, _H), jnp.float32),
    )(y, st, g.reshape(1, _H), b.reshape(1, _H))


def _head(pool, tf, pe_W1, pe_b1, pe_W2, pe_b2, pe_W3, pe_b3,
          pr_W1, pr_b1, pr_W2, pr_b2, pr_W3, pr_b3):
    def body(pool_ref, tf_ref, pw1, pb1, pw2, pb2, pw3, pb3,
             rw1, rb1, rw2, rb2, rw3, rb3, o_ref):
        mol = pool_ref[0:_B] + pool_ref[_B:2 * _B]
        p = jnp.maximum(
            jnp.dot(tf_ref[...], pw1[...], preferred_element_type=jnp.float32)
            + pb1[...], 0.0)
        p = jnp.maximum(
            jnp.dot(p, pw2[...], preferred_element_type=jnp.float32)
            + pb2[...], 0.0)
        p = jnp.dot(p, pw3[...], preferred_element_type=jnp.float32) + pb3[...]
        comb = jnp.concatenate([mol, p], axis=1)
        o = jnp.maximum(
            jnp.dot(comb, rw1[...], preferred_element_type=jnp.float32)
            + rb1[...], 0.0)
        o = jnp.maximum(
            jnp.dot(o, rw2[...], preferred_element_type=jnp.float32)
            + rb2[...], 0.0)
        o_ref[...] = (
            jnp.dot(o, rw3[...], preferred_element_type=jnp.float32)
            + rb3[...])

    return pl.pallas_call(
        body,
        out_shape=jax.ShapeDtypeStruct((_B, 1), jnp.float32),
    )(pool, tf, pe_W1, pe_b1.reshape(1, _H), pe_W2, pe_b2.reshape(1, _H),
      pe_W3, pe_b3.reshape(1, _H),
      pr_W1, pr_b1.reshape(1, _H), pr_W2, pr_b2.reshape(1, _H // 2),
      pr_W3, pr_b3.reshape(1, 1))


def _build_sc_scatter():
    mesh = plsc.VectorSubcoreMesh(core_axis_name="c", subcore_axis_name="s")

    @functools.partial(
        pl.kernel,
        out_type=jax.ShapeDtypeStruct((_NP, _H), jnp.float32),
        mesh=mesh,
        scratch_types=[
            pltpu.VMEM((_ESS,), jnp.int32),
            pltpu.VMEM((_ESS,), jnp.int32),
            pltpu.VMEM((_GB,), jnp.int32),
            pltpu.VMEM((_GB,), jnp.int32),
            pltpu.VMEM((_GB,), jnp.int32),
            pltpu.VMEM((_GB, _H), jnp.float32),
            pltpu.VMEM((_GB, _H), jnp.float32),
            pltpu.VMEM((_GB, _H), jnp.float32),
            pltpu.SemaphoreType.DMA,
            pltpu.SemaphoreType.DMA,
            pltpu.SemaphoreType.DMA,
            pltpu.SemaphoreType.DMA,
            pltpu.SemaphoreType.DMA,
            pltpu.SemaphoreType.DMA,
            pltpu.VMEM_SHARED((_AROWS, _H), jnp.float32),
        ],
    )
    def ker(h_hbm, srcp_hbm, dstp_hbm, zero_hbm, out_hbm,
            src_st, dst_st, iw0, iw1, iw2, rb0, rb1, rb2,
            gs0, gs1, gs2, ss0, ss1, ss2, acc):
        core = lax.axis_index("c")
        sub = lax.axis_index("s")
        idxw = (iw0, iw1, iw2)
        rows = (rb0, rb1, rb2)
        gsem = (gs0, gs1, gs2)
        ssem = (ss0, ss1, ss2)

        def fill_idx(buf, g):
            for j in range(_GB // 16):
                buf[pl.ds(j * 16, 16)] = dst_st[pl.ds(g * _GB + j * 16, 16)]

        def fire_gather(b, g):
            pltpu.async_copy(h_hbm.at[src_st.at[pl.ds(g * _GB, _GB)]],
                             rows[b], gsem[b])

        for ci in range(2):
            lo = (core * 2 + ci) * _CHUNK
            for z in range(_ZR // _PGB):
                pltpu.sync_copy(zero_hbm,
                                acc.at[pl.ds(sub * _ZR + z * _PGB, _PGB)])
            pltpu.sync_copy(
                zero_hbm.at[pl.ds(0, _ZR % _PGB)],
                acc.at[pl.ds(sub * _ZR + (_ZR // _PGB) * _PGB, _ZR % _PGB)])
            plsc.subcore_barrier()

            def subslab(ssi, _0):
                ebase = sub * _EPT + ssi * _ESS
                pltpu.sync_copy(srcp_hbm.at[pl.ds(ebase, _ESS)], src_st)
                pltpu.sync_copy(dstp_hbm.at[pl.ds(ebase, _ESS)], dst_st)

                def xform(v, _):
                    dv = dst_st[pl.ds(v * 16, 16)]
                    dl = dv - lo
                    m = (dl >= 0) & (dl < _CHUNK)
                    dst_st[pl.ds(v * 16, 16)] = jnp.where(m, dl, _CHUNK)
                    return 0

                lax.fori_loop(0, _ESS // 16, xform, 0)

                fill_idx(iw0, 0)
                fire_gather(0, 0)
                fill_idx(iw1, 1)
                fire_gather(1, 1)

                def triple(t, _):
                    for j in range(3):
                        g = 3 * t + j
                        pltpu.make_async_copy(h_hbm.at[pl.ds(0, _GB)],
                                              rows[j], gsem[j]).wait()
                        pltpu.async_copy(rows[j], acc.at[idxw[j]], ssem[j],
                                         add=True)
                        nxt = g + 2
                        b = (j + 2) % 3

                        @pl.when((nxt < _NBS) & (nxt >= 3))
                        def _():
                            pltpu.make_async_copy(rows[b], acc.at[idxw[b]],
                                                  ssem[b]).wait()

                        @pl.when(nxt < _NBS)
                        def _():
                            fill_idx(idxw[b], nxt)
                            fire_gather(b, nxt)
                    return 0

                lax.fori_loop(0, _NBS // 3, triple, 0)
                for b in ((_NBS - 3) % 3, (_NBS - 2) % 3, (_NBS - 1) % 3):
                    pltpu.make_async_copy(rows[b], acc.at[idxw[b]],
                                          ssem[b]).wait()
                return 0

            lax.fori_loop(0, _NSS, subslab, 0)
            plsc.subcore_barrier()
            pltpu.sync_copy(acc.at[pl.ds(sub * _DR, _DR)],
                            out_hbm.at[pl.ds(lo + sub * _DR, _DR)])
            plsc.subcore_barrier()

    return ker


def _build_sc_pool():
    mesh = plsc.VectorSubcoreMesh(core_axis_name="c", subcore_axis_name="s")

    @functools.partial(
        pl.kernel,
        out_type=jax.ShapeDtypeStruct((2 * _B, _H), jnp.float32),
        mesh=mesh,
        scratch_types=[
            pltpu.VMEM((_PGB,), jnp.int32),
            pltpu.VMEM((_PGB, _H), jnp.float32),
            pltpu.VMEM_SHARED((_PACC, _H), jnp.float32),
        ],
    )
    def ker(h_hbm, bid_hbm, zero_hbm, out_hbm, idxw, rows, acc):
        core = lax.axis_index("c")
        sub = lax.axis_index("s")
        pltpu.sync_copy(zero_hbm.at[pl.ds(0, _PACC // 16)],
                        acc.at[pl.ds(sub * (_PACC // 16), _PACC // 16)])
        plsc.subcore_barrier()
        rowbase = (core * 16 + sub) * _PRT

        def blk(g, _):
            base = rowbase + g * _PGB
            pltpu.sync_copy(bid_hbm.at[pl.ds(base, _PGB)], idxw)
            pltpu.sync_copy(h_hbm.at[pl.ds(base, _PGB)], rows)
            pltpu.sync_copy(rows, acc.at[idxw], add=True)
            return 0

        lax.fori_loop(0, _PNB, blk, 0)
        base = rowbase + _PNB * _PGB
        pltpu.sync_copy(zero_hbm, rows)
        pltpu.sync_copy(bid_hbm.at[pl.ds(base, _PTAIL)],
                        idxw.at[pl.ds(0, _PTAIL)])
        for j in range(_PTAIL // 16, _PGB // 16):
            idxw[pl.ds(j * 16, 16)] = jnp.full((16,), _B, jnp.int32)
        pltpu.sync_copy(h_hbm.at[pl.ds(base, _PTAIL)],
                        rows.at[pl.ds(0, _PTAIL)])
        pltpu.sync_copy(rows, acc.at[idxw], add=True)
        plsc.subcore_barrier()
        pltpu.sync_copy(acc.at[pl.ds(sub * 64, 64)],
                        out_hbm.at[pl.ds(core * _B + sub * 64, 64)])

    return ker


_SC_SCATTER = _build_sc_scatter()
_SC_POOL = _build_sc_pool()


def kernel(x, edge_index, batch_ids, target_features,
           ne_W1, ne_b1, ne_W2, ne_b2,
           nn1_W1, nn1_b1, nn1_W2, nn1_b2, bn1_g, bn1_b,
           nn2_W1, nn2_b1, nn2_W2, nn2_b2, bn2_g, bn2_b,
           pe_W1, pe_b1, pe_W2, pe_b2, pe_W3, pe_b3,
           pr_W1, pr_b1, pr_W2, pr_b2, pr_W3, pr_b3):
    src_p = jnp.concatenate(
        [edge_index[0], jnp.zeros((_EP - _E,), jnp.int32)])
    dst_p = jnp.concatenate(
        [edge_index[1], jnp.full((_EP - _E,), _NP, jnp.int32)])
    x_p = jnp.pad(x, ((0, _NP - _N), (0, 0)))
    bid_p = jnp.concatenate(
        [batch_ids, jnp.full((_NP - _N,), _B, jnp.int32)])
    zeros = jnp.zeros((_PGB, _H), jnp.float32)

    h0 = _node_mlp(x_p, ne_W1, ne_b1, ne_W2, ne_b2)
    a0 = _SC_SCATTER(h0, src_p, dst_p, zeros)
    y1, st1 = _gin_stats(h0, a0, nn1_W1, nn1_b1, nn1_W2, nn1_b2)
    h1 = _affine(y1, st1, bn1_g, bn1_b)
    a1 = _SC_SCATTER(h1, src_p, dst_p, zeros)
    y2, st2 = _gin_stats(h1, a1, nn2_W1, nn2_b1, nn2_W2, nn2_b2)
    h2 = _affine(y2, st2, bn2_g, bn2_b)
    pool = _SC_POOL(h2, bid_p, zeros)
    return _head(pool, target_features,
                 pe_W1, pe_b1, pe_W2, pe_b2, pe_W3, pe_b3,
                 pr_W1, pr_b1, pr_W2, pr_b2, pr_W3, pr_b3)

# --- scband reference (transcript-rebuilt; emitter-appended) ---
"""Pipeline reference for scband-gindrug-target-model-16320875725144 (READ-ONLY COPY).

The authoritative reference and input builder live on the scoring server;
editing this copy changes nothing except your own understanding.
"""

import jax, jax.numpy as jnp
import numpy as np

N = 50000
E = 800000
B = 1024
H = 128
NF = 9
PF = 25


def _glorot(key, shape):
    fan_in = shape[0]
    return jax.random.normal(key, shape, dtype=jnp.float32) * (1.0 / np.sqrt(fan_in))


def setup_inputs(seed: int = 0) -> dict:
    key = jax.random.key(seed)
    ks = jax.random.split(key, 32)
    inp = {}
    inp["x"] = jax.random.normal(ks[0], (N, NF), dtype=jnp.float32)
    inp["edge_index"] = jax.random.randint(ks[1], (2, E), 0, N, dtype=jnp.int32)
    inp["batch_ids"] = jnp.sort(jax.random.randint(ks[2], (N,), 0, B, dtype=jnp.int32))
    inp["target_features"] = jax.random.normal(ks[3], (B, PF), dtype=jnp.float32)
    # node_embedding: Linear(NF,H), ReLU, Linear(H,H)
    inp["ne_W1"] = _glorot(ks[4], (NF, H)); inp["ne_b1"] = jnp.zeros((H,), jnp.float32)
    inp["ne_W2"] = _glorot(ks[5], (H, H)); inp["ne_b2"] = jnp.zeros((H,), jnp.float32)
    # GINConv nn1
    inp["nn1_W1"] = _glorot(ks[6], (H, H)); inp["nn1_b1"] = jnp.zeros((H,), jnp.float32)
    inp["nn1_W2"] = _glorot(ks[7], (H, H)); inp["nn1_b2"] = jnp.zeros((H,), jnp.float32)
    inp["bn1_g"] = jnp.ones((H,), jnp.float32); inp["bn1_b"] = jnp.zeros((H,), jnp.float32)
    # GINConv nn2
    inp["nn2_W1"] = _glorot(ks[8], (H, H)); inp["nn2_b1"] = jnp.zeros((H,), jnp.float32)
    inp["nn2_W2"] = _glorot(ks[9], (H, H)); inp["nn2_b2"] = jnp.zeros((H,), jnp.float32)
    inp["bn2_g"] = jnp.ones((H,), jnp.float32); inp["bn2_b"] = jnp.zeros((H,), jnp.float32)
    # pocket_embedding: Linear(PF,H),ReLU,Dropout,Linear(H,H),ReLU,Linear(H,H)
    inp["pe_W1"] = _glorot(ks[10], (PF, H)); inp["pe_b1"] = jnp.zeros((H,), jnp.float32)
    inp["pe_W2"] = _glorot(ks[11], (H, H)); inp["pe_b2"] = jnp.zeros((H,), jnp.float32)
    inp["pe_W3"] = _glorot(ks[12], (H, H)); inp["pe_b3"] = jnp.zeros((H,), jnp.float32)
    # predictor: Linear(2H,H),ReLU,Dropout,Linear(H,H//2),ReLU,Linear(H//2,1)
    inp["pr_W1"] = _glorot(ks[13], (2 * H, H)); inp["pr_b1"] = jnp.zeros((H,), jnp.float32)
    inp["pr_W2"] = _glorot(ks[14], (H, H // 2)); inp["pr_b2"] = jnp.zeros((H // 2,), jnp.float32)
    inp["pr_W3"] = _glorot(ks[15], (H // 2, 1)); inp["pr_b3"] = jnp.zeros((1,), jnp.float32)
    return inp


def _mlp2(x, W1, b1, W2, b2):
    return jnp.maximum(x @ W1 + b1, 0.0) @ W2 + b2


def _bn(x, g, b):
    m = jnp.mean(x, axis=0)
    v = jnp.var(x, axis=0)
    return (x - m) / jnp.sqrt(v + 1e-5) * g + b


def reference(x, edge_index, batch_ids, target_features,
              ne_W1, ne_b1, ne_W2, ne_b2,
              nn1_W1, nn1_b1, nn1_W2, nn1_b2, bn1_g, bn1_b,
              nn2_W1, nn2_b1, nn2_W2, nn2_b2, bn2_g, bn2_b,
              pe_W1, pe_b1, pe_W2, pe_b2, pe_W3, pe_b3,
              pr_W1, pr_b1, pr_W2, pr_b2, pr_W3, pr_b3):
    src = edge_index[0]
    dst = edge_index[1]
    h = _mlp2(x, ne_W1, ne_b1, ne_W2, ne_b2)
    # GINConv 1: nn((1+eps)*x + sum_{j in N(i)} x_j), eps=0
    agg = jnp.zeros_like(h).at[dst].add(h[src])
    h = _mlp2(h + agg, nn1_W1, nn1_b1, nn1_W2, nn1_b2)
    h = jnp.maximum(h, 0.0)
    h = _bn(h, bn1_g, bn1_b)
    # GINConv 2
    agg = jnp.zeros_like(h).at[dst].add(h[src])
    h = _mlp2(h + agg, nn2_W1, nn2_b1, nn2_W2, nn2_b2)
    h = jnp.maximum(h, 0.0)
    h = _bn(h, bn2_g, bn2_b)
    # global_add_pool per graph
    mol_emb = jax.ops.segment_sum(h, batch_ids, num_segments=B)
    # pocket embedding (dropout = identity in eval)
    p = jnp.maximum(target_features @ pe_W1 + pe_b1, 0.0)
    p = jnp.maximum(p @ pe_W2 + pe_b2, 0.0)
    p = p @ pe_W3 + pe_b3
    combined = jnp.concatenate([mol_emb, p], axis=1)
    o = jnp.maximum(combined @ pr_W1 + pr_b1, 0.0)
    o = jnp.maximum(o @ pr_W2 + pr_b2, 0.0)
    o = o @ pr_W3 + pr_b3
    return o

if __name__ == "__main__":
    import jax
    _d = setup_inputs()
    print(jax.jit(kernel)(*tuple(_d.values())))

</pallas_src>

<mosaic_0001>
#map = affine_map<(d0, d1) -> (0, 0)>
#map1 = affine_map<(d0, d1) -> (0)>
module attributes {stable_mosaic.version = 14 : i64} {
  func.func @ker(%arg0: i32, %arg1: i32, %arg2: memref<51200x128xf32, #tpu.memory_space<hbm>>, %arg3: memref<51200xi32, #tpu.memory_space<hbm>>, %arg4: memref<128x128xf32, #tpu.memory_space<hbm>>, %arg5: memref<2048x128xf32, #tpu.memory_space<hbm>>, %arg6: memref<128xi32, #tpu.memory_space<vmem>>, %arg7: memref<128x128xf32, #tpu.memory_space<vmem>>, %arg8: memref<1152x128xf32, #tpu.memory_space<vmem_shared>>) attributes {dimension_semantics = [#tpu.dimension_semantics<core_parallel>, #tpu.dimension_semantics<subcore_parallel>], iteration_bounds = array<i64: 2, 16>, scalar_prefetch = 0 : i64, scratch_operands = 3 : i64, tpu.core_type = #tpu.core_type<sc_vector_subcore>, window_params = [{transform_indices = #map}, {transform_indices = #map1}, {transform_indices = #map}, {transform_indices = #map}]} {
    %mul3A = arith.constant 72 : i32
    %mul3A_0 = arith.muli %arg1, %mul3A : i32
    "tpu.region"() ({
      %run_scoped3A = tpu.sem_alloc : memref<!tpu.dma_semaphore, #tpu.memory_space<semaphore_mem>>
      %dma_start3A = arith.constant 0 : i32
      %dma_start3A_43 = tpu.memref_slice %arg8[%mul3A_0, %dma_start3A] : memref<1152x128xf32, #tpu.memory_space<vmem_shared>> -> memref<72x128xf32, #tpu.memory_space<vmem_shared>>
      %dma_start3A_44 = arith.constant 0 : i32
      %dma_start3A_45 = arith.constant 0 : i32
      %dma_start3A_46 = tpu.memref_slice %arg4[%dma_start3A_44, %dma_start3A_45] : memref<128x128xf32, #tpu.memory_space<hbm>> -> memref<72x128xf32, #tpu.memory_space<hbm>>
      tpu.enqueue_dma source(%dma_start3A_46 : memref<72x128xf32, #tpu.memory_space<hbm>>) target(%dma_start3A_43 : memref<72x128xf32, #tpu.memory_space<vmem_shared>>) target_semaphore(%run_scoped3A : memref<!tpu.dma_semaphore, #tpu.memory_space<semaphore_mem>>)
      %dma_wait3A = arith.constant 0 : i32
      %dma_wait3A_47 = tpu.memref_slice %arg8[%mul3A_0, %dma_wait3A] : memref<1152x128xf32, #tpu.memory_space<vmem_shared>> -> memref<72x128xf32, #tpu.memory_space<vmem_shared>>
      %dma_wait3A_48 = arith.constant 0 : i32
      %dma_wait3A_49 = arith.constant 0 : i32
      %dma_wait3A_50 = tpu.memref_slice %arg4[%dma_wait3A_48, %dma_wait3A_49] : memref<128x128xf32, #tpu.memory_space<hbm>> -> memref<72x128xf32, #tpu.memory_space<hbm>>
      tpu.wait_dma2 semaphore(%run_scoped3A : memref<!tpu.dma_semaphore, #tpu.memory_space<semaphore_mem>>) src(%dma_wait3A_50 : memref<72x128xf32, #tpu.memory_space<hbm>>) dst(%dma_wait3A_47 : memref<72x128xf32, #tpu.memory_space<vmem_shared>>)
      tpu.yield
    }) : () -> ()
    %barrier3A = arith.constant 0 : index
    tpu.barrier barrier_id(%barrier3A)
    %mul3A_1 = arith.constant 16 : i32
    %mul3A_2 = arith.muli %arg0, %mul3A_1 : i32
    %add3A = arith.addi %mul3A_2, %arg1 : i32
    %mul3A_3 = arith.constant 1600 : i32
    %mul3A_4 = arith.muli %add3A, %mul3A_3 : i32
    %scan3A = arith.constant 0 : i32
    %scan3A_5 = arith.constant 0 : i32
    %scan3A_6 = arith.constant 12 : i32
    %scan3A_7 = arith.addi %scan3A_5, %scan3A_6 : i32
    %scan3A_8 = arith.constant 1 : i32
    %scan3A_9 = scf.for %scan3A_43 = %scan3A_5 to %scan3A_7 step %scan3A_8 iter_args(%scan3A_44 = %scan3A) -> (i32)  : i32 {
      %mul3A_45 = arith.constant 128 : i32
      %mul3A_46 = arith.muli %scan3A_43, %mul3A_45 : i32
      %add3A_47 = arith.addi %mul3A_4, %mul3A_46 : i32
      "tpu.region"() ({
        %run_scoped3A = tpu.sem_alloc : memref<!tpu.dma_semaphore, #tpu.memory_space<semaphore_mem>>
        %dma_start3A = tpu.memref_slice %arg3[%add3A_47] : memref<51200xi32, #tpu.memory_space<hbm>> -> memref<128xi32, #tpu.memory_space<hbm>>
        %dma_start3A_49 = tpu.memref_slice %arg3[%add3A_47] : memref<51200xi32, #tpu.memory_space<hbm>> -> memref<128xi32, #tpu.memory_space<hbm>>
        tpu.enqueue_dma source(%dma_start3A_49 : memref<128xi32, #tpu.memory_space<hbm>>) target(%arg6 : memref<128xi32, #tpu.memory_space<vmem>>) target_semaphore(%run_scoped3A : memref<!tpu.dma_semaphore, #tpu.memory_space<semaphore_mem>>)
        %dma_wait3A = tpu.memref_slice %arg3[%add3A_47] : memref<51200xi32, #tpu.memory_space<hbm>> -> memref<128xi32, #tpu.memory_space<hbm>>
        %dma_wait3A_50 = tpu.memref_slice %arg3[%add3A_47] : memref<51200xi32, #tpu.memory_space<hbm>> -> memref<128xi32, #tpu.memory_space<hbm>>
        tpu.wait_dma2 semaphore(%run_scoped3A : memref<!tpu.dma_semaphore, #tpu.memory_space<semaphore_mem>>) src(%dma_wait3A_50 : memref<128xi32, #tpu.memory_space<hbm>>) dst(%arg6 : memref<128xi32, #tpu.memory_space<vmem>>)
        tpu.yield
      }) : () -> ()
      "tpu.region"() ({
        %run_scoped3A = tpu.sem_alloc : memref<!tpu.dma_semaphore, #tpu.memory_space<semaphore_mem>>
        %dma_start3A = arith.constant 0 : i32
        %dma_start3A_49 = tpu.memref_slice %arg2[%add3A_47, %dma_start3A] : memref<51200x128xf32, #tpu.memory_space<hbm>> -> memref<128x128xf32, #tpu.memory_space<hbm>>
        %dma_start3A_50 = arith.constant 0 : i32
        %dma_start3A_51 = tpu.memref_slice %arg2[%add3A_47, %dma_start3A_50] : memref<51200x128xf32, #tpu.memory_space<hbm>> -> memref<128x128xf32, #tpu.memory_space<hbm>>
        tpu.enqueue_dma source(%dma_start3A_51 : memref<128x128xf32, #tpu.memory_space<hbm>>) target(%arg7 : memref<128x128xf32, #tpu.memory_space<vmem>>) target_semaphore(%run_scoped3A : memref<!tpu.dma_semaphore, #tpu.memory_space<semaphore_mem>>)
        %dma_wait3A = arith.constant 0 : i32
        %dma_wait3A_52 = tpu.memref_slice %arg2[%add3A_47, %dma_wait3A] : memref<51200x128xf32, #tpu.memory_space<hbm>> -> memref<128x128xf32, #tpu.memory_space<hbm>>
        %dma_wait3A_53 = arith.constant 0 : i32
        %dma_wait3A_54 = tpu.memref_slice %arg2[%add3A_47, %dma_wait3A_53] : memref<51200x128xf32, #tpu.memory_space<hbm>> -> memref<128x128xf32, #tpu.memory_space<hbm>>
        tpu.wait_dma2 semaphore(%run_scoped3A : memref<!tpu.dma_semaphore, #tpu.memory_space<semaphore_mem>>) src(%dma_wait3A_54 : memref<128x128xf32, #tpu.memory_space<hbm>>) dst(%arg7 : memref<128x128xf32, #tpu.memory_space<vmem>>)
        tpu.yield
      }) : () -> ()
      "tpu.region"() ({
        %run_scoped3A = tpu.sem_alloc : memref<!tpu.dma_semaphore, #tpu.memory_space<semaphore_mem>>
        %dma_start3A = arith.constant 0 : i32
        %dma_start3A_49 = arith.constant 0 : i32
        %dma_start3A_50 = tpu.memref_slice %arg8[%dma_start3A, %dma_start3A_49] : memref<1152x128xf32, #tpu.memory_space<vmem_shared>> -> memref<1152x128xf32, #tpu.memory_space<vmem_shared>>
        tpu.enqueue_indirect_dma source(%arg7 : memref<128x128xf32, #tpu.memory_space<vmem>>) target(%dma_start3A_50 : memref<1152x128xf32, #tpu.memory_space<vmem_shared>>) offsets(%arg6 : memref<128xi32, #tpu.memory_space<vmem>>) semaphore(%run_scoped3A : memref<!tpu.dma_semaphore, #tpu.memory_space<semaphore_mem>>) {add = true}
        %dma_wait3A = arith.constant 0 : i32
        %dma_wait3A_51 = arith.constant 0 : i32
        %dma_wait3A_52 = tpu.memref_slice %arg8[%dma_wait3A, %dma_wait3A_51] : memref<1152x128xf32, #tpu.memory_space<vmem_shared>> -> memref<1152x128xf32, #tpu.memory_space<vmem_shared>>
        tpu.wait_indirect_dma semaphore(%run_scoped3A : memref<!tpu.dma_semaphore, #tpu.memory_space<semaphore_mem>>) src(%arg7 : memref<128x128xf32, #tpu.memory_space<vmem>>) dst(%dma_wait3A_52 : memref<1152x128xf32, #tpu.memory_space<vmem_shared>>)
        tpu.yield
      }) : () -> ()
      %scan3A_48 = arith.constant 0 : i32
      scf.yield %scan3A_48 : i32
    }
    %scan3A_10 = arith.constant 12 : i32
    %add3A_11 = arith.constant 1536 : i32
    %add3A_12 = arith.addi %mul3A_4, %add3A_11 : i32
    "tpu.region"() ({
      %run_scoped3A = tpu.sem_alloc : memref<!tpu.dma_semaphore, #tpu.memory_space<semaphore_mem>>
      tpu.enqueue_dma source(%arg4 : memref<128x128xf32, #tpu.memory_space<hbm>>) target(%arg7 : memref<128x128xf32, #tpu.memory_space<vmem>>) target_semaphore(%run_scoped3A : memref<!tpu.dma_semaphore, #tpu.memory_space<semaphore_mem>>)
      tpu.wait_dma2 semaphore(%run_scoped3A : memref<!tpu.dma_semaphore, #tpu.memory_space<semaphore_mem>>) src(%arg4 : memref<128x128xf32, #tpu.memory_space<hbm>>) dst(%arg7 : memref<128x128xf32, #tpu.memory_space<vmem>>)
      tpu.yield
    }) : () -> ()
    "tpu.region"() ({
      %run_scoped3A = tpu.sem_alloc : memref<!tpu.dma_semaphore, #tpu.memory_space<semaphore_mem>>
      %dma_start3A = arith.constant 0 : i32
      %dma_start3A_43 = tpu.memref_slice %arg6[%dma_start3A] : memref<128xi32, #tpu.memory_space<vmem>> -> memref<64xi32, #tpu.memory_space<vmem>>
      %dma_start3A_44 = tpu.memref_slice %arg3[%add3A_12] : memref<51200xi32, #tpu.memory_space<hbm>> -> memref<64xi32, #tpu.memory_space<hbm>>
      %dma_start3A_45 = arith.constant 0 : i32
      %dma_start3A_46 = tpu.memref_slice %arg6[%dma_start3A_45] : memref<128xi32, #tpu.memory_space<vmem>> -> memref<64xi32, #tpu.memory_space<vmem>>
      %dma_start3A_47 = tpu.memref_slice %arg3[%add3A_12] : memref<51200xi32, #tpu.memory_space<hbm>> -> memref<64xi32, #tpu.memory_space<hbm>>
      tpu.enqueue_dma source(%dma_start3A_47 : memref<64xi32, #tpu.memory_space<hbm>>) target(%dma_start3A_46 : memref<64xi32, #tpu.memory_space<vmem>>) target_semaphore(%run_scoped3A : memref<!tpu.dma_semaphore, #tpu.memory_space<semaphore_mem>>)
      %dma_wait3A = arith.constant 0 : i32
      %dma_wait3A_48 = tpu.memref_slice %arg6[%dma_wait3A] : memref<128xi32, #tpu.memory_space<vmem>> -> memref<64xi32, #tpu.memory_space<vmem>>
      %dma_wait3A_49 = tpu.memref_slice %arg3[%add3A_12] : memref<51200xi32, #tpu.memory_space<hbm>> -> memref<64xi32, #tpu.memory_space<hbm>>
      %dma_wait3A_50 = arith.constant 0 : i32
      %dma_wait3A_51 = tpu.memref_slice %arg6[%dma_wait3A_50] : memref<128xi32, #tpu.memory_space<vmem>> -> memref<64xi32, #tpu.memory_space<vmem>>
      %dma_wait3A_52 = tpu.memref_slice %arg3[%add3A_12] : memref<51200xi32, #tpu.memory_space<hbm>> -> memref<64xi32, #tpu.memory_space<hbm>>
      tpu.wait_dma2 semaphore(%run_scoped3A : memref<!tpu.dma_semaphore, #tpu.memory_space<semaphore_mem>>) src(%dma_wait3A_52 : memref<64xi32, #tpu.memory_space<hbm>>) dst(%dma_wait3A_51 : memref<64xi32, #tpu.memory_space<vmem>>)
      tpu.yield
    }) : () -> ()
    %broadcast_in_dim3A = arith.constant 1024 : i32
    %broadcast_in_dim3A_13 = vector.broadcast %broadcast_in_dim3A : i32 to vector<16xi32>
    %swap3A = arith.constant 64 : index
    %swap3A_14 = tpu.vector_load %arg6[%swap3A] {strides = array<i32>} : memref<128xi32, #tpu.memory_space<vmem>>, vector<16xi32>,
    %swap3A_15 = vector.shape_cast %swap3A_14 : vector<16xi32> to vector<16xi32>
    %swap3A_16 = vector.shape_cast %broadcast_in_dim3A_13 : vector<16xi32> to vector<16xi32>
    tpu.vector_store %arg6[%swap3A], %swap3A_16 {strides = array<i32>} : memref<128xi32, #tpu.memory_space<vmem>>, vector<16xi32>,
    %broadcast_in_dim3A_17 = arith.constant 1024 : i32
    %broadcast_in_dim3A_18 = vector.broadcast %broadcast_in_dim3A_17 : i32 to vector<16xi32>
    %swap3A_19 = arith.constant 80 : index
    %swap3A_20 = tpu.vector_load %arg6[%swap3A_19] {strides = array<i32>} : memref<128xi32, #tpu.memory_space<vmem>>, vector<16xi32>,
    %swap3A_21 = vector.shape_cast %swap3A_20 : vector<16xi32> to vector<16xi32>
    %swap3A_22 = vector.shape_cast %broadcast_in_dim3A_18 : vector<16xi32> to vector<16xi32>
    tpu.vector_store %arg6[%swap3A_19], %swap3A_22 {strides = array<i32>} : memref<128xi32, #tpu.memory_space<vmem>>, vector<16xi32>,
    %broadcast_in_dim3A_23 = arith.constant 1024 : i32
    %broadcast_in_dim3A_24 = vector.broadcast %broadcast_in_dim3A_23 : i32 to vector<16xi32>
    %swap3A_25 = arith.constant 96 : index
    %swap3A_26 = tpu.vector_load %arg6[%swap3A_25] {strides = array<i32>} : memref<128xi32, #tpu.memory_space<vmem>>, vector<16xi32>,
    %swap3A_27 = vector.shape_cast %swap3A_26 : vector<16xi32> to vector<16xi32>
    %swap3A_28 = vector.shape_cast %broadcast_in_dim3A_24 : vector<16xi32> to vector<16xi32>
    tpu.vector_store %arg6[%swap3A_25], %swap3A_28 {strides = array<i32>} : memref<128xi32, #tpu.memory_space<vmem>>, vector<16xi32>,
    %broadcast_in_dim3A_29 = arith.constant 1024 : i32
    %broadcast_in_dim3A_30 = vector.broadcast %broadcast_in_dim3A_29 : i32 to vector<16xi32>
    %swap3A_31 = arith.constant 112 : index
    %swap3A_32 = tpu.vector_load %arg6[%swap3A_31] {strides = array<i32>} : memref<128xi32, #tpu.memory_space<vmem>>, vector<16xi32>,
    %swap3A_33 = vector.shape_cast %swap3A_32 : vector<16xi32> to vector<16xi32>
    %swap3A_34 = vector.shape_cast %broadcast_in_dim3A_30 : vector<16xi32> to vector<16xi32>
    tpu.vector_store %arg6[%swap3A_31], %swap3A_34 {strides = array<i32>} : memref<128xi32, #tpu.memory_space<vmem>>, vector<16xi32>,
    "tpu.region"() ({
      %run_scoped3A = tpu.sem_alloc : memref<!tpu.dma_semaphore, #tpu.memory_space<semaphore_mem>>
      %dma_start3A = arith.constant 0 : i32
      %dma_start3A_43 = arith.constant 0 : i32
      %dma_start3A_44 = tpu.memref_slice %arg7[%dma_start3A, %dma_start3A_43] : memref<128x128xf32, #tpu.memory_space<vmem>> -> memref<64x128xf32, #tpu.memory_space<vmem>>
      %dma_start3A_45 = arith.constant 0 : i32
      %dma_start3A_46 = tpu.memref_slice %arg2[%add3A_12, %dma_start3A_45] : memref<51200x128xf32, #tpu.memory_space<hbm>> -> memref<64x128xf32, #tpu.memory_space<hbm>>
      %dma_start3A_47 = arith.constant 0 : i32
      %dma_start3A_48 = arith.constant 0 : i32
      %dma_start3A_49 = tpu.memref_slice %arg7[%dma_start3A_47, %dma_start3A_48] : memref<128x128xf32, #tpu.memory_space<vmem>> -> memref<64x128xf32, #tpu.memory_space<vmem>>
      %dma_start3A_50 = arith.constant 0 : i32
      %dma_start3A_51 = tpu.memref_slice %arg2[%add3A_12, %dma_start3A_50] : memref<51200x128xf32, #tpu.memory_space<hbm>> -> memref<64x128xf32, #tpu.memory_space<hbm>>
      tpu.enqueue_dma source(%dma_start3A_51 : memref<64x128xf32, #tpu.memory_space<hbm>>) target(%dma_start3A_49 : memref<64x128xf32, #tpu.memory_space<vmem>>) target_semaphore(%run_scoped3A : memref<!tpu.dma_semaphore, #tpu.memory_space<semaphore_mem>>)
      %dma_wait3A = arith.constant 0 : i32
      %dma_wait3A_52 = arith.constant 0 : i32
      %dma_wait3A_53 = tpu.memref_slice %arg7[%dma_wait3A, %dma_wait3A_52] : memref<128x128xf32, #tpu.memory_space<vmem>> -> memref<64x128xf32, #tpu.memory_space<vmem>>
      %dma_wait3A_54 = arith.constant 0 : i32
      %dma_wait3A_55 = tpu.memref_slice %arg2[%add3A_12, %dma_wait3A_54] : memref<51200x128xf32, #tpu.memory_space<hbm>> -> memref<64x128xf32, #tpu.memory_space<hbm>>
      %dma_wait3A_56 = arith.constant 0 : i32
      %dma_wait3A_57 = arith.constant 0 : i32
      %dma_wait3A_58 = tpu.memref_slice %arg7[%dma_wait3A_56, %dma_wait3A_57] : memref<128x128xf32, #tpu.memory_space<vmem>> -> memref<64x128xf32, #tpu.memory_space<vmem>>
      %dma_wait3A_59 = arith.constant 0 : i32
      %dma_wait3A_60 = tpu.memref_slice %arg2[%add3A_12, %dma_wait3A_59] : memref<51200x128xf32, #tpu.memory_space<hbm>> -> memref<64x128xf32, #tpu.memory_space<hbm>>
      tpu.wait_dma2 semaphore(%run_scoped3A : memref<!tpu.dma_semaphore, #tpu.memory_space<semaphore_mem>>) src(%dma_wait3A_60 : memref<64x128xf32, #tpu.memory_space<hbm>>) dst(%dma_wait3A_58 : memref<64x128xf32, #tpu.memory_space<vmem>>)
      tpu.yield
    }) : () -> ()
    "tpu.region"() ({
      %run_scoped3A = tpu.sem_alloc : memref<!tpu.dma_semaphore, #tpu.memory_space<semaphore_mem>>
      %dma_start3A = arith.constant 0 : i32
      %dma_start3A_43 = arith.constant 0 : i32
      %dma_start3A_44 = tpu.memref_slice %arg8[%dma_start3A, %dma_start3A_43] : memref<1152x128xf32, #tpu.memory_space<vmem_shared>> -> memref<1152x128xf32, #tpu.memory_space<vmem_shared>>
      tpu.enqueue_indirect_dma source(%arg7 : memref<128x128xf32, #tpu.memory_space<vmem>>) target(%dma_start3A_44 : memref<1152x128xf32, #tpu.memory_space<vmem_shared>>) offsets(%arg6 : memref<128xi32, #tpu.memory_space<vmem>>) semaphore(%run_scoped3A : memref<!tpu.dma_semaphore, #tpu.memory_space<semaphore_mem>>) {add = true}
      %dma_wait3A = arith.constant 0 : i32
      %dma_wait3A_45 = arith.constant 0 : i32
      %dma_wait3A_46 = tpu.memref_slice %arg8[%dma_wait3A, %dma_wait3A_45] : memref<1152x128xf32, #tpu.memory_space<vmem_shared>> -> memref<1152x128xf32, #tpu.memory_space<vmem_shared>>
      tpu.wait_indirect_dma semaphore(%run_scoped3A : memref<!tpu.dma_semaphore, #tpu.memory_space<semaphore_mem>>) src(%arg7 : memref<128x128xf32, #tpu.memory_space<vmem>>) dst(%dma_wait3A_46 : memref<1152x128xf32, #tpu.memory_space<vmem_shared>>)
      tpu.yield
    }) : () -> ()
    %barrier3A_35 = arith.constant 0 : index
    tpu.barrier barrier_id(%barrier3A_35)
    %mul3A_36 = arith.constant 64 : i32
    %mul3A_37 = arith.muli %arg1, %mul3A_36 : i32
    %mul3A_38 = arith.constant 1024 : i32
    %mul3A_39 = arith.muli %arg0, %mul3A_38 : i32
    %mul3A_40 = arith.constant 64 : i32
    %mul3A_41 = arith.muli %arg1, %mul3A_40 : i32
    %add3A_42 = arith.addi %mul3A_39, %mul3A_41 : i32
    "tpu.region"() ({
      %run_scoped3A = tpu.sem_alloc : memref<!tpu.dma_semaphore, #tpu.memory_space<semaphore_mem>>
      %dma_start3A = arith.constant 0 : i32
      %dma_start3A_43 = tpu.memref_slice %arg5[%add3A_42, %dma_start3A] : memref<2048x128xf32, #tpu.memory_space<hbm>> -> memref<64x128xf32, #tpu.memory_space<hbm>>
      %dma_start3A_44 = arith.constant 0 : i32
      %dma_start3A_45 = tpu.memref_slice %arg8[%mul3A_37, %dma_start3A_44] : memref<1152x128xf32, #tpu.memory_space<vmem_shared>> -> memref<64x128xf32, #tpu.memory_space<vmem_shared>>
      tpu.enqueue_dma source(%dma_start3A_45 : memref<64x128xf32, #tpu.memory_space<vmem_shared>>) target(%dma_start3A_43 : memref<64x128xf32, #tpu.memory_space<hbm>>) target_semaphore(%run_scoped3A : memref<!tpu.dma_semaphore, #tpu.memory_space<semaphore_mem>>)
      %dma_wait3A = arith.constant 0 : i32
      %dma_wait3A_46 = tpu.memref_slice %arg5[%add3A_42, %dma_wait3A] : memref<2048x128xf32, #tpu.memory_space<hbm>> -> memref<64x128xf32, #tpu.memory_space<hbm>>
      %dma_wait3A_47 = arith.constant 0 : i32
      %dma_wait3A_48 = tpu.memref_slice %arg8[%mul3A_37, %dma_wait3A_47] : memref<1152x128xf32, #tpu.memory_space<vmem_shared>> -> memref<64x128xf32, #tpu.memory_space<vmem_shared>>
      tpu.wait_dma2 semaphore(%run_scoped3A : memref<!tpu.dma_semaphore, #tpu.memory_space<semaphore_mem>>) src(%dma_wait3A_48 : memref<64x128xf32, #tpu.memory_space<vmem_shared>>) dst(%dma_wait3A_46 : memref<64x128xf32, #tpu.memory_space<hbm>>)
      tpu.yield
    }) : () -> ()
    return
  }
}

#map = affine_map<(d0, d1) -> (0, 0)>
#map1 = affine_map<(d0, d1) -> (0)>
module attributes {stable_mosaic.version = 14 : i64} {
  func.func @ker(%arg0: i32, %arg1: i32, %arg2: memref<51200x128xf32, #tpu.memory_space<hbm>>, %arg3: memref<811008xi32, #tpu.memory_space<hbm>>, %arg4: memref<811008xi32, #tpu.memory_space<hbm>>, %arg5: memref<128x128xf32, #tpu.memory_space<hbm>>, %arg6: memref<51200x128xf32, #tpu.memory_space<hbm>>, %arg7: memref<1152xi32, #tpu.memory_space<vmem>>, %arg8: memref<1152xi32, #tpu.memory_space<vmem>>, %arg9: memref<64xi32, #tpu.memory_space<vmem>>, %arg10: memref<64xi32, #tpu.memory_space<vmem>>, %arg11: memref<64xi32, #tpu.memory_space<vmem>>, %arg12: memref<64x128xf32, #tpu.memory_space<vmem>>, %arg13: memref<64x128xf32, #tpu.memory_space<vmem>>, %arg14: memref<64x128xf32, #tpu.memory_space<vmem>>, %arg15: memref<!tpu.dma_semaphore, #tpu.memory_space<semaphore_mem>>, %arg16: memref<!tpu.dma_semaphore, #tpu.memory_space<semaphore_mem>>, %arg17: memref<!tpu.dma_semaphore, #tpu.memory_space<semaphore_mem>>, %arg18: memref<!tpu.dma_semaphore, #tpu.memory_space<semaphore_mem>>, %arg19: memref<!tpu.dma_semaphore, #tpu.memory_space<semaphore_mem>>, %arg20: memref<!tpu.dma_semaphore, #tpu.memory_space<semaphore_mem>>, %arg21: memref<12928x128xf32, #tpu.memory_space<vmem_shared>>) attributes {dimension_semantics = [#tpu.dimension_semantics<core_parallel>, #tpu.dimension_semantics<subcore_parallel>], iteration_bounds = array<i64: 2, 16>, scalar_prefetch = 0 : i64, scratch_operands = 15 : i64, tpu.core_type = #tpu.core_type<sc_vector_subcore>, window_params = [{transform_indices = #map}, {transform_indices = #map1}, {transform_indices = #map1}, {transform_indices = #map}, {transform_indices = #map}]} {
    %mul3A = arith.constant 2 : i32
    %mul3A_0 = arith.muli %arg0, %mul3A : i32
    %add3A = arith.constant 0 : i32
    %add3A_1 = arith.addi %mul3A_0, %add3A : i32
    %mul3A_2 = arith.constant 12800 : i32
    %mul3A_3 = arith.muli %add3A_1, %mul3A_2 : i32
    %mul3A_4 = arith.constant 808 : i32
    %mul3A_5 = arith.muli %arg1, %mul3A_4 : i32
    %add3A_6 = arith.constant 0 : i32
    %add3A_7 = arith.addi %mul3A_5, %add3A_6 : i32
    "tpu.region"() ({
      %run_scoped3A = tpu.sem_alloc : memref<!tpu.dma_semaphore, #tpu.memory_space<semaphore_mem>>
      %dma_start3A = arith.constant 0 : i32
      %dma_start3A_94 = tpu.memref_slice %arg21[%add3A_7, %dma_start3A] : memref<12928x128xf32, #tpu.memory_space<vmem_shared>> -> memref<128x128xf32, #tpu.memory_space<vmem_shared>>
      tpu.enqueue_dma source(%arg5 : memref<128x128xf32, #tpu.memory_space<hbm>>) target(%dma_start3A_94 : memref<128x128xf32, #tpu.memory_space<vmem_shared>>) target_semaphore(%run_scoped3A : memref<!tpu.dma_semaphore, #tpu.memory_space<semaphore_mem>>)
      %dma_wait3A = arith.constant 0 : i32
      %dma_wait3A_95 = tpu.memref_slice %arg21[%add3A_7, %dma_wait3A] : memref<12928x128xf32, #tpu.memory_space<vmem_shared>> -> memref<128x128xf32, #tpu.memory_space<vmem_shared>>
      tpu.wait_dma2 semaphore(%run_scoped3A : memref<!tpu.dma_semaphore, #tpu.memory_space<semaphore_mem>>) src(%arg5 : memref<128x128xf32, #tpu.memory_space<hbm>>) dst(%dma_wait3A_95 : memref<128x128xf32, #tpu.memory_space<vmem_shared>>)
      tpu.yield
    }) : () -> ()
    %mul3A_8 = arith.constant 808 : i32
    %mul3A_9 = arith.muli %arg1, %mul3A_8 : i32
    %add3A_10 = arith.constant 128 : i32
    %add3A_11 = arith.addi %mul3A_9, %add3A_10 : i32
    "tpu.region"() ({
      %run_scoped3A = tpu.sem_alloc : memref<!tpu.dma_semaphore, #tpu.memory_space<semaphore_mem>>
      %dma_start3A = arith.constant 0 : i32
      %dma_start3A_94 = tpu.memref_slice %arg21[%add3A_11, %dma_start3A] : memref<12928x128xf32, #tpu.memory_space<vmem_shared>> -> memref<128x128xf32, #tpu.memory_space<vmem_shared>>
      tpu.enqueue_dma source(%arg5 : memref<128x128xf32, #tpu.memory_space<hbm>>) target(%dma_start3A_94 : memref<128x128xf32, #tpu.memory_space<vmem_shared>>) target_semaphore(%run_scoped3A : memref<!tpu.dma_semaphore, #tpu.memory_space<semaphore_mem>>)
      %dma_wait3A = arith.constant 0 : i32
      %dma_wait3A_95 = tpu.memref_slice %arg21[%add3A_11, %dma_wait3A] : memref<12928x128xf32, #tpu.memory_space<vmem_shared>> -> memref<128x128xf32, #tpu.memory_space<vmem_shared>>
      tpu.wait_dma2 semaphore(%run_scoped3A : memref<!tpu.dma_semaphore, #tpu.memory_space<semaphore_mem>>) src(%arg5 : memref<128x128xf32, #tpu.memory_space<hbm>>) dst(%dma_wait3A_95 : memref<128x128xf32, #tpu.memory_space<vmem_shared>>)
      tpu.yield
    }) : () -> ()
    %mul3A_12 = arith.constant 808 : i32
    %mul3A_13 = arith.muli %arg1, %mul3A_12 : i32
    %add3A_14 = arith.constant 256 : i32
    %add3A_15 = arith.addi %mul3A_13, %add3A_14 : i32
    "tpu.region"() ({
      %run_scoped3A = tpu.sem_alloc : memref<!tpu.dma_semaphore, #tpu.memory_space<semaphore_mem>>
      %dma_start3A = arith.constant 0 : i32
      %dma_start3A_94 = tpu.memref_slice %arg21[%add3A_15, %dma_start3A] : memref<12928x128xf32, #tpu.memory_space<vmem_shared>> -> memref<128x128xf32, #tpu.memory_space<vmem_shared>>
      tpu.enqueue_dma source(%arg5 : memref<128x128xf32, #tpu.memory_space<hbm>>) target(%dma_start3A_94 : memref<128x128xf32, #tpu.memory_space<vmem_shared>>) target_semaphore(%run_scoped3A : memref<!tpu.dma_semaphore, #tpu.memory_space<semaphore_mem>>)
      %dma_wait3A = arith.constant 0 : i32
      %dma_wait3A_95 = tpu.memref_slice %arg21[%add3A_15, %dma_wait3A] : memref<12928x128xf32, #tpu.memory_space<vmem_shared>> -> memref<128x128xf32, #tpu.memory_space<vmem_shared>>
      tpu.wait_dma2 semaphore(%run_scoped3A : memref<!tpu.dma_semaphore, #tpu.memory_space<semaphore_mem>>) src(%arg5 : memref<128x128xf32, #tpu.memory_space<hbm>>) dst(%dma_wait3A_95 : memref<128x128xf32, #tpu.memory_space<vmem_shared>>)
      tpu.yield
    }) : () -> ()
    %mul3A_16 = arith.constant 808 : i32
    %mul3A_17 = arith.muli %arg1, %mul3A_16 : i32
    %add3A_18 = arith.constant 384 : i32
    %add3A_19 = arith.addi %mul3A_17, %add3A_18 : i32
    "tpu.region"() ({
      %run_scoped3A = tpu.sem_alloc : memref<!tpu.dma_semaphore, #tpu.memory_space<semaphore_mem>>
      %dma_start3A = arith.constant 0 : i32
      %dma_start3A_94 = tpu.memref_slice %arg21[%add3A_19, %dma_start3A] : memref<12928x128xf32, #tpu.memory_space<vmem_shared>> -> memref<128x128xf32, #tpu.memory_space<vmem_shared>>
      tpu.enqueue_dma source(%arg5 : memref<128x128xf32, #tpu.memory_space<hbm>>) target(%dma_start3A_94 : memref<128x128xf32, #tpu.memory_space<vmem_shared>>) target_semaphore(%run_scoped3A : memref<!tpu.dma_semaphore, #tpu.memory_space<semaphore_mem>>)
      %dma_wait3A = arith.constant 0 : i32
      %dma_wait3A_95 = tpu.memref_slice %arg21[%add3A_19, %dma_wait3A] : memref<12928x128xf32, #tpu.memory_space<vmem_shared>> -> memref<128x128xf32, #tpu.memory_space<vmem_shared>>
      tpu.wait_dma2 semaphore(%run_scoped3A : memref<!tpu.dma_semaphore, #tpu.memory_space<semaphore_mem>>) src(%arg5 : memref<128x128xf32, #tpu.memory_space<hbm>>) dst(%dma_wait3A_95 : memref<128x128xf32, #tpu.memory_space<vmem_shared>>)
      tpu.yield
    }) : () -> ()
    %mul3A_20 = arith.constant 808 : i32
    %mul3A_21 = arith.muli %arg1, %mul3A_20 : i32
    %add3A_22 = arith.constant 512 : i32
    %add3A_23 = arith.addi %mul3A_21, %add3A_22 : i32
    "tpu.region"() ({
      %run_scoped3A = tpu.sem_alloc : memref<!tpu.dma_semaphore, #tpu.memory_space<semaphore_mem>>
      %dma_start3A = arith.constant 0 : i32
      %dma_start3A_94 = tpu.memref_slice %arg21[%add3A_23, %dma_start3A] : memref<12928x128xf32, #tpu.memory_space<vmem_shared>> -> memref<128x128xf32, #tpu.memory_space<vmem_shared>>
      tpu.enqueue_dma source(%arg5 : memref<128x128xf32, #tpu.memory_space<hbm>>) target(%dma_start3A_94 : memref<128x128xf32, #tpu.memory_space<vmem_shared>>) target_semaphore(%run_scoped3A : memref<!tpu.dma_semaphore, #tpu.memory_space<semaphore_mem>>)
      %dma_wait3A = arith.constant 0 : i32
      %dma_wait3A_95 = tpu.memref_slice %arg21[%add3A_23, %dma_wait3A] : memref<12928x128xf32, #tpu.memory_space<vmem_shared>> -> memref<128x128xf32, #tpu.memory_space<vmem_shared>>
      tpu.wait_dma2 semaphore(%run_scoped3A : memref<!tpu.dma_semaphore, #tpu.memory_space<semaphore_mem>>) src(%arg5 : memref<128x128xf32, #tpu.memory_space<hbm>>) dst(%dma_wait3A_95 : memref<128x128xf32, #tpu.memory_space<vmem_shared>>)
      tpu.yield
    }) : () -> ()
    %mul3A_24 = arith.constant 808 : i32
    %mul3A_25 = arith.muli %arg1, %mul3A_24 : i32
    %add3A_26 = arith.constant 640 : i32
    %add3A_27 = arith.addi %mul3A_25, %add3A_26 : i32
    "tpu.region"() ({
      %run_scoped3A = tpu.sem_alloc : memref<!tpu.dma_semaphore, #tpu.memory_space<semaphore_mem>>
      %dma_start3A = arith.constant 0 : i32
      %dma_start3A_94 = tpu.memref_slice %arg21[%add3A_27, %dma_start3A] : memref<12928x128xf32, #tpu.memory_space<vmem_shared>> -> memref<128x128xf32, #tpu.memory_space<vmem_shared>>
      tpu.enqueue_dma source(%arg5 : memref<128x128xf32, #tpu.memory_space<hbm>>) target(%dma_start3A_94 : memref<128x128xf32, #tpu.memory_space<vmem_shared>>) target_semaphore(%run_scoped3A : memref<!tpu.dma_semaphore, #tpu.memory_space<semaphore_mem>>)
      %dma_wait3A = arith.constant 0 : i32
      %dma_wait3A_95 = tpu.memref_slice %arg21[%add3A_27, %dma_wait3A] : memref<12928x128xf32, #tpu.memory_space<vmem_shared>> -> memref<128x128xf32, #tpu.memory_space<vmem_shared>>
      tpu.wait_dma2 semaphore(%run_scoped3A : memref<!tpu.dma_semaphore, #tpu.memory_space<semaphore_mem>>) src(%arg5 : memref<128x128xf32, #tpu.memory_space<hbm>>) dst(%dma_wait3A_95 : memref<128x128xf32, #tpu.memory_space<vmem_shared>>)
      tpu.yield
    }) : () -> ()
    %mul3A_28 = arith.constant 808 : i32
    %mul3A_29 = arith.muli %arg1, %mul3A_28 : i32
    %add3A_30 = arith.constant 768 : i32
    %add3A_31 = arith.addi %mul3A_29, %add3A_30 : i32
    "tpu.region"() ({
      %run_scoped3A = tpu.sem_alloc : memref<!tpu.dma_semaphore, #tpu.memory_space<semaphore_mem>>
      %dma_start3A = arith.constant 0 : i32
      %dma_start3A_94 = tpu.memref_slice %arg21[%add3A_31, %dma_start3A] : memref<12928x128xf32, #tpu.memory_space<vmem_shared>> -> memref<40x128xf32, #tpu.memory_space<vmem_shared>>
      %dma_start3A_95 = arith.constant 0 : i32
      %dma_start3A_96 = arith.constant 0 : i32
      %dma_start3A_97 = tpu.memref_slice %arg5[%dma_start3A_95, %dma_start3A_96] : memref<128x128xf32, #tpu.memory_space<hbm>> -> memref<40x128xf32, #tpu.memory_space<hbm>>
      tpu.enqueue_dma source(%dma_start3A_97 : memref<40x128xf32, #tpu.memory_space<hbm>>) target(%dma_start3A_94 : memref<40x128xf32, #tpu.memory_space<vmem_shared>>) target_semaphore(%run_scoped3A : memref<!tpu.dma_semaphore, #tpu.memory_space<semaphore_mem>>)
      %dma_wait3A = arith.constant 0 : i32
      %dma_wait3A_98 = tpu.memref_slice %arg21[%add3A_31, %dma_wait3A] : memref<12928x128xf32, #tpu.memory_space<vmem_shared>> -> memref<40x128xf32, #tpu.memory_space<vmem_shared>>
      %dma_wait3A_99 = arith.constant 0 : i32
      %dma_wait3A_100 = arith.constant 0 : i32
      %dma_wait3A_101 = tpu.memref_slice %arg5[%dma_wait3A_99, %dma_wait3A_100] : memref<128x128xf32, #tpu.memory_space<hbm>> -> memref<40x128xf32, #tpu.memory_space<hbm>>
      tpu.wait_dma2 semaphore(%run_scoped3A : memref<!tpu.dma_semaphore, #tpu.memory_space<semaphore_mem>>) src(%dma_wait3A_101 : memref<40x128xf32, #tpu.memory_space<hbm>>) dst(%dma_wait3A_98 : memref<40x128xf32, #tpu.memory_space<vmem_shared>>)
      tpu.yield
    }) : () -> ()
    %barrier3A = arith.constant 0 : index
    tpu.barrier barrier_id(%barrier3A)
    %scan3A = arith.constant 0 : i32
    %scan3A_32 = arith.constant 0 : i32
    %scan3A_33 = arith.constant 44 : i32
    %scan3A_34 = arith.addi %scan3A_32, %scan3A_33 : i32
    %scan3A_35 = arith.constant 1 : i32
    %scan3A_36 = scf.for %scan3A_94 = %scan3A_32 to %scan3A_34 step %scan3A_35 iter_args(%scan3A_95 = %scan3A) -> (i32)  : i32 {
      %mul3A_96 = arith.constant 50688 : i32
      %mul3A_97 = arith.muli %arg1, %mul3A_96 : i32
      %mul3A_98 = arith.constant 1152 : i32
      %mul3A_99 = arith.muli %scan3A_94, %mul3A_98 : i32
      %add3A_100 = arith.addi %mul3A_97, %mul3A_99 : i32
      "tpu.region"() ({
        %run_scoped3A = tpu.sem_alloc : memref<!tpu.dma_semaphore, #tpu.memory_space<semaphore_mem>>
        %dma_start3A_187 = tpu.memref_slice %arg3[%add3A_100] : memref<811008xi32, #tpu.memory_space<hbm>> -> memref<1152xi32, #tpu.memory_space<hbm>>
        %dma_start3A_188 = tpu.memref_slice %arg3[%add3A_100] : memref<811008xi32, #tpu.memory_space<hbm>> -> memref<1152xi32, #tpu.memory_space<hbm>>
        tpu.enqueue_dma source(%dma_start3A_188 : memref<1152xi32, #tpu.memory_space<hbm>>) target(%arg7 : memref<1152xi32, #tpu.memory_space<vmem>>) target_semaphore(%run_scoped3A : memref<!tpu.dma_semaphore, #tpu.memory_space<semaphore_mem>>)
        %dma_wait3A_189 = tpu.memref_slice %arg3[%add3A_100] : memref<811008xi32, #tpu.memory_space<hbm>> -> memref<1152xi32, #tpu.memory_space<hbm>>
        %dma_wait3A_190 = tpu.memref_slice %arg3[%add3A_100] : memref<811008xi32, #tpu.memory_space<hbm>> -> memref<1152xi32, #tpu.memory_space<hbm>>
        tpu.wait_dma2 semaphore(%run_scoped3A : memref<!tpu.dma_semaphore, #tpu.memory_space<semaphore_mem>>) src(%dma_wait3A_190 : memref<1152xi32, #tpu.memory_space<hbm>>) dst(%arg7 : memref<1152xi32, #tpu.memory_space<vmem>>)
        tpu.yield
      }) : () -> ()
      "tpu.region"() ({
        %run_scoped3A = tpu.sem_alloc : memref<!tpu.dma_semaphore, #tpu.memory_space<semaphore_mem>>
        %dma_start3A_187 = tpu.memref_slice %arg4[%add3A_100] : memref<811008xi32, #tpu.memory_space<hbm>> -> memref<1152xi32, #tpu.memory_space<hbm>>
        %dma_start3A_188 = tpu.memref_slice %arg4[%add3A_100] : memref<811008xi32, #tpu.memory_space<hbm>> -> memref<1152xi32, #tpu.memory_space<hbm>>
        tpu.enqueue_dma source(%dma_start3A_188 : memref<1152xi32, #tpu.memory_space<hbm>>) target(%arg8 : memref<1152xi32, #tpu.memory_space<vmem>>) target_semaphore(%run_scoped3A : memref<!tpu.dma_semaphore, #tpu.memory_space<semaphore_mem>>)
        %dma_wait3A_189 = tpu.memref_slice %arg4[%add3A_100] : memref<811008xi32, #tpu.memory_space<hbm>> -> memref<1152xi32, #tpu.memory_space<hbm>>
        %dma_wait3A_190 = tpu.memref_slice %arg4[%add3A_100] : memref<811008xi32, #tpu.memory_space<hbm>> -> memref<1152xi32, #tpu.memory_space<hbm>>
        tpu.wait_dma2 semaphore(%run_scoped3A : memref<!tpu.dma_semaphore, #tpu.memory_space<semaphore_mem>>) src(%dma_wait3A_190 : memref<1152xi32, #tpu.memory_space<hbm>>) dst(%arg8 : memref<1152xi32, #tpu.memory_space<vmem>>)
        tpu.yield
      }) : () -> ()
      %scan3A_101 = arith.constant 0 : i32
      %scan3A_102 = arith.constant 0 : i32
      %scan3A_103 = arith.constant 72 : i32
      %scan3A_104 = arith.addi %scan3A_102, %scan3A_103 : i32
      %scan3A_105 = arith.constant 1 : i32
      %scan3A_106 = scf.for %scan3A_187 = %scan3A_102 to %scan3A_104 step %scan3A_105 iter_args(%scan3A_188 = %scan3A_101) -> (i32)  : i32 {
        %mul3A_189 = arith.constant 16 : i32
        %mul3A_190 = arith.muli %scan3A_187, %mul3A_189 : i32
        %get3A_191 = arith.index_cast %mul3A_190 : i32 to index
        %get3A_192 = tpu.vector_load %arg8[%get3A_191] {strides = array<i32>} : memref<1152xi32, #tpu.memory_space<vmem>>, vector<16xi32>,
        %get3A_193 = vector.shape_cast %get3A_192 : vector<16xi32> to vector<16xi32>
        %sub3A = vector.broadcast %mul3A_3 : i32 to vector<16xi32>
        %sub3A_194 = arith.subi %get3A_193, %sub3A : vector<16xi32>
        %ge3A = arith.constant 0 : i32
        %ge3A_195 = vector.broadcast %ge3A : i32 to vector<16xi32>
        %ge3A_196 = arith.cmpi sge, %sub3A_194, %ge3A_195 : vector<16xi32>
        %lt3A = arith.constant 12800 : i32
        %lt3A_197 = vector.broadcast %lt3A : i32 to vector<16xi32>
        %lt3A_198 = arith.cmpi slt, %sub3A_194, %lt3A_197 : vector<16xi32>
        %and3A = arith.andi %ge3A_196, %lt3A_198 : vector<16xi1>
        %jit3A = arith.constant 12800 : i32
        %broadcast_in_dim3A = vector.broadcast %jit3A : i32 to vector<16xi32>
        %select_n3A = arith.select %and3A, %sub3A_194, %broadcast_in_dim3A : vector<16xi1>, vector<16xi32>
        %mul3A_199 = arith.constant 16 : i32
        %mul3A_200 = arith.muli %scan3A_187, %mul3A_199 : i32
        %swap3A_201 = arith.index_cast %mul3A_200 : i32 to index
        %swap3A_202 = tpu.vector_load %arg8[%swap3A_201] {strides = array<i32>} : memref<1152xi32, #tpu.memory_space<vmem>>, vector<16xi32>,
        %swap3A_203 = vector.shape_cast %swap3A_202 : vector<16xi32> to vector<16xi32>
        %swap3A_204 = vector.shape_cast %select_n3A : vector<16xi32> to vector<16xi32>
        tpu.vector_store %arg8[%swap3A_201], %swap3A_204 {strides = array<i32>} : memref<1152xi32, #tpu.memory_space<vmem>>, vector<16xi32>,
        %scan3A_205 = arith.constant 0 : i32
        scf.yield %scan3A_205 : i32
      }
      %scan3A_107 = arith.constant 72 : i32
      %get3A = arith.constant 0 : index
      %get3A_108 = tpu.vector_load %arg8[%get3A] {strides = array<i32>} : memref<1152xi32, #tpu.memory_space<vmem>>, vector<16xi32>,
      %get3A_109 = vector.shape_cast %get3A_108 : vector<16xi32> to vector<16xi32>
      %swap3A = arith.constant 0 : index
      %swap3A_110 = tpu.vector_load %arg9[%swap3A] {strides = array<i32>} : memref<64xi32, #tpu.memory_space<vmem>>, vector<16xi32>,
      %swap3A_111 = vector.shape_cast %swap3A_110 : vector<16xi32> to vector<16xi32>
      %swap3A_112 = vector.shape_cast %get3A_109 : vector<16xi32> to vector<16xi32>
      tpu.vector_store %arg9[%swap3A], %swap3A_112 {strides = array<i32>} : memref<64xi32, #tpu.memory_space<vmem>>, vector<16xi32>,
      %get3A_113 = arith.constant 16 : index
      %get3A_114 = tpu.vector_load %arg8[%get3A_113] {strides = array<i32>} : memref<1152xi32, #tpu.memory_space<vmem>>, vector<16xi32>,
      %get3A_115 = vector.shape_cast %get3A_114 : vector<16xi32> to vector<16xi32>
      %swap3A_116 = arith.constant 16 : index
      %swap3A_117 = tpu.vector_load %arg9[%swap3A_116] {strides = array<i32>} : memref<64xi32, #tpu.memory_space<vmem>>, vector<16xi32>,
      %swap3A_118 = vector.shape_cast %swap3A_117 : vector<16xi32> to vector<16xi32>
      %swap3A_119 = vector.shape_cast %get3A_115 : vector<16xi32> to vector<16xi32>
      tpu.vector_store %arg9[%swap3A_116], %swap3A_119 {strides = array<i32>} : memref<64xi32, #tpu.memory_space<vmem>>, vector<16xi32>,
      %get3A_120 = arith.constant 32 : index
      %get3A_121 = tpu.vector_load %arg8[%get3A_120] {strides = array<i32>} : memref<1152xi32, #tpu.memory_space<vmem>>, vector<16xi32>,
      %get3A_122 = vector.shape_cast %get3A_121 : vector<16xi32> to vector<16xi32>
      %swap3A_123 = arith.constant 32 : index
      %swap3A_124 = tpu.vector_load %arg9[%swap3A_123] {strides = array<i32>} : memref<64xi32, #tpu.memory_space<vmem>>, vector<16xi32>,
      %swap3A_125 = vector.shape_cast %swap3A_124 : vector<16xi32> to vector<16xi32>
      %swap3A_126 = vector.shape_cast %get3A_122 : vector<16xi32> to vector<16xi32>
      tpu.vector_store %arg9[%swap3A_123], %swap3A_126 {strides = array<i32>} : memref<64xi32, #tpu.memory_space<vmem>>, vector<16xi32>,
      %get3A_127 = arith.constant 48 : index
      %get3A_128 = tpu.vector_load %arg8[%get3A_127] {strides = array<i32>} : memref<1152xi32, #tpu.memory_space<vmem>>, vector<16xi32>,
      %get3A_129 = vector.shape_cast %get3A_128 : vector<16xi32> to vector<16xi32>
      %swap3A_130 = arith.constant 48 : index
      %swap3A_131 = tpu.vector_load %arg9[%swap3A_130] {strides = array<i32>} : memref<64xi32, #tpu.memory_space<vmem>>, vector<16xi32>,
      %swap3A_132 = vector.shape_cast %swap3A_131 : vector<16xi32> to vector<16xi32>
      %swap3A_133 = vector.shape_cast %get3A_129 : vector<16xi32> to vector<16xi32>
      tpu.vector_store %arg9[%swap3A_130], %swap3A_133 {strides = array<i32>} : memref<64xi32, #tpu.memory_space<vmem>>, vector<16xi32>,
      %dma_start3A = arith.constant 0 : i32
      %dma_start3A_134 = tpu.memref_slice %arg7[%dma_start3A] : memref<1152xi32, #tpu.memory_space<vmem>> -> memref<64xi32, #tpu.memory_space<vmem>>
      %dma_start3A_135 = arith.constant 0 : i32
      %dma_start3A_136 = arith.constant 0 : i32
      %dma_start3A_137 = tpu.memref_slice %arg2[%dma_start3A_135, %dma_start3A_136] : memref<51200x128xf32, #tpu.memory_space<hbm>> -> memref<51200x128xf32, #tpu.memory_space<hbm>>
      tpu.enqueue_indirect_dma source(%dma_start3A_137 : memref<51200x128xf32, #tpu.memory_space<hbm>>) target(%arg12 : memref<64x128xf32, #tpu.memory_space<vmem>>) offsets(%dma_start3A_134 : memref<64xi32, #tpu.memory_space<vmem>>) semaphore(%arg15 : memref<!tpu.dma_semaphore, #tpu.memory_space<semaphore_mem>>)
      %get3A_138 = arith.constant 64 : index
      %get3A_139 = tpu.vector_load %arg8[%get3A_138] {strides = array<i32>} : memref<1152xi32, #tpu.memory_space<vmem>>, vector<16xi32>,
      %get3A_140 = vector.shape_cast %get3A_139 : vector<16xi32> to vector<16xi32>
      %swap3A_141 = arith.constant 0 : index
      %swap3A_142 = tpu.vector_load %arg10[%swap3A_141] {strides = array<i32>} : memref<64xi32, #tpu.memory_space<vmem>>, vector<16xi32>,
      %swap3A_143 = vector.shape_cast %swap3A_142 : vector<16xi32> to vector<16xi32>
      %swap3A_144 = vector.shape_cast %get3A_140 : vector<16xi32> to vector<16xi32>
      tpu.vector_store %arg10[%swap3A_141], %swap3A_144 {strides = array<i32>} : memref<64xi32, #tpu.memory_space<vmem>>, vector<16xi32>,
      %get3A_145 = arith.constant 80 : index
      %get3A_146 = tpu.vector_load %arg8[%get3A_145] {strides = array<i32>} : memref<1152xi32, #tpu.memory_space<vmem>>, vector<16xi32>,
      %get3A_147 = vector.shape_cast %get3A_146 : vector<16xi32> to vector<16xi32>
      %swap3A_148 = arith.constant 16 : index
      %swap3A_149 = tpu.vector_load %arg10[%swap3A_148] {strides = array<i32>} : memref<64xi32, #tpu.memory_space<vmem>>, vector<16xi32>,
      %swap3A_150 = vector.shape_cast %swap3A_149 : vector<16xi32> to vector<16xi32>
      %swap3A_151 = vector.shape_cast %get3A_147 : vector<16xi32> to vector<16xi32>
      tpu.vector_store %arg10[%swap3A_148], %swap3A_151 {strides = array<i32>} : memref<64xi32, #tpu.memory_space<vmem>>, vector<16xi32>,
      %get3A_152 = arith.constant 96 : index
      %get3A_153 = tpu.vector_load %arg8[%get3A_152] {strides = array<i32>} : memref<1152xi32, #tpu.memory_space<vmem>>, vector<16xi32>,
      %get3A_154 = vector.shape_cast %get3A_153 : vector<16xi32> to vector<16xi32>
      %swap3A_155 = arith.constant 32 : index
      %swap3A_156 = tpu.vector_load %arg10[%swap3A_155] {strides = array<i32>} : memref<64xi32, #tpu.memory_space<vmem>>, vector<16xi32>,
      %swap3A_157 = vector.shape_cast %swap3A_156 : vector<16xi32> to vector<16xi32>
      %swap3A_158 = vector.shape_cast %get3A_154 : vector<16xi32> to vector<16xi32>
      tpu.vector_store %arg10[%swap3A_155], %swap3A_158 {strides = array<i32>} : memref<64xi32, #tpu.memory_space<vmem>>, vector<16xi32>,
      %get3A_159 = arith.constant 112 : index
      %get3A_160 = tpu.vector_load %arg8[%get3A_159] {strides = array<i32>} : memref<1152xi32, #tpu.memory_space<vmem>>, vector<16xi32>,
      %get3A_161 = vector.shape_cast %get3A_160 : vector<16xi32> to vector<16xi32>
      %swap3A_162 = arith.constant 48 : index
      %swap3A_163 = tpu.vector_load %arg10[%swap3A_162] {strides = array<i32>} : memref<64xi32, #tpu.memory_space<vmem>>, vector<16xi32>,
      %swap3A_164 = vector.shape_cast %swap3A_163 : vector<16xi32> to vector<16xi32>
      %swap3A_165 = vector.shape_cast %get3A_161 : vector<16xi32> to vector<16xi32>
      tpu.vector_store %arg10[%swap3A_162], %swap3A_165 {strides = array<i32>} : memref<64xi32, #tpu.memory_space<vmem>>, vector<16xi32>,
      %dma_start3A_166 = arith.constant 64 : i32
      %dma_start3A_167 = tpu.memref_slice %arg7[%dma_start3A_166] : memref<1152xi32, #tpu.memory_space<vmem>> -> memref<64xi32, #tpu.memory_space<vmem>>
      %dma_start3A_168 = arith.constant 0 : i32
      %dma_start3A_169 = arith.constant 0 : i32
      %dma_start3A_170 = tpu.memref_slice %arg2[%dma_start3A_168, %dma_start3A_169] : memref<51200x128xf32, #tpu.memory_space<hbm>> -> memref<51200x128xf32, #tpu.memory_space<hbm>>
      tpu.enqueue_indirect_dma source(%dma_start3A_170 : memref<51200x128xf32, #tpu.memory_space<hbm>>) target(%arg13 : memref<64x128xf32, #tpu.memory_space<vmem>>) offsets(%dma_start3A_167 : memref<64xi32, #tpu.memory_space<vmem>>) semaphore(%arg16 : memref<!tpu.dma_semaphore, #tpu.memory_space<semaphore_mem>>)
      %scan3A_171 = arith.constant 0 : i32
      %scan3A_172 = arith.constant 0 : i32
      %scan3A_173 = arith.constant 6 : i32
      %scan3A_174 = arith.addi %scan3A_172, %scan3A_173 : i32
      %scan3A_175 = arith.constant 1 : i32
      %scan3A_176 = scf.for %scan3A_187 = %scan3A_172 to %scan3A_174 step %scan3A_175 iter_args(%scan3A_188 = %scan3A_171) -> (i32)  : i32 {
        %mul3A_189 = arith.constant 3 : i32
        %mul3A_190 = arith.muli %mul3A_189, %scan3A_187 : i32
        %add3A_191 = arith.constant 0 : i32
        %add3A_192 = arith.addi %mul3A_190, %add3A_191 : i32
        %dma_wait3A_193 = arith.constant 0 : i32
        %dma_wait3A_194 = arith.constant 0 : i32
        %dma_wait3A_195 = tpu.memref_slice %arg2[%dma_wait3A_193, %dma_wait3A_194] : memref<51200x128xf32, #tpu.memory_space<hbm>> -> memref<64x128xf32, #tpu.memory_space<hbm>>
        %dma_wait3A_196 = arith.constant 0 : i32
        %dma_wait3A_197 = arith.constant 0 : i32
        %dma_wait3A_198 = tpu.memref_slice %arg2[%dma_wait3A_196, %dma_wait3A_197] : memref<51200x128xf32, #tpu.memory_space<hbm>> -> memref<64x128xf32, #tpu.memory_space<hbm>>
        tpu.wait_dma2 semaphore(%arg15 : memref<!tpu.dma_semaphore, #tpu.memory_space<semaphore_mem>>) src(%dma_wait3A_198 : memref<64x128xf32, #tpu.memory_space<hbm>>) dst(%arg12 : memref<64x128xf32, #tpu.memory_space<vmem>>)
        %dma_start3A_199 = arith.constant 0 : i32
        %dma_start3A_200 = arith.constant 0 : i32
        %dma_start3A_201 = tpu.memref_slice %arg21[%dma_start3A_199, %dma_start3A_200] : memref<12928x128xf32, #tpu.memory_space<vmem_shared>> -> memref<12928x128xf32, #tpu.memory_space<vmem_shared>>
        tpu.enqueue_indirect_dma source(%arg12 : memref<64x128xf32, #tpu.memory_space<vmem>>) target(%dma_start3A_201 : memref<12928x128xf32, #tpu.memory_space<vmem_shared>>) offsets(%arg9 : memref<64xi32, #tpu.memory_space<vmem>>) semaphore(%arg18 : memref<!tpu.dma_semaphore, #tpu.memory_space<semaphore_mem>>) {add = true}
        %add3A_202 = arith.constant 2 : i32
        %add3A_203 = arith.addi %add3A_192, %add3A_202 : i32
        %lt3A = arith.constant 18 : i32
        %lt3A_204 = arith.cmpi slt, %add3A_203, %lt3A : i32
        %ge3A = arith.constant 3 : i32
        %ge3A_205 = arith.cmpi sge, %add3A_203, %ge3A : i32
        %and3A = arith.andi %lt3A_204, %ge3A_205 : i1
        %convert_element_type3A = arith.extui %and3A : i1 to i32
        %cond3A = arith.constant 0 : i32
        %cond3A_206 = arith.cmpi ne, %convert_element_type3A, %cond3A : i32
        scf.if %cond3A_206 {
          %dma_wait3A_269 = arith.constant 0 : i32
          %dma_wait3A_270 = arith.constant 0 : i32
          %dma_wait3A_271 = tpu.memref_slice %arg21[%dma_wait3A_269, %dma_wait3A_270] : memref<12928x128xf32, #tpu.memory_space<vmem_shared>> -> memref<12928x128xf32, #tpu.memory_space<vmem_shared>>
          tpu.wait_indirect_dma semaphore(%arg20 : memref<!tpu.dma_semaphore, #tpu.memory_space<semaphore_mem>>) src(%arg14 : memref<64x128xf32, #tpu.memory_space<vmem>>) dst(%dma_wait3A_271 : memref<12928x128xf32, #tpu.memory_space<vmem_shared>>)
        } else {
        }
        %lt3A_207 = arith.constant 18 : i32
        %lt3A_208 = arith.cmpi slt, %add3A_203, %lt3A_207 : i32
        %convert_element_type3A_209 = arith.extui %lt3A_208 : i1 to i32
        %cond3A_210 = arith.constant 0 : i32
        %cond3A_211 = arith.cmpi ne, %convert_element_type3A_209, %cond3A_210 : i32
        scf.if %cond3A_211 {
          %mul3A_269 = arith.constant 64 : i32
          %mul3A_270 = arith.muli %add3A_203, %mul3A_269 : i32
          %add3A_271 = arith.constant 0 : i32
          %add3A_272 = arith.addi %mul3A_270, %add3A_271 : i32
          %get3A_273 = arith.index_cast %add3A_272 : i32 to index
          %get3A_274 = tpu.vector_load %arg8[%get3A_273] {strides = array<i32>} : memref<1152xi32, #tpu.memory_space<vmem>>, vector<16xi32>,
          %get3A_275 = vector.shape_cast %get3A_274 : vector<16xi32> to vector<16xi32>
          %swap3A_276 = arith.constant 0 : index
          %swap3A_277 = tpu.vector_load %arg11[%swap3A_276] {strides = array<i32>} : memref<64xi32, #tpu.memory_space<vmem>>, vector<16xi32>,
          %swap3A_278 = vector.shape_cast %swap3A_277 : vector<16xi32> to vector<16xi32>
          %swap3A_279 = vector.shape_cast %get3A_275 : vector<16xi32> to vector<16xi32>
          tpu.vector_store %arg11[%swap3A_276], %swap3A_279 {strides = array<i32>} : memref<64xi32, #tpu.memory_space<vmem>>, vector<16xi32>,
          %mul3A_280 = arith.constant 64 : i32
          %mul3A_281 = arith.muli %add3A_203, %mul3A_280 : i32
          %add3A_282 = arith.constant 16 : i32
          %add3A_283 = arith.addi %mul3A_281, %add3A_282 : i32
          %get3A_284 = arith.index_cast %add3A_283 : i32 to index
          %get3A_285 = tpu.vector_load %arg8[%get3A_284] {strides = array<i32>} : memref<1152xi32, #tpu.memory_space<vmem>>, vector<16xi32>,
          %get3A_286 = vector.shape_cast %get3A_285 : vector<16xi32> to vector<16xi32>
          %swap3A_287 = arith.constant 16 : index
          %swap3A_288 = tpu.vector_load %arg11[%swap3A_287] {strides = array<i32>} : memref<64xi32, #tpu.memory_space<vmem>>, vector<16xi32>,
          %swap3A_289 = vector.shape_cast %swap3A_288 : vector<16xi32> to vector<16xi32>
          %swap3A_290 = vector.shape_cast %get3A_286 : vector<16xi32> to vector<16xi32>
          tpu.vector_store %arg11[%swap3A_287], %swap3A_290 {strides = array<i32>} : memref<64xi32, #tpu.memory_space<vmem>>, vector<16xi32>,
          %mul3A_291 = arith.constant 64 : i32
          %mul3A_292 = arith.muli %add3A_203, %mul3A_291 : i32
          %add3A_293 = arith.constant 32 : i32
          %add3A_294 = arith.addi %mul3A_292, %add3A_293 : i32
          %get3A_295 = arith.index_cast %add3A_294 : i32 to index
          %get3A_296 = tpu.vector_load %arg8[%get3A_295] {strides = array<i32>} : memref<1152xi32, #tpu.memory_space<vmem>>, vector<16xi32>,
          %get3A_297 = vector.shape_cast %get3A_296 : vector<16xi32> to vector<16xi32>
          %swap3A_298 = arith.constant 32 : index
          %swap3A_299 = tpu.vector_load %arg11[%swap3A_298] {strides = array<i32>} : memref<64xi32, #tpu.memory_space<vmem>>, vector<16xi32>,
          %swap3A_300 = vector.shape_cast %swap3A_299 : vector<16xi32> to vector<16xi32>
          %swap3A_301 = vector.shape_cast %get3A_297 : vector<16xi32> to vector<16xi32>
          tpu.vector_store %arg11[%swap3A_298], %swap3A_301 {strides = array<i32>} : memref<64xi32, #tpu.memory_space<vmem>>, vector<16xi32>,
          %mul3A_302 = arith.constant 64 : i32
          %mul3A_303 = arith.muli %add3A_203, %mul3A_302 : i32
          %add3A_304 = arith.constant 48 : i32
          %add3A_305 = arith.addi %mul3A_303, %add3A_304 : i32
          %get3A_306 = arith.index_cast %add3A_305 : i32 to index
          %get3A_307 = tpu.vector_load %arg8[%get3A_306] {strides = array<i32>} : memref<1152xi32, #tpu.memory_space<vmem>>, vector<16xi32>,
          %get3A_308 = vector.shape_cast %get3A_307 : vector<16xi32> to vector<16xi32>
          %swap3A_309 = arith.constant 48 : index
          %swap3A_310 = tpu.vector_load %arg11[%swap3A_309] {strides = array<i32>} : memref<64xi32, #tpu.memory_space<vmem>>, vector<16xi32>,
          %swap3A_311 = vector.shape_cast %swap3A_310 : vector<16xi32> to vector<16xi32>
          %swap3A_312 = vector.shape_cast %get3A_308 : vector<16xi32> to vector<16xi32>
          tpu.vector_store %arg11[%swap3A_309], %swap3A_312 {strides = array<i32>} : memref<64xi32, #tpu.memory_space<vmem>>, vector<16xi32>,
          %mul3A_313 = arith.constant 64 : i32
          %mul3A_314 = arith.muli %add3A_203, %mul3A_313 : i32
          %dma_start3A_315 = tpu.memref_slice %arg7[%mul3A_314] : memref<1152xi32, #tpu.memory_space<vmem>> -> memref<64xi32, #tpu.memory_space<vmem>>
          %dma_start3A_316 = arith.constant 0 : i32
          %dma_start3A_317 = arith.constant 0 : i32
          %dma_start3A_318 = tpu.memref_slice %arg2[%dma_start3A_316, %dma_start3A_317] : memref<51200x128xf32, #tpu.memory_space<hbm>> -> memref<51200x128xf32, #tpu.memory_space<hbm>>
          tpu.enqueue_indirect_dma source(%dma_start3A_318 : memref<51200x128xf32, #tpu.memory_space<hbm>>) target(%arg14 : memref<64x128xf32, #tpu.memory_space<vmem>>) offsets(%dma_start3A_315 : memref<64xi32, #tpu.memory_space<vmem>>) semaphore(%arg17 : memref<!tpu.dma_semaphore, #tpu.memory_space<semaphore_mem>>)
        } else {
        }
        %mul3A_212 = arith.constant 3 : i32
        %mul3A_213 = arith.muli %mul3A_212, %scan3A_187 : i32
        %add3A_214 = arith.constant 1 : i32
        %add3A_215 = arith.addi %mul3A_213, %add3A_214 : i32
        %dma_wait3A_216 = arith.constant 0 : i32
        %dma_wait3A_217 = arith.constant 0 : i32
        %dma_wait3A_218 = tpu.memref_slice %arg2[%dma_wait3A_216, %dma_wait3A_217] : memref<51200x128xf32, #tpu.memory_space<hbm>> -> memref<64x128xf32, #tpu.memory_space<hbm>>
        %dma_wait3A_219 = arith.constant 0 : i32
        %dma_wait3A_220 = arith.constant 0 : i32
        %dma_wait3A_221 = tpu.memref_slice %arg2[%dma_wait3A_219, %dma_wait3A_220] : memref<51200x128xf32, #tpu.memory_space<hbm>> -> memref<64x128xf32, #tpu.memory_space<hbm>>
        tpu.wait_dma2 semaphore(%arg16 : memref<!tpu.dma_semaphore, #tpu.memory_space<semaphore_mem>>) src(%dma_wait3A_221 : memref<64x128xf32, #tpu.memory_space<hbm>>) dst(%arg13 : memref<64x128xf32, #tpu.memory_space<vmem>>)
        %dma_start3A_222 = arith.constant 0 : i32
        %dma_start3A_223 = arith.constant 0 : i32
        %dma_start3A_224 = tpu.memref_slice %arg21[%dma_start3A_222, %dma_start3A_223] : memref<12928x128xf32, #tpu.memory_space<vmem_shared>> -> memref<12928x128xf32, #tpu.memory_space<vmem_shared>>
        tpu.enqueue_indirect_dma source(%arg13 : memref<64x128xf32, #tpu.memory_space<vmem>>) target(%dma_start3A_224 : memref<12928x128xf32, #tpu.memory_space<vmem_shared>>) offsets(%arg10 : memref<64xi32, #tpu.memory_space<vmem>>) semaphore(%arg19 : memref<!tpu.dma_semaphore, #tpu.memory_space<semaphore_mem>>) {add = true}
        %add3A_225 = arith.constant 2 : i32
        %add3A_226 = arith.addi %add3A_215, %add3A_225 : i32
        %lt3A_227 = arith.constant 18 : i32
        %lt3A_228 = arith.cmpi slt, %add3A_226, %lt3A_227 : i32
        %ge3A_229 = arith.constant 3 : i32
        %ge3A_230 = arith.cmpi sge, %add3A_226, %ge3A_229 : i32
        %and3A_231 = arith.andi %lt3A_228, %ge3A_230 : i1
        %convert_element_type3A_232 = arith.extui %and3A_231 : i1 to i32
        %cond3A_233 = arith.constant 0 : i32
        %cond3A_234 = arith.cmpi ne, %convert_element_type3A_232, %cond3A_233 : i32
        scf.if %cond3A_234 {
          %dma_wait3A_269 = arith.constant 0 : i32
          %dma_wait3A_270 = arith.constant 0 : i32
          %dma_wait3A_271 = tpu.memref_slice %arg21[%dma_wait3A_269, %dma_wait3A_270] : memref<12928x128xf32, #tpu.memory_space<vmem_shared>> -> memref<12928x128xf32, #tpu.memory_space<vmem_shared>>
          tpu.wait_indirect_dma semaphore(%arg18 : memref<!tpu.dma_semaphore, #tpu.memory_space<semaphore_mem>>) src(%arg12 : memref<64x128xf32, #tpu.memory_space<vmem>>) dst(%dma_wait3A_271 : memref<12928x128xf32, #tpu.memory_space<vmem_shared>>)
        } else {
        }
        %lt3A_235 = arith.constant 18 : i32
        %lt3A_236 = arith.cmpi slt, %add3A_226, %lt3A_235 : i32
        %convert_element_type3A_237 = arith.extui %lt3A_236 : i1 to i32
        %cond3A_238 = arith.constant 0 : i32
        %cond3A_239 = arith.cmpi ne, %convert_element_type3A_237, %cond3A_238 : i32
        scf.if %cond3A_239 {
          %mul3A_269 = arith.constant 64 : i32
          %mul3A_270 = arith.muli %add3A_226, %mul3A_269 : i32
          %add3A_271 = arith.constant 0 : i32
          %add3A_272 = arith.addi %mul3A_270, %add3A_271 : i32
          %get3A_273 = arith.index_cast %add3A_272 : i32 to index
          %get3A_274 = tpu.vector_load %arg8[%get3A_273] {strides = array<i32>} : memref<1152xi32, #tpu.memory_space<vmem>>, vector<16xi32>,
          %get3A_275 = vector.shape_cast %get3A_274 : vector<16xi32> to vector<16xi32>
          %swap3A_276 = arith.constant 0 : index
          %swap3A_277 = tpu.vector_load %arg9[%swap3A_276] {strides = array<i32>} : memref<64xi32, #tpu.memory_space<vmem>>, vector<16xi32>,
          %swap3A_278 = vector.shape_cast %swap3A_277 : vector<16xi32> to vector<16xi32>
          %swap3A_279 = vector.shape_cast %get3A_275 : vector<16xi32> to vector<16xi32>
          tpu.vector_store %arg9[%swap3A_276], %swap3A_279 {strides = array<i32>} : memref<64xi32, #tpu.memory_space<vmem>>, vector<16xi32>,
          %mul3A_280 = arith.constant 64 : i32
          %mul3A_281 = arith.muli %add3A_226, %mul3A_280 : i32
          %add3A_282 = arith.constant 16 : i32
          %add3A_283 = arith.addi %mul3A_281, %add3A_282 : i32
          %get3A_284 = arith.index_cast %add3A_283 : i32 to index
          %get3A_285 = tpu.vector_load %arg8[%get3A_284] {strides = array<i32>} : memref<1152xi32, #tpu.memory_space<vmem>>, vector<16xi32>,
          %get3A_286 = vector.shape_cast %get3A_285 : vector<16xi32> to vector<16xi32>
          %swap3A_287 = arith.constant 16 : index
          %swap3A_288 = tpu.vector_load %arg9[%swap3A_287] {strides = array<i32>} : memref<64xi32, #tpu.memory_space<vmem>>, vector<16xi32>,
          %swap3A_289 = vector.shape_cast %swap3A_288 : vector<16xi32> to vector<16xi32>
          %swap3A_290 = vector.shape_cast %get3A_286 : vector<16xi32> to vector<16xi32>
          tpu.vector_store %arg9[%swap3A_287], %swap3A_290 {strides = array<i32>} : memref<64xi32, #tpu.memory_space<vmem>>, vector<16xi32>,
          %mul3A_291 = arith.constant 64 : i32
          %mul3A_292 = arith.muli %add3A_226, %mul3A_291 : i32
          %add3A_293 = arith.constant 32 : i32
          %add3A_294 = arith.addi %mul3A_292, %add3A_293 : i32
          %get3A_295 = arith.index_cast %add3A_294 : i32 to index
          %get3A_296 = tpu.vector_load %arg8[%get3A_295] {strides = array<i32>} : memref<1152xi32, #tpu.memory_space<vmem>>, vector<16xi32>,
          %get3A_297 = vector.shape_cast %get3A_296 : vector<16xi32> to vector<16xi32>
          %swap3A_298 = arith.constant 32 : index
          %swap3A_299 = tpu.vector_load %arg9[%swap3A_298] {strides = array<i32>} : memref<64xi32, #tpu.memory_space<vmem>>, vector<16xi32>,
          %swap3A_300 = vector.shape_cast %swap3A_299 : vector<16xi32> to vector<16xi32>
          %swap3A_301 = vector.shape_cast %get3A_297 : vector<16xi32> to vector<16xi32>
          tpu.vector_store %arg9[%swap3A_298], %swap3A_301 {strides = array<i32>} : memref<64xi32, #tpu.memory_space<vmem>>, vector<16xi32>,
          %mul3A_302 = arith.constant 64 : i32
          %mul3A_303 = arith.muli %add3A_226, %mul3A_302 : i32
          %add3A_304 = arith.constant 48 : i32
          %add3A_305 = arith.addi %mul3A_303, %add3A_304 : i32
          %get3A_306 = arith.index_cast %add3A_305 : i32 to index
          %get3A_307 = tpu.vector_load %arg8[%get3A_306] {strides = array<i32>} : memref<1152xi32, #tpu.memory_space<vmem>>, vector<16xi32>,
          %get3A_308 = vector.shape_cast %get3A_307 : vector<16xi32> to vector<16xi32>
          %swap3A_309 = arith.constant 48 : index
          %swap3A_310 = tpu.vector_load %arg9[%swap3A_309] {strides = array<i32>} : memref<64xi32, #tpu.memory_space<vmem>>, vector<16xi32>,
          %swap3A_311 = vector.shape_cast %swap3A_310 : vector<16xi32> to vector<16xi32>
          %swap3A_312 = vector.shape_cast %get3A_308 : vector<16xi32> to vector<16xi32>
          tpu.vector_store %arg9[%swap3A_309], %swap3A_312 {strides = array<i32>} : memref<64xi32, #tpu.memory_space<vmem>>, vector<16xi32>,
          %mul3A_313 = arith.constant 64 : i32
          %mul3A_314 = arith.muli %add3A_226, %mul3A_313 : i32
          %dma_start3A_315 = tpu.memref_slice %arg7[%mul3A_314] : memref<1152xi32, #tpu.memory_space<vmem>> -> memref<64xi32, #tpu.memory_space<vmem>>
          %dma_start3A_316 = arith.constant 0 : i32
          %dma_start3A_317 = arith.constant 0 : i32
          %dma_start3A_318 = tpu.memref_slice %arg2[%dma_start3A_316, %dma_start3A_317] : memref<51200x128xf32, #tpu.memory_space<hbm>> -> memref<51200x128xf32, #tpu.memory_space<hbm>>
          tpu.enqueue_indirect_dma source(%dma_start3A_318 : memref<51200x128xf32, #tpu.memory_space<hbm>>) target(%arg12 : memref<64x128xf32, #tpu.memory_space<vmem>>) offsets(%dma_start3A_315 : memref<64xi32, #tpu.memory_space<vmem>>) semaphore(%arg15 : memref<!tpu.dma_semaphore, #tpu.memory_space<semaphore_mem>>)
        } else {
        }
        %mul3A_240 = arith.constant 3 : i32
        %mul3A_241 = arith.muli %mul3A_240, %scan3A_187 : i32
        %add3A_242 = arith.constant 2 : i32
        %add3A_243 = arith.addi %mul3A_241, %add3A_242 : i32
        %dma_wait3A_244 = arith.constant 0 : i32
        %dma_wait3A_245 = arith.constant 0 : i32
        %dma_wait3A_246 = tpu.memref_slice %arg2[%dma_wait3A_244, %dma_wait3A_245] : memref<51200x128xf32, #tpu.memory_space<hbm>> -> memref<64x128xf32, #tpu.memory_space<hbm>>
        %dma_wait3A_247 = arith.constant 0 : i32
        %dma_wait3A_248 = arith.constant 0 : i32
        %dma_wait3A_249 = tpu.memref_slice %arg2[%dma_wait3A_247, %dma_wait3A_248] : memref<51200x128xf32, #tpu.memory_space<hbm>> -> memref<64x128xf32, #tpu.memory_space<hbm>>
        tpu.wait_dma2 semaphore(%arg17 : memref<!tpu.dma_semaphore, #tpu.memory_space<semaphore_mem>>) src(%dma_wait3A_249 : memref<64x128xf32, #tpu.memory_space<hbm>>) dst(%arg14 : memref<64x128xf32, #tpu.memory_space<vmem>>)
        %dma_start3A_250 = arith.constant 0 : i32
        %dma_start3A_251 = arith.constant 0 : i32
        %dma_start3A_252 = tpu.memref_slice %arg21[%dma_start3A_250, %dma_start3A_251] : memref<12928x128xf32, #tpu.memory_space<vmem_shared>> -> memref<12928x128xf32, #tpu.memory_space<vmem_shared>>
        tpu.enqueue_indirect_dma source(%arg14 : memref<64x128xf32, #tpu.memory_space<vmem>>) target(%dma_start3A_252 : memref<12928x128xf32, #tpu.memory_space<vmem_shared>>) offsets(%arg11 : memref<64xi32, #tpu.memory_space<vmem>>) semaphore(%arg20 : memref<!tpu.dma_semaphore, #tpu.memory_space<semaphore_mem>>) {add = true}
        %add3A_253 = arith.constant 2 : i32
        %add3A_254 = arith.addi %add3A_243, %add3A_253 : i32
        %lt3A_255 = arith.constant 18 : i32
        %lt3A_256 = arith.cmpi slt, %add3A_254, %lt3A_255 : i32
        %ge3A_257 = arith.constant 3 : i32
        %ge3A_258 = arith.cmpi sge, %add3A_254, %ge3A_257 : i32
        %and3A_259 = arith.andi %lt3A_256, %ge3A_258 : i1
        %convert_element_type3A_260 = arith.extui %and3A_259 : i1 to i32
        %cond3A_261 = arith.constant 0 : i32
        %cond3A_262 = arith.cmpi ne, %convert_element_type3A_260, %cond3A_261 : i32
        scf.if %cond3A_262 {
          %dma_wait3A_269 = arith.constant 0 : i32
          %dma_wait3A_270 = arith.constant 0 : i32
          %dma_wait3A_271 = tpu.memref_slice %arg21[%dma_wait3A_269, %dma_wait3A_270] : memref<12928x128xf32, #tpu.memory_space<vmem_shared>> -> memref<12928x128xf32, #tpu.memory_space<vmem_shared>>
          tpu.wait_indirect_dma semaphore(%arg19 : memref<!tpu.dma_semaphore, #tpu.memory_space<semaphore_mem>>) src(%arg13 : memref<64x128xf32, #tpu.memory_space<vmem>>) dst(%dma_wait3A_271 : memref<12928x128xf32, #tpu.memory_space<vmem_shared>>)
        } else {
        }
        %lt3A_263 = arith.constant 18 : i32
        %lt3A_264 = arith.cmpi slt, %add3A_254, %lt3A_263 : i32
        %convert_element_type3A_265 = arith.extui %lt3A_264 : i1 to i32
        %cond3A_266 = arith.constant 0 : i32
        %cond3A_267 = arith.cmpi ne, %convert_element_type3A_265, %cond3A_266 : i32
        scf.if %cond3A_267 {
          %mul3A_269 = arith.constant 64 : i32
          %mul3A_270 = arith.muli %add3A_254, %mul3A_269 : i32
          %add3A_271 = arith.constant 0 : i32
          %add3A_272 = arith.addi %mul3A_270, %add3A_271 : i32
          %get3A_273 = arith.index_cast %add3A_272 : i32 to index
          %get3A_274 = tpu.vector_load %arg8[%get3A_273] {strides = array<i32>} : memref<1152xi32, #tpu.memory_space<vmem>>, vector<16xi32>,
          %get3A_275 = vector.shape_cast %get3A_274 : vector<16xi32> to vector<16xi32>
          %swap3A_276 = arith.constant 0 : index
          %swap3A_277 = tpu.vector_load %arg10[%swap3A_276] {strides = array<i32>} : memref<64xi32, #tpu.memory_space<vmem>>, vector<16xi32>,
          %swap3A_278 = vector.shape_cast %swap3A_277 : vector<16xi32> to vector<16xi32>
          %swap3A_279 = vector.shape_cast %get3A_275 : vector<16xi32> to vector<16xi32>
          tpu.vector_store %arg10[%swap3A_276], %swap3A_279 {strides = array<i32>} : memref<64xi32, #tpu.memory_space<vmem>>, vector<16xi32>,
          %mul3A_280 = arith.constant 64 : i32
          %mul3A_281 = arith.muli %add3A_254, %mul3A_280 : i32
          %add3A_282 = arith.constant 16 : i32
          %add3A_283 = arith.addi %mul3A_281, %add3A_282 : i32
          %get3A_284 = arith.index_cast %add3A_283 : i32 to index
          %get3A_285 = tpu.vector_load %arg8[%get3A_284] {strides = array<i32>} : memref<1152xi32, #tpu.memory_space<vmem>>, vector<16xi32>,
          %get3A_286 = vector.shape_cast %get3A_285 : vector<16xi32> to vector<16xi32>
          %swap3A_287 = arith.constant 16 : index
          %swap3A_288 = tpu.vector_load %arg10[%swap3A_287] {strides = array<i32>} : memref<64xi32, #tpu.memory_space<vmem>>, vector<16xi32>,
          %swap3A_289 = vector.shape_cast %swap3A_288 : vector<16xi32> to vector<16xi32>
          %swap3A_290 = vector.shape_cast %get3A_286 : vector<16xi32> to vector<16xi32>
          tpu.vector_store %arg10[%swap3A_287], %swap3A_290 {strides = array<i32>} : memref<64xi32, #tpu.memory_space<vmem>>, vector<16xi32>,
          %mul3A_291 = arith.constant 64 : i32
          %mul3A_292 = arith.muli %add3A_254, %mul3A_291 : i32
          %add3A_293 = arith.constant 32 : i32
          %add3A_294 = arith.addi %mul3A_292, %add3A_293 : i32
          %get3A_295 = arith.index_cast %add3A_294 : i32 to index
          %get3A_296 = tpu.vector_load %arg8[%get3A_295] {strides = array<i32>} : memref<1152xi32, #tpu.memory_space<vmem>>, vector<16xi32>,
          %get3A_297 = vector.shape_cast %get3A_296 : vector<16xi32> to vector<16xi32>
          %swap3A_298 = arith.constant 32 : index
          %swap3A_299 = tpu.vector_load %arg10[%swap3A_298] {strides = array<i32>} : memref<64xi32, #tpu.memory_space<vmem>>, vector<16xi32>,
          %swap3A_300 = vector.shape_cast %swap3A_299 : vector<16xi32> to vector<16xi32>
          %swap3A_301 = vector.shape_cast %get3A_297 : vector<16xi32> to vector<16xi32>
          tpu.vector_store %arg10[%swap3A_298], %swap3A_301 {strides = array<i32>} : memref<64xi32, #tpu.memory_space<vmem>>, vector<16xi32>,
          %mul3A_302 = arith.constant 64 : i32
          %mul3A_303 = arith.muli %add3A_254, %mul3A_302 : i32
          %add3A_304 = arith.constant 48 : i32
          %add3A_305 = arith.addi %mul3A_303, %add3A_304 : i32
          %get3A_306 = arith.index_cast %add3A_305 : i32 to index
          %get3A_307 = tpu.vector_load %arg8[%get3A_306] {strides = array<i32>} : memref<1152xi32, #tpu.memory_space<vmem>>, vector<16xi32>,
          %get3A_308 = vector.shape_cast %get3A_307 : vector<16xi32> to vector<16xi32>
          %swap3A_309 = arith.constant 48 : index
          %swap3A_310 = tpu.vector_load %arg10[%swap3A_309] {strides = array<i32>} : memref<64xi32, #tpu.memory_space<vmem>>, vector<16xi32>,
          %swap3A_311 = vector.shape_cast %swap3A_310 : vector<16xi32> to vector<16xi32>
          %swap3A_312 = vector.shape_cast %get3A_308 : vector<16xi32> to vector<16xi32>
          tpu.vector_store %arg10[%swap3A_309], %swap3A_312 {strides = array<i32>} : memref<64xi32, #tpu.memory_space<vmem>>, vector<16xi32>,
          %mul3A_313 = arith.constant 64 : i32
          %mul3A_314 = arith.muli %add3A_254, %mul3A_313 : i32
          %dma_start3A_315 = tpu.memref_slice %arg7[%mul3A_314] : memref<1152xi32, #tpu.memory_space<vmem>> -> memref<64xi32, #tpu.memory_space<vmem>>
          %dma_start3A_316 = arith.constant 0 : i32
          %dma_start3A_317 = arith.constant 0 : i32
          %dma_start3A_318 = tpu.memref_slice %arg2[%dma_start3A_316, %dma_start3A_317] : memref<51200x128xf32, #tpu.memory_space<hbm>> -> memref<51200x128xf32, #tpu.memory_space<hbm>>
          tpu.enqueue_indirect_dma source(%dma_start3A_318 : memref<51200x128xf32, #tpu.memory_space<hbm>>) target(%arg13 : memref<64x128xf32, #tpu.memory_space<vmem>>) offsets(%dma_start3A_315 : memref<64xi32, #tpu.memory_space<vmem>>) semaphore(%arg16 : memref<!tpu.dma_semaphore, #tpu.memory_space<semaphore_mem>>)
        } else {
        }
        %scan3A_268 = arith.constant 0 : i32
        scf.yield %scan3A_268 : i32
      }
      %scan3A_177 = arith.constant 6 : i32
      %dma_wait3A = arith.constant 0 : i32
      %dma_wait3A_178 = arith.constant 0 : i32
      %dma_wait3A_179 = tpu.memref_slice %arg21[%dma_wait3A, %dma_wait3A_178] : memref<12928x128xf32, #tpu.memory_space<vmem_shared>> -> memref<12928x128xf32, #tpu.memory_space<vmem_shared>>
      tpu.wait_indirect_dma semaphore(%arg18 : memref<!tpu.dma_semaphore, #tpu.memory_space<semaphore_mem>>) src(%arg12 : memref<64x128xf32, #tpu.memory_space<vmem>>) dst(%dma_wait3A_179 : memref<12928x128xf32, #tpu.memory_space<vmem_shared>>)
      %dma_wait3A_180 = arith.constant 0 : i32
      %dma_wait3A_181 = arith.constant 0 : i32
      %dma_wait3A_182 = tpu.memref_slice %arg21[%dma_wait3A_180, %dma_wait3A_181] : memref<12928x128xf32, #tpu.memory_space<vmem_shared>> -> memref<12928x128xf32, #tpu.memory_space<vmem_shared>>
      tpu.wait_indirect_dma semaphore(%arg19 : memref<!tpu.dma_semaphore, #tpu.memory_space<semaphore_mem>>) src(%arg13 : memref<64x128xf32, #tpu.memory_space<vmem>>) dst(%dma_wait3A_182 : memref<12928x128xf32, #tpu.memory_space<vmem_shared>>)
      %dma_wait3A_183 = arith.constant 0 : i32
      %dma_wait3A_184 = arith.constant 0 : i32
      %dma_wait3A_185 = tpu.memref_slice %arg21[%dma_wait3A_183, %dma_wait3A_184] : memref<12928x128xf32, #tpu.memory_space<vmem_shared>> -> memref<12928x128xf32, #tpu.memory_space<vmem_shared>>
      tpu.wait_indirect_dma semaphore(%arg20 : memref<!tpu.dma_semaphore, #tpu.memory_space<semaphore_mem>>) src(%arg14 : memref<64x128xf32, #tpu.memory_space<vmem>>) dst(%dma_wait3A_185 : memref<12928x128xf32, #tpu.memory_space<vmem_shared>>)
      %scan3A_186 = arith.constant 0 : i32
      scf.yield %scan3A_186 : i32
    }
    %scan3A_37 = arith.constant 44 : i32
    %barrier3A_38 = arith.constant 0 : index
    tpu.barrier barrier_id(%barrier3A_38)
    %mul3A_39 = arith.constant 800 : i32
    %mul3A_40 = arith.muli %arg1, %mul3A_39 : i32
    %mul3A_41 = arith.constant 800 : i32
    %mul3A_42 = arith.muli %arg1, %mul3A_41 : i32
    %add3A_43 = arith.addi %mul3A_3, %mul3A_42 : i32
    "tpu.region"() ({
      %run_scoped3A = tpu.sem_alloc : memref<!tpu.dma_semaphore, #tpu.memory_space<semaphore_mem>>
      %dma_start3A = arith.constant 0 : i32
      %dma_start3A_94 = tpu.memref_slice %arg6[%add3A_43, %dma_start3A] : memref<51200x128xf32, #tpu.memory_space<hbm>> -> memref<800x128xf32, #tpu.memory_space<hbm>>
      %dma_start3A_95 = arith.constant 0 : i32
      %dma_start3A_96 = tpu.memref_slice %arg21[%mul3A_40, %dma_start3A_95] : memref<12928x128xf32, #tpu.memory_space<vmem_shared>> -> memref<800x128xf32, #tpu.memory_space<vmem_shared>>
      tpu.enqueue_dma source(%dma_start3A_96 : memref<800x128xf32, #tpu.memory_space<vmem_shared>>) target(%dma_start3A_94 : memref<800x128xf32, #tpu.memory_space<hbm>>) target_semaphore(%run_scoped3A : memref<!tpu.dma_semaphore, #tpu.memory_space<semaphore_mem>>)
      %dma_wait3A = arith.constant 0 : i32
      %dma_wait3A_97 = tpu.memref_slice %arg6[%add3A_43, %dma_wait3A] : memref<51200x128xf32, #tpu.memory_space<hbm>> -> memref<800x128xf32, #tpu.memory_space<hbm>>
      %dma_wait3A_98 = arith.constant 0 : i32
      %dma_wait3A_99 = tpu.memref_slice %arg21[%mul3A_40, %dma_wait3A_98] : memref<12928x128xf32, #tpu.memory_space<vmem_shared>> -> memref<800x128xf32, #tpu.memory_space<vmem_shared>>
      tpu.wait_dma2 semaphore(%run_scoped3A : memref<!tpu.dma_semaphore, #tpu.memory_space<semaphore_mem>>) src(%dma_wait3A_99 : memref<800x128xf32, #tpu.memory_space<vmem_shared>>) dst(%dma_wait3A_97 : memref<800x128xf32, #tpu.memory_space<hbm>>)
      tpu.yield
    }) : () -> ()
    %barrier3A_44 = arith.constant 0 : index
    tpu.barrier barrier_id(%barrier3A_44)
    %mul3A_45 = arith.constant 2 : i32
    %mul3A_46 = arith.muli %arg0, %mul3A_45 : i32
    %add3A_47 = arith.constant 1 : i32
    %add3A_48 = arith.addi %mul3A_46, %add3A_47 : i32
    %mul3A_49 = arith.constant 12800 : i32
    %mul3A_50 = arith.muli %add3A_48, %mul3A_49 : i32
    %mul3A_51 = arith.constant 808 : i32
    %mul3A_52 = arith.muli %arg1, %mul3A_51 : i32
    %add3A_53 = arith.constant 0 : i32
    %add3A_54 = arith.addi %mul3A_52, %add3A_53 : i32
    "tpu.region"() ({
      %run_scoped3A = tpu.sem_alloc : memref<!tpu.dma_semaphore, #tpu.memory_space<semaphore_mem>>
      %dma_start3A = arith.constant 0 : i32
      %dma_start3A_94 = tpu.memref_slice %arg21[%add3A_54, %dma_start3A] : memref<12928x128xf32, #tpu.memory_space<vmem_shared>> -> memref<128x128xf32, #tpu.memory_space<vmem_shared>>
      tpu.enqueue_dma source(%arg5 : memref<128x128xf32, #tpu.memory_space<hbm>>) target(%dma_start3A_94 : memref<128x128xf32, #tpu.memory_space<vmem_shared>>) target_semaphore(%run_scoped3A : memref<!tpu.dma_semaphore, #tpu.memory_space<semaphore_mem>>)
      %dma_wait3A = arith.constant 0 : i32
      %dma_wait3A_95 = tpu.memref_slice %arg21[%add3A_54, %dma_wait3A] : memref<12928x128xf32, #tpu.memory_space<vmem_shared>> -> memref<128x128xf32, #tpu.memory_space<vmem_shared>>
      tpu.wait_dma2 semaphore(%run_scoped3A : memref<!tpu.dma_semaphore, #tpu.memory_space<semaphore_mem>>) src(%arg5 : memref<128x128xf32, #tpu.memory_space<hbm>>) dst(%dma_wait3A_95 : memref<128x128xf32, #tpu.memory_space<vmem_shared>>)
      tpu.yield
    }) : () -> ()
    %mul3A_55 = arith.constant 808 : i32
    %mul3A_56 = arith.muli %arg1, %mul3A_55 : i32
    %add3A_57 = arith.constant 128 : i32
    %add3A_58 = arith.addi %mul3A_56, %add3A_57 : i32
    "tpu.region"() ({
      %run_scoped3A = tpu.sem_alloc : memref<!tpu.dma_semaphore, #tpu.memory_space<semaphore_mem>>
      %dma_start3A = arith.constant 0 : i32
      %dma_start3A_94 = tpu.memref_slice %arg21[%add3A_58, %dma_start3A] : memref<12928x128xf32, #tpu.memory_space<vmem_shared>> -> memref<128x128xf32, #tpu.memory_space<vmem_shared>>
      tpu.enqueue_dma source(%arg5 : memref<128x128xf32, #tpu.memory_space<hbm>>) target(%dma_start3A_94 : memref<128x128xf32, #tpu.memory_space<vmem_shared>>) target_semaphore(%run_scoped3A : memref<!tpu.dma_semaphore, #tpu.memory_space<semaphore_mem>>)
      %dma_wait3A = arith.constant 0 : i32
      %dma_wait3A_95 = tpu.memref_slice %arg21[%add3A_58, %dma_wait3A] : memref<12928x128xf32, #tpu.memory_space<vmem_shared>> -> memref<128x128xf32, #tpu.memory_space<vmem_shared>>
      tpu.wait_dma2 semaphore(%run_scoped3A : memref<!tpu.dma_semaphore, #tpu.memory_space<semaphore_mem>>) src(%arg5 : memref<128x128xf32, #tpu.memory_space<hbm>>) dst(%dma_wait3A_95 : memref<128x128xf32, #tpu.memory_space<vmem_shared>>)
      tpu.yield
    }) : () -> ()
    %mul3A_59 = arith.constant 808 : i32
    %mul3A_60 = arith.muli %arg1, %mul3A_59 : i32
    %add3A_61 = arith.constant 256 : i32
    %add3A_62 = arith.addi %mul3A_60, %add3A_61 : i32
    "tpu.region"() ({
      %run_scoped3A = tpu.sem_alloc : memref<!tpu.dma_semaphore, #tpu.memory_space<semaphore_mem>>
      %dma_start3A = arith.constant 0 : i32
      %dma_start3A_94 = tpu.memref_slice %arg21[%add3A_62, %dma_start3A] : memref<12928x128xf32, #tpu.memory_space<vmem_shared>> -> memref<128x128xf32, #tpu.memory_space<vmem_shared>>
      tpu.enqueue_dma source(%arg5 : memref<128x128xf32, #tpu.memory_space<hbm>>) target(%dma_start3A_94 : memref<128x128xf32, #tpu.memory_space<vmem_shared>>) target_semaphore(%run_scoped3A : memref<!tpu.dma_semaphore, #tpu.memory_space<semaphore_mem>>)
      %dma_wait3A = arith.constant 0 : i32
      %dma_wait3A_95 = tpu.memref_slice %arg21[%add3A_62, %dma_wait3A] : memref<12928x128xf32, #tpu.memory_space<vmem_shared>> -> memref<128x128xf32, #tpu.memory_space<vmem_shared>>
      tpu.wait_dma2 semaphore(%run_scoped3A : memref<!tpu.dma_semaphore, #tpu.memory_space<semaphore_mem>>) src(%arg5 : memref<128x128xf32, #tpu.memory_space<hbm>>) dst(%dma_wait3A_95 : memref<128x128xf32, #tpu.memory_space<vmem_shared>>)
      tpu.yield
    }) : () -> ()
    %mul3A_63 = arith.constant 808 : i32
    %mul3A_64 = arith.muli %arg1, %mul3A_63 : i32
    %add3A_65 = arith.constant 384 : i32
    %add3A_66 = arith.addi %mul3A_64, %add3A_65 : i32
    "tpu.region"() ({
      %run_scoped3A = tpu.sem_alloc : memref<!tpu.dma_semaphore, #tpu.memory_space<semaphore_mem>>
      %dma_start3A = arith.constant 0 : i32
      %dma_start3A_94 = tpu.memref_slice %arg21[%add3A_66, %dma_start3A] : memref<12928x128xf32, #tpu.memory_space<vmem_shared>> -> memref<128x128xf32, #tpu.memory_space<vmem_shared>>
      tpu.enqueue_dma source(%arg5 : memref<128x128xf32, #tpu.memory_space<hbm>>) target(%dma_start3A_94 : memref<128x128xf32, #tpu.memory_space<vmem_shared>>) target_semaphore(%run_scoped3A : memref<!tpu.dma_semaphore, #tpu.memory_space<semaphore_mem>>)
      %dma_wait3A = arith.constant 0 : i32
      %dma_wait3A_95 = tpu.memref_slice %arg21[%add3A_66, %dma_wait3A] : memref<12928x128xf32, #tpu.memory_space<vmem_shared>> -> memref<128x128xf32, #tpu.memory_space<vmem_shared>>
      tpu.wait_dma2 semaphore(%run_scoped3A : memref<!tpu.dma_semaphore, #tpu.memory_space<semaphore_mem>>) src(%arg5 : memref<128x128xf32, #tpu.memory_space<hbm>>) dst(%dma_wait3A_95 : memref<128x128xf32, #tpu.memory_space<vmem_shared>>)
      tpu.yield
    }) : () -> ()
    %mul3A_67 = arith.constant 808 : i32
    %mul3A_68 = arith.muli %arg1, %mul3A_67 : i32
    %add3A_69 = arith.constant 512 : i32
    %add3A_70 = arith.addi %mul3A_68, %add3A_69 : i32
    "tpu.region"() ({
      %run_scoped3A = tpu.sem_alloc : memref<!tpu.dma_semaphore, #tpu.memory_space<semaphore_mem>>
      %dma_start3A = arith.constant 0 : i32
      %dma_start3A_94 = tpu.memref_slice %arg21[%add3A_70, %dma_start3A] : memref<12928x128xf32, #tpu.memory_space<vmem_shared>> -> memref<128x128xf32, #tpu.memory_space<vmem_shared>>
      tpu.enqueue_dma source(%arg5 : memref<128x128xf32, #tpu.memory_space<hbm>>) target(%dma_start3A_94 : memref<128x128xf32, #tpu.memory_space<vmem_shared>>) target_semaphore(%run_scoped3A : memref<!tpu.dma_semaphore, #tpu.memory_space<semaphore_mem>>)
      %dma_wait3A = arith.constant 0 : i32
      %dma_wait3A_95 = tpu.memref_slice %arg21[%add3A_70, %dma_wait3A] : memref<12928x128xf32, #tpu.memory_space<vmem_shared>> -> memref<128x128xf32, #tpu.memory_space<vmem_shared>>
      tpu.wait_dma2 semaphore(%run_scoped3A : memref<!tpu.dma_semaphore, #tpu.memory_space<semaphore_mem>>) src(%arg5 : memref<128x128xf32, #tpu.memory_space<hbm>>) dst(%dma_wait3A_95 : memref<128x128xf32, #tpu.memory_space<vmem_shared>>)
      tpu.yield
    }) : () -> ()
    %mul3A_71 = arith.constant 808 : i32
    %mul3A_72 = arith.muli %arg1, %mul3A_71 : i32
    %add3A_73 = arith.constant 640 : i32
    %add3A_74 = arith.addi %mul3A_72, %add3A_73 : i32
    "tpu.region"() ({
      %run_scoped3A = tpu.sem_alloc : memref<!tpu.dma_semaphore, #tpu.memory_space<semaphore_mem>>
      %dma_start3A = arith.constant 0 : i32
      %dma_start3A_94 = tpu.memref_slice %arg21[%add3A_74, %dma_start3A] : memref<12928x128xf32, #tpu.memory_space<vmem_shared>> -> memref<128x128xf32, #tpu.memory_space<vmem_shared>>
      tpu.enqueue_dma source(%arg5 : memref<128x128xf32, #tpu.memory_space<hbm>>) target(%dma_start3A_94 : memref<128x128xf32, #tpu.memory_space<vmem_shared>>) target_semaphore(%run_scoped3A : memref<!tpu.dma_semaphore, #tpu.memory_space<semaphore_mem>>)
      %dma_wait3A = arith.constant 0 : i32
      %dma_wait3A_95 = tpu.memref_slice %arg21[%add3A_74, %dma_wait3A] : memref<12928x128xf32, #tpu.memory_space<vmem_shared>> -> memref<128x128xf32, #tpu.memory_space<vmem_shared>>
      tpu.wait_dma2 semaphore(%run_scoped3A : memref<!tpu.dma_semaphore, #tpu.memory_space<semaphore_mem>>) src(%arg5 : memref<128x128xf32, #tpu.memory_space<hbm>>) dst(%dma_wait3A_95 : memref<128x128xf32, #tpu.memory_space<vmem_shared>>)
      tpu.yield
    }) : () -> ()
    %mul3A_75 = arith.constant 808 : i32
    %mul3A_76 = arith.muli %arg1, %mul3A_75 : i32
    %add3A_77 = arith.constant 768 : i32
    %add3A_78 = arith.addi %mul3A_76, %add3A_77 : i32
    "tpu.region"() ({
      %run_scoped3A = tpu.sem_alloc : memref<!tpu.dma_semaphore, #tpu.memory_space<semaphore_mem>>
      %dma_start3A = arith.constant 0 : i32
      %dma_start3A_94 = tpu.memref_slice %arg21[%add3A_78, %dma_start3A] : memref<12928x128xf32, #tpu.memory_space<vmem_shared>> -> memref<40x128xf32, #tpu.memory_space<vmem_shared>>
      %dma_start3A_95 = arith.constant 0 : i32
      %dma_start3A_96 = arith.constant 0 : i32
      %dma_start3A_97 = tpu.memref_slice %arg5[%dma_start3A_95, %dma_start3A_96] : memref<128x128xf32, #tpu.memory_space<hbm>> -> memref<40x128xf32, #tpu.memory_space<hbm>>
      tpu.enqueue_dma source(%dma_start3A_97 : memref<40x128xf32, #tpu.memory_space<hbm>>) target(%dma_start3A_94 : memref<40x128xf32, #tpu.memory_space<vmem_shared>>) target_semaphore(%run_scoped3A : memref<!tpu.dma_semaphore, #tpu.memory_space<semaphore_mem>>)
      %dma_wait3A = arith.constant 0 : i32
      %dma_wait3A_98 = tpu.memref_slice %arg21[%add3A_78, %dma_wait3A] : memref<12928x128xf32, #tpu.memory_space<vmem_shared>> -> memref<40x128xf32, #tpu.memory_space<vmem_shared>>
      %dma_wait3A_99 = arith.constant 0 : i32
      %dma_wait3A_100 = arith.constant 0 : i32
      %dma_wait3A_101 = tpu.memref_slice %arg5[%dma_wait3A_99, %dma_wait3A_100] : memref<128x128xf32, #tpu.memory_space<hbm>> -> memref<40x128xf32, #tpu.memory_space<hbm>>
      tpu.wait_dma2 semaphore(%run_scoped3A : memref<!tpu.dma_semaphore, #tpu.memory_space<semaphore_mem>>) src(%dma_wait3A_101 : memref<40x128xf32, #tpu.memory_space<hbm>>) dst(%dma_wait3A_98 : memref<40x128xf32, #tpu.memory_space<vmem_shared>>)
      tpu.yield
    }) : () -> ()
    %barrier3A_79 = arith.constant 0 : index
    tpu.barrier barrier_id(%barrier3A_79)
    %scan3A_80 = arith.constant 0 : i32
    %scan3A_81 = arith.constant 0 : i32
    %scan3A_82 = arith.constant 44 : i32
    %scan3A_83 = arith.addi %scan3A_81, %scan3A_82 : i32
    %scan3A_84 = arith.constant 1 : i32
    %scan3A_85 = scf.for %scan3A_94 = %scan3A_81 to %scan3A_83 step %scan3A_84 iter_args(%scan3A_95 = %scan3A_80) -> (i32)  : i32 {
      %mul3A_96 = arith.constant 50688 : i32
      %mul3A_97 = arith.muli %arg1, %mul3A_96 : i32
      %mul3A_98 = arith.constant 1152 : i32
      %mul3A_99 = arith.muli %scan3A_94, %mul3A_98 : i32
      %add3A_100 = arith.addi %mul3A_97, %mul3A_99 : i32
      "tpu.region"() ({
        %run_scoped3A = tpu.sem_alloc : memref<!tpu.dma_semaphore, #tpu.memory_space<semaphore_mem>>
        %dma_start3A_187 = tpu.memref_slice %arg3[%add3A_100] : memref<811008xi32, #tpu.memory_space<hbm>> -> memref<1152xi32, #tpu.memory_space<hbm>>
        %dma_start3A_188 = tpu.memref_slice %arg3[%add3A_100] : memref<811008xi32, #tpu.memory_space<hbm>> -> memref<1152xi32, #tpu.memory_space<hbm>>
        tpu.enqueue_dma source(%dma_start3A_188 : memref<1152xi32, #tpu.memory_space<hbm>>) target(%arg7 : memref<1152xi32, #tpu.memory_space<vmem>>) target_semaphore(%run_scoped3A : memref<!tpu.dma_semaphore, #tpu.memory_space<semaphore_mem>>)
        %dma_wait3A_189 = tpu.memref_slice %arg3[%add3A_100] : memref<811008xi32, #tpu.memory_space<hbm>> -> memref<1152xi32, #tpu.memory_space<hbm>>
        %dma_wait3A_190 = tpu.memref_slice %arg3[%add3A_100] : memref<811008xi32, #tpu.memory_space<hbm>> -> memref<1152xi32, #tpu.memory_space<hbm>>
        tpu.wait_dma2 semaphore(%run_scoped3A : memref<!tpu.dma_semaphore, #tpu.memory_space<semaphore_mem>>) src(%dma_wait3A_190 : memref<1152xi32, #tpu.memory_space<hbm>>) dst(%arg7 : memref<1152xi32, #tpu.memory_space<vmem>>)
        tpu.yield
      }) : () -> ()
      "tpu.region"() ({
        %run_scoped3A = tpu.sem_alloc : memref<!tpu.dma_semaphore, #tpu.memory_space<semaphore_mem>>
        %dma_start3A_187 = tpu.memref_slice %arg4[%add3A_100] : memref<811008xi32, #tpu.memory_space<hbm>> -> memref<1152xi32, #tpu.memory_space<hbm>>
        %dma_start3A_188 = tpu.memref_slice %arg4[%add3A_100] : memref<811008xi32, #tpu.memory_space<hbm>> -> memref<1152xi32, #tpu.memory_space<hbm>>
        tpu.enqueue_dma source(%dma_start3A_188 : memref<1152xi32, #tpu.memory_space<hbm>>) target(%arg8 : memref<1152xi32, #tpu.memory_space<vmem>>) target_semaphore(%run_scoped3A : memref<!tpu.dma_semaphore, #tpu.memory_space<semaphore_mem>>)
        %dma_wait3A_189 = tpu.memref_slice %arg4[%add3A_100] : memref<811008xi32, #tpu.memory_space<hbm>> -> memref<1152xi32, #tpu.memory_space<hbm>>
        %dma_wait3A_190 = tpu.memref_slice %arg4[%add3A_100] : memref<811008xi32, #tpu.memory_space<hbm>> -> memref<1152xi32, #tpu.memory_space<hbm>>
        tpu.wait_dma2 semaphore(%run_scoped3A : memref<!tpu.dma_semaphore, #tpu.memory_space<semaphore_mem>>) src(%dma_wait3A_190 : memref<1152xi32, #tpu.memory_space<hbm>>) dst(%arg8 : memref<1152xi32, #tpu.memory_space<vmem>>)
        tpu.yield
      }) : () -> ()
      %scan3A_101 = arith.constant 0 : i32
      %scan3A_102 = arith.constant 0 : i32
      %scan3A_103 = arith.constant 72 : i32
      %scan3A_104 = arith.addi %scan3A_102, %scan3A_103 : i32
      %scan3A_105 = arith.constant 1 : i32
      %scan3A_106 = scf.for %scan3A_187 = %scan3A_102 to %scan3A_104 step %scan3A_105 iter_args(%scan3A_188 = %scan3A_101) -> (i32)  : i32 {
        %mul3A_189 = arith.constant 16 : i32
        %mul3A_190 = arith.muli %scan3A_187, %mul3A_189 : i32
        %get3A_191 = arith.index_cast %mul3A_190 : i32 to index
        %get3A_192 = tpu.vector_load %arg8[%get3A_191] {strides = array<i32>} : memref<1152xi32, #tpu.memory_space<vmem>>, vector<16xi32>,
        %get3A_193 = vector.shape_cast %get3A_192 : vector<16xi32> to vector<16xi32>
        %sub3A = vector.broadcast %mul3A_50 : i32 to vector<16xi32>
        %sub3A_194 = arith.subi %get3A_193, %sub3A : vector<16xi32>
        %ge3A = arith.constant 0 : i32
        %ge3A_195 = vector.broadcast %ge3A : i32 to vector<16xi32>
        %ge3A_196 = arith.cmpi sge, %sub3A_194, %ge3A_195 : vector<16xi32>
        %lt3A = arith.constant 12800 : i32
        %lt3A_197 = vector.broadcast %lt3A : i32 to vector<16xi32>
        %lt3A_198 = arith.cmpi slt, %sub3A_194, %lt3A_197 : vector<16xi32>
        %and3A = arith.andi %ge3A_196, %lt3A_198 : vector<16xi1>
        %jit3A = arith.constant 12800 : i32
        %broadcast_in_dim3A = vector.broadcast %jit3A : i32 to vector<16xi32>
        %select_n3A = arith.select %and3A, %sub3A_194, %broadcast_in_dim3A : vector<16xi1>, vector<16xi32>
        %mul3A_199 = arith.constant 16 : i32
        %mul3A_200 = arith.muli %scan3A_187, %mul3A_199 : i32
        %swap3A_201 = arith.index_cast %mul3A_200 : i32 to index
        %swap3A_202 = tpu.vector_load %arg8[%swap3A_201] {strides = array<i32>} : memref<1152xi32, #tpu.memory_space<vmem>>, vector<16xi32>,
        %swap3A_203 = vector.shape_cast %swap3A_202 : vector<16xi32> to vector<16xi32>
        %swap3A_204 = vector.shape_cast %select_n3A : vector<16xi32> to vector<16xi32>
        tpu.vector_store %arg8[%swap3A_201], %swap3A_204 {strides = array<i32>} : memref<1152xi32, #tpu.memory_space<vmem>>, vector<16xi32>,
        %scan3A_205 = arith.constant 0 : i32
        scf.yield %scan3A_205 : i32
      }
      %scan3A_107 = arith.constant 72 : i32
      %get3A = arith.constant 0 : index
      %get3A_108 = tpu.vector_load %arg8[%get3A] {strides = array<i32>} : memref<1152xi32, #tpu.memory_space<vmem>>, vector<16xi32>,
      %get3A_109 = vector.shape_cast %get3A_108 : vector<16xi32> to vector<16xi32>
      %swap3A = arith.constant 0 : index
      %swap3A_110 = tpu.vector_load %arg9[%swap3A] {strides = array<i32>} : memref<64xi32, #tpu.memory_space<vmem>>, vector<16xi32>,
      %swap3A_111 = vector.shape_cast %swap3A_110 : vector<16xi32> to vector<16xi32>
      %swap3A_112 = vector.shape_cast %get3A_109 : vector<16xi32> to vector<16xi32>
      tpu.vector_store %arg9[%swap3A], %swap3A_112 {strides = array<i32>} : memref<64xi32, #tpu.memory_space<vmem>>, vector<16xi32>,
      %get3A_113 = arith.constant 16 : index
      %get3A_114 = tpu.vector_load %arg8[%get3A_113] {strides = array<i32>} : memref<1152xi32, #tpu.memory_space<vmem>>, vector<16xi32>,
      %get3A_115 = vector.shape_cast %get3A_114 : vector<16xi32> to vector<16xi32>
      %swap3A_116 = arith.constant 16 : index
      %swap3A_117 = tpu.vector_load %arg9[%swap3A_116] {strides = array<i32>} : memref<64xi32, #tpu.memory_space<vmem>>, vector<16xi32>,
      %swap3A_118 = vector.shape_cast %swap3A_117 : vector<16xi32> to vector<16xi32>
      %swap3A_119 = vector.shape_cast %get3A_115 : vector<16xi32> to vector<16xi32>
      tpu.vector_store %arg9[%swap3A_116], %swap3A_119 {strides = array<i32>} : memref<64xi32, #tpu.memory_space<vmem>>, vector<16xi32>,
      %get3A_120 = arith.constant 32 : index
      %get3A_121 = tpu.vector_load %arg8[%get3A_120] {strides = array<i32>} : memref<1152xi32, #tpu.memory_space<vmem>>, vector<16xi32>,
      %get3A_122 = vector.shape_cast %get3A_121 : vector<16xi32> to vector<16xi32>
      %swap3A_123 = arith.constant 32 : index
      %swap3A_124 = tpu.vector_load %arg9[%swap3A_123] {strides = array<i32>} : memref<64xi32, #tpu.memory_space<vmem>>, vector<16xi32>,
      %swap3A_125 = vector.shape_cast %swap3A_124 : vector<16xi32> to vector<16xi32>
      %swap3A_126 = vector.shape_cast %get3A_122 : vector<16xi32> to vector<16xi32>
      tpu.vector_store %arg9[%swap3A_123], %swap3A_126 {strides = array<i32>} : memref<64xi32, #tpu.memory_space<vmem>>, vector<16xi32>,
      %get3A_127 = arith.constant 48 : index
      %get3A_128 = tpu.vector_load %arg8[%get3A_127] {strides = array<i32>} : memref<1152xi32, #tpu.memory_space<vmem>>, vector<16xi32>,
      %get3A_129 = vector.shape_cast %get3A_128 : vector<16xi32> to vector<16xi32>
      %swap3A_130 = arith.constant 48 : index
      %swap3A_131 = tpu.vector_load %arg9[%swap3A_130] {strides = array<i32>} : memref<64xi32, #tpu.memory_space<vmem>>, vector<16xi32>,
      %swap3A_132 = vector.shape_cast %swap3A_131 : vector<16xi32> to vector<16xi32>
      %swap3A_133 = vector.shape_cast %get3A_129 : vector<16xi32> to vector<16xi32>
      tpu.vector_store %arg9[%swap3A_130], %swap3A_133 {strides = array<i32>} : memref<64xi32, #tpu.memory_space<vmem>>, vector<16xi32>,
      %dma_start3A = arith.constant 0 : i32
      %dma_start3A_134 = tpu.memref_slice %arg7[%dma_start3A] : memref<1152xi32, #tpu.memory_space<vmem>> -> memref<64xi32, #tpu.memory_space<vmem>>
      %dma_start3A_135 = arith.constant 0 : i32
      %dma_start3A_136 = arith.constant 0 : i32
      %dma_start3A_137 = tpu.memref_slice %arg2[%dma_start3A_135, %dma_start3A_136] : memref<51200x128xf32, #tpu.memory_space<hbm>> -> memref<51200x128xf32, #tpu.memory_space<hbm>>
      tpu.enqueue_indirect_dma source(%dma_start3A_137 : memref<51200x128xf32, #tpu.memory_space<hbm>>) target(%arg12 : memref<64x128xf32, #tpu.memory_space<vmem>>) offsets(%dma_start3A_134 : memref<64xi32, #tpu.memory_space<vmem>>) semaphore(%arg15 : memref<!tpu.dma_semaphore, #tpu.memory_space<semaphore_mem>>)
      %get3A_138 = arith.constant 64 : index
      %get3A_139 = tpu.vector_load %arg8[%get3A_138] {strides = array<i32>} : memref<1152xi32, #tpu.memory_space<vmem>>, vector<16xi32>,
      %get3A_140 = vector.shape_cast %get3A_139 : vector<16xi32> to vector<16xi32>
      %swap3A_141 = arith.constant 0 : index
      %swap3A_142 = tpu.vector_load %arg10[%swap3A_141] {strides = array<i32>} : memref<64xi32, #tpu.memory_space<vmem>>, vector<16xi32>,
      %swap3A_143 = vector.shape_cast %swap3A_142 : vector<16xi32> to vector<16xi32>
      %swap3A_144 = vector.shape_cast %get3A_140 : vector<16xi32> to vector<16xi32>
      tpu.vector_store %arg10[%swap3A_141], %swap3A_144 {strides = array<i32>} : memref<64xi32, #tpu.memory_space<vmem>>, vector<16xi32>,
      %get3A_145 = arith.constant 80 : index
      %get3A_146 = tpu.vector_load %arg8[%get3A_145] {strides = array<i32>} : memref<1152xi32, #tpu.memory_space<vmem>>, vector<16xi32>,
      %get3A_147 = vector.shape_cast %get3A_146 : vector<16xi32> to vector<16xi32>
      %swap3A_148 = arith.constant 16 : index
      %swap3A_149 = tpu.vector_load %arg10[%swap3A_148] {strides = array<i32>} : memref<64xi32, #tpu.memory_space<vmem>>, vector<16xi32>,
      %swap3A_150 = vector.shape_cast %swap3A_149 : vector<16xi32> to vector<16xi32>
      %swap3A_151 = vector.shape_cast %get3A_147 : vector<16xi32> to vector<16xi32>
      tpu.vector_store %arg10[%swap3A_148], %swap3A_151 {strides = array<i32>} : memref<64xi32, #tpu.memory_space<vmem>>, vector<16xi32>,
      %get3A_152 = arith.constant 96 : index
      %get3A_153 = tpu.vector_load %arg8[%get3A_152] {strides = array<i32>} : memref<1152xi32, #tpu.memory_space<vmem>>, vector<16xi32>,
      %get3A_154 = vector.shape_cast %get3A_153 : vector<16xi32> to vector<16xi32>
      %swap3A_155 = arith.constant 32 : index
      %swap3A_156 = tpu.vector_load %arg10[%swap3A_155] {strides = array<i32>} : memref<64xi32, #tpu.memory_space<vmem>>, vector<16xi32>,
      %swap3A_157 = vector.shape_cast %swap3A_156 : vector<16xi32> to vector<16xi32>
      %swap3A_158 = vector.shape_cast %get3A_154 : vector<16xi32> to vector<16xi32>
      tpu.vector_store %arg10[%swap3A_155], %swap3A_158 {strides = array<i32>} : memref<64xi32, #tpu.memory_space<vmem>>, vector<16xi32>,
      %get3A_159 = arith.constant 112 : index
      %get3A_160 = tpu.vector_load %arg8[%get3A_159] {strides = array<i32>} : memref<1152xi32, #tpu.memory_space<vmem>>, vector<16xi32>,
      %get3A_161 = vector.shape_cast %get3A_160 : vector<16xi32> to vector<16xi32>
      %swap3A_162 = arith.constant 48 : index
      %swap3A_163 = tpu.vector_load %arg10[%swap3A_162] {strides = array<i32>} : memref<64xi32, #tpu.memory_space<vmem>>, vector<16xi32>,
      %swap3A_164 = vector.shape_cast %swap3A_163 : vector<16xi32> to vector<16xi32>
      %swap3A_165 = vector.shape_cast %get3A_161 : vector<16xi32> to vector<16xi32>
      tpu.vector_store %arg10[%swap3A_162], %swap3A_165 {strides = array<i32>} : memref<64xi32, #tpu.memory_space<vmem>>, vector<16xi32>,
      %dma_start3A_166 = arith.constant 64 : i32
      %dma_start3A_167 = tpu.memref_slice %arg7[%dma_start3A_166] : memref<1152xi32, #tpu.memory_space<vmem>> -> memref<64xi32, #tpu.memory_space<vmem>>
      %dma_start3A_168 = arith.constant 0 : i32
      %dma_start3A_169 = arith.constant 0 : i32
      %dma_start3A_170 = tpu.memref_slice %arg2[%dma_start3A_168, %dma_start3A_169] : memref<51200x128xf32, #tpu.memory_space<hbm>> -> memref<51200x128xf32, #tpu.memory_space<hbm>>
      tpu.enqueue_indirect_dma source(%dma_start3A_170 : memref<51200x128xf32, #tpu.memory_space<hbm>>) target(%arg13 : memref<64x128xf32, #tpu.memory_space<vmem>>) offsets(%dma_start3A_167 : memref<64xi32, #tpu.memory_space<vmem>>) semaphore(%arg16 : memref<!tpu.dma_semaphore, #tpu.memory_space<semaphore_mem>>)
      %scan3A_171 = arith.constant 0 : i32
      %scan3A_172 = arith.constant 0 : i32
      %scan3A_173 = arith.constant 6 : i32
      %scan3A_174 = arith.addi %scan3A_172, %scan3A_173 : i32
      %scan3A_175 = arith.constant 1 : i32
      %scan3A_176 = scf.for %scan3A_187 = %scan3A_172 to %scan3A_174 step %scan3A_175 iter_args(%scan3A_188 = %scan3A_171) -> (i32)  : i32 {
        %mul3A_189 = arith.constant 3 : i32
        %mul3A_190 = arith.muli %mul3A_189, %scan3A_187 : i32
        %add3A_191 = arith.constant 0 : i32
        %add3A_192 = arith.addi %mul3A_190, %add3A_191 : i32
        %dma_wait3A_193 = arith.constant 0 : i32
        %dma_wait3A_194 = arith.constant 0 : i32
        %dma_wait3A_195 = tpu.memref_slice %arg2[%dma_wait3A_193, %dma_wait3A_194] : memref<51200x128xf32, #tpu.memory_space<hbm>> -> memref<64x128xf32, #tpu.memory_space<hbm>>
        %dma_wait3A_196 = arith.constant 0 : i32
        %dma_wait3A_197 = arith.constant 0 : i32
        %dma_wait3A_198 = tpu.memref_slice %arg2[%dma_wait3A_196, %dma_wait3A_197] : memref<51200x128xf32, #tpu.memory_space<hbm>> -> memref<64x128xf32, #tpu.memory_space<hbm>>
        tpu.wait_dma2 semaphore(%arg15 : memref<!tpu.dma_semaphore, #tpu.memory_space<semaphore_mem>>) src(%dma_wait3A_198 : memref<64x128xf32, #tpu.memory_space<hbm>>) dst(%arg12 : memref<64x128xf32, #tpu.memory_space<vmem>>)
        %dma_start3A_199 = arith.constant 0 : i32
        %dma_start3A_200 = arith.constant 0 : i32
        %dma_start3A_201 = tpu.memref_slice %arg21[%dma_start3A_199, %dma_start3A_200] : memref<12928x128xf32, #tpu.memory_space<vmem_shared>> -> memref<12928x128xf32, #tpu.memory_space<vmem_shared>>
        tpu.enqueue_indirect_dma source(%arg12 : memref<64x128xf32, #tpu.memory_space<vmem>>) target(%dma_start3A_201 : memref<12928x128xf32, #tpu.memory_space<vmem_shared>>) offsets(%arg9 : memref<64xi32, #tpu.memory_space<vmem>>) semaphore(%arg18 : memref<!tpu.dma_semaphore, #tpu.memory_space<semaphore_mem>>) {add = true}
        %add3A_202 = arith.constant 2 : i32
        %add3A_203 = arith.addi %add3A_192, %add3A_202 : i32
        %lt3A = arith.constant 18 : i32
        %lt3A_204 = arith.cmpi slt, %add3A_203, %lt3A : i32
        %ge3A = arith.constant 3 : i32
        %ge3A_205 = arith.cmpi sge, %add3A_203, %ge3A : i32
        %and3A = arith.andi %lt3A_204, %ge3A_205 : i1
        %convert_element_type3A = arith.extui %and3A : i1 to i32
        %cond3A = arith.constant 0 : i32
        %cond3A_206 = arith.cmpi ne, %convert_element_type3A, %cond3A : i32
        scf.if %cond3A_206 {
          %dma_wait3A_269 = arith.constant 0 : i32
          %dma_wait3A_270 = arith.constant 0 : i32
          %dma_wait3A_271 = tpu.memref_slice %arg21[%dma_wait3A_269, %dma_wait3A_270] : memref<12928x128xf32, #tpu.memory_space<vmem_shared>> -> memref<12928x128xf32, #tpu.memory_space<vmem_shared>>
          tpu.wait_indirect_dma semaphore(%arg20 : memref<!tpu.dma_semaphore, #tpu.memory_space<semaphore_mem>>) src(%arg14 : memref<64x128xf32, #tpu.memory_space<vmem>>) dst(%dma_wait3A_271 : memref<12928x128xf32, #tpu.memory_space<vmem_shared>>)
        } else {
        }
        %lt3A_207 = arith.constant 18 : i32
        %lt3A_208 = arith.cmpi slt, %add3A_203, %lt3A_207 : i32
        %convert_element_type3A_209 = arith.extui %lt3A_208 : i1 to i32
        %cond3A_210 = arith.constant 0 : i32
        %cond3A_211 = arith.cmpi ne, %convert_element_type3A_209, %cond3A_210 : i32
        scf.if %cond3A_211 {
          %mul3A_269 = arith.constant 64 : i32
          %mul3A_270 = arith.muli %add3A_203, %mul3A_269 : i32
          %add3A_271 = arith.constant 0 : i32
          %add3A_272 = arith.addi %mul3A_270, %add3A_271 : i32
          %get3A_273 = arith.index_cast %add3A_272 : i32 to index
          %get3A_274 = tpu.vector_load %arg8[%get3A_273] {strides = array<i32>} : memref<1152xi32, #tpu.memory_space<vmem>>, vector<16xi32>,
          %get3A_275 = vector.shape_cast %get3A_274 : vector<16xi32> to vector<16xi32>
          %swap3A_276 = arith.constant 0 : index
          %swap3A_277 = tpu.vector_load %arg11[%swap3A_276] {strides = array<i32>} : memref<64xi32, #tpu.memory_space<vmem>>, vector<16xi32>,
          %swap3A_278 = vector.shape_cast %swap3A_277 : vector<16xi32> to vector<16xi32>
          %swap3A_279 = vector.shape_cast %get3A_275 : vector<16xi32> to vector<16xi32>
          tpu.vector_store %arg11[%swap3A_276], %swap3A_279 {strides = array<i32>} : memref<64xi32, #tpu.memory_space<vmem>>, vector<16xi32>,
          %mul3A_280 = arith.constant 64 : i32
          %mul3A_281 = arith.muli %add3A_203, %mul3A_280 : i32
          %add3A_282 = arith.constant 16 : i32
          %add3A_283 = arith.addi %mul3A_281, %add3A_282 : i32
          %get3A_284 = arith.index_cast %add3A_283 : i32 to index
          %get3A_285 = tpu.vector_load %arg8[%get3A_284] {strides = array<i32>} : memref<1152xi32, #tpu.memory_space<vmem>>, vector<16xi32>,
          %get3A_286 = vector.shape_cast %get3A_285 : vector<16xi32> to vector<16xi32>
          %swap3A_287 = arith.constant 16 : index
          %swap3A_288 = tpu.vector_load %arg11[%swap3A_287] {strides = array<i32>} : memref<64xi32, #tpu.memory_space<vmem>>, vector<16xi32>,
          %swap3A_289 = vector.shape_cast %swap3A_288 : vector<16xi32> to vector<16xi32>
          %swap3A_290 = vector.shape_cast %get3A_286 : vector<16xi32> to vector<16xi32>
          tpu.vector_store %arg11[%swap3A_287], %swap3A_290 {strides = array<i32>} : memref<64xi32, #tpu.memory_space<vmem>>, vector<16xi32>,
          %mul3A_291 = arith.constant 64 : i32
          %mul3A_292 = arith.muli %add3A_203, %mul3A_291 : i32
          %add3A_293 = arith.constant 32 : i32
          %add3A_294 = arith.addi %mul3A_292, %add3A_293 : i32
          %get3A_295 = arith.index_cast %add3A_294 : i32 to index
          %get3A_296 = tpu.vector_load %arg8[%get3A_295] {strides = array<i32>} : memref<1152xi32, #tpu.memory_space<vmem>>, vector<16xi32>,
          %get3A_297 = vector.shape_cast %get3A_296 : vector<16xi32> to vector<16xi32>
          %swap3A_298 = arith.constant 32 : index
          %swap3A_299 = tpu.vector_load %arg11[%swap3A_298] {strides = array<i32>} : memref<64xi32, #tpu.memory_space<vmem>>, vector<16xi32>,
          %swap3A_300 = vector.shape_cast %swap3A_299 : vector<16xi32> to vector<16xi32>
          %swap3A_301 = vector.shape_cast %get3A_297 : vector<16xi32> to vector<16xi32>
          tpu.vector_store %arg11[%swap3A_298], %swap3A_301 {strides = array<i32>} : memref<64xi32, #tpu.memory_space<vmem>>, vector<16xi32>,
          %mul3A_302 = arith.constant 64 : i32
          %mul3A_303 = arith.muli %add3A_203, %mul3A_302 : i32
          %add3A_304 = arith.constant 48 : i32
          %add3A_305 = arith.addi %mul3A_303, %add3A_304 : i32
          %get3A_306 = arith.index_cast %add3A_305 : i32 to index
          %get3A_307 = tpu.vector_load %arg8[%get3A_306] {strides = array<i32>} : memref<1152xi32, #tpu.memory_space<vmem>>, vector<16xi32>,
          %get3A_308 = vector.shape_cast %get3A_307 : vector<16xi32> to vector<16xi32>
          %swap3A_309 = arith.constant 48 : index
          %swap3A_310 = tpu.vector_load %arg11[%swap3A_309] {strides = array<i32>} : memref<64xi32, #tpu.memory_space<vmem>>, vector<16xi32>,
          %swap3A_311 = vector.shape_cast %swap3A_310 : vector<16xi32> to vector<16xi32>
          %swap3A_312 = vector.shape_cast %get3A_308 : vector<16xi32> to vector<16xi32>
          tpu.vector_store %arg11[%swap3A_309], %swap3A_312 {strides = array<i32>} : memref<64xi32, #tpu.memory_space<vmem>>, vector<16xi32>,
          %mul3A_313 = arith.constant 64 : i32
          %mul3A_314 = arith.muli %add3A_203, %mul3A_313 : i32
          %dma_start3A_315 = tpu.memref_slice %arg7[%mul3A_314] : memref<1152xi32, #tpu.memory_space<vmem>> -> memref<64xi32, #tpu.memory_space<vmem>>
          %dma_start3A_316 = arith.constant 0 : i32
          %dma_start3A_317 = arith.constant 0 : i32
          %dma_start3A_318 = tpu.memref_slice %arg2[%dma_start3A_316, %dma_start3A_317] : memref<51200x128xf32, #tpu.memory_space<hbm>> -> memref<51200x128xf32, #tpu.memory_space<hbm>>
          tpu.enqueue_indirect_dma source(%dma_start3A_318 : memref<51200x128xf32, #tpu.memory_space<hbm>>) target(%arg14 : memref<64x128xf32, #tpu.memory_space<vmem>>) offsets(%dma_start3A_315 : memref<64xi32, #tpu.memory_space<vmem>>) semaphore(%arg17 : memref<!tpu.dma_semaphore, #tpu.memory_space<semaphore_mem>>)
        } else {
        }
        %mul3A_212 = arith.constant 3 : i32
        %mul3A_213 = arith.muli %mul3A_212, %scan3A_187 : i32
        %add3A_214 = arith.constant 1 : i32
        %add3A_215 = arith.addi %mul3A_213, %add3A_214 : i32
        %dma_wait3A_216 = arith.constant 0 : i32
        %dma_wait3A_217 = arith.constant 0 : i32
        %dma_wait3A_218 = tpu.memref_slice %arg2[%dma_wait3A_216, %dma_wait3A_217] : memref<51200x128xf32, #tpu.memory_space<hbm>> -> memref<64x128xf32, #tpu.memory_space<hbm>>
        %dma_wait3A_219 = arith.constant 0 : i32
        %dma_wait3A_220 = arith.constant 0 : i32
        %dma_wait3A_221 = tpu.memref_slice %arg2[%dma_wait3A_219, %dma_wait3A_220] : memref<51200x128xf32, #tpu.memory_space<hbm>> -> memref<64x128xf32, #tpu.memory_space<hbm>>
        tpu.wait_dma2 semaphore(%arg16 : memref<!tpu.dma_semaphore, #tpu.memory_space<semaphore_mem>>) src(%dma_wait3A_221 : memref<64x128xf32, #tpu.memory_space<hbm>>) dst(%arg13 : memref<64x128xf32, #tpu.memory_space<vmem>>)
        %dma_start3A_222 = arith.constant 0 : i32
        %dma_start3A_223 = arith.constant 0 : i32
        %dma_start3A_224 = tpu.memref_slice %arg21[%dma_start3A_222, %dma_start3A_223] : memref<12928x128xf32, #tpu.memory_space<vmem_shared>> -> memref<12928x128xf32, #tpu.memory_space<vmem_shared>>
        tpu.enqueue_indirect_dma source(%arg13 : memref<64x128xf32, #tpu.memory_space<vmem>>) target(%dma_start3A_224 : memref<12928x128xf32, #tpu.memory_space<vmem_shared>>) offsets(%arg10 : memref<64xi32, #tpu.memory_space<vmem>>) semaphore(%arg19 : memref<!tpu.dma_semaphore, #tpu.memory_space<semaphore_mem>>) {add = true}
        %add3A_225 = arith.constant 2 : i32
        %add3A_226 = arith.addi %add3A_215, %add3A_225 : i32
        %lt3A_227 = arith.constant 18 : i32
        %lt3A_228 = arith.cmpi slt, %add3A_226, %lt3A_227 : i32
        %ge3A_229 = arith.constant 3 : i32
        %ge3A_230 = arith.cmpi sge, %add3A_226, %ge3A_229 : i32
        %and3A_231 = arith.andi %lt3A_228, %ge3A_230 : i1
        %convert_element_type3A_232 = arith.extui %and3A_231 : i1 to i32
        %cond3A_233 = arith.constant 0 : i32
        %cond3A_234 = arith.cmpi ne, %convert_element_type3A_232, %cond3A_233 : i32
        scf.if %cond3A_234 {
          %dma_wait3A_269 = arith.constant 0 : i32
          %dma_wait3A_270 = arith.constant 0 : i32
          %dma_wait3A_271 = tpu.memref_slice %arg21[%dma_wait3A_269, %dma_wait3A_270] : memref<12928x128xf32, #tpu.memory_space<vmem_shared>> -> memref<12928x128xf32, #tpu.memory_space<vmem_shared>>
          tpu.wait_indirect_dma semaphore(%arg18 : memref<!tpu.dma_semaphore, #tpu.memory_space<semaphore_mem>>) src(%arg12 : memref<64x128xf32, #tpu.memory_space<vmem>>) dst(%dma_wait3A_271 : memref<12928x128xf32, #tpu.memory_space<vmem_shared>>)
        } else {
        }
        %lt3A_235 = arith.constant 18 : i32
        %lt3A_236 = arith.cmpi slt, %add3A_226, %lt3A_235 : i32
        %convert_element_type3A_237 = arith.extui %lt3A_236 : i1 to i32
        %cond3A_238 = arith.constant 0 : i32
        %cond3A_239 = arith.cmpi ne, %convert_element_type3A_237, %cond3A_238 : i32
        scf.if %cond3A_239 {
          %mul3A_269 = arith.constant 64 : i32
          %mul3A_270 = arith.muli %add3A_226, %mul3A_269 : i32
          %add3A_271 = arith.constant 0 : i32
          %add3A_272 = arith.addi %mul3A_270, %add3A_271 : i32
          %get3A_273 = arith.index_cast %add3A_272 : i32 to index
          %get3A_274 = tpu.vector_load %arg8[%get3A_273] {strides = array<i32>} : memref<1152xi32, #tpu.memory_space<vmem>>, vector<16xi32>,
          %get3A_275 = vector.shape_cast %get3A_274 : vector<16xi32> to vector<16xi32>
          %swap3A_276 = arith.constant 0 : index
          %swap3A_277 = tpu.vector_load %arg9[%swap3A_276] {strides = array<i32>} : memref<64xi32, #tpu.memory_space<vmem>>, vector<16xi32>,
          %swap3A_278 = vector.shape_cast %swap3A_277 : vector<16xi32> to vector<16xi32>
          %swap3A_279 = vector.shape_cast %get3A_275 : vector<16xi32> to vector<16xi32>
          tpu.vector_store %arg9[%swap3A_276], %swap3A_279 {strides = array<i32>} : memref<64xi32, #tpu.memory_space<vmem>>, vector<16xi32>,
          %mul3A_280 = arith.constant 64 : i32
          %mul3A_281 = arith.muli %add3A_226, %mul3A_280 : i32
          %add3A_282 = arith.constant 16 : i32
          %add3A_283 = arith.addi %mul3A_281, %add3A_282 : i32
          %get3A_284 = arith.index_cast %add3A_283 : i32 to index
          %get3A_285 = tpu.vector_load %arg8[%get3A_284] {strides = array<i32>} : memref<1152xi32, #tpu.memory_space<vmem>>, vector<16xi32>,
          %get3A_286 = vector.shape_cast %get3A_285 : vector<16xi32> to vector<16xi32>
          %swap3A_287 = arith.constant 16 : index
          %swap3A_288 = tpu.vector_load %arg9[%swap3A_287] {strides = array<i32>} : memref<64xi32, #tpu.memory_space<vmem>>, vector<16xi32>,
          %swap3A_289 = vector.shape_cast %swap3A_288 : vector<16xi32> to vector<16xi32>
          %swap3A_290 = vector.shape_cast %get3A_286 : vector<16xi32> to vector<16xi32>
          tpu.vector_store %arg9[%swap3A_287], %swap3A_290 {strides = array<i32>} : memref<64xi32, #tpu.memory_space<vmem>>, vector<16xi32>,
          %mul3A_291 = arith.constant 64 : i32
          %mul3A_292 = arith.muli %add3A_226, %mul3A_291 : i32
          %add3A_293 = arith.constant 32 : i32
          %add3A_294 = arith.addi %mul3A_292, %add3A_293 : i32
          %get3A_295 = arith.index_cast %add3A_294 : i32 to index
          %get3A_296 = tpu.vector_load %arg8[%get3A_295] {strides = array<i32>} : memref<1152xi32, #tpu.memory_space<vmem>>, vector<16xi32>,
          %get3A_297 = vector.shape_cast %get3A_296 : vector<16xi32> to vector<16xi32>
          %swap3A_298 = arith.constant 32 : index
          %swap3A_299 = tpu.vector_load %arg9[%swap3A_298] {strides = array<i32>} : memref<64xi32, #tpu.memory_space<vmem>>, vector<16xi32>,
          %swap3A_300 = vector.shape_cast %swap3A_299 : vector<16xi32> to vector<16xi32>
          %swap3A_301 = vector.shape_cast %get3A_297 : vector<16xi32> to vector<16xi32>
          tpu.vector_store %arg9[%swap3A_298], %swap3A_301 {strides = array<i32>} : memref<64xi32, #tpu.memory_space<vmem>>, vector<16xi32>,
          %mul3A_302 = arith.constant 64 : i32
          %mul3A_303 = arith.muli %add3A_226, %mul3A_302 : i32
          %add3A_304 = arith.constant 48 : i32
          %add3A_305 = arith.addi %mul3A_303, %add3A_304 : i32
          %get3A_306 = arith.index_cast %add3A_305 : i32 to index
          %get3A_307 = tpu.vector_load %arg8[%get3A_306] {strides = array<i32>} : memref<1152xi32, #tpu.memory_space<vmem>>, vector<16xi32>,
          %get3A_308 = vector.shape_cast %get3A_307 : vector<16xi32> to vector<16xi32>
          %swap3A_309 = arith.constant 48 : index
          %swap3A_310 = tpu.vector_load %arg9[%swap3A_309] {strides = array<i32>} : memref<64xi32, #tpu.memory_space<vmem>>, vector<16xi32>,
          %swap3A_311 = vector.shape_cast %swap3A_310 : vector<16xi32> to vector<16xi32>
          %swap3A_312 = vector.shape_cast %get3A_308 : vector<16xi32> to vector<16xi32>
          tpu.vector_store %arg9[%swap3A_309], %swap3A_312 {strides = array<i32>} : memref<64xi32, #tpu.memory_space<vmem>>, vector<16xi32>,
          %mul3A_313 = arith.constant 64 : i32
          %mul3A_314 = arith.muli %add3A_226, %mul3A_313 : i32
          %dma_start3A_315 = tpu.memref_slice %arg7[%mul3A_314] : memref<1152xi32, #tpu.memory_space<vmem>> -> memref<64xi32, #tpu.memory_space<vmem>>
          %dma_start3A_316 = arith.constant 0 : i32
          %dma_start3A_317 = arith.constant 0 : i32
          %dma_start3A_318 = tpu.memref_slice %arg2[%dma_start3A_316, %dma_start3A_317] : memref<51200x128xf32, #tpu.memory_space<hbm>> -> memref<51200x128xf32, #tpu.memory_space<hbm>>
          tpu.enqueue_indirect_dma source(%dma_start3A_318 : memref<51200x128xf32, #tpu.memory_space<hbm>>) target(%arg12 : memref<64x128xf32, #tpu.memory_space<vmem>>) offsets(%dma_start3A_315 : memref<64xi32, #tpu.memory_space<vmem>>) semaphore(%arg15 : memref<!tpu.dma_semaphore, #tpu.memory_space<semaphore_mem>>)
        } else {
        }
        %mul3A_240 = arith.constant 3 : i32
        %mul3A_241 = arith.muli %mul3A_240, %scan3A_187 : i32
        %add3A_242 = arith.constant 2 : i32
        %add3A_243 = arith.addi %mul3A_241, %add3A_242 : i32
        %dma_wait3A_244 = arith.constant 0 : i32
        %dma_wait3A_245 = arith.constant 0 : i32
        %dma_wait3A_246 = tpu.memref_slice %arg2[%dma_wait3A_244, %dma_wait3A_245] : memref<51200x128xf32, #tpu.memory_space<hbm>> -> memref<64x128xf32, #tpu.memory_space<hbm>>
        %dma_wait3A_247 = arith.constant 0 : i32
        %dma_wait3A_248 = arith.constant 0 : i32
        %dma_wait3A_249 = tpu.memref_slice %arg2[%dma_wait3A_247, %dma_wait3A_248] : memref<51200x128xf32, #tpu.memory_space<hbm>> -> memref<64x128xf32, #tpu.memory_space<hbm>>
        tpu.wait_dma2 semaphore(%arg17 : memref<!tpu.dma_semaphore, #tpu.memory_space<semaphore_mem>>) src(%dma_wait3A_249 : memref<64x128xf32, #tpu.memory_space<hbm>>) dst(%arg14 : memref<64x128xf32, #tpu.memory_space<vmem>>)
        %dma_start3A_250 = arith.constant 0 : i32
        %dma_start3A_251 = arith.constant 0 : i32
        %dma_start3A_252 = tpu.memref_slice %arg21[%dma_start3A_250, %dma_start3A_251] : memref<12928x128xf32, #tpu.memory_space<vmem_shared>> -> memref<12928x128xf32, #tpu.memory_space<vmem_shared>>
        tpu.enqueue_indirect_dma source(%arg14 : memref<64x128xf32, #tpu.memory_space<vmem>>) target(%dma_start3A_252 : memref<12928x128xf32, #tpu.memory_space<vmem_shared>>) offsets(%arg11 : memref<64xi32, #tpu.memory_space<vmem>>) semaphore(%arg20 : memref<!tpu.dma_semaphore, #tpu.memory_space<semaphore_mem>>) {add = true}
        %add3A_253 = arith.constant 2 : i32
        %add3A_254 = arith.addi %add3A_243, %add3A_253 : i32
        %lt3A_255 = arith.constant 18 : i32
        %lt3A_256 = arith.cmpi slt, %add3A_254, %lt3A_255 : i32
        %ge3A_257 = arith.constant 3 : i32
        %ge3A_258 = arith.cmpi sge, %add3A_254, %ge3A_257 : i32
        %and3A_259 = arith.andi %lt3A_256, %ge3A_258 : i1
        %convert_element_type3A_260 = arith.extui %and3A_259 : i1 to i32
        %cond3A_261 = arith.constant 0 : i32
        %cond3A_262 = arith.cmpi ne, %convert_element_type3A_260, %cond3A_261 : i32
        scf.if %cond3A_262 {
          %dma_wait3A_269 = arith.constant 0 : i32
          %dma_wait3A_270 = arith.constant 0 : i32
          %dma_wait3A_271 = tpu.memref_slice %arg21[%dma_wait3A_269, %dma_wait3A_270] : memref<12928x128xf32, #tpu.memory_space<vmem_shared>> -> memref<12928x128xf32, #tpu.memory_space<vmem_shared>>
          tpu.wait_indirect_dma semaphore(%arg19 : memref<!tpu.dma_semaphore, #tpu.memory_space<semaphore_mem>>) src(%arg13 : memref<64x128xf32, #tpu.memory_space<vmem>>) dst(%dma_wait3A_271 : memref<12928x128xf32, #tpu.memory_space<vmem_shared>>)
        } else {
        }
        %lt3A_263 = arith.constant 18 : i32
        %lt3A_264 = arith.cmpi slt, %add3A_254, %lt3A_263 : i32
        %convert_element_type3A_265 = arith.extui %lt3A_264 : i1 to i32
        %cond3A_266 = arith.constant 0 : i32
        %cond3A_267 = arith.cmpi ne, %convert_element_type3A_265, %cond3A_266 : i32
        scf.if %cond3A_267 {
          %mul3A_269 = arith.constant 64 : i32
          %mul3A_270 = arith.muli %add3A_254, %mul3A_269 : i32
          %add3A_271 = arith.constant 0 : i32
          %add3A_272 = arith.addi %mul3A_270, %add3A_271 : i32
          %get3A_273 = arith.index_cast %add3A_272 : i32 to index
          %get3A_274 = tpu.vector_load %arg8[%get3A_273] {strides = array<i32>} : memref<1152xi32, #tpu.memory_space<vmem>>, vector<16xi32>,
          %get3A_275 = vector.shape_cast %get3A_274 : vector<16xi32> to vector<16xi32>
          %swap3A_276 = arith.constant 0 : index
          %swap3A_277 = tpu.vector_load %arg10[%swap3A_276] {strides = array<i32>} : memref<64xi32, #tpu.memory_space<vmem>>, vector<16xi32>,
          %swap3A_278 = vector.shape_cast %swap3A_277 : vector<16xi32> to vector<16xi32>
          %swap3A_279 = vector.shape_cast %get3A_275 : vector<16xi32> to vector<16xi32>
          tpu.vector_store %arg10[%swap3A_276], %swap3A_279 {strides = array<i32>} : memref<64xi32, #tpu.memory_space<vmem>>, vector<16xi32>,
          %mul3A_280 = arith.constant 64 : i32
          %mul3A_281 = arith.muli %add3A_254, %mul3A_280 : i32
          %add3A_282 = arith.constant 16 : i32
          %add3A_283 = arith.addi %mul3A_281, %add3A_282 : i32
          %get3A_284 = arith.index_cast %add3A_283 : i32 to index
          %get3A_285 = tpu.vector_load %arg8[%get3A_284] {strides = array<i32>} : memref<1152xi32, #tpu.memory_space<vmem>>, vector<16xi32>,
          %get3A_286 = vector.shape_cast %get3A_285 : vector<16xi32> to vector<16xi32>
          %swap3A_287 = arith.constant 16 : index
          %swap3A_288 = tpu.vector_load %arg10[%swap3A_287] {strides = array<i32>} : memref<64xi32, #tpu.memory_space<vmem>>, vector<16xi32>,
          %swap3A_289 = vector.shape_cast %swap3A_288 : vector<16xi32> to vector<16xi32>
          %swap3A_290 = vector.shape_cast %get3A_286 : vector<16xi32> to vector<16xi32>
          tpu.vector_store %arg10[%swap3A_287], %swap3A_290 {strides = array<i32>} : memref<64xi32, #tpu.memory_space<vmem>>, vector<16xi32>,
          %mul3A_291 = arith.constant 64 : i32
          %mul3A_292 = arith.muli %add3A_254, %mul3A_291 : i32
          %add3A_293 = arith.constant 32 : i32
          %add3A_294 = arith.addi %mul3A_292, %add3A_293 : i32
          %get3A_295 = arith.index_cast %add3A_294 : i32 to index
          %get3A_296 = tpu.vector_load %arg8[%get3A_295] {strides = array<i32>} : memref<1152xi32, #tpu.memory_space<vmem>>, vector<16xi32>,
          %get3A_297 = vector.shape_cast %get3A_296 : vector<16xi32> to vector<16xi32>
          %swap3A_298 = arith.constant 32 : index
          %swap3A_299 = tpu.vector_load %arg10[%swap3A_298] {strides = array<i32>} : memref<64xi32, #tpu.memory_space<vmem>>, vector<16xi32>,
          %swap3A_300 = vector.shape_cast %swap3A_299 : vector<16xi32> to vector<16xi32>
          %swap3A_301 = vector.shape_cast %get3A_297 : vector<16xi32> to vector<16xi32>
          tpu.vector_store %arg10[%swap3A_298], %swap3A_301 {strides = array<i32>} : memref<64xi32, #tpu.memory_space<vmem>>, vector<16xi32>,
          %mul3A_302 = arith.constant 64 : i32
          %mul3A_303 = arith.muli %add3A_254, %mul3A_302 : i32
          %add3A_304 = arith.constant 48 : i32
          %add3A_305 = arith.addi %mul3A_303, %add3A_304 : i32
          %get3A_306 = arith.index_cast %add3A_305 : i32 to index
          %get3A_307 = tpu.vector_load %arg8[%get3A_306] {strides = array<i32>} : memref<1152xi32, #tpu.memory_space<vmem>>, vector<16xi32>,
          %get3A_308 = vector.shape_cast %get3A_307 : vector<16xi32> to vector<16xi32>
          %swap3A_309 = arith.constant 48 : index
          %swap3A_310 = tpu.vector_load %arg10[%swap3A_309] {strides = array<i32>} : memref<64xi32, #tpu.memory_space<vmem>>, vector<16xi32>,
          %swap3A_311 = vector.shape_cast %swap3A_310 : vector<16xi32> to vector<16xi32>
          %swap3A_312 = vector.shape_cast %get3A_308 : vector<16xi32> to vector<16xi32>
          tpu.vector_store %arg10[%swap3A_309], %swap3A_312 {strides = array<i32>} : memref<64xi32, #tpu.memory_space<vmem>>, vector<16xi32>,
          %mul3A_313 = arith.constant 64 : i32
          %mul3A_314 = arith.muli %add3A_254, %mul3A_313 : i32
          %dma_start3A_315 = tpu.memref_slice %arg7[%mul3A_314] : memref<1152xi32, #tpu.memory_space<vmem>> -> memref<64xi32, #tpu.memory_space<vmem>>
          %dma_start3A_316 = arith.constant 0 : i32
          %dma_start3A_317 = arith.constant 0 : i32
          %dma_start3A_318 = tpu.memref_slice %arg2[%dma_start3A_316, %dma_start3A_317] : memref<51200x128xf32, #tpu.memory_space<hbm>> -> memref<51200x128xf32, #tpu.memory_space<hbm>>
          tpu.enqueue_indirect_dma source(%dma_start3A_318 : memref<51200x128xf32, #tpu.memory_space<hbm>>) target(%arg13 : memref<64x128xf32, #tpu.memory_space<vmem>>) offsets(%dma_start3A_315 : memref<64xi32, #tpu.memory_space<vmem>>) semaphore(%arg16 : memref<!tpu.dma_semaphore, #tpu.memory_space<semaphore_mem>>)
        } else {
        }
        %scan3A_268 = arith.constant 0 : i32
        scf.yield %scan3A_268 : i32
      }
      %scan3A_177 = arith.constant 6 : i32
      %dma_wait3A = arith.constant 0 : i32
      %dma_wait3A_178 = arith.constant 0 : i32
      %dma_wait3A_179 = tpu.memref_slice %arg21[%dma_wait3A, %dma_wait3A_178] : memref<12928x128xf32, #tpu.memory_space<vmem_shared>> -> memref<12928x128xf32, #tpu.memory_space<vmem_shared>>
      tpu.wait_indirect_dma semaphore(%arg18 : memref<!tpu.dma_semaphore, #tpu.memory_space<semaphore_mem>>) src(%arg12 : memref<64x128xf32, #tpu.memory_space<vmem>>) dst(%dma_wait3A_179 : memref<12928x128xf32, #tpu.memory_space<vmem_shared>>)
      %dma_wait3A_180 = arith.constant 0 : i32
      %dma_wait3A_181 = arith.constant 0 : i32
      %dma_wait3A_182 = tpu.memref_slice %arg21[%dma_wait3A_180, %dma_wait3A_181] : memref<12928x128xf32, #tpu.memory_space<vmem_shared>> -> memref<12928x128xf32, #tpu.memory_space<vmem_shared>>
      tpu.wait_indirect_dma semaphore(%arg19 : memref<!tpu.dma_semaphore, #tpu.memory_space<semaphore_mem>>) src(%arg13 : memref<64x128xf32, #tpu.memory_space<vmem>>) dst(%dma_wait3A_182 : memref<12928x128xf32, #tpu.memory_space<vmem_shared>>)
      %dma_wait3A_183 = arith.constant 0 : i32
      %dma_wait3A_184 = arith.constant 0 : i32
      %dma_wait3A_185 = tpu.memref_slice %arg21[%dma_wait3A_183, %dma_wait3A_184] : memref<12928x128xf32, #tpu.memory_space<vmem_shared>> -> memref<12928x128xf32, #tpu.memory_space<vmem_shared>>
      tpu.wait_indirect_dma semaphore(%arg20 : memref<!tpu.dma_semaphore, #tpu.memory_space<semaphore_mem>>) src(%arg14 : memref<64x128xf32, #tpu.memory_space<vmem>>) dst(%dma_wait3A_185 : memref<12928x128xf32, #tpu.memory_space<vmem_shared>>)
      %scan3A_186 = arith.constant 0 : i32
      scf.yield %scan3A_186 : i32
    }
    %scan3A_86 = arith.constant 44 : i32
    %barrier3A_87 = arith.constant 0 : index
    tpu.barrier barrier_id(%barrier3A_87)
    %mul3A_88 = arith.constant 800 : i32
    %mul3A_89 = arith.muli %arg1, %mul3A_88 : i32
    %mul3A_90 = arith.constant 800 : i32
    %mul3A_91 = arith.muli %arg1, %mul3A_90 : i32
    %add3A_92 = arith.addi %mul3A_50, %mul3A_91 : i32
    "tpu.region"() ({
      %run_scoped3A = tpu.sem_alloc : memref<!tpu.dma_semaphore, #tpu.memory_space<semaphore_mem>>
      %dma_start3A = arith.constant 0 : i32
      %dma_start3A_94 = tpu.memref_slice %arg6[%add3A_92, %dma_start3A] : memref<51200x128xf32, #tpu.memory_space<hbm>> -> memref<800x128xf32, #tpu.memory_space<hbm>>
      %dma_start3A_95 = arith.constant 0 : i32
      %dma_start3A_96 = tpu.memref_slice %arg21[%mul3A_89, %dma_start3A_95] : memref<12928x128xf32, #tpu.memory_space<vmem_shared>> -> memref<800x128xf32, #tpu.memory_space<vmem_shared>>
      tpu.enqueue_dma source(%dma_start3A_96 : memref<800x128xf32, #tpu.memory_space<vmem_shared>>) target(%dma_start3A_94 : memref<800x128xf32, #tpu.memory_space<hbm>>) target_semaphore(%run_scoped3A : memref<!tpu.dma_semaphore, #tpu.memory_space<semaphore_mem>>)
      %dma_wait3A = arith.constant 0 : i32
      %dma_wait3A_97 = tpu.memref_slice %arg6[%add3A_92, %dma_wait3A] : memref<51200x128xf32, #tpu.memory_space<hbm>> -> memref<800x128xf32, #tpu.memory_space<hbm>>
      %dma_wait3A_98 = arith.constant 0 : i32
      %dma_wait3A_99 = tpu.memref_slice %arg21[%mul3A_89, %dma_wait3A_98] : memref<12928x128xf32, #tpu.memory_space<vmem_shared>> -> memref<800x128xf32, #tpu.memory_space<vmem_shared>>
      tpu.wait_dma2 semaphore(%run_scoped3A : memref<!tpu.dma_semaphore, #tpu.memory_space<semaphore_mem>>) src(%dma_wait3A_99 : memref<800x128xf32, #tpu.memory_space<vmem_shared>>) dst(%dma_wait3A_97 : memref<800x128xf32, #tpu.memory_space<hbm>>)
      tpu.yield
    }) : () -> ()
    %barrier3A_93 = arith.constant 0 : index
    tpu.barrier barrier_id(%barrier3A_93)
    return
  }
}

#map = affine_map<(d0, d1) -> (0, 0)>
#map1 = affine_map<(d0, d1) -> (0)>
module attributes {stable_mosaic.version = 14 : i64} {
  func.func @ker(%arg0: i32, %arg1: i32, %arg2: memref<51200x128xf32, #tpu.memory_space<hbm>>, %arg3: memref<811008xi32, #tpu.memory_space<hbm>>, %arg4: memref<811008xi32, #tpu.memory_space<hbm>>, %arg5: memref<128x128xf32, #tpu.memory_space<hbm>>, %arg6: memref<51200x128xf32, #tpu.memory_space<hbm>>, %arg7: memref<1152xi32, #tpu.memory_space<vmem>>, %arg8: memref<1152xi32, #tpu.memory_space<vmem>>, %arg9: memref<64xi32, #tpu.memory_space<vmem>>, %arg10: memref<64xi32, #tpu.memory_space<vmem>>, %arg11: memref<64xi32, #tpu.memory_space<vmem>>, %arg12: memref<64x128xf32, #tpu.memory_space<vmem>>, %arg13: memref<64x128xf32, #tpu.memory_space<vmem>>, %arg14: memref<64x128xf32, #tpu.memory_space<vmem>>, %arg15: memref<!tpu.dma_semaphore, #tpu.memory_space<semaphore_mem>>, %arg16: memref<!tpu.dma_semaphore, #tpu.memory_space<semaphore_mem>>, %arg17: memref<!tpu.dma_semaphore, #tpu.memory_space<semaphore_mem>>, %arg18: memref<!tpu.dma_semaphore, #tpu.memory_space<semaphore_mem>>, %arg19: memref<!tpu.dma_semaphore, #tpu.memory_space<semaphore_mem>>, %arg20: memref<!tpu.dma_semaphore, #tpu.memory_space<semaphore_mem>>, %arg21: memref<12928x128xf32, #tpu.memory_space<vmem_shared>>) attributes {dimension_semantics = [#tpu.dimension_semantics<core_parallel>, #tpu.dimension_semantics<subcore_parallel>], iteration_bounds = array<i64: 2, 16>, scalar_prefetch = 0 : i64, scratch_operands = 15 : i64, tpu.core_type = #tpu.core_type<sc_vector_subcore>, window_params = [{transform_indices = #map}, {transform_indices = #map1}, {transform_indices = #map1}, {transform_indices = #map}, {transform_indices = #map}]} {
    %mul3A = arith.constant 2 : i32
    %mul3A_0 = arith.muli %arg0, %mul3A : i32
    %add3A = arith.constant 0 : i32
    %add3A_1 = arith.addi %mul3A_0, %add3A : i32
    %mul3A_2 = arith.constant 12800 : i32
    %mul3A_3 = arith.muli %add3A_1, %mul3A_2 : i32
    %mul3A_4 = arith.constant 808 : i32
    %mul3A_5 = arith.muli %arg1, %mul3A_4 : i32
    %add3A_6 = arith.constant 0 : i32
    %add3A_7 = arith.addi %mul3A_5, %add3A_6 : i32
    "tpu.region"() ({
      %run_scoped3A = tpu.sem_alloc : memref<!tpu.dma_semaphore, #tpu.memory_space<semaphore_mem>>
      %dma_start3A = arith.constant 0 : i32
      %dma_start3A_94 = tpu.memref_slice %arg21[%add3A_7, %dma_start3A] : memref<12928x128xf32, #tpu.memory_space<vmem_shared>> -> memref<128x128xf32, #tpu.memory_space<vmem_shared>>
      tpu.enqueue_dma source(%arg5 : memref<128x128xf32, #tpu.memory_space<hbm>>) target(%dma_start3A_94 : memref<128x128xf32, #tpu.memory_space<vmem_shared>>) target_semaphore(%run_scoped3A : memref<!tpu.dma_semaphore, #tpu.memory_space<semaphore_mem>>)
      %dma_wait3A = arith.constant 0 : i32
      %dma_wait3A_95 = tpu.memref_slice %arg21[%add3A_7, %dma_wait3A] : memref<12928x128xf32, #tpu.memory_space<vmem_shared>> -> memref<128x128xf32, #tpu.memory_space<vmem_shared>>
      tpu.wait_dma2 semaphore(%run_scoped3A : memref<!tpu.dma_semaphore, #tpu.memory_space<semaphore_mem>>) src(%arg5 : memref<128x128xf32, #tpu.memory_space<hbm>>) dst(%dma_wait3A_95 : memref<128x128xf32, #tpu.memory_space<vmem_shared>>)
      tpu.yield
    }) : () -> ()
    %mul3A_8 = arith.constant 808 : i32
    %mul3A_9 = arith.muli %arg1, %mul3A_8 : i32
    %add3A_10 = arith.constant 128 : i32
    %add3A_11 = arith.addi %mul3A_9, %add3A_10 : i32
    "tpu.region"() ({
      %run_scoped3A = tpu.sem_alloc : memref<!tpu.dma_semaphore, #tpu.memory_space<semaphore_mem>>
      %dma_start3A = arith.constant 0 : i32
      %dma_start3A_94 = tpu.memref_slice %arg21[%add3A_11, %dma_start3A] : memref<12928x128xf32, #tpu.memory_space<vmem_shared>> -> memref<128x128xf32, #tpu.memory_space<vmem_shared>>
      tpu.enqueue_dma source(%arg5 : memref<128x128xf32, #tpu.memory_space<hbm>>) target(%dma_start3A_94 : memref<128x128xf32, #tpu.memory_space<vmem_shared>>) target_semaphore(%run_scoped3A : memref<!tpu.dma_semaphore, #tpu.memory_space<semaphore_mem>>)
      %dma_wait3A = arith.constant 0 : i32
      %dma_wait3A_95 = tpu.memref_slice %arg21[%add3A_11, %dma_wait3A] : memref<12928x128xf32, #tpu.memory_space<vmem_shared>> -> memref<128x128xf32, #tpu.memory_space<vmem_shared>>
      tpu.wait_dma2 semaphore(%run_scoped3A : memref<!tpu.dma_semaphore, #tpu.memory_space<semaphore_mem>>) src(%arg5 : memref<128x128xf32, #tpu.memory_space<hbm>>) dst(%dma_wait3A_95 : memref<128x128xf32, #tpu.memory_space<vmem_shared>>)
      tpu.yield
    }) : () -> ()
    %mul3A_12 = arith.constant 808 : i32
    %mul3A_13 = arith.muli %arg1, %mul3A_12 : i32
    %add3A_14 = arith.constant 256 : i32
    %add3A_15 = arith.addi %mul3A_13, %add3A_14 : i32
    "tpu.region"() ({
      %run_scoped3A = tpu.sem_alloc : memref<!tpu.dma_semaphore, #tpu.memory_space<semaphore_mem>>
      %dma_start3A = arith.constant 0 : i32
      %dma_start3A_94 = tpu.memref_slice %arg21[%add3A_15, %dma_start3A] : memref<12928x128xf32, #tpu.memory_space<vmem_shared>> -> memref<128x128xf32, #tpu.memory_space<vmem_shared>>
      tpu.enqueue_dma source(%arg5 : memref<128x128xf32, #tpu.memory_space<hbm>>) target(%dma_start3A_94 : memref<128x128xf32, #tpu.memory_space<vmem_shared>>) target_semaphore(%run_scoped3A : memref<!tpu.dma_semaphore, #tpu.memory_space<semaphore_mem>>)
      %dma_wait3A = arith.constant 0 : i32
      %dma_wait3A_95 = tpu.memref_slice %arg21[%add3A_15, %dma_wait3A] : memref<12928x128xf32, #tpu.memory_space<vmem_shared>> -> memref<128x128xf32, #tpu.memory_space<vmem_shared>>
      tpu.wait_dma2 semaphore(%run_scoped3A : memref<!tpu.dma_semaphore, #tpu.memory_space<semaphore_mem>>) src(%arg5 : memref<128x128xf32, #tpu.memory_space<hbm>>) dst(%dma_wait3A_95 : memref<128x128xf32, #tpu.memory_space<vmem_shared>>)
      tpu.yield
    }) : () -> ()
    %mul3A_16 = arith.constant 808 : i32
    %mul3A_17 = arith.muli %arg1, %mul3A_16 : i32
    %add3A_18 = arith.constant 384 : i32
    %add3A_19 = arith.addi %mul3A_17, %add3A_18 : i32
    "tpu.region"() ({
      %run_scoped3A = tpu.sem_alloc : memref<!tpu.dma_semaphore, #tpu.memory_space<semaphore_mem>>
      %dma_start3A = arith.constant 0 : i32
      %dma_start3A_94 = tpu.memref_slice %arg21[%add3A_19, %dma_start3A] : memref<12928x128xf32, #tpu.memory_space<vmem_shared>> -> memref<128x128xf32, #tpu.memory_space<vmem_shared>>
      tpu.enqueue_dma source(%arg5 : memref<128x128xf32, #tpu.memory_space<hbm>>) target(%dma_start3A_94 : memref<128x128xf32, #tpu.memory_space<vmem_shared>>) target_semaphore(%run_scoped3A : memref<!tpu.dma_semaphore, #tpu.memory_space<semaphore_mem>>)
      %dma_wait3A = arith.constant 0 : i32
      %dma_wait3A_95 = tpu.memref_slice %arg21[%add3A_19, %dma_wait3A] : memref<12928x128xf32, #tpu.memory_space<vmem_shared>> -> memref<128x128xf32, #tpu.memory_space<vmem_shared>>
      tpu.wait_dma2 semaphore(%run_scoped3A : memref<!tpu.dma_semaphore, #tpu.memory_space<semaphore_mem>>) src(%arg5 : memref<128x128xf32, #tpu.memory_space<hbm>>) dst(%dma_wait3A_95 : memref<128x128xf32, #tpu.memory_space<vmem_shared>>)
      tpu.yield
    }) : () -> ()
    %mul3A_20 = arith.constant 808 : i32
    %mul3A_21 = arith.muli %arg1, %mul3A_20 : i32
    %add3A_22 = arith.constant 512 : i32
    %add3A_23 = arith.addi %mul3A_21, %add3A_22 : i32
    "tpu.region"() ({
      %run_scoped3A = tpu.sem_alloc : memref<!tpu.dma_semaphore, #tpu.memory_space<semaphore_mem>>
      %dma_start3A = arith.constant 0 : i32
      %dma_start3A_94 = tpu.memref_slice %arg21[%add3A_23, %dma_start3A] : memref<12928x128xf32, #tpu.memory_space<vmem_shared>> -> memref<128x128xf32, #tpu.memory_space<vmem_shared>>
      tpu.enqueue_dma source(%arg5 : memref<128x128xf32, #tpu.memory_space<hbm>>) target(%dma_start3A_94 : memref<128x128xf32, #tpu.memory_space<vmem_shared>>) target_semaphore(%run_scoped3A : memref<!tpu.dma_semaphore, #tpu.memory_space<semaphore_mem>>)
      %dma_wait3A = arith.constant 0 : i32
      %dma_wait3A_95 = tpu.memref_slice %arg21[%add3A_23, %dma_wait3A] : memref<12928x128xf32, #tpu.memory_space<vmem_shared>> -> memref<128x128xf32, #tpu.memory_space<vmem_shared>>
      tpu.wait_dma2 semaphore(%run_scoped3A : memref<!tpu.dma_semaphore, #tpu.memory_space<semaphore_mem>>) src(%arg5 : memref<128x128xf32, #tpu.memory_space<hbm>>) dst(%dma_wait3A_95 : memref<128x128xf32, #tpu.memory_space<vmem_shared>>)
      tpu.yield
    }) : () -> ()
    %mul3A_24 = arith.constant 808 : i32
    %mul3A_25 = arith.muli %arg1, %mul3A_24 : i32
    %add3A_26 = arith.constant 640 : i32
    %add3A_27 = arith.addi %mul3A_25, %add3A_26 : i32
    "tpu.region"() ({
      %run_scoped3A = tpu.sem_alloc : memref<!tpu.dma_semaphore, #tpu.memory_space<semaphore_mem>>
      %dma_start3A = arith.constant 0 : i32
      %dma_start3A_94 = tpu.memref_slice %arg21[%add3A_27, %dma_start3A] : memref<12928x128xf32, #tpu.memory_space<vmem_shared>> -> memref<128x128xf32, #tpu.memory_space<vmem_shared>>
      tpu.enqueue_dma source(%arg5 : memref<128x128xf32, #tpu.memory_space<hbm>>) target(%dma_start3A_94 : memref<128x128xf32, #tpu.memory_space<vmem_shared>>) target_semaphore(%run_scoped3A : memref<!tpu.dma_semaphore, #tpu.memory_space<semaphore_mem>>)
      %dma_wait3A = arith.constant 0 : i32
      %dma_wait3A_95 = tpu.memref_slice %arg21[%add3A_27, %dma_wait3A] : memref<12928x128xf32, #tpu.memory_space<vmem_shared>> -> memref<128x128xf32, #tpu.memory_space<vmem_shared>>
      tpu.wait_dma2 semaphore(%run_scoped3A : memref<!tpu.dma_semaphore, #tpu.memory_space<semaphore_mem>>) src(%arg5 : memref<128x128xf32, #tpu.memory_space<hbm>>) dst(%dma_wait3A_95 : memref<128x128xf32, #tpu.memory_space<vmem_shared>>)
      tpu.yield
    }) : () -> ()
    %mul3A_28 = arith.constant 808 : i32
    %mul3A_29 = arith.muli %arg1, %mul3A_28 : i32
    %add3A_30 = arith.constant 768 : i32
    %add3A_31 = arith.addi %mul3A_29, %add3A_30 : i32
    "tpu.region"() ({
      %run_scoped3A = tpu.sem_alloc : memref<!tpu.dma_semaphore, #tpu.memory_space<semaphore_mem>>
      %dma_start3A = arith.constant 0 : i32
      %dma_start3A_94 = tpu.memref_slice %arg21[%add3A_31, %dma_start3A] : memref<12928x128xf32, #tpu.memory_space<vmem_shared>> -> memref<40x128xf32, #tpu.memory_space<vmem_shared>>
      %dma_start3A_95 = arith.constant 0 : i32
      %dma_start3A_96 = arith.constant 0 : i32
      %dma_start3A_97 = tpu.memref_slice %arg5[%dma_start3A_95, %dma_start3A_96] : memref<128x128xf32, #tpu.memory_space<hbm>> -> memref<40x128xf32, #tpu.memory_space<hbm>>
      tpu.enqueue_dma source(%dma_start3A_97 : memref<40x128xf32, #tpu.memory_space<hbm>>) target(%dma_start3A_94 : memref<40x128xf32, #tpu.memory_space<vmem_shared>>) target_semaphore(%run_scoped3A : memref<!tpu.dma_semaphore, #tpu.memory_space<semaphore_mem>>)
      %dma_wait3A = arith.constant 0 : i32
      %dma_wait3A_98 = tpu.memref_slice %arg21[%add3A_31, %dma_wait3A] : memref<12928x128xf32, #tpu.memory_space<vmem_shared>> -> memref<40x128xf32, #tpu.memory_space<vmem_shared>>
      %dma_wait3A_99 = arith.constant 0 : i32
      %dma_wait3A_100 = arith.constant 0 : i32
      %dma_wait3A_101 = tpu.memref_slice %arg5[%dma_wait3A_99, %dma_wait3A_100] : memref<128x128xf32, #tpu.memory_space<hbm>> -> memref<40x128xf32, #tpu.memory_space<hbm>>
      tpu.wait_dma2 semaphore(%run_scoped3A : memref<!tpu.dma_semaphore, #tpu.memory_space<semaphore_mem>>) src(%dma_wait3A_101 : memref<40x128xf32, #tpu.memory_space<hbm>>) dst(%dma_wait3A_98 : memref<40x128xf32, #tpu.memory_space<vmem_shared>>)
      tpu.yield
    }) : () -> ()
    %barrier3A = arith.constant 0 : index
    tpu.barrier barrier_id(%barrier3A)
    %scan3A = arith.constant 0 : i32
    %scan3A_32 = arith.constant 0 : i32
    %scan3A_33 = arith.constant 44 : i32
    %scan3A_34 = arith.addi %scan3A_32, %scan3A_33 : i32
    %scan3A_35 = arith.constant 1 : i32
    %scan3A_36 = scf.for %scan3A_94 = %scan3A_32 to %scan3A_34 step %scan3A_35 iter_args(%scan3A_95 = %scan3A) -> (i32)  : i32 {
      %mul3A_96 = arith.constant 50688 : i32
      %mul3A_97 = arith.muli %arg1, %mul3A_96 : i32
      %mul3A_98 = arith.constant 1152 : i32
      %mul3A_99 = arith.muli %scan3A_94, %mul3A_98 : i32
      %add3A_100 = arith.addi %mul3A_97, %mul3A_99 : i32
      "tpu.region"() ({
        %run_scoped3A = tpu.sem_alloc : memref<!tpu.dma_semaphore, #tpu.memory_space<semaphore_mem>>
        %dma_start3A_187 = tpu.memref_slice %arg3[%add3A_100] : memref<811008xi32, #tpu.memory_space<hbm>> -> memref<1152xi32, #tpu.memory_space<hbm>>
        %dma_start3A_188 = tpu.memref_slice %arg3[%add3A_100] : memref<811008xi32, #tpu.memory_space<hbm>> -> memref<1152xi32, #tpu.memory_space<hbm>>
        tpu.enqueue_dma source(%dma_start3A_188 : memref<1152xi32, #tpu.memory_space<hbm>>) target(%arg7 : memref<1152xi32, #tpu.memory_space<vmem>>) target_semaphore(%run_scoped3A : memref<!tpu.dma_semaphore, #tpu.memory_space<semaphore_mem>>)
        %dma_wait3A_189 = tpu.memref_slice %arg3[%add3A_100] : memref<811008xi32, #tpu.memory_space<hbm>> -> memref<1152xi32, #tpu.memory_space<hbm>>
        %dma_wait3A_190 = tpu.memref_slice %arg3[%add3A_100] : memref<811008xi32, #tpu.memory_space<hbm>> -> memref<1152xi32, #tpu.memory_space<hbm>>
        tpu.wait_dma2 semaphore(%run_scoped3A : memref<!tpu.dma_semaphore, #tpu.memory_space<semaphore_mem>>) src(%dma_wait3A_190 : memref<1152xi32, #tpu.memory_space<hbm>>) dst(%arg7 : memref<1152xi32, #tpu.memory_space<vmem>>)
        tpu.yield
      }) : () -> ()
      "tpu.region"() ({
        %run_scoped3A = tpu.sem_alloc : memref<!tpu.dma_semaphore, #tpu.memory_space<semaphore_mem>>
        %dma_start3A_187 = tpu.memref_slice %arg4[%add3A_100] : memref<811008xi32, #tpu.memory_space<hbm>> -> memref<1152xi32, #tpu.memory_space<hbm>>
        %dma_start3A_188 = tpu.memref_slice %arg4[%add3A_100] : memref<811008xi32, #tpu.memory_space<hbm>> -> memref<1152xi32, #tpu.memory_space<hbm>>
        tpu.enqueue_dma source(%dma_start3A_188 : memref<1152xi32, #tpu.memory_space<hbm>>) target(%arg8 : memref<1152xi32, #tpu.memory_space<vmem>>) target_semaphore(%run_scoped3A : memref<!tpu.dma_semaphore, #tpu.memory_space<semaphore_mem>>)
        %dma_wait3A_189 = tpu.memref_slice %arg4[%add3A_100] : memref<811008xi32, #tpu.memory_space<hbm>> -> memref<1152xi32, #tpu.memory_space<hbm>>
        %dma_wait3A_190 = tpu.memref_slice %arg4[%add3A_100] : memref<811008xi32, #tpu.memory_space<hbm>> -> memref<1152xi32, #tpu.memory_space<hbm>>
        tpu.wait_dma2 semaphore(%run_scoped3A : memref<!tpu.dma_semaphore, #tpu.memory_space<semaphore_mem>>) src(%dma_wait3A_190 : memref<1152xi32, #tpu.memory_space<hbm>>) dst(%arg8 : memref<1152xi32, #tpu.memory_space<vmem>>)
        tpu.yield
      }) : () -> ()
      %scan3A_101 = arith.constant 0 : i32
      %scan3A_102 = arith.constant 0 : i32
      %scan3A_103 = arith.constant 72 : i32
      %scan3A_104 = arith.addi %scan3A_102, %scan3A_103 : i32
      %scan3A_105 = arith.constant 1 : i32
      %scan3A_106 = scf.for %scan3A_187 = %scan3A_102 to %scan3A_104 step %scan3A_105 iter_args(%scan3A_188 = %scan3A_101) -> (i32)  : i32 {
        %mul3A_189 = arith.constant 16 : i32
        %mul3A_190 = arith.muli %scan3A_187, %mul3A_189 : i32
        %get3A_191 = arith.index_cast %mul3A_190 : i32 to index
        %get3A_192 = tpu.vector_load %arg8[%get3A_191] {strides = array<i32>} : memref<1152xi32, #tpu.memory_space<vmem>>, vector<16xi32>,
        %get3A_193 = vector.shape_cast %get3A_192 : vector<16xi32> to vector<16xi32>
        %sub3A = vector.broadcast %mul3A_3 : i32 to vector<16xi32>
        %sub3A_194 = arith.subi %get3A_193, %sub3A : vector<16xi32>
        %ge3A = arith.constant 0 : i32
        %ge3A_195 = vector.broadcast %ge3A : i32 to vector<16xi32>
        %ge3A_196 = arith.cmpi sge, %sub3A_194, %ge3A_195 : vector<16xi32>
        %lt3A = arith.constant 12800 : i32
        %lt3A_197 = vector.broadcast %lt3A : i32 to vector<16xi32>
        %lt3A_198 = arith.cmpi slt, %sub3A_194, %lt3A_197 : vector<16xi32>
        %and3A = arith.andi %ge3A_196, %lt3A_198 : vector<16xi1>
        %jit3A = arith.constant 12800 : i32
        %broadcast_in_dim3A = vector.broadcast %jit3A : i32 to vector<16xi32>
        %select_n3A = arith.select %and3A, %sub3A_194, %broadcast_in_dim3A : vector<16xi1>, vector<16xi32>
        %mul3A_199 = arith.constant 16 : i32
        %mul3A_200 = arith.muli %scan3A_187, %mul3A_199 : i32
        %swap3A_201 = arith.index_cast %mul3A_200 : i32 to index
        %swap3A_202 = tpu.vector_load %arg8[%swap3A_201] {strides = array<i32>} : memref<1152xi32, #tpu.memory_space<vmem>>, vector<16xi32>,
        %swap3A_203 = vector.shape_cast %swap3A_202 : vector<16xi32> to vector<16xi32>
        %swap3A_204 = vector.shape_cast %select_n3A : vector<16xi32> to vector<16xi32>
        tpu.vector_store %arg8[%swap3A_201], %swap3A_204 {strides = array<i32>} : memref<1152xi32, #tpu.memory_space<vmem>>, vector<16xi32>,
        %scan3A_205 = arith.constant 0 : i32
        scf.yield %scan3A_205 : i32
      }
      %scan3A_107 = arith.constant 72 : i32
      %get3A = arith.constant 0 : index
      %get3A_108 = tpu.vector_load %arg8[%get3A] {strides = array<i32>} : memref<1152xi32, #tpu.memory_space<vmem>>, vector<16xi32>,
      %get3A_109 = vector.shape_cast %get3A_108 : vector<16xi32> to vector<16xi32>
      %swap3A = arith.constant 0 : index
      %swap3A_110 = tpu.vector_load %arg9[%swap3A] {strides = array<i32>} : memref<64xi32, #tpu.memory_space<vmem>>, vector<16xi32>,
      %swap3A_111 = vector.shape_cast %swap3A_110 : vector<16xi32> to vector<16xi32>
      %swap3A_112 = vector.shape_cast %get3A_109 : vector<16xi32> to vector<16xi32>
      tpu.vector_store %arg9[%swap3A], %swap3A_112 {strides = array<i32>} : memref<64xi32, #tpu.memory_space<vmem>>, vector<16xi32>,
      %get3A_113 = arith.constant 16 : index
      %get3A_114 = tpu.vector_load %arg8[%get3A_113] {strides = array<i32>} : memref<1152xi32, #tpu.memory_space<vmem>>, vector<16xi32>,
      %get3A_115 = vector.shape_cast %get3A_114 : vector<16xi32> to vector<16xi32>
      %swap3A_116 = arith.constant 16 : index
      %swap3A_117 = tpu.vector_load %arg9[%swap3A_116] {strides = array<i32>} : memref<64xi32, #tpu.memory_space<vmem>>, vector<16xi32>,
      %swap3A_118 = vector.shape_cast %swap3A_117 : vector<16xi32> to vector<16xi32>
      %swap3A_119 = vector.shape_cast %get3A_115 : vector<16xi32> to vector<16xi32>
      tpu.vector_store %arg9[%swap3A_116], %swap3A_119 {strides = array<i32>} : memref<64xi32, #tpu.memory_space<vmem>>, vector<16xi32>,
      %get3A_120 = arith.constant 32 : index
      %get3A_121 = tpu.vector_load %arg8[%get3A_120] {strides = array<i32>} : memref<1152xi32, #tpu.memory_space<vmem>>, vector<16xi32>,
      %get3A_122 = vector.shape_cast %get3A_121 : vector<16xi32> to vector<16xi32>
      %swap3A_123 = arith.constant 32 : index
      %swap3A_124 = tpu.vector_load %arg9[%swap3A_123] {strides = array<i32>} : memref<64xi32, #tpu.memory_space<vmem>>, vector<16xi32>,
      %swap3A_125 = vector.shape_cast %swap3A_124 : vector<16xi32> to vector<16xi32>
      %swap3A_126 = vector.shape_cast %get3A_122 : vector<16xi32> to vector<16xi32>
      tpu.vector_store %arg9[%swap3A_123], %swap3A_126 {strides = array<i32>} : memref<64xi32, #tpu.memory_space<vmem>>, vector<16xi32>,
      %get3A_127 = arith.constant 48 : index
      %get3A_128 = tpu.vector_load %arg8[%get3A_127] {strides = array<i32>} : memref<1152xi32, #tpu.memory_space<vmem>>, vector<16xi32>,
      %get3A_129 = vector.shape_cast %get3A_128 : vector<16xi32> to vector<16xi32>
      %swap3A_130 = arith.constant 48 : index
      %swap3A_131 = tpu.vector_load %arg9[%swap3A_130] {strides = array<i32>} : memref<64xi32, #tpu.memory_space<vmem>>, vector<16xi32>,
      %swap3A_132 = vector.shape_cast %swap3A_131 : vector<16xi32> to vector<16xi32>
      %swap3A_133 = vector.shape_cast %get3A_129 : vector<16xi32> to vector<16xi32>
      tpu.vector_store %arg9[%swap3A_130], %swap3A_133 {strides = array<i32>} : memref<64xi32, #tpu.memory_space<vmem>>, vector<16xi32>,
      %dma_start3A = arith.constant 0 : i32
      %dma_start3A_134 = tpu.memref_slice %arg7[%dma_start3A] : memref<1152xi32, #tpu.memory_space<vmem>> -> memref<64xi32, #tpu.memory_space<vmem>>
      %dma_start3A_135 = arith.constant 0 : i32
      %dma_start3A_136 = arith.constant 0 : i32
      %dma_start3A_137 = tpu.memref_slice %arg2[%dma_start3A_135, %dma_start3A_136] : memref<51200x128xf32, #tpu.memory_space<hbm>> -> memref<51200x128xf32, #tpu.memory_space<hbm>>
      tpu.enqueue_indirect_dma source(%dma_start3A_137 : memref<51200x128xf32, #tpu.memory_space<hbm>>) target(%arg12 : memref<64x128xf32, #tpu.memory_space<vmem>>) offsets(%dma_start3A_134 : memref<64xi32, #tpu.memory_space<vmem>>) semaphore(%arg15 : memref<!tpu.dma_semaphore, #tpu.memory_space<semaphore_mem>>)
      %get3A_138 = arith.constant 64 : index
      %get3A_139 = tpu.vector_load %arg8[%get3A_138] {strides = array<i32>} : memref<1152xi32, #tpu.memory_space<vmem>>, vector<16xi32>,
      %get3A_140 = vector.shape_cast %get3A_139 : vector<16xi32> to vector<16xi32>
      %swap3A_141 = arith.constant 0 : index
      %swap3A_142 = tpu.vector_load %arg10[%swap3A_141] {strides = array<i32>} : memref<64xi32, #tpu.memory_space<vmem>>, vector<16xi32>,
      %swap3A_143 = vector.shape_cast %swap3A_142 : vector<16xi32> to vector<16xi32>
      %swap3A_144 = vector.shape_cast %get3A_140 : vector<16xi32> to vector<16xi32>
      tpu.vector_store %arg10[%swap3A_141], %swap3A_144 {strides = array<i32>} : memref<64xi32, #tpu.memory_space<vmem>>, vector<16xi32>,
      %get3A_145 = arith.constant 80 : index
      %get3A_146 = tpu.vector_load %arg8[%get3A_145] {strides = array<i32>} : memref<1152xi32, #tpu.memory_space<vmem>>, vector<16xi32>,
      %get3A_147 = vector.shape_cast %get3A_146 : vector<16xi32> to vector<16xi32>
      %swap3A_148 = arith.constant 16 : index
      %swap3A_149 = tpu.vector_load %arg10[%swap3A_148] {strides = array<i32>} : memref<64xi32, #tpu.memory_space<vmem>>, vector<16xi32>,
      %swap3A_150 = vector.shape_cast %swap3A_149 : vector<16xi32> to vector<16xi32>
      %swap3A_151 = vector.shape_cast %get3A_147 : vector<16xi32> to vector<16xi32>
      tpu.vector_store %arg10[%swap3A_148], %swap3A_151 {strides = array<i32>} : memref<64xi32, #tpu.memory_space<vmem>>, vector<16xi32>,
      %get3A_152 = arith.constant 96 : index
      %get3A_153 = tpu.vector_load %arg8[%get3A_152] {strides = array<i32>} : memref<1152xi32, #tpu.memory_space<vmem>>, vector<16xi32>,
      %get3A_154 = vector.shape_cast %get3A_153 : vector<16xi32> to vector<16xi32>
      %swap3A_155 = arith.constant 32 : index
      %swap3A_156 = tpu.vector_load %arg10[%swap3A_155] {strides = array<i32>} : memref<64xi32, #tpu.memory_space<vmem>>, vector<16xi32>,
      %swap3A_157 = vector.shape_cast %swap3A_156 : vector<16xi32> to vector<16xi32>
      %swap3A_158 = vector.shape_cast %get3A_154 : vector<16xi32> to vector<16xi32>
      tpu.vector_store %arg10[%swap3A_155], %swap3A_158 {strides = array<i32>} : memref<64xi32, #tpu.memory_space<vmem>>, vector<16xi32>,
      %get3A_159 = arith.constant 112 : index
      %get3A_160 = tpu.vector_load %arg8[%get3A_159] {strides = array<i32>} : memref<1152xi32, #tpu.memory_space<vmem>>, vector<16xi32>,
      %get3A_161 = vector.shape_cast %get3A_160 : vector<16xi32> to vector<16xi32>
      %swap3A_162 = arith.constant 48 : index
      %swap3A_163 = tpu.vector_load %arg10[%swap3A_162] {strides = array<i32>} : memref<64xi32, #tpu.memory_space<vmem>>, vector<16xi32>,
      %swap3A_164 = vector.shape_cast %swap3A_163 : vector<16xi32> to vector<16xi32>
      %swap3A_165 = vector.shape_cast %get3A_161 : vector<16xi32> to vector<16xi32>
      tpu.vector_store %arg10[%swap3A_162], %swap3A_165 {strides = array<i32>} : memref<64xi32, #tpu.memory_space<vmem>>, vector<16xi32>,
      %dma_start3A_166 = arith.constant 64 : i32
      %dma_start3A_167 = tpu.memref_slice %arg7[%dma_start3A_166] : memref<1152xi32, #tpu.memory_space<vmem>> -> memref<64xi32, #tpu.memory_space<vmem>>
      %dma_start3A_168 = arith.constant 0 : i32
      %dma_start3A_169 = arith.constant 0 : i32
      %dma_start3A_170 = tpu.memref_slice %arg2[%dma_start3A_168, %dma_start3A_169] : memref<51200x128xf32, #tpu.memory_space<hbm>> -> memref<51200x128xf32, #tpu.memory_space<hbm>>
      tpu.enqueue_indirect_dma source(%dma_start3A_170 : memref<51200x128xf32, #tpu.memory_space<hbm>>) target(%arg13 : memref<64x128xf32, #tpu.memory_space<vmem>>) offsets(%dma_start3A_167 : memref<64xi32, #tpu.memory_space<vmem>>) semaphore(%arg16 : memref<!tpu.dma_semaphore, #tpu.memory_space<semaphore_mem>>)
      %scan3A_171 = arith.constant 0 : i32
      %scan3A_172 = arith.constant 0 : i32
      %scan3A_173 = arith.constant 6 : i32
      %scan3A_174 = arith.addi %scan3A_172, %scan3A_173 : i32
      %scan3A_175 = arith.constant 1 : i32
      %scan3A_176 = scf.for %scan3A_187 = %scan3A_172 to %scan3A_174 step %scan3A_175 iter_args(%scan3A_188 = %scan3A_171) -> (i32)  : i32 {
        %mul3A_189 = arith.constant 3 : i32
        %mul3A_190 = arith.muli %mul3A_189, %scan3A_187 : i32
        %add3A_191 = arith.constant 0 : i32
        %add3A_192 = arith.addi %mul3A_190, %add3A_191 : i32
        %dma_wait3A_193 = arith.constant 0 : i32
        %dma_wait3A_194 = arith.constant 0 : i32
        %dma_wait3A_195 = tpu.memref_slice %arg2[%dma_wait3A_193, %dma_wait3A_194] : memref<51200x128xf32, #tpu.memory_space<hbm>> -> memref<64x128xf32, #tpu.memory_space<hbm>>
        %dma_wait3A_196 = arith.constant 0 : i32
        %dma_wait3A_197 = arith.constant 0 : i32
        %dma_wait3A_198 = tpu.memref_slice %arg2[%dma_wait3A_196, %dma_wait3A_197] : memref<51200x128xf32, #tpu.memory_space<hbm>> -> memref<64x128xf32, #tpu.memory_space<hbm>>
        tpu.wait_dma2 semaphore(%arg15 : memref<!tpu.dma_semaphore, #tpu.memory_space<semaphore_mem>>) src(%dma_wait3A_198 : memref<64x128xf32, #tpu.memory_space<hbm>>) dst(%arg12 : memref<64x128xf32, #tpu.memory_space<vmem>>)
        %dma_start3A_199 = arith.constant 0 : i32
        %dma_start3A_200 = arith.constant 0 : i32
        %dma_start3A_201 = tpu.memref_slice %arg21[%dma_start3A_199, %dma_start3A_200] : memref<12928x128xf32, #tpu.memory_space<vmem_shared>> -> memref<12928x128xf32, #tpu.memory_space<vmem_shared>>
        tpu.enqueue_indirect_dma source(%arg12 : memref<64x128xf32, #tpu.memory_space<vmem>>) target(%dma_start3A_201 : memref<12928x128xf32, #tpu.memory_space<vmem_shared>>) offsets(%arg9 : memref<64xi32, #tpu.memory_space<vmem>>) semaphore(%arg18 : memref<!tpu.dma_semaphore, #tpu.memory_space<semaphore_mem>>) {add = true}
        %add3A_202 = arith.constant 2 : i32
        %add3A_203 = arith.addi %add3A_192, %add3A_202 : i32
        %lt3A = arith.constant 18 : i32
        %lt3A_204 = arith.cmpi slt, %add3A_203, %lt3A : i32
        %ge3A = arith.constant 3 : i32
        %ge3A_205 = arith.cmpi sge, %add3A_203, %ge3A : i32
        %and3A = arith.andi %lt3A_204, %ge3A_205 : i1
        %convert_element_type3A = arith.extui %and3A : i1 to i32
        %cond3A = arith.constant 0 : i32
        %cond3A_206 = arith.cmpi ne, %convert_element_type3A, %cond3A : i32
        scf.if %cond3A_206 {
          %dma_wait3A_269 = arith.constant 0 : i32
          %dma_wait3A_270 = arith.constant 0 : i32
          %dma_wait3A_271 = tpu.memref_slice %arg21[%dma_wait3A_269, %dma_wait3A_270] : memref<12928x128xf32, #tpu.memory_space<vmem_shared>> -> memref<12928x128xf32, #tpu.memory_space<vmem_shared>>
          tpu.wait_indirect_dma semaphore(%arg20 : memref<!tpu.dma_semaphore, #tpu.memory_space<semaphore_mem>>) src(%arg14 : memref<64x128xf32, #tpu.memory_space<vmem>>) dst(%dma_wait3A_271 : memref<12928x128xf32, #tpu.memory_space<vmem_shared>>)
        } else {
        }
        %lt3A_207 = arith.constant 18 : i32
        %lt3A_208 = arith.cmpi slt, %add3A_203, %lt3A_207 : i32
        %convert_element_type3A_209 = arith.extui %lt3A_208 : i1 to i32
        %cond3A_210 = arith.constant 0 : i32
        %cond3A_211 = arith.cmpi ne, %convert_element_type3A_209, %cond3A_210 : i32
        scf.if %cond3A_211 {
          %mul3A_269 = arith.constant 64 : i32
          %mul3A_270 = arith.muli %add3A_203, %mul3A_269 : i32
          %add3A_271 = arith.constant 0 : i32
          %add3A_272 = arith.addi %mul3A_270, %add3A_271 : i32
          %get3A_273 = arith.index_cast %add3A_272 : i32 to index
          %get3A_274 = tpu.vector_load %arg8[%get3A_273] {strides = array<i32>} : memref<1152xi32, #tpu.memory_space<vmem>>, vector<16xi32>,
          %get3A_275 = vector.shape_cast %get3A_274 : vector<16xi32> to vector<16xi32>
          %swap3A_276 = arith.constant 0 : index
          %swap3A_277 = tpu.vector_load %arg11[%swap3A_276] {strides = array<i32>} : memref<64xi32, #tpu.memory_space<vmem>>, vector<16xi32>,
          %swap3A_278 = vector.shape_cast %swap3A_277 : vector<16xi32> to vector<16xi32>
          %swap3A_279 = vector.shape_cast %get3A_275 : vector<16xi32> to vector<16xi32>
          tpu.vector_store %arg11[%swap3A_276], %swap3A_279 {strides = array<i32>} : memref<64xi32, #tpu.memory_space<vmem>>, vector<16xi32>,
          %mul3A_280 = arith.constant 64 : i32
          %mul3A_281 = arith.muli %add3A_203, %mul3A_280 : i32
          %add3A_282 = arith.constant 16 : i32
          %add3A_283 = arith.addi %mul3A_281, %add3A_282 : i32
          %get3A_284 = arith.index_cast %add3A_283 : i32 to index
          %get3A_285 = tpu.vector_load %arg8[%get3A_284] {strides = array<i32>} : memref<1152xi32, #tpu.memory_space<vmem>>, vector<16xi32>,
          %get3A_286 = vector.shape_cast %get3A_285 : vector<16xi32> to vector<16xi32>
          %swap3A_287 = arith.constant 16 : index
          %swap3A_288 = tpu.vector_load %arg11[%swap3A_287] {strides = array<i32>} : memref<64xi32, #tpu.memory_space<vmem>>, vector<16xi32>,
          %swap3A_289 = vector.shape_cast %swap3A_288 : vector<16xi32> to vector<16xi32>
          %swap3A_290 = vector.shape_cast %get3A_286 : vector<16xi32> to vector<16xi32>
          tpu.vector_store %arg11[%swap3A_287], %swap3A_290 {strides = array<i32>} : memref<64xi32, #tpu.memory_space<vmem>>, vector<16xi32>,
          %mul3A_291 = arith.constant 64 : i32
          %mul3A_292 = arith.muli %add3A_203, %mul3A_291 : i32
          %add3A_293 = arith.constant 32 : i32
          %add3A_294 = arith.addi %mul3A_292, %add3A_293 : i32
          %get3A_295 = arith.index_cast %add3A_294 : i32 to index
          %get3A_296 = tpu.vector_load %arg8[%get3A_295] {strides = array<i32>} : memref<1152xi32, #tpu.memory_space<vmem>>, vector<16xi32>,
          %get3A_297 = vector.shape_cast %get3A_296 : vector<16xi32> to vector<16xi32>
          %swap3A_298 = arith.constant 32 : index
          %swap3A_299 = tpu.vector_load %arg11[%swap3A_298] {strides = array<i32>} : memref<64xi32, #tpu.memory_space<vmem>>, vector<16xi32>,
          %swap3A_300 = vector.shape_cast %swap3A_299 : vector<16xi32> to vector<16xi32>
          %swap3A_301 = vector.shape_cast %get3A_297 : vector<16xi32> to vector<16xi32>
          tpu.vector_store %arg11[%swap3A_298], %swap3A_301 {strides = array<i32>} : memref<64xi32, #tpu.memory_space<vmem>>, vector<16xi32>,
          %mul3A_302 = arith.constant 64 : i32
          %mul3A_303 = arith.muli %add3A_203, %mul3A_302 : i32
          %add3A_304 = arith.constant 48 : i32
          %add3A_305 = arith.addi %mul3A_303, %add3A_304 : i32
          %get3A_306 = arith.index_cast %add3A_305 : i32 to index
          %get3A_307 = tpu.vector_load %arg8[%get3A_306] {strides = array<i32>} : memref<1152xi32, #tpu.memory_space<vmem>>, vector<16xi32>,
          %get3A_308 = vector.shape_cast %get3A_307 : vector<16xi32> to vector<16xi32>
          %swap3A_309 = arith.constant 48 : index
          %swap3A_310 = tpu.vector_load %arg11[%swap3A_309] {strides = array<i32>} : memref<64xi32, #tpu.memory_space<vmem>>, vector<16xi32>,
          %swap3A_311 = vector.shape_cast %swap3A_310 : vector<16xi32> to vector<16xi32>
          %swap3A_312 = vector.shape_cast %get3A_308 : vector<16xi32> to vector<16xi32>
          tpu.vector_store %arg11[%swap3A_309], %swap3A_312 {strides = array<i32>} : memref<64xi32, #tpu.memory_space<vmem>>, vector<16xi32>,
          %mul3A_313 = arith.constant 64 : i32
          %mul3A_314 = arith.muli %add3A_203, %mul3A_313 : i32
          %dma_start3A_315 = tpu.memref_slice %arg7[%mul3A_314] : memref<1152xi32, #tpu.memory_space<vmem>> -> memref<64xi32, #tpu.memory_space<vmem>>
          %dma_start3A_316 = arith.constant 0 : i32
          %dma_start3A_317 = arith.constant 0 : i32
          %dma_start3A_318 = tpu.memref_slice %arg2[%dma_start3A_316, %dma_start3A_317] : memref<51200x128xf32, #tpu.memory_space<hbm>> -> memref<51200x128xf32, #tpu.memory_space<hbm>>
          tpu.enqueue_indirect_dma source(%dma_start3A_318 : memref<51200x128xf32, #tpu.memory_space<hbm>>) target(%arg14 : memref<64x128xf32, #tpu.memory_space<vmem>>) offsets(%dma_start3A_315 : memref<64xi32, #tpu.memory_space<vmem>>) semaphore(%arg17 : memref<!tpu.dma_semaphore, #tpu.memory_space<semaphore_mem>>)
        } else {
        }
        %mul3A_212 = arith.constant 3 : i32
        %mul3A_213 = arith.muli %mul3A_212, %scan3A_187 : i32
        %add3A_214 = arith.constant 1 : i32
        %add3A_215 = arith.addi %mul3A_213, %add3A_214 : i32
        %dma_wait3A_216 = arith.constant 0 : i32
        %dma_wait3A_217 = arith.constant 0 : i32
        %dma_wait3A_218 = tpu.memref_slice %arg2[%dma_wait3A_216, %dma_wait3A_217] : memref<51200x128xf32, #tpu.memory_space<hbm>> -> memref<64x128xf32, #tpu.memory_space<hbm>>
        %dma_wait3A_219 = arith.constant 0 : i32
        %dma_wait3A_220 = arith.constant 0 : i32
        %dma_wait3A_221 = tpu.memref_slice %arg2[%dma_wait3A_219, %dma_wait3A_220] : memref<51200x128xf32, #tpu.memory_space<hbm>> -> memref<64x128xf32, #tpu.memory_space<hbm>>
        tpu.wait_dma2 semaphore(%arg16 : memref<!tpu.dma_semaphore, #tpu.memory_space<semaphore_mem>>) src(%dma_wait3A_221 : memref<64x128xf32, #tpu.memory_space<hbm>>) dst(%arg13 : memref<64x128xf32, #tpu.memory_space<vmem>>)
        %dma_start3A_222 = arith.constant 0 : i32
        %dma_start3A_223 = arith.constant 0 : i32
        %dma_start3A_224 = tpu.memref_slice %arg21[%dma_start3A_222, %dma_start3A_223] : memref<12928x128xf32, #tpu.memory_space<vmem_shared>> -> memref<12928x128xf32, #tpu.memory_space<vmem_shared>>
        tpu.enqueue_indirect_dma source(%arg13 : memref<64x128xf32, #tpu.memory_space<vmem>>) target(%dma_start3A_224 : memref<12928x128xf32, #tpu.memory_space<vmem_shared>>) offsets(%arg10 : memref<64xi32, #tpu.memory_space<vmem>>) semaphore(%arg19 : memref<!tpu.dma_semaphore, #tpu.memory_space<semaphore_mem>>) {add = true}
        %add3A_225 = arith.constant 2 : i32
        %add3A_226 = arith.addi %add3A_215, %add3A_225 : i32
        %lt3A_227 = arith.constant 18 : i32
        %lt3A_228 = arith.cmpi slt, %add3A_226, %lt3A_227 : i32
        %ge3A_229 = arith.constant 3 : i32
        %ge3A_230 = arith.cmpi sge, %add3A_226, %ge3A_229 : i32
        %and3A_231 = arith.andi %lt3A_228, %ge3A_230 : i1
        %convert_element_type3A_232 = arith.extui %and3A_231 : i1 to i32
        %cond3A_233 = arith.constant 0 : i32
        %cond3A_234 = arith.cmpi ne, %convert_element_type3A_232, %cond3A_233 : i32
        scf.if %cond3A_234 {
          %dma_wait3A_269 = arith.constant 0 : i32
          %dma_wait3A_270 = arith.constant 0 : i32
          %dma_wait3A_271 = tpu.memref_slice %arg21[%dma_wait3A_269, %dma_wait3A_270] : memref<12928x128xf32, #tpu.memory_space<vmem_shared>> -> memref<12928x128xf32, #tpu.memory_space<vmem_shared>>
          tpu.wait_indirect_dma semaphore(%arg18 : memref<!tpu.dma_semaphore, #tpu.memory_space<semaphore_mem>>) src(%arg12 : memref<64x128xf32, #tpu.memory_space<vmem>>) dst(%dma_wait3A_271 : memref<12928x128xf32, #tpu.memory_space<vmem_shared>>)
        } else {
        }
        %lt3A_235 = arith.constant 18 : i32
        %lt3A_236 = arith.cmpi slt, %add3A_226, %lt3A_235 : i32
        %convert_element_type3A_237 = arith.extui %lt3A_236 : i1 to i32
        %cond3A_238 = arith.constant 0 : i32
        %cond3A_239 = arith.cmpi ne, %convert_element_type3A_237, %cond3A_238 : i32
        scf.if %cond3A_239 {
          %mul3A_269 = arith.constant 64 : i32
          %mul3A_270 = arith.muli %add3A_226, %mul3A_269 : i32
          %add3A_271 = arith.constant 0 : i32
          %add3A_272 = arith.addi %mul3A_270, %add3A_271 : i32
          %get3A_273 = arith.index_cast %add3A_272 : i32 to index
          %get3A_274 = tpu.vector_load %arg8[%get3A_273] {strides = array<i32>} : memref<1152xi32, #tpu.memory_space<vmem>>, vector<16xi32>,
          %get3A_275 = vector.shape_cast %get3A_274 : vector<16xi32> to vector<16xi32>
          %swap3A_276 = arith.constant 0 : index
          %swap3A_277 = tpu.vector_load %arg9[%swap3A_276] {strides = array<i32>} : memref<64xi32, #tpu.memory_space<vmem>>, vector<16xi32>,
          %swap3A_278 = vector.shape_cast %swap3A_277 : vector<16xi32> to vector<16xi32>
          %swap3A_279 = vector.shape_cast %get3A_275 : vector<16xi32> to vector<16xi32>
          tpu.vector_store %arg9[%swap3A_276], %swap3A_279 {strides = array<i32>} : memref<64xi32, #tpu.memory_space<vmem>>, vector<16xi32>,
          %mul3A_280 = arith.constant 64 : i32
          %mul3A_281 = arith.muli %add3A_226, %mul3A_280 : i32
          %add3A_282 = arith.constant 16 : i32
          %add3A_283 = arith.addi %mul3A_281, %add3A_282 : i32
          %get3A_284 = arith.index_cast %add3A_283 : i32 to index
          %get3A_285 = tpu.vector_load %arg8[%get3A_284] {strides = array<i32>} : memref<1152xi32, #tpu.memory_space<vmem>>, vector<16xi32>,
          %get3A_286 = vector.shape_cast %get3A_285 : vector<16xi32> to vector<16xi32>
          %swap3A_287 = arith.constant 16 : index
          %swap3A_288 = tpu.vector_load %arg9[%swap3A_287] {strides = array<i32>} : memref<64xi32, #tpu.memory_space<vmem>>, vector<16xi32>,
          %swap3A_289 = vector.shape_cast %swap3A_288 : vector<16xi32> to vector<16xi32>
          %swap3A_290 = vector.shape_cast %get3A_286 : vector<16xi32> to vector<16xi32>
          tpu.vector_store %arg9[%swap3A_287], %swap3A_290 {strides = array<i32>} : memref<64xi32, #tpu.memory_space<vmem>>, vector<16xi32>,
          %mul3A_291 = arith.constant 64 : i32
          %mul3A_292 = arith.muli %add3A_226, %mul3A_291 : i32
          %add3A_293 = arith.constant 32 : i32
          %add3A_294 = arith.addi %mul3A_292, %add3A_293 : i32
          %get3A_295 = arith.index_cast %add3A_294 : i32 to index
          %get3A_296 = tpu.vector_load %arg8[%get3A_295] {strides = array<i32>} : memref<1152xi32, #tpu.memory_space<vmem>>, vector<16xi32>,
          %get3A_297 = vector.shape_cast %get3A_296 : vector<16xi32> to vector<16xi32>
          %swap3A_298 = arith.constant 32 : index
          %swap3A_299 = tpu.vector_load %arg9[%swap3A_298] {strides = array<i32>} : memref<64xi32, #tpu.memory_space<vmem>>, vector<16xi32>,
          %swap3A_300 = vector.shape_cast %swap3A_299 : vector<16xi32> to vector<16xi32>
          %swap3A_301 = vector.shape_cast %get3A_297 : vector<16xi32> to vector<16xi32>
          tpu.vector_store %arg9[%swap3A_298], %swap3A_301 {strides = array<i32>} : memref<64xi32, #tpu.memory_space<vmem>>, vector<16xi32>,
          %mul3A_302 = arith.constant 64 : i32
          %mul3A_303 = arith.muli %add3A_226, %mul3A_302 : i32
          %add3A_304 = arith.constant 48 : i32
          %add3A_305 = arith.addi %mul3A_303, %add3A_304 : i32
          %get3A_306 = arith.index_cast %add3A_305 : i32 to index
          %get3A_307 = tpu.vector_load %arg8[%get3A_306] {strides = array<i32>} : memref<1152xi32, #tpu.memory_space<vmem>>, vector<16xi32>,
          %get3A_308 = vector.shape_cast %get3A_307 : vector<16xi32> to vector<16xi32>
          %swap3A_309 = arith.constant 48 : index
          %swap3A_310 = tpu.vector_load %arg9[%swap3A_309] {strides = array<i32>} : memref<64xi32, #tpu.memory_space<vmem>>, vector<16xi32>,
          %swap3A_311 = vector.shape_cast %swap3A_310 : vector<16xi32> to vector<16xi32>
          %swap3A_312 = vector.shape_cast %get3A_308 : vector<16xi32> to vector<16xi32>
          tpu.vector_store %arg9[%swap3A_309], %swap3A_312 {strides = array<i32>} : memref<64xi32, #tpu.memory_space<vmem>>, vector<16xi32>,
          %mul3A_313 = arith.constant 64 : i32
          %mul3A_314 = arith.muli %add3A_226, %mul3A_313 : i32
          %dma_start3A_315 = tpu.memref_slice %arg7[%mul3A_314] : memref<1152xi32, #tpu.memory_space<vmem>> -> memref<64xi32, #tpu.memory_space<vmem>>
          %dma_start3A_316 = arith.constant 0 : i32
          %dma_start3A_317 = arith.constant 0 : i32
          %dma_start3A_318 = tpu.memref_slice %arg2[%dma_start3A_316, %dma_start3A_317] : memref<51200x128xf32, #tpu.memory_space<hbm>> -> memref<51200x128xf32, #tpu.memory_space<hbm>>
          tpu.enqueue_indirect_dma source(%dma_start3A_318 : memref<51200x128xf32, #tpu.memory_space<hbm>>) target(%arg12 : memref<64x128xf32, #tpu.memory_space<vmem>>) offsets(%dma_start3A_315 : memref<64xi32, #tpu.memory_space<vmem>>) semaphore(%arg15 : memref<!tpu.dma_semaphore, #tpu.memory_space<semaphore_mem>>)
        } else {
        }
        %mul3A_240 = arith.constant 3 : i32
        %mul3A_241 = arith.muli %mul3A_240, %scan3A_187 : i32
        %add3A_242 = arith.constant 2 : i32
        %add3A_243 = arith.addi %mul3A_241, %add3A_242 : i32
        %dma_wait3A_244 = arith.constant 0 : i32
        %dma_wait3A_245 = arith.constant 0 : i32
        %dma_wait3A_246 = tpu.memref_slice %arg2[%dma_wait3A_244, %dma_wait3A_245] : memref<51200x128xf32, #tpu.memory_space<hbm>> -> memref<64x128xf32, #tpu.memory_space<hbm>>
        %dma_wait3A_247 = arith.constant 0 : i32
        %dma_wait3A_248 = arith.constant 0 : i32
        %dma_wait3A_249 = tpu.memref_slice %arg2[%dma_wait3A_247, %dma_wait3A_248] : memref<51200x128xf32, #tpu.memory_space<hbm>> -> memref<64x128xf32, #tpu.memory_space<hbm>>
        tpu.wait_dma2 semaphore(%arg17 : memref<!tpu.dma_semaphore, #tpu.memory_space<semaphore_mem>>) src(%dma_wait3A_249 : memref<64x128xf32, #tpu.memory_space<hbm>>) dst(%arg14 : memref<64x128xf32, #tpu.memory_space<vmem>>)
        %dma_start3A_250 = arith.constant 0 : i32
        %dma_start3A_251 = arith.constant 0 : i32
        %dma_start3A_252 = tpu.memref_slice %arg21[%dma_start3A_250, %dma_start3A_251] : memref<12928x128xf32, #tpu.memory_space<vmem_shared>> -> memref<12928x128xf32, #tpu.memory_space<vmem_shared>>
        tpu.enqueue_indirect_dma source(%arg14 : memref<64x128xf32, #tpu.memory_space<vmem>>) target(%dma_start3A_252 : memref<12928x128xf32, #tpu.memory_space<vmem_shared>>) offsets(%arg11 : memref<64xi32, #tpu.memory_space<vmem>>) semaphore(%arg20 : memref<!tpu.dma_semaphore, #tpu.memory_space<semaphore_mem>>) {add = true}
        %add3A_253 = arith.constant 2 : i32
        %add3A_254 = arith.addi %add3A_243, %add3A_253 : i32
        %lt3A_255 = arith.constant 18 : i32
        %lt3A_256 = arith.cmpi slt, %add3A_254, %lt3A_255 : i32
        %ge3A_257 = arith.constant 3 : i32
        %ge3A_258 = arith.cmpi sge, %add3A_254, %ge3A_257 : i32
        %and3A_259 = arith.andi %lt3A_256, %ge3A_258 : i1
        %convert_element_type3A_260 = arith.extui %and3A_259 : i1 to i32
        %cond3A_261 = arith.constant 0 : i32
        %cond3A_262 = arith.cmpi ne, %convert_element_type3A_260, %cond3A_261 : i32
        scf.if %cond3A_262 {
          %dma_wait3A_269 = arith.constant 0 : i32
          %dma_wait3A_270 = arith.constant 0 : i32
          %dma_wait3A_271 = tpu.memref_slice %arg21[%dma_wait3A_269, %dma_wait3A_270] : memref<12928x128xf32, #tpu.memory_space<vmem_shared>> -> memref<12928x128xf32, #tpu.memory_space<vmem_shared>>
          tpu.wait_indirect_dma semaphore(%arg19 : memref<!tpu.dma_semaphore, #tpu.memory_space<semaphore_mem>>) src(%arg13 : memref<64x128xf32, #tpu.memory_space<vmem>>) dst(%dma_wait3A_271 : memref<12928x128xf32, #tpu.memory_space<vmem_shared>>)
        } else {
        }
        %lt3A_263 = arith.constant 18 : i32
        %lt3A_264 = arith.cmpi slt, %add3A_254, %lt3A_263 : i32
        %convert_element_type3A_265 = arith.extui %lt3A_264 : i1 to i32
        %cond3A_266 = arith.constant 0 : i32
        %cond3A_267 = arith.cmpi ne, %convert_element_type3A_265, %cond3A_266 : i32
        scf.if %cond3A_267 {
          %mul3A_269 = arith.constant 64 : i32
          %mul3A_270 = arith.muli %add3A_254, %mul3A_269 : i32
          %add3A_271 = arith.constant 0 : i32
          %add3A_272 = arith.addi %mul3A_270, %add3A_271 : i32
          %get3A_273 = arith.index_cast %add3A_272 : i32 to index
          %get3A_274 = tpu.vector_load %arg8[%get3A_273] {strides = array<i32>} : memref<1152xi32, #tpu.memory_space<vmem>>, vector<16xi32>,
          %get3A_275 = vector.shape_cast %get3A_274 : vector<16xi32> to vector<16xi32>
          %swap3A_276 = arith.constant 0 : index
          %swap3A_277 = tpu.vector_load %arg10[%swap3A_276] {strides = array<i32>} : memref<64xi32, #tpu.memory_space<vmem>>, vector<16xi32>,
          %swap3A_278 = vector.shape_cast %swap3A_277 : vector<16xi32> to vector<16xi32>
          %swap3A_279 = vector.shape_cast %get3A_275 : vector<16xi32> to vector<16xi32>
          tpu.vector_store %arg10[%swap3A_276], %swap3A_279 {strides = array<i32>} : memref<64xi32, #tpu.memory_space<vmem>>, vector<16xi32>,
          %mul3A_280 = arith.constant 64 : i32
          %mul3A_281 = arith.muli %add3A_254, %mul3A_280 : i32
          %add3A_282 = arith.constant 16 : i32
          %add3A_283 = arith.addi %mul3A_281, %add3A_282 : i32
          %get3A_284 = arith.index_cast %add3A_283 : i32 to index
          %get3A_285 = tpu.vector_load %arg8[%get3A_284] {strides = array<i32>} : memref<1152xi32, #tpu.memory_space<vmem>>, vector<16xi32>,
          %get3A_286 = vector.shape_cast %get3A_285 : vector<16xi32> to vector<16xi32>
          %swap3A_287 = arith.constant 16 : index
          %swap3A_288 = tpu.vector_load %arg10[%swap3A_287] {strides = array<i32>} : memref<64xi32, #tpu.memory_space<vmem>>, vector<16xi32>,
          %swap3A_289 = vector.shape_cast %swap3A_288 : vector<16xi32> to vector<16xi32>
          %swap3A_290 = vector.shape_cast %get3A_286 : vector<16xi32> to vector<16xi32>
          tpu.vector_store %arg10[%swap3A_287], %swap3A_290 {strides = array<i32>} : memref<64xi32, #tpu.memory_space<vmem>>, vector<16xi32>,
          %mul3A_291 = arith.constant 64 : i32
          %mul3A_292 = arith.muli %add3A_254, %mul3A_291 : i32
          %add3A_293 = arith.constant 32 : i32
          %add3A_294 = arith.addi %mul3A_292, %add3A_293 : i32
          %get3A_295 = arith.index_cast %add3A_294 : i32 to index
          %get3A_296 = tpu.vector_load %arg8[%get3A_295] {strides = array<i32>} : memref<1152xi32, #tpu.memory_space<vmem>>, vector<16xi32>,
          %get3A_297 = vector.shape_cast %get3A_296 : vector<16xi32> to vector<16xi32>
          %swap3A_298 = arith.constant 32 : index
          %swap3A_299 = tpu.vector_load %arg10[%swap3A_298] {strides = array<i32>} : memref<64xi32, #tpu.memory_space<vmem>>, vector<16xi32>,
          %swap3A_300 = vector.shape_cast %swap3A_299 : vector<16xi32> to vector<16xi32>
          %swap3A_301 = vector.shape_cast %get3A_297 : vector<16xi32> to vector<16xi32>
          tpu.vector_store %arg10[%swap3A_298], %swap3A_301 {strides = array<i32>} : memref<64xi32, #tpu.memory_space<vmem>>, vector<16xi32>,
          %mul3A_302 = arith.constant 64 : i32
          %mul3A_303 = arith.muli %add3A_254, %mul3A_302 : i32
          %add3A_304 = arith.constant 48 : i32
          %add3A_305 = arith.addi %mul3A_303, %add3A_304 : i32
          %get3A_306 = arith.index_cast %add3A_305 : i32 to index
          %get3A_307 = tpu.vector_load %arg8[%get3A_306] {strides = array<i32>} : memref<1152xi32, #tpu.memory_space<vmem>>, vector<16xi32>,
          %get3A_308 = vector.shape_cast %get3A_307 : vector<16xi32> to vector<16xi32>
          %swap3A_309 = arith.constant 48 : index
          %swap3A_310 = tpu.vector_load %arg10[%swap3A_309] {strides = array<i32>} : memref<64xi32, #tpu.memory_space<vmem>>, vector<16xi32>,
          %swap3A_311 = vector.shape_cast %swap3A_310 : vector<16xi32> to vector<16xi32>
          %swap3A_312 = vector.shape_cast %get3A_308 : vector<16xi32> to vector<16xi32>
          tpu.vector_store %arg10[%swap3A_309], %swap3A_312 {strides = array<i32>} : memref<64xi32, #tpu.memory_space<vmem>>, vector<16xi32>,
          %mul3A_313 = arith.constant 64 : i32
          %mul3A_314 = arith.muli %add3A_254, %mul3A_313 : i32
          %dma_start3A_315 = tpu.memref_slice %arg7[%mul3A_314] : memref<1152xi32, #tpu.memory_space<vmem>> -> memref<64xi32, #tpu.memory_space<vmem>>
          %dma_start3A_316 = arith.constant 0 : i32
          %dma_start3A_317 = arith.constant 0 : i32
          %dma_start3A_318 = tpu.memref_slice %arg2[%dma_start3A_316, %dma_start3A_317] : memref<51200x128xf32, #tpu.memory_space<hbm>> -> memref<51200x128xf32, #tpu.memory_space<hbm>>
          tpu.enqueue_indirect_dma source(%dma_start3A_318 : memref<51200x128xf32, #tpu.memory_space<hbm>>) target(%arg13 : memref<64x128xf32, #tpu.memory_space<vmem>>) offsets(%dma_start3A_315 : memref<64xi32, #tpu.memory_space<vmem>>) semaphore(%arg16 : memref<!tpu.dma_semaphore, #tpu.memory_space<semaphore_mem>>)
        } else {
        }
        %scan3A_268 = arith.constant 0 : i32
        scf.yield %scan3A_268 : i32
      }
      %scan3A_177 = arith.constant 6 : i32
      %dma_wait3A = arith.constant 0 : i32
      %dma_wait3A_178 = arith.constant 0 : i32
      %dma_wait3A_179 = tpu.memref_slice %arg21[%dma_wait3A, %dma_wait3A_178] : memref<12928x128xf32, #tpu.memory_space<vmem_shared>> -> memref<12928x128xf32, #tpu.memory_space<vmem_shared>>
      tpu.wait_indirect_dma semaphore(%arg18 : memref<!tpu.dma_semaphore, #tpu.memory_space<semaphore_mem>>) src(%arg12 : memref<64x128xf32, #tpu.memory_space<vmem>>) dst(%dma_wait3A_179 : memref<12928x128xf32, #tpu.memory_space<vmem_shared>>)
      %dma_wait3A_180 = arith.constant 0 : i32
      %dma_wait3A_181 = arith.constant 0 : i32
      %dma_wait3A_182 = tpu.memref_slice %arg21[%dma_wait3A_180, %dma_wait3A_181] : memref<12928x128xf32, #tpu.memory_space<vmem_shared>> -> memref<12928x128xf32, #tpu.memory_space<vmem_shared>>
      tpu.wait_indirect_dma semaphore(%arg19 : memref<!tpu.dma_semaphore, #tpu.memory_space<semaphore_mem>>) src(%arg13 : memref<64x128xf32, #tpu.memory_space<vmem>>) dst(%dma_wait3A_182 : memref<12928x128xf32, #tpu.memory_space<vmem_shared>>)
      %dma_wait3A_183 = arith.constant 0 : i32
      %dma_wait3A_184 = arith.constant 0 : i32
      %dma_wait3A_185 = tpu.memref_slice %arg21[%dma_wait3A_183, %dma_wait3A_184] : memref<12928x128xf32, #tpu.memory_space<vmem_shared>> -> memref<12928x128xf32, #tpu.memory_space<vmem_shared>>
      tpu.wait_indirect_dma semaphore(%arg20 : memref<!tpu.dma_semaphore, #tpu.memory_space<semaphore_mem>>) src(%arg14 : memref<64x128xf32, #tpu.memory_space<vmem>>) dst(%dma_wait3A_185 : memref<12928x128xf32, #tpu.memory_space<vmem_shared>>)
      %scan3A_186 = arith.constant 0 : i32
      scf.yield %scan3A_186 : i32
    }
    %scan3A_37 = arith.constant 44 : i32
    %barrier3A_38 = arith.constant 0 : index
    tpu.barrier barrier_id(%barrier3A_38)
    %mul3A_39 = arith.constant 800 : i32
    %mul3A_40 = arith.muli %arg1, %mul3A_39 : i32
    %mul3A_41 = arith.constant 800 : i32
    %mul3A_42 = arith.muli %arg1, %mul3A_41 : i32
    %add3A_43 = arith.addi %mul3A_3, %mul3A_42 : i32
    "tpu.region"() ({
      %run_scoped3A = tpu.sem_alloc : memref<!tpu.dma_semaphore, #tpu.memory_space<semaphore_mem>>
      %dma_start3A = arith.constant 0 : i32
      %dma_start3A_94 = tpu.memref_slice %arg6[%add3A_43, %dma_start3A] : memref<51200x128xf32, #tpu.memory_space<hbm>> -> memref<800x128xf32, #tpu.memory_space<hbm>>
      %dma_start3A_95 = arith.constant 0 : i32
      %dma_start3A_96 = tpu.memref_slice %arg21[%mul3A_40, %dma_start3A_95] : memref<12928x128xf32, #tpu.memory_space<vmem_shared>> -> memref<800x128xf32, #tpu.memory_space<vmem_shared>>
      tpu.enqueue_dma source(%dma_start3A_96 : memref<800x128xf32, #tpu.memory_space<vmem_shared>>) target(%dma_start3A_94 : memref<800x128xf32, #tpu.memory_space<hbm>>) target_semaphore(%run_scoped3A : memref<!tpu.dma_semaphore, #tpu.memory_space<semaphore_mem>>)
      %dma_wait3A = arith.constant 0 : i32
      %dma_wait3A_97 = tpu.memref_slice %arg6[%add3A_43, %dma_wait3A] : memref<51200x128xf32, #tpu.memory_space<hbm>> -> memref<800x128xf32, #tpu.memory_space<hbm>>
      %dma_wait3A_98 = arith.constant 0 : i32
      %dma_wait3A_99 = tpu.memref_slice %arg21[%mul3A_40, %dma_wait3A_98] : memref<12928x128xf32, #tpu.memory_space<vmem_shared>> -> memref<800x128xf32, #tpu.memory_space<vmem_shared>>
      tpu.wait_dma2 semaphore(%run_scoped3A : memref<!tpu.dma_semaphore, #tpu.memory_space<semaphore_mem>>) src(%dma_wait3A_99 : memref<800x128xf32, #tpu.memory_space<vmem_shared>>) dst(%dma_wait3A_97 : memref<800x128xf32, #tpu.memory_space<hbm>>)
      tpu.yield
    }) : () -> ()
    %barrier3A_44 = arith.constant 0 : index
    tpu.barrier barrier_id(%barrier3A_44)
    %mul3A_45 = arith.constant 2 : i32
    %mul3A_46 = arith.muli %arg0, %mul3A_45 : i32
    %add3A_47 = arith.constant 1 : i32
    %add3A_48 = arith.addi %mul3A_46, %add3A_47 : i32
    %mul3A_49 = arith.constant 12800 : i32
    %mul3A_50 = arith.muli %add3A_48, %mul3A_49 : i32
    %mul3A_51 = arith.constant 808 : i32
    %mul3A_52 = arith.muli %arg1, %mul3A_51 : i32
    %add3A_53 = arith.constant 0 : i32
    %add3A_54 = arith.addi %mul3A_52, %add3A_53 : i32
    "tpu.region"() ({
      %run_scoped3A = tpu.sem_alloc : memref<!tpu.dma_semaphore, #tpu.memory_space<semaphore_mem>>
      %dma_start3A = arith.constant 0 : i32
      %dma_start3A_94 = tpu.memref_slice %arg21[%add3A_54, %dma_start3A] : memref<12928x128xf32, #tpu.memory_space<vmem_shared>> -> memref<128x128xf32, #tpu.memory_space<vmem_shared>>
      tpu.enqueue_dma source(%arg5 : memref<128x128xf32, #tpu.memory_space<hbm>>) target(%dma_start3A_94 : memref<128x128xf32, #tpu.memory_space<vmem_shared>>) target_semaphore(%run_scoped3A : memref<!tpu.dma_semaphore, #tpu.memory_space<semaphore_mem>>)
      %dma_wait3A = arith.constant 0 : i32
      %dma_wait3A_95 = tpu.memref_slice %arg21[%add3A_54, %dma_wait3A] : memref<12928x128xf32, #tpu.memory_space<vmem_shared>> -> memref<128x128xf32, #tpu.memory_space<vmem_shared>>
      tpu.wait_dma2 semaphore(%run_scoped3A : memref<!tpu.dma_semaphore, #tpu.memory_space<semaphore_mem>>) src(%arg5 : memref<128x128xf32, #tpu.memory_space<hbm>>) dst(%dma_wait3A_95 : memref<128x128xf32, #tpu.memory_space<vmem_shared>>)
      tpu.yield
    }) : () -> ()
    %mul3A_55 = arith.constant 808 : i32
    %mul3A_56 = arith.muli %arg1, %mul3A_55 : i32
    %add3A_57 = arith.constant 128 : i32
    %add3A_58 = arith.addi %mul3A_56, %add3A_57 : i32
    "tpu.region"() ({
      %run_scoped3A = tpu.sem_alloc : memref<!tpu.dma_semaphore, #tpu.memory_space<semaphore_mem>>
      %dma_start3A = arith.constant 0 : i32
      %dma_start3A_94 = tpu.memref_slice %arg21[%add3A_58, %dma_start3A] : memref<12928x128xf32, #tpu.memory_space<vmem_shared>> -> memref<128x128xf32, #tpu.memory_space<vmem_shared>>
      tpu.enqueue_dma source(%arg5 : memref<128x128xf32, #tpu.memory_space<hbm>>) target(%dma_start3A_94 : memref<128x128xf32, #tpu.memory_space<vmem_shared>>) target_semaphore(%run_scoped3A : memref<!tpu.dma_semaphore, #tpu.memory_space<semaphore_mem>>)
      %dma_wait3A = arith.constant 0 : i32
      %dma_wait3A_95 = tpu.memref_slice %arg21[%add3A_58, %dma_wait3A] : memref<12928x128xf32, #tpu.memory_space<vmem_shared>> -> memref<128x128xf32, #tpu.memory_space<vmem_shared>>
      tpu.wait_dma2 semaphore(%run_scoped3A : memref<!tpu.dma_semaphore, #tpu.memory_space<semaphore_mem>>) src(%arg5 : memref<128x128xf32, #tpu.memory_space<hbm>>) dst(%dma_wait3A_95 : memref<128x128xf32, #tpu.memory_space<vmem_shared>>)
      tpu.yield
    }) : () -> ()
    %mul3A_59 = arith.constant 808 : i32
    %mul3A_60 = arith.muli %arg1, %mul3A_59 : i32
    %add3A_61 = arith.constant 256 : i32
    %add3A_62 = arith.addi %mul3A_60, %add3A_61 : i32
    "tpu.region"() ({
      %run_scoped3A = tpu.sem_alloc : memref<!tpu.dma_semaphore, #tpu.memory_space<semaphore_mem>>
      %dma_start3A = arith.constant 0 : i32
      %dma_start3A_94 = tpu.memref_slice %arg21[%add3A_62, %dma_start3A] : memref<12928x128xf32, #tpu.memory_space<vmem_shared>> -> memref<128x128xf32, #tpu.memory_space<vmem_shared>>
      tpu.enqueue_dma source(%arg5 : memref<128x128xf32, #tpu.memory_space<hbm>>) target(%dma_start3A_94 : memref<128x128xf32, #tpu.memory_space<vmem_shared>>) target_semaphore(%run_scoped3A : memref<!tpu.dma_semaphore, #tpu.memory_space<semaphore_mem>>)
      %dma_wait3A = arith.constant 0 : i32
      %dma_wait3A_95 = tpu.memref_slice %arg21[%add3A_62, %dma_wait3A] : memref<12928x128xf32, #tpu.memory_space<vmem_shared>> -> memref<128x128xf32, #tpu.memory_space<vmem_shared>>
      tpu.wait_dma2 semaphore(%run_scoped3A : memref<!tpu.dma_semaphore, #tpu.memory_space<semaphore_mem>>) src(%arg5 : memref<128x128xf32, #tpu.memory_space<hbm>>) dst(%dma_wait3A_95 : memref<128x128xf32, #tpu.memory_space<vmem_shared>>)
      tpu.yield
    }) : () -> ()
    %mul3A_63 = arith.constant 808 : i32
    %mul3A_64 = arith.muli %arg1, %mul3A_63 : i32
    %add3A_65 = arith.constant 384 : i32
    %add3A_66 = arith.addi %mul3A_64, %add3A_65 : i32
    "tpu.region"() ({
      %run_scoped3A = tpu.sem_alloc : memref<!tpu.dma_semaphore, #tpu.memory_space<semaphore_mem>>
      %dma_start3A = arith.constant 0 : i32
      %dma_start3A_94 = tpu.memref_slice %arg21[%add3A_66, %dma_start3A] : memref<12928x128xf32, #tpu.memory_space<vmem_shared>> -> memref<128x128xf32, #tpu.memory_space<vmem_shared>>
      tpu.enqueue_dma source(%arg5 : memref<128x128xf32, #tpu.memory_space<hbm>>) target(%dma_start3A_94 : memref<128x128xf32, #tpu.memory_space<vmem_shared>>) target_semaphore(%run_scoped3A : memref<!tpu.dma_semaphore, #tpu.memory_space<semaphore_mem>>)
      %dma_wait3A = arith.constant 0 : i32
      %dma_wait3A_95 = tpu.memref_slice %arg21[%add3A_66, %dma_wait3A] : memref<12928x128xf32, #tpu.memory_space<vmem_shared>> -> memref<128x128xf32, #tpu.memory_space<vmem_shared>>
      tpu.wait_dma2 semaphore(%run_scoped3A : memref<!tpu.dma_semaphore, #tpu.memory_space<semaphore_mem>>) src(%arg5 : memref<128x128xf32, #tpu.memory_space<hbm>>) dst(%dma_wait3A_95 : memref<128x128xf32, #tpu.memory_space<vmem_shared>>)
      tpu.yield
    }) : () -> ()
    %mul3A_67 = arith.constant 808 : i32
    %mul3A_68 = arith.muli %arg1, %mul3A_67 : i32
    %add3A_69 = arith.constant 512 : i32
    %add3A_70 = arith.addi %mul3A_68, %add3A_69 : i32
    "tpu.region"() ({
      %run_scoped3A = tpu.sem_alloc : memref<!tpu.dma_semaphore, #tpu.memory_space<semaphore_mem>>
      %dma_start3A = arith.constant 0 : i32
      %dma_start3A_94 = tpu.memref_slice %arg21[%add3A_70, %dma_start3A] : memref<12928x128xf32, #tpu.memory_space<vmem_shared>> -> memref<128x128xf32, #tpu.memory_space<vmem_shared>>
      tpu.enqueue_dma source(%arg5 : memref<128x128xf32, #tpu.memory_space<hbm>>) target(%dma_start3A_94 : memref<128x128xf32, #tpu.memory_space<vmem_shared>>) target_semaphore(%run_scoped3A : memref<!tpu.dma_semaphore, #tpu.memory_space<semaphore_mem>>)
      %dma_wait3A = arith.constant 0 : i32
      %dma_wait3A_95 = tpu.memref_slice %arg21[%add3A_70, %dma_wait3A] : memref<12928x128xf32, #tpu.memory_space<vmem_shared>> -> memref<128x128xf32, #tpu.memory_space<vmem_shared>>
      tpu.wait_dma2 semaphore(%run_scoped3A : memref<!tpu.dma_semaphore, #tpu.memory_space<semaphore_mem>>) src(%arg5 : memref<128x128xf32, #tpu.memory_space<hbm>>) dst(%dma_wait3A_95 : memref<128x128xf32, #tpu.memory_space<vmem_shared>>)
      tpu.yield
    }) : () -> ()
    %mul3A_71 = arith.constant 808 : i32
    %mul3A_72 = arith.muli %arg1, %mul3A_71 : i32
    %add3A_73 = arith.constant 640 : i32
    %add3A_74 = arith.addi %mul3A_72, %add3A_73 : i32
    "tpu.region"() ({
      %run_scoped3A = tpu.sem_alloc : memref<!tpu.dma_semaphore, #tpu.memory_space<semaphore_mem>>
      %dma_start3A = arith.constant 0 : i32
      %dma_start3A_94 = tpu.memref_slice %arg21[%add3A_74, %dma_start3A] : memref<12928x128xf32, #tpu.memory_space<vmem_shared>> -> memref<128x128xf32, #tpu.memory_space<vmem_shared>>
      tpu.enqueue_dma source(%arg5 : memref<128x128xf32, #tpu.memory_space<hbm>>) target(%dma_start3A_94 : memref<128x128xf32, #tpu.memory_space<vmem_shared>>) target_semaphore(%run_scoped3A : memref<!tpu.dma_semaphore, #tpu.memory_space<semaphore_mem>>)
      %dma_wait3A = arith.constant 0 : i32
      %dma_wait3A_95 = tpu.memref_slice %arg21[%add3A_74, %dma_wait3A] : memref<12928x128xf32, #tpu.memory_space<vmem_shared>> -> memref<128x128xf32, #tpu.memory_space<vmem_shared>>
      tpu.wait_dma2 semaphore(%run_scoped3A : memref<!tpu.dma_semaphore, #tpu.memory_space<semaphore_mem>>) src(%arg5 : memref<128x128xf32, #tpu.memory_space<hbm>>) dst(%dma_wait3A_95 : memref<128x128xf32, #tpu.memory_space<vmem_shared>>)
      tpu.yield
    }) : () -> ()
    %mul3A_75 = arith.constant 808 : i32
    %mul3A_76 = arith.muli %arg1, %mul3A_75 : i32
    %add3A_77 = arith.constant 768 : i32
    %add3A_78 = arith.addi %mul3A_76, %add3A_77 : i32
    "tpu.region"() ({
      %run_scoped3A = tpu.sem_alloc : memref<!tpu.dma_semaphore, #tpu.memory_space<semaphore_mem>>
      %dma_start3A = arith.constant 0 : i32
      %dma_start3A_94 = tpu.memref_slice %arg21[%add3A_78, %dma_start3A] : memref<12928x128xf32, #tpu.memory_space<vmem_shared>> -> memref<40x128xf32, #tpu.memory_space<vmem_shared>>
      %dma_start3A_95 = arith.constant 0 : i32
      %dma_start3A_96 = arith.constant 0 : i32
      %dma_start3A_97 = tpu.memref_slice %arg5[%dma_start3A_95, %dma_start3A_96] : memref<128x128xf32, #tpu.memory_space<hbm>> -> memref<40x128xf32, #tpu.memory_space<hbm>>
      tpu.enqueue_dma source(%dma_start3A_97 : memref<40x128xf32, #tpu.memory_space<hbm>>) target(%dma_start3A_94 : memref<40x128xf32, #tpu.memory_space<vmem_shared>>) target_semaphore(%run_scoped3A : memref<!tpu.dma_semaphore, #tpu.memory_space<semaphore_mem>>)
      %dma_wait3A = arith.constant 0 : i32
      %dma_wait3A_98 = tpu.memref_slice %arg21[%add3A_78, %dma_wait3A] : memref<12928x128xf32, #tpu.memory_space<vmem_shared>> -> memref<40x128xf32, #tpu.memory_space<vmem_shared>>
      %dma_wait3A_99 = arith.constant 0 : i32
      %dma_wait3A_100 = arith.constant 0 : i32
      %dma_wait3A_101 = tpu.memref_slice %arg5[%dma_wait3A_99, %dma_wait3A_100] : memref<128x128xf32, #tpu.memory_space<hbm>> -> memref<40x128xf32, #tpu.memory_space<hbm>>
      tpu.wait_dma2 semaphore(%run_scoped3A : memref<!tpu.dma_semaphore, #tpu.memory_space<semaphore_mem>>) src(%dma_wait3A_101 : memref<40x128xf32, #tpu.memory_space<hbm>>) dst(%dma_wait3A_98 : memref<40x128xf32, #tpu.memory_space<vmem_shared>>)
      tpu.yield
    }) : () -> ()
    %barrier3A_79 = arith.constant 0 : index
    tpu.barrier barrier_id(%barrier3A_79)
    %scan3A_80 = arith.constant 0 : i32
    %scan3A_81 = arith.constant 0 : i32
    %scan3A_82 = arith.constant 44 : i32
    %scan3A_83 = arith.addi %scan3A_81, %scan3A_82 : i32
    %scan3A_84 = arith.constant 1 : i32
    %scan3A_85 = scf.for %scan3A_94 = %scan3A_81 to %scan3A_83 step %scan3A_84 iter_args(%scan3A_95 = %scan3A_80) -> (i32)  : i32 {
      %mul3A_96 = arith.constant 50688 : i32
      %mul3A_97 = arith.muli %arg1, %mul3A_96 : i32
      %mul3A_98 = arith.constant 1152 : i32
      %mul3A_99 = arith.muli %scan3A_94, %mul3A_98 : i32
      %add3A_100 = arith.addi %mul3A_97, %mul3A_99 : i32
      "tpu.region"() ({
        %run_scoped3A = tpu.sem_alloc : memref<!tpu.dma_semaphore, #tpu.memory_space<semaphore_mem>>
        %dma_start3A_187 = tpu.memref_slice %arg3[%add3A_100] : memref<811008xi32, #tpu.memory_space<hbm>> -> memref<1152xi32, #tpu.memory_space<hbm>>
        %dma_start3A_188 = tpu.memref_slice %arg3[%add3A_100] : memref<811008xi32, #tpu.memory_space<hbm>> -> memref<1152xi32, #tpu.memory_space<hbm>>
        tpu.enqueue_dma source(%dma_start3A_188 : memref<1152xi32, #tpu.memory_space<hbm>>) target(%arg7 : memref<1152xi32, #tpu.memory_space<vmem>>) target_semaphore(%run_scoped3A : memref<!tpu.dma_semaphore, #tpu.memory_space<semaphore_mem>>)
        %dma_wait3A_189 = tpu.memref_slice %arg3[%add3A_100] : memref<811008xi32, #tpu.memory_space<hbm>> -> memref<1152xi32, #tpu.memory_space<hbm>>
        %dma_wait3A_190 = tpu.memref_slice %arg3[%add3A_100] : memref<811008xi32, #tpu.memory_space<hbm>> -> memref<1152xi32, #tpu.memory_space<hbm>>
        tpu.wait_dma2 semaphore(%run_scoped3A : memref<!tpu.dma_semaphore, #tpu.memory_space<semaphore_mem>>) src(%dma_wait3A_190 : memref<1152xi32, #tpu.memory_space<hbm>>) dst(%arg7 : memref<1152xi32, #tpu.memory_space<vmem>>)
        tpu.yield
      }) : () -> ()
      "tpu.region"() ({
        %run_scoped3A = tpu.sem_alloc : memref<!tpu.dma_semaphore, #tpu.memory_space<semaphore_mem>>
        %dma_start3A_187 = tpu.memref_slice %arg4[%add3A_100] : memref<811008xi32, #tpu.memory_space<hbm>> -> memref<1152xi32, #tpu.memory_space<hbm>>
        %dma_start3A_188 = tpu.memref_slice %arg4[%add3A_100] : memref<811008xi32, #tpu.memory_space<hbm>> -> memref<1152xi32, #tpu.memory_space<hbm>>
        tpu.enqueue_dma source(%dma_start3A_188 : memref<1152xi32, #tpu.memory_space<hbm>>) target(%arg8 : memref<1152xi32, #tpu.memory_space<vmem>>) target_semaphore(%run_scoped3A : memref<!tpu.dma_semaphore, #tpu.memory_space<semaphore_mem>>)
        %dma_wait3A_189 = tpu.memref_slice %arg4[%add3A_100] : memref<811008xi32, #tpu.memory_space<hbm>> -> memref<1152xi32, #tpu.memory_space<hbm>>
        %dma_wait3A_190 = tpu.memref_slice %arg4[%add3A_100] : memref<811008xi32, #tpu.memory_space<hbm>> -> memref<1152xi32, #tpu.memory_space<hbm>>
        tpu.wait_dma2 semaphore(%run_scoped3A : memref<!tpu.dma_semaphore, #tpu.memory_space<semaphore_mem>>) src(%dma_wait3A_190 : memref<1152xi32, #tpu.memory_space<hbm>>) dst(%arg8 : memref<1152xi32, #tpu.memory_space<vmem>>)
        tpu.yield
      }) : () -> ()
      %scan3A_101 = arith.constant 0 : i32
      %scan3A_102 = arith.constant 0 : i32
      %scan3A_103 = arith.constant 72 : i32
      %scan3A_104 = arith.addi %scan3A_102, %scan3A_103 : i32
      %scan3A_105 = arith.constant 1 : i32
      %scan3A_106 = scf.for %scan3A_187 = %scan3A_102 to %scan3A_104 step %scan3A_105 iter_args(%scan3A_188 = %scan3A_101) -> (i32)  : i32 {
        %mul3A_189 = arith.constant 16 : i32
        %mul3A_190 = arith.muli %scan3A_187, %mul3A_189 : i32
        %get3A_191 = arith.index_cast %mul3A_190 : i32 to index
        %get3A_192 = tpu.vector_load %arg8[%get3A_191] {strides = array<i32>} : memref<1152xi32, #tpu.memory_space<vmem>>, vector<16xi32>,
        %get3A_193 = vector.shape_cast %get3A_192 : vector<16xi32> to vector<16xi32>
        %sub3A = vector.broadcast %mul3A_50 : i32 to vector<16xi32>
        %sub3A_194 = arith.subi %get3A_193, %sub3A : vector<16xi32>
        %ge3A = arith.constant 0 : i32
        %ge3A_195 = vector.broadcast %ge3A : i32 to vector<16xi32>
        %ge3A_196 = arith.cmpi sge, %sub3A_194, %ge3A_195 : vector<16xi32>
        %lt3A = arith.constant 12800 : i32
        %lt3A_197 = vector.broadcast %lt3A : i32 to vector<16xi32>
        %lt3A_198 = arith.cmpi slt, %sub3A_194, %lt3A_197 : vector<16xi32>
        %and3A = arith.andi %ge3A_196, %lt3A_198 : vector<16xi1>
        %jit3A = arith.constant 12800 : i32
        %broadcast_in_dim3A = vector.broadcast %jit3A : i32 to vector<16xi32>
        %select_n3A = arith.select %and3A, %sub3A_194, %broadcast_in_dim3A : vector<16xi1>, vector<16xi32>
        %mul3A_199 = arith.constant 16 : i32
        %mul3A_200 = arith.muli %scan3A_187, %mul3A_199 : i32
        %swap3A_201 = arith.index_cast %mul3A_200 : i32 to index
        %swap3A_202 = tpu.vector_load %arg8[%swap3A_201] {strides = array<i32>} : memref<1152xi32, #tpu.memory_space<vmem>>, vector<16xi32>,
        %swap3A_203 = vector.shape_cast %swap3A_202 : vector<16xi32> to vector<16xi32>
        %swap3A_204 = vector.shape_cast %select_n3A : vector<16xi32> to vector<16xi32>
        tpu.vector_store %arg8[%swap3A_201], %swap3A_204 {strides = array<i32>} : memref<1152xi32, #tpu.memory_space<vmem>>, vector<16xi32>,
        %scan3A_205 = arith.constant 0 : i32
        scf.yield %scan3A_205 : i32
      }
      %scan3A_107 = arith.constant 72 : i32
      %get3A = arith.constant 0 : index
      %get3A_108 = tpu.vector_load %arg8[%get3A] {strides = array<i32>} : memref<1152xi32, #tpu.memory_space<vmem>>, vector<16xi32>,
      %get3A_109 = vector.shape_cast %get3A_108 : vector<16xi32> to vector<16xi32>
      %swap3A = arith.constant 0 : index
      %swap3A_110 = tpu.vector_load %arg9[%swap3A] {strides = array<i32>} : memref<64xi32, #tpu.memory_space<vmem>>, vector<16xi32>,
      %swap3A_111 = vector.shape_cast %swap3A_110 : vector<16xi32> to vector<16xi32>
      %swap3A_112 = vector.shape_cast %get3A_109 : vector<16xi32> to vector<16xi32>
      tpu.vector_store %arg9[%swap3A], %swap3A_112 {strides = array<i32>} : memref<64xi32, #tpu.memory_space<vmem>>, vector<16xi32>,
      %get3A_113 = arith.constant 16 : index
      %get3A_114 = tpu.vector_load %arg8[%get3A_113] {strides = array<i32>} : memref<1152xi32, #tpu.memory_space<vmem>>, vector<16xi32>,
      %get3A_115 = vector.shape_cast %get3A_114 : vector<16xi32> to vector<16xi32>
      %swap3A_116 = arith.constant 16 : index
      %swap3A_117 = tpu.vector_load %arg9[%swap3A_116] {strides = array<i32>} : memref<64xi32, #tpu.memory_space<vmem>>, vector<16xi32>,
      %swap3A_118 = vector.shape_cast %swap3A_117 : vector<16xi32> to vector<16xi32>
      %swap3A_119 = vector.shape_cast %get3A_115 : vector<16xi32> to vector<16xi32>
      tpu.vector_store %arg9[%swap3A_116], %swap3A_119 {strides = array<i32>} : memref<64xi32, #tpu.memory_space<vmem>>, vector<16xi32>,
      %get3A_120 = arith.constant 32 : index
      %get3A_121 = tpu.vector_load %arg8[%get3A_120] {strides = array<i32>} : memref<1152xi32, #tpu.memory_space<vmem>>, vector<16xi32>,
      %get3A_122 = vector.shape_cast %get3A_121 : vector<16xi32> to vector<16xi32>
      %swap3A_123 = arith.constant 32 : index
      %swap3A_124 = tpu.vector_load %arg9[%swap3A_123] {strides = array<i32>} : memref<64xi32, #tpu.memory_space<vmem>>, vector<16xi32>,
      %swap3A_125 = vector.shape_cast %swap3A_124 : vector<16xi32> to vector<16xi32>
      %swap3A_126 = vector.shape_cast %get3A_122 : vector<16xi32> to vector<16xi32>
      tpu.vector_store %arg9[%swap3A_123], %swap3A_126 {strides = array<i32>} : memref<64xi32, #tpu.memory_space<vmem>>, vector<16xi32>,
      %get3A_127 = arith.constant 48 : index
      %get3A_128 = tpu.vector_load %arg8[%get3A_127] {strides = array<i32>} : memref<1152xi32, #tpu.memory_space<vmem>>, vector<16xi32>,
      %get3A_129 = vector.shape_cast %get3A_128 : vector<16xi32> to vector<16xi32>
      %swap3A_130 = arith.constant 48 : index
      %swap3A_131 = tpu.vector_load %arg9[%swap3A_130] {strides = array<i32>} : memref<64xi32, #tpu.memory_space<vmem>>, vector<16xi32>,
      %swap3A_132 = vector.shape_cast %swap3A_131 : vector<16xi32> to vector<16xi32>
      %swap3A_133 = vector.shape_cast %get3A_129 : vector<16xi32> to vector<16xi32>
      tpu.vector_store %arg9[%swap3A_130], %swap3A_133 {strides = array<i32>} : memref<64xi32, #tpu.memory_space<vmem>>, vector<16xi32>,
      %dma_start3A = arith.constant 0 : i32
      %dma_start3A_134 = tpu.memref_slice %arg7[%dma_start3A] : memref<1152xi32, #tpu.memory_space<vmem>> -> memref<64xi32, #tpu.memory_space<vmem>>
      %dma_start3A_135 = arith.constant 0 : i32
      %dma_start3A_136 = arith.constant 0 : i32
      %dma_start3A_137 = tpu.memref_slice %arg2[%dma_start3A_135, %dma_start3A_136] : memref<51200x128xf32, #tpu.memory_space<hbm>> -> memref<51200x128xf32, #tpu.memory_space<hbm>>
      tpu.enqueue_indirect_dma source(%dma_start3A_137 : memref<51200x128xf32, #tpu.memory_space<hbm>>) target(%arg12 : memref<64x128xf32, #tpu.memory_space<vmem>>) offsets(%dma_start3A_134 : memref<64xi32, #tpu.memory_space<vmem>>) semaphore(%arg15 : memref<!tpu.dma_semaphore, #tpu.memory_space<semaphore_mem>>)
      %get3A_138 = arith.constant 64 : index
      %get3A_139 = tpu.vector_load %arg8[%get3A_138] {strides = array<i32>} : memref<1152xi32, #tpu.memory_space<vmem>>, vector<16xi32>,
      %get3A_140 = vector.shape_cast %get3A_139 : vector<16xi32> to vector<16xi32>
      %swap3A_141 = arith.constant 0 : index
      %swap3A_142 = tpu.vector_load %arg10[%swap3A_141] {strides = array<i32>} : memref<64xi32, #tpu.memory_space<vmem>>, vector<16xi32>,
      %swap3A_143 = vector.shape_cast %swap3A_142 : vector<16xi32> to vector<16xi32>
      %swap3A_144 = vector.shape_cast %get3A_140 : vector<16xi32> to vector<16xi32>
      tpu.vector_store %arg10[%swap3A_141], %swap3A_144 {strides = array<i32>} : memref<64xi32, #tpu.memory_space<vmem>>, vector<16xi32>,
      %get3A_145 = arith.constant 80 : index
      %get3A_146 = tpu.vector_load %arg8[%get3A_145] {strides = array<i32>} : memref<1152xi32, #tpu.memory_space<vmem>>, vector<16xi32>,
      %get3A_147 = vector.shape_cast %get3A_146 : vector<16xi32> to vector<16xi32>
      %swap3A_148 = arith.constant 16 : index
      %swap3A_149 = tpu.vector_load %arg10[%swap3A_148] {strides = array<i32>} : memref<64xi32, #tpu.memory_space<vmem>>, vector<16xi32>,
      %swap3A_150 = vector.shape_cast %swap3A_149 : vector<16xi32> to vector<16xi32>
      %swap3A_151 = vector.shape_cast %get3A_147 : vector<16xi32> to vector<16xi32>
      tpu.vector_store %arg10[%swap3A_148], %swap3A_151 {strides = array<i32>} : memref<64xi32, #tpu.memory_space<vmem>>, vector<16xi32>,
      %get3A_152 = arith.constant 96 : index
      %get3A_153 = tpu.vector_load %arg8[%get3A_152] {strides = array<i32>} : memref<1152xi32, #tpu.memory_space<vmem>>, vector<16xi32>,
      %get3A_154 = vector.shape_cast %get3A_153 : vector<16xi32> to vector<16xi32>
      %swap3A_155 = arith.constant 32 : index
      %swap3A_156 = tpu.vector_load %arg10[%swap3A_155] {strides = array<i32>} : memref<64xi32, #tpu.memory_space<vmem>>, vector<16xi32>,
      %swap3A_157 = vector.shape_cast %swap3A_156 : vector<16xi32> to vector<16xi32>
      %swap3A_158 = vector.shape_cast %get3A_154 : vector<16xi32> to vector<16xi32>
      tpu.vector_store %arg10[%swap3A_155], %swap3A_158 {strides = array<i32>} : memref<64xi32, #tpu.memory_space<vmem>>, vector<16xi32>,
      %get3A_159 = arith.constant 112 : index
      %get3A_160 = tpu.vector_load %arg8[%get3A_159] {strides = array<i32>} : memref<1152xi32, #tpu.memory_space<vmem>>, vector<16xi32>,
      %get3A_161 = vector.shape_cast %get3A_160 : vector<16xi32> to vector<16xi32>
      %swap3A_162 = arith.constant 48 : index
      %swap3A_163 = tpu.vector_load %arg10[%swap3A_162] {strides = array<i32>} : memref<64xi32, #tpu.memory_space<vmem>>, vector<16xi32>,
      %swap3A_164 = vector.shape_cast %swap3A_163 : vector<16xi32> to vector<16xi32>
      %swap3A_165 = vector.shape_cast %get3A_161 : vector<16xi32> to vector<16xi32>
      tpu.vector_store %arg10[%swap3A_162], %swap3A_165 {strides = array<i32>} : memref<64xi32, #tpu.memory_space<vmem>>, vector<16xi32>,
      %dma_start3A_166 = arith.constant 64 : i32
      %dma_start3A_167 = tpu.memref_slice %arg7[%dma_start3A_166] : memref<1152xi32, #tpu.memory_space<vmem>> -> memref<64xi32, #tpu.memory_space<vmem>>
      %dma_start3A_168 = arith.constant 0 : i32
      %dma_start3A_169 = arith.constant 0 : i32
      %dma_start3A_170 = tpu.memref_slice %arg2[%dma_start3A_168, %dma_start3A_169] : memref<51200x128xf32, #tpu.memory_space<hbm>> -> memref<51200x128xf32, #tpu.memory_space<hbm>>
      tpu.enqueue_indirect_dma source(%dma_start3A_170 : memref<51200x128xf32, #tpu.memory_space<hbm>>) target(%arg13 : memref<64x128xf32, #tpu.memory_space<vmem>>) offsets(%dma_start3A_167 : memref<64xi32, #tpu.memory_space<vmem>>) semaphore(%arg16 : memref<!tpu.dma_semaphore, #tpu.memory_space<semaphore_mem>>)
      %scan3A_171 = arith.constant 0 : i32
      %scan3A_172 = arith.constant 0 : i32
      %scan3A_173 = arith.constant 6 : i32
      %scan3A_174 = arith.addi %scan3A_172, %scan3A_173 : i32
      %scan3A_175 = arith.constant 1 : i32
      %scan3A_176 = scf.for %scan3A_187 = %scan3A_172 to %scan3A_174 step %scan3A_175 iter_args(%scan3A_188 = %scan3A_171) -> (i32)  : i32 {
        %mul3A_189 = arith.constant 3 : i32
        %mul3A_190 = arith.muli %mul3A_189, %scan3A_187 : i32
        %add3A_191 = arith.constant 0 : i32
        %add3A_192 = arith.addi %mul3A_190, %add3A_191 : i32
        %dma_wait3A_193 = arith.constant 0 : i32
        %dma_wait3A_194 = arith.constant 0 : i32
        %dma_wait3A_195 = tpu.memref_slice %arg2[%dma_wait3A_193, %dma_wait3A_194] : memref<51200x128xf32, #tpu.memory_space<hbm>> -> memref<64x128xf32, #tpu.memory_space<hbm>>
        %dma_wait3A_196 = arith.constant 0 : i32
        %dma_wait3A_197 = arith.constant 0 : i32
        %dma_wait3A_198 = tpu.memref_slice %arg2[%dma_wait3A_196, %dma_wait3A_197] : memref<51200x128xf32, #tpu.memory_space<hbm>> -> memref<64x128xf32, #tpu.memory_space<hbm>>
        tpu.wait_dma2 semaphore(%arg15 : memref<!tpu.dma_semaphore, #tpu.memory_space<semaphore_mem>>) src(%dma_wait3A_198 : memref<64x128xf32, #tpu.memory_space<hbm>>) dst(%arg12 : memref<64x128xf32, #tpu.memory_space<vmem>>)
        %dma_start3A_199 = arith.constant 0 : i32
        %dma_start3A_200 = arith.constant 0 : i32
        %dma_start3A_201 = tpu.memref_slice %arg21[%dma_start3A_199, %dma_start3A_200] : memref<12928x128xf32, #tpu.memory_space<vmem_shared>> -> memref<12928x128xf32, #tpu.memory_space<vmem_shared>>
        tpu.enqueue_indirect_dma source(%arg12 : memref<64x128xf32, #tpu.memory_space<vmem>>) target(%dma_start3A_201 : memref<12928x128xf32, #tpu.memory_space<vmem_shared>>) offsets(%arg9 : memref<64xi32, #tpu.memory_space<vmem>>) semaphore(%arg18 : memref<!tpu.dma_semaphore, #tpu.memory_space<semaphore_mem>>) {add = true}
        %add3A_202 = arith.constant 2 : i32
        %add3A_203 = arith.addi %add3A_192, %add3A_202 : i32
        %lt3A = arith.constant 18 : i32
        %lt3A_204 = arith.cmpi slt, %add3A_203, %lt3A : i32
        %ge3A = arith.constant 3 : i32
        %ge3A_205 = arith.cmpi sge, %add3A_203, %ge3A : i32
        %and3A = arith.andi %lt3A_204, %ge3A_205 : i1
        %convert_element_type3A = arith.extui %and3A : i1 to i32
        %cond3A = arith.constant 0 : i32
        %cond3A_206 = arith.cmpi ne, %convert_element_type3A, %cond3A : i32
        scf.if %cond3A_206 {
          %dma_wait3A_269 = arith.constant 0 : i32
          %dma_wait3A_270 = arith.constant 0 : i32
          %dma_wait3A_271 = tpu.memref_slice %arg21[%dma_wait3A_269, %dma_wait3A_270] : memref<12928x128xf32, #tpu.memory_space<vmem_shared>> -> memref<12928x128xf32, #tpu.memory_space<vmem_shared>>
          tpu.wait_indirect_dma semaphore(%arg20 : memref<!tpu.dma_semaphore, #tpu.memory_space<semaphore_mem>>) src(%arg14 : memref<64x128xf32, #tpu.memory_space<vmem>>) dst(%dma_wait3A_271 : memref<12928x128xf32, #tpu.memory_space<vmem_shared>>)
        } else {
        }
        %lt3A_207 = arith.constant 18 : i32
        %lt3A_208 = arith.cmpi slt, %add3A_203, %lt3A_207 : i32
        %convert_element_type3A_209 = arith.extui %lt3A_208 : i1 to i32
        %cond3A_210 = arith.constant 0 : i32
        %cond3A_211 = arith.cmpi ne, %convert_element_type3A_209, %cond3A_210 : i32
        scf.if %cond3A_211 {
          %mul3A_269 = arith.constant 64 : i32
          %mul3A_270 = arith.muli %add3A_203, %mul3A_269 : i32
          %add3A_271 = arith.constant 0 : i32
          %add3A_272 = arith.addi %mul3A_270, %add3A_271 : i32
          %get3A_273 = arith.index_cast %add3A_272 : i32 to index
          %get3A_274 = tpu.vector_load %arg8[%get3A_273] {strides = array<i32>} : memref<1152xi32, #tpu.memory_space<vmem>>, vector<16xi32>,
          %get3A_275 = vector.shape_cast %get3A_274 : vector<16xi32> to vector<16xi32>
          %swap3A_276 = arith.constant 0 : index
          %swap3A_277 = tpu.vector_load %arg11[%swap3A_276] {strides = array<i32>} : memref<64xi32, #tpu.memory_space<vmem>>, vector<16xi32>,
          %swap3A_278 = vector.shape_cast %swap3A_277 : vector<16xi32> to vector<16xi32>
          %swap3A_279 = vector.shape_cast %get3A_275 : vector<16xi32> to vector<16xi32>
          tpu.vector_store %arg11[%swap3A_276], %swap3A_279 {strides = array<i32>} : memref<64xi32, #tpu.memory_space<vmem>>, vector<16xi32>,
          %mul3A_280 = arith.constant 64 : i32
          %mul3A_281 = arith.muli %add3A_203, %mul3A_280 : i32
          %add3A_282 = arith.constant 16 : i32
          %add3A_283 = arith.addi %mul3A_281, %add3A_282 : i32
          %get3A_284 = arith.index_cast %add3A_283 : i32 to index
          %get3A_285 = tpu.vector_load %arg8[%get3A_284] {strides = array<i32>} : memref<1152xi32, #tpu.memory_space<vmem>>, vector<16xi32>,
          %get3A_286 = vector.shape_cast %get3A_285 : vector<16xi32> to vector<16xi32>
          %swap3A_287 = arith.constant 16 : index
          %swap3A_288 = tpu.vector_load %arg11[%swap3A_287] {strides = array<i32>} : memref<64xi32, #tpu.memory_space<vmem>>, vector<16xi32>,
          %swap3A_289 = vector.shape_cast %swap3A_288 : vector<16xi32> to vector<16xi32>
          %swap3A_290 = vector.shape_cast %get3A_286 : vector<16xi32> to vector<16xi32>
          tpu.vector_store %arg11[%swap3A_287], %swap3A_290 {strides = array<i32>} : memref<64xi32, #tpu.memory_space<vmem>>, vector<16xi32>,
          %mul3A_291 = arith.constant 64 : i32
          %mul3A_292 = arith.muli %add3A_203, %mul3A_291 : i32
          %add3A_293 = arith.constant 32 : i32
          %add3A_294 = arith.addi %mul3A_292, %add3A_293 : i32
          %get3A_295 = arith.index_cast %add3A_294 : i32 to index
          %get3A_296 = tpu.vector_load %arg8[%get3A_295] {strides = array<i32>} : memref<1152xi32, #tpu.memory_space<vmem>>, vector<16xi32>,
          %get3A_297 = vector.shape_cast %get3A_296 : vector<16xi32> to vector<16xi32>
          %swap3A_298 = arith.constant 32 : index
          %swap3A_299 = tpu.vector_load %arg11[%swap3A_298] {strides = array<i32>} : memref<64xi32, #tpu.memory_space<vmem>>, vector<16xi32>,
          %swap3A_300 = vector.shape_cast %swap3A_299 : vector<16xi32> to vector<16xi32>
          %swap3A_301 = vector.shape_cast %get3A_297 : vector<16xi32> to vector<16xi32>
          tpu.vector_store %arg11[%swap3A_298], %swap3A_301 {strides = array<i32>} : memref<64xi32, #tpu.memory_space<vmem>>, vector<16xi32>,
          %mul3A_302 = arith.constant 64 : i32
          %mul3A_303 = arith.muli %add3A_203, %mul3A_302 : i32
          %add3A_304 = arith.constant 48 : i32
          %add3A_305 = arith.addi %mul3A_303, %add3A_304 : i32
          %get3A_306 = arith.index_cast %add3A_305 : i32 to index
          %get3A_307 = tpu.vector_load %arg8[%get3A_306] {strides = array<i32>} : memref<1152xi32, #tpu.memory_space<vmem>>, vector<16xi32>,
          %get3A_308 = vector.shape_cast %get3A_307 : vector<16xi32> to vector<16xi32>
          %swap3A_309 = arith.constant 48 : index
          %swap3A_310 = tpu.vector_load %arg11[%swap3A_309] {strides = array<i32>} : memref<64xi32, #tpu.memory_space<vmem>>, vector<16xi32>,
          %swap3A_311 = vector.shape_cast %swap3A_310 : vector<16xi32> to vector<16xi32>
          %swap3A_312 = vector.shape_cast %get3A_308 : vector<16xi32> to vector<16xi32>
          tpu.vector_store %arg11[%swap3A_309], %swap3A_312 {strides = array<i32>} : memref<64xi32, #tpu.memory_space<vmem>>, vector<16xi32>,
          %mul3A_313 = arith.constant 64 : i32
          %mul3A_314 = arith.muli %add3A_203, %mul3A_313 : i32
          %dma_start3A_315 = tpu.memref_slice %arg7[%mul3A_314] : memref<1152xi32, #tpu.memory_space<vmem>> -> memref<64xi32, #tpu.memory_space<vmem>>
          %dma_start3A_316 = arith.constant 0 : i32
          %dma_start3A_317 = arith.constant 0 : i32
          %dma_start3A_318 = tpu.memref_slice %arg2[%dma_start3A_316, %dma_start3A_317] : memref<51200x128xf32, #tpu.memory_space<hbm>> -> memref<51200x128xf32, #tpu.memory_space<hbm>>
          tpu.enqueue_indirect_dma source(%dma_start3A_318 : memref<51200x128xf32, #tpu.memory_space<hbm>>) target(%arg14 : memref<64x128xf32, #tpu.memory_space<vmem>>) offsets(%dma_start3A_315 : memref<64xi32, #tpu.memory_space<vmem>>) semaphore(%arg17 : memref<!tpu.dma_semaphore, #tpu.memory_space<semaphore_mem>>)
        } else {
        }
        %mul3A_212 = arith.constant 3 : i32
        %mul3A_213 = arith.muli %mul3A_212, %scan3A_187 : i32
        %add3A_214 = arith.constant 1 : i32
        %add3A_215 = arith.addi %mul3A_213, %add3A_214 : i32
        %dma_wait3A_216 = arith.constant 0 : i32
        %dma_wait3A_217 = arith.constant 0 : i32
        %dma_wait3A_218 = tpu.memref_slice %arg2[%dma_wait3A_216, %dma_wait3A_217] : memref<51200x128xf32, #tpu.memory_space<hbm>> -> memref<64x128xf32, #tpu.memory_space<hbm>>
        %dma_wait3A_219 = arith.constant 0 : i32
        %dma_wait3A_220 = arith.constant 0 : i32
        %dma_wait3A_221 = tpu.memref_slice %arg2[%dma_wait3A_219, %dma_wait3A_220] : memref<51200x128xf32, #tpu.memory_space<hbm>> -> memref<64x128xf32, #tpu.memory_space<hbm>>
        tpu.wait_dma2 semaphore(%arg16 : memref<!tpu.dma_semaphore, #tpu.memory_space<semaphore_mem>>) src(%dma_wait3A_221 : memref<64x128xf32, #tpu.memory_space<hbm>>) dst(%arg13 : memref<64x128xf32, #tpu.memory_space<vmem>>)
        %dma_start3A_222 = arith.constant 0 : i32
        %dma_start3A_223 = arith.constant 0 : i32
        %dma_start3A_224 = tpu.memref_slice %arg21[%dma_start3A_222, %dma_start3A_223] : memref<12928x128xf32, #tpu.memory_space<vmem_shared>> -> memref<12928x128xf32, #tpu.memory_space<vmem_shared>>
        tpu.enqueue_indirect_dma source(%arg13 : memref<64x128xf32, #tpu.memory_space<vmem>>) target(%dma_start3A_224 : memref<12928x128xf32, #tpu.memory_space<vmem_shared>>) offsets(%arg10 : memref<64xi32, #tpu.memory_space<vmem>>) semaphore(%arg19 : memref<!tpu.dma_semaphore, #tpu.memory_space<semaphore_mem>>) {add = true}
        %add3A_225 = arith.constant 2 : i32
        %add3A_226 = arith.addi %add3A_215, %add3A_225 : i32
        %lt3A_227 = arith.constant 18 : i32
        %lt3A_228 = arith.cmpi slt, %add3A_226, %lt3A_227 : i32
        %ge3A_229 = arith.constant 3 : i32
        %ge3A_230 = arith.cmpi sge, %add3A_226, %ge3A_229 : i32
        %and3A_231 = arith.andi %lt3A_228, %ge3A_230 : i1
        %convert_element_type3A_232 = arith.extui %and3A_231 : i1 to i32
        %cond3A_233 = arith.constant 0 : i32
        %cond3A_234 = arith.cmpi ne, %convert_element_type3A_232, %cond3A_233 : i32
        scf.if %cond3A_234 {
          %dma_wait3A_269 = arith.constant 0 : i32
          %dma_wait3A_270 = arith.constant 0 : i32
          %dma_wait3A_271 = tpu.memref_slice %arg21[%dma_wait3A_269, %dma_wait3A_270] : memref<12928x128xf32, #tpu.memory_space<vmem_shared>> -> memref<12928x128xf32, #tpu.memory_space<vmem_shared>>
          tpu.wait_indirect_dma semaphore(%arg18 : memref<!tpu.dma_semaphore, #tpu.memory_space<semaphore_mem>>) src(%arg12 : memref<64x128xf32, #tpu.memory_space<vmem>>) dst(%dma_wait3A_271 : memref<12928x128xf32, #tpu.memory_space<vmem_shared>>)
        } else {
        }
        %lt3A_235 = arith.constant 18 : i32
        %lt3A_236 = arith.cmpi slt, %add3A_226, %lt3A_235 : i32
        %convert_element_type3A_237 = arith.extui %lt3A_236 : i1 to i32
        %cond3A_238 = arith.constant 0 : i32
        %cond3A_239 = arith.cmpi ne, %convert_element_type3A_237, %cond3A_238 : i32
        scf.if %cond3A_239 {
          %mul3A_269 = arith.constant 64 : i32
          %mul3A_270 = arith.muli %add3A_226, %mul3A_269 : i32
          %add3A_271 = arith.constant 0 : i32
          %add3A_272 = arith.addi %mul3A_270, %add3A_271 : i32
          %get3A_273 = arith.index_cast %add3A_272 : i32 to index
          %get3A_274 = tpu.vector_load %arg8[%get3A_273] {strides = array<i32>} : memref<1152xi32, #tpu.memory_space<vmem>>, vector<16xi32>,
          %get3A_275 = vector.shape_cast %get3A_274 : vector<16xi32> to vector<16xi32>
          %swap3A_276 = arith.constant 0 : index
          %swap3A_277 = tpu.vector_load %arg9[%swap3A_276] {strides = array<i32>} : memref<64xi32, #tpu.memory_space<vmem>>, vector<16xi32>,
          %swap3A_278 = vector.shape_cast %swap3A_277 : vector<16xi32> to vector<16xi32>
          %swap3A_279 = vector.shape_cast %get3A_275 : vector<16xi32> to vector<16xi32>
          tpu.vector_store %arg9[%swap3A_276], %swap3A_279 {strides = array<i32>} : memref<64xi32, #tpu.memory_space<vmem>>, vector<16xi32>,
          %mul3A_280 = arith.constant 64 : i32
          %mul3A_281 = arith.muli %add3A_226, %mul3A_280 : i32
          %add3A_282 = arith.constant 16 : i32
          %add3A_283 = arith.addi %mul3A_281, %add3A_282 : i32
          %get3A_284 = arith.index_cast %add3A_283 : i32 to index
          %get3A_285 = tpu.vector_load %arg8[%get3A_284] {strides = array<i32>} : memref<1152xi32, #tpu.memory_space<vmem>>, vector<16xi32>,
          %get3A_286 = vector.shape_cast %get3A_285 : vector<16xi32> to vector<16xi32>
          %swap3A_287 = arith.constant 16 : index
          %swap3A_288 = tpu.vector_load %arg9[%swap3A_287] {strides = array<i32>} : memref<64xi32, #tpu.memory_space<vmem>>, vector<16xi32>,
          %swap3A_289 = vector.shape_cast %swap3A_288 : vector<16xi32> to vector<16xi32>
          %swap3A_290 = vector.shape_cast %get3A_286 : vector<16xi32> to vector<16xi32>
          tpu.vector_store %arg9[%swap3A_287], %swap3A_290 {strides = array<i32>} : memref<64xi32, #tpu.memory_space<vmem>>, vector<16xi32>,
          %mul3A_291 = arith.constant 64 : i32
          %mul3A_292 = arith.muli %add3A_226, %mul3A_291 : i32
          %add3A_293 = arith.constant 32 : i32
          %add3A_294 = arith.addi %mul3A_292, %add3A_293 : i32
          %get3A_295 = arith.index_cast %add3A_294 : i32 to index
          %get3A_296 = tpu.vector_load %arg8[%get3A_295] {strides = array<i32>} : memref<1152xi32, #tpu.memory_space<vmem>>, vector<16xi32>,
          %get3A_297 = vector.shape_cast %get3A_296 : vector<16xi32> to vector<16xi32>
          %swap3A_298 = arith.constant 32 : index
          %swap3A_299 = tpu.vector_load %arg9[%swap3A_298] {strides = array<i32>} : memref<64xi32, #tpu.memory_space<vmem>>, vector<16xi32>,
          %swap3A_300 = vector.shape_cast %swap3A_299 : vector<16xi32> to vector<16xi32>
          %swap3A_301 = vector.shape_cast %get3A_297 : vector<16xi32> to vector<16xi32>
          tpu.vector_store %arg9[%swap3A_298], %swap3A_301 {strides = array<i32>} : memref<64xi32, #tpu.memory_space<vmem>>, vector<16xi32>,
          %mul3A_302 = arith.constant 64 : i32
          %mul3A_303 = arith.muli %add3A_226, %mul3A_302 : i32
          %add3A_304 = arith.constant 48 : i32
          %add3A_305 = arith.addi %mul3A_303, %add3A_304 : i32
          %get3A_306 = arith.index_cast %add3A_305 : i32 to index
          %get3A_307 = tpu.vector_load %arg8[%get3A_306] {strides = array<i32>} : memref<1152xi32, #tpu.memory_space<vmem>>, vector<16xi32>,
          %get3A_308 = vector.shape_cast %get3A_307 : vector<16xi32> to vector<16xi32>
          %swap3A_309 = arith.constant 48 : index
          %swap3A_310 = tpu.vector_load %arg9[%swap3A_309] {strides = array<i32>} : memref<64xi32, #tpu.memory_space<vmem>>, vector<16xi32>,
          %swap3A_311 = vector.shape_cast %swap3A_310 : vector<16xi32> to vector<16xi32>
          %swap3A_312 = vector.shape_cast %get3A_308 : vector<16xi32> to vector<16xi32>
          tpu.vector_store %arg9[%swap3A_309], %swap3A_312 {strides = array<i32>} : memref<64xi32, #tpu.memory_space<vmem>>, vector<16xi32>,
          %mul3A_313 = arith.constant 64 : i32
          %mul3A_314 = arith.muli %add3A_226, %mul3A_313 : i32
          %dma_start3A_315 = tpu.memref_slice %arg7[%mul3A_314] : memref<1152xi32, #tpu.memory_space<vmem>> -> memref<64xi32, #tpu.memory_space<vmem>>
          %dma_start3A_316 = arith.constant 0 : i32
          %dma_start3A_317 = arith.constant 0 : i32
          %dma_start3A_318 = tpu.memref_slice %arg2[%dma_start3A_316, %dma_start3A_317] : memref<51200x128xf32, #tpu.memory_space<hbm>> -> memref<51200x128xf32, #tpu.memory_space<hbm>>
          tpu.enqueue_indirect_dma source(%dma_start3A_318 : memref<51200x128xf32, #tpu.memory_space<hbm>>) target(%arg12 : memref<64x128xf32, #tpu.memory_space<vmem>>) offsets(%dma_start3A_315 : memref<64xi32, #tpu.memory_space<vmem>>) semaphore(%arg15 : memref<!tpu.dma_semaphore, #tpu.memory_space<semaphore_mem>>)
        } else {
        }
        %mul3A_240 = arith.constant 3 : i32
        %mul3A_241 = arith.muli %mul3A_240, %scan3A_187 : i32
        %add3A_242 = arith.constant 2 : i32
        %add3A_243 = arith.addi %mul3A_241, %add3A_242 : i32
        %dma_wait3A_244 = arith.constant 0 : i32
        %dma_wait3A_245 = arith.constant 0 : i32
        %dma_wait3A_246 = tpu.memref_slice %arg2[%dma_wait3A_244, %dma_wait3A_245] : memref<51200x128xf32, #tpu.memory_space<hbm>> -> memref<64x128xf32, #tpu.memory_space<hbm>>
        %dma_wait3A_247 = arith.constant 0 : i32
        %dma_wait3A_248 = arith.constant 0 : i32
        %dma_wait3A_249 = tpu.memref_slice %arg2[%dma_wait3A_247, %dma_wait3A_248] : memref<51200x128xf32, #tpu.memory_space<hbm>> -> memref<64x128xf32, #tpu.memory_space<hbm>>
        tpu.wait_dma2 semaphore(%arg17 : memref<!tpu.dma_semaphore, #tpu.memory_space<semaphore_mem>>) src(%dma_wait3A_249 : memref<64x128xf32, #tpu.memory_space<hbm>>) dst(%arg14 : memref<64x128xf32, #tpu.memory_space<vmem>>)
        %dma_start3A_250 = arith.constant 0 : i32
        %dma_start3A_251 = arith.constant 0 : i32
        %dma_start3A_252 = tpu.memref_slice %arg21[%dma_start3A_250, %dma_start3A_251] : memref<12928x128xf32, #tpu.memory_space<vmem_shared>> -> memref<12928x128xf32, #tpu.memory_space<vmem_shared>>
        tpu.enqueue_indirect_dma source(%arg14 : memref<64x128xf32, #tpu.memory_space<vmem>>) target(%dma_start3A_252 : memref<12928x128xf32, #tpu.memory_space<vmem_shared>>) offsets(%arg11 : memref<64xi32, #tpu.memory_space<vmem>>) semaphore(%arg20 : memref<!tpu.dma_semaphore, #tpu.memory_space<semaphore_mem>>) {add = true}
        %add3A_253 = arith.constant 2 : i32
        %add3A_254 = arith.addi %add3A_243, %add3A_253 : i32
        %lt3A_255 = arith.constant 18 : i32
        %lt3A_256 = arith.cmpi slt, %add3A_254, %lt3A_255 : i32
        %ge3A_257 = arith.constant 3 : i32
        %ge3A_258 = arith.cmpi sge, %add3A_254, %ge3A_257 : i32
        %and3A_259 = arith.andi %lt3A_256, %ge3A_258 : i1
        %convert_element_type3A_260 = arith.extui %and3A_259 : i1 to i32
        %cond3A_261 = arith.constant 0 : i32
        %cond3A_262 = arith.cmpi ne, %convert_element_type3A_260, %cond3A_261 : i32
        scf.if %cond3A_262 {
          %dma_wait3A_269 = arith.constant 0 : i32
          %dma_wait3A_270 = arith.constant 0 : i32
          %dma_wait3A_271 = tpu.memref_slice %arg21[%dma_wait3A_269, %dma_wait3A_270] : memref<12928x128xf32, #tpu.memory_space<vmem_shared>> -> memref<12928x128xf32, #tpu.memory_space<vmem_shared>>
          tpu.wait_indirect_dma semaphore(%arg19 : memref<!tpu.dma_semaphore, #tpu.memory_space<semaphore_mem>>) src(%arg13 : memref<64x128xf32, #tpu.memory_space<vmem>>) dst(%dma_wait3A_271 : memref<12928x128xf32, #tpu.memory_space<vmem_shared>>)
        } else {
        }
        %lt3A_263 = arith.constant 18 : i32
        %lt3A_264 = arith.cmpi slt, %add3A_254, %lt3A_263 : i32
        %convert_element_type3A_265 = arith.extui %lt3A_264 : i1 to i32
        %cond3A_266 = arith.constant 0 : i32
        %cond3A_267 = arith.cmpi ne, %convert_element_type3A_265, %cond3A_266 : i32
        scf.if %cond3A_267 {
          %mul3A_269 = arith.constant 64 : i32
          %mul3A_270 = arith.muli %add3A_254, %mul3A_269 : i32
          %add3A_271 = arith.constant 0 : i32
          %add3A_272 = arith.addi %mul3A_270, %add3A_271 : i32
          %get3A_273 = arith.index_cast %add3A_272 : i32 to index
          %get3A_274 = tpu.vector_load %arg8[%get3A_273] {strides = array<i32>} : memref<1152xi32, #tpu.memory_space<vmem>>, vector<16xi32>,
          %get3A_275 = vector.shape_cast %get3A_274 : vector<16xi32> to vector<16xi32>
          %swap3A_276 = arith.constant 0 : index
          %swap3A_277 = tpu.vector_load %arg10[%swap3A_276] {strides = array<i32>} : memref<64xi32, #tpu.memory_space<vmem>>, vector<16xi32>,
          %swap3A_278 = vector.shape_cast %swap3A_277 : vector<16xi32> to vector<16xi32>
          %swap3A_279 = vector.shape_cast %get3A_275 : vector<16xi32> to vector<16xi32>
          tpu.vector_store %arg10[%swap3A_276], %swap3A_279 {strides = array<i32>} : memref<64xi32, #tpu.memory_space<vmem>>, vector<16xi32>,
          %mul3A_280 = arith.constant 64 : i32
          %mul3A_281 = arith.muli %add3A_254, %mul3A_280 : i32
          %add3A_282 = arith.constant 16 : i32
          %add3A_283 = arith.addi %mul3A_281, %add3A_282 : i32
          %get3A_284 = arith.index_cast %add3A_283 : i32 to index
          %get3A_285 = tpu.vector_load %arg8[%get3A_284] {strides = array<i32>} : memref<1152xi32, #tpu.memory_space<vmem>>, vector<16xi32>,
          %get3A_286 = vector.shape_cast %get3A_285 : vector<16xi32> to vector<16xi32>
          %swap3A_287 = arith.constant 16 : index
          %swap3A_288 = tpu.vector_load %arg10[%swap3A_287] {strides = array<i32>} : memref<64xi32, #tpu.memory_space<vmem>>, vector<16xi32>,
          %swap3A_289 = vector.shape_cast %swap3A_288 : vector<16xi32> to vector<16xi32>
          %swap3A_290 = vector.shape_cast %get3A_286 : vector<16xi32> to vector<16xi32>
          tpu.vector_store %arg10[%swap3A_287], %swap3A_290 {strides = array<i32>} : memref<64xi32, #tpu.memory_space<vmem>>, vector<16xi32>,
          %mul3A_291 = arith.constant 64 : i32
          %mul3A_292 = arith.muli %add3A_254, %mul3A_291 : i32
          %add3A_293 = arith.constant 32 : i32
          %add3A_294 = arith.addi %mul3A_292, %add3A_293 : i32
          %get3A_295 = arith.index_cast %add3A_294 : i32 to index
          %get3A_296 = tpu.vector_load %arg8[%get3A_295] {strides = array<i32>} : memref<1152xi32, #tpu.memory_space<vmem>>, vector<16xi32>,
          %get3A_297 = vector.shape_cast %get3A_296 : vector<16xi32> to vector<16xi32>
          %swap3A_298 = arith.constant 32 : index
          %swap3A_299 = tpu.vector_load %arg10[%swap3A_298] {strides = array<i32>} : memref<64xi32, #tpu.memory_space<vmem>>, vector<16xi32>,
          %swap3A_300 = vector.shape_cast %swap3A_299 : vector<16xi32> to vector<16xi32>
          %swap3A_301 = vector.shape_cast %get3A_297 : vector<16xi32> to vector<16xi32>
          tpu.vector_store %arg10[%swap3A_298], %swap3A_301 {strides = array<i32>} : memref<64xi32, #tpu.memory_space<vmem>>, vector<16xi32>,
          %mul3A_302 = arith.constant 64 : i32
          %mul3A_303 = arith.muli %add3A_254, %mul3A_302 : i32
          %add3A_304 = arith.constant 48 : i32
          %add3A_305 = arith.addi %mul3A_303, %add3A_304 : i32
          %get3A_306 = arith.index_cast %add3A_305 : i32 to index
          %get3A_307 = tpu.vector_load %arg8[%get3A_306] {strides = array<i32>} : memref<1152xi32, #tpu.memory_space<vmem>>, vector<16xi32>,
          %get3A_308 = vector.shape_cast %get3A_307 : vector<16xi32> to vector<16xi32>
          %swap3A_309 = arith.constant 48 : index
          %swap3A_310 = tpu.vector_load %arg10[%swap3A_309] {strides = array<i32>} : memref<64xi32, #tpu.memory_space<vmem>>, vector<16xi32>,
          %swap3A_311 = vector.shape_cast %swap3A_310 : vector<16xi32> to vector<16xi32>
          %swap3A_312 = vector.shape_cast %get3A_308 : vector<16xi32> to vector<16xi32>
          tpu.vector_store %arg10[%swap3A_309], %swap3A_312 {strides = array<i32>} : memref<64xi32, #tpu.memory_space<vmem>>, vector<16xi32>,
          %mul3A_313 = arith.constant 64 : i32
          %mul3A_314 = arith.muli %add3A_254, %mul3A_313 : i32
          %dma_start3A_315 = tpu.memref_slice %arg7[%mul3A_314] : memref<1152xi32, #tpu.memory_space<vmem>> -> memref<64xi32, #tpu.memory_space<vmem>>
          %dma_start3A_316 = arith.constant 0 : i32
          %dma_start3A_317 = arith.constant 0 : i32
          %dma_start3A_318 = tpu.memref_slice %arg2[%dma_start3A_316, %dma_start3A_317] : memref<51200x128xf32, #tpu.memory_space<hbm>> -> memref<51200x128xf32, #tpu.memory_space<hbm>>
          tpu.enqueue_indirect_dma source(%dma_start3A_318 : memref<51200x128xf32, #tpu.memory_space<hbm>>) target(%arg13 : memref<64x128xf32, #tpu.memory_space<vmem>>) offsets(%dma_start3A_315 : memref<64xi32, #tpu.memory_space<vmem>>) semaphore(%arg16 : memref<!tpu.dma_semaphore, #tpu.memory_space<semaphore_mem>>)
        } else {
        }
        %scan3A_268 = arith.constant 0 : i32
        scf.yield %scan3A_268 : i32
      }
      %scan3A_177 = arith.constant 6 : i32
      %dma_wait3A = arith.constant 0 : i32
      %dma_wait3A_178 = arith.constant 0 : i32
      %dma_wait3A_179 = tpu.memref_slice %arg21[%dma_wait3A, %dma_wait3A_178] : memref<12928x128xf32, #tpu.memory_space<vmem_shared>> -> memref<12928x128xf32, #tpu.memory_space<vmem_shared>>
      tpu.wait_indirect_dma semaphore(%arg18 : memref<!tpu.dma_semaphore, #tpu.memory_space<semaphore_mem>>) src(%arg12 : memref<64x128xf32, #tpu.memory_space<vmem>>) dst(%dma_wait3A_179 : memref<12928x128xf32, #tpu.memory_space<vmem_shared>>)
      %dma_wait3A_180 = arith.constant 0 : i32
      %dma_wait3A_181 = arith.constant 0 : i32
      %dma_wait3A_182 = tpu.memref_slice %arg21[%dma_wait3A_180, %dma_wait3A_181] : memref<12928x128xf32, #tpu.memory_space<vmem_shared>> -> memref<12928x128xf32, #tpu.memory_space<vmem_shared>>
      tpu.wait_indirect_dma semaphore(%arg19 : memref<!tpu.dma_semaphore, #tpu.memory_space<semaphore_mem>>) src(%arg13 : memref<64x128xf32, #tpu.memory_space<vmem>>) dst(%dma_wait3A_182 : memref<12928x128xf32, #tpu.memory_space<vmem_shared>>)
      %dma_wait3A_183 = arith.constant 0 : i32
      %dma_wait3A_184 = arith.constant 0 : i32
      %dma_wait3A_185 = tpu.memref_slice %arg21[%dma_wait3A_183, %dma_wait3A_184] : memref<12928x128xf32, #tpu.memory_space<vmem_shared>> -> memref<12928x128xf32, #tpu.memory_space<vmem_shared>>
      tpu.wait_indirect_dma semaphore(%arg20 : memref<!tpu.dma_semaphore, #tpu.memory_space<semaphore_mem>>) src(%arg14 : memref<64x128xf32, #tpu.memory_space<vmem>>) dst(%dma_wait3A_185 : memref<12928x128xf32, #tpu.memory_space<vmem_shared>>)
      %scan3A_186 = arith.constant 0 : i32
      scf.yield %scan3A_186 : i32
    }
    %scan3A_86 = arith.constant 44 : i32
    %barrier3A_87 = arith.constant 0 : index
    tpu.barrier barrier_id(%barrier3A_87)
    %mul3A_88 = arith.constant 800 : i32
    %mul3A_89 = arith.muli %arg1, %mul3A_88 : i32
    %mul3A_90 = arith.constant 800 : i32
    %mul3A_91 = arith.muli %arg1, %mul3A_90 : i32
    %add3A_92 = arith.addi %mul3A_50, %mul3A_91 : i32
    "tpu.region"() ({
      %run_scoped3A = tpu.sem_alloc : memref<!tpu.dma_semaphore, #tpu.memory_space<semaphore_mem>>
      %dma_start3A = arith.constant 0 : i32
      %dma_start3A_94 = tpu.memref_slice %arg6[%add3A_92, %dma_start3A] : memref<51200x128xf32, #tpu.memory_space<hbm>> -> memref<800x128xf32, #tpu.memory_space<hbm>>
      %dma_start3A_95 = arith.constant 0 : i32
      %dma_start3A_96 = tpu.memref_slice %arg21[%mul3A_89, %dma_start3A_95] : memref<12928x128xf32, #tpu.memory_space<vmem_shared>> -> memref<800x128xf32, #tpu.memory_space<vmem_shared>>
      tpu.enqueue_dma source(%dma_start3A_96 : memref<800x128xf32, #tpu.memory_space<vmem_shared>>) target(%dma_start3A_94 : memref<800x128xf32, #tpu.memory_space<hbm>>) target_semaphore(%run_scoped3A : memref<!tpu.dma_semaphore, #tpu.memory_space<semaphore_mem>>)
      %dma_wait3A = arith.constant 0 : i32
      %dma_wait3A_97 = tpu.memref_slice %arg6[%add3A_92, %dma_wait3A] : memref<51200x128xf32, #tpu.memory_space<hbm>> -> memref<800x128xf32, #tpu.memory_space<hbm>>
      %dma_wait3A_98 = arith.constant 0 : i32
      %dma_wait3A_99 = tpu.memref_slice %arg21[%mul3A_89, %dma_wait3A_98] : memref<12928x128xf32, #tpu.memory_space<vmem_shared>> -> memref<800x128xf32, #tpu.memory_space<vmem_shared>>
      tpu.wait_dma2 semaphore(%run_scoped3A : memref<!tpu.dma_semaphore, #tpu.memory_space<semaphore_mem>>) src(%dma_wait3A_99 : memref<800x128xf32, #tpu.memory_space<vmem_shared>>) dst(%dma_wait3A_97 : memref<800x128xf32, #tpu.memory_space<hbm>>)
      tpu.yield
    }) : () -> ()
    %barrier3A_93 = arith.constant 0 : index
    tpu.barrier barrier_id(%barrier3A_93)
    return
  }
}

module attributes {stable_mosaic.version = 14 : i64} {
  func.func @body(%arg0: i32, %arg1: memref<512x9xf32, #tpu.memory_space<vmem>>, %arg2: memref<9x128xf32, #tpu.memory_space<vmem>>, %arg3: memref<1x128xf32, #tpu.memory_space<vmem>>, %arg4: memref<128x128xf32, #tpu.memory_space<vmem>>, %arg5: memref<1x128xf32, #tpu.memory_space<vmem>>, %arg6: memref<512x128xf32, #tpu.memory_space<vmem>>) attributes {dimension_semantics = [#tpu.dimension_semantics<arbitrary>], iteration_bounds = array<i64: 100>, scalar_prefetch = 0 : i64, scratch_operands = 0 : i64, tpu.core_type = #tpu.core_type<tc>, window_params = [{transform_indices = @transform_0, window_bounds = array<i64: 512, 9>}, {pipeline_mode = #tpu.pipeline_mode<synchronous>, transform_indices = @transform_1, window_bounds = array<i64: 9, 128>}, {pipeline_mode = #tpu.pipeline_mode<synchronous>, transform_indices = @transform_2, window_bounds = array<i64: 1, 128>}, {pipeline_mode = #tpu.pipeline_mode<synchronous>, transform_indices = @transform_3, window_bounds = array<i64: 128, 128>}, {pipeline_mode = #tpu.pipeline_mode<synchronous>, transform_indices = @transform_4, window_bounds = array<i64: 1, 128>}, {transform_indices = @transform_5, window_bounds = array<i64: 512, 128>}]} {
    %get3A = arith.constant 0 : index
    %get3A_0 = arith.constant 0 : index
    %get3A_1 = vector.load %arg1[%get3A, %get3A_0] : memref<512x9xf32, #tpu.memory_space<vmem>>, vector<512x9xf32>
    %get3A_2 = arith.constant 0 : index
    %get3A_3 = arith.constant 0 : index
    %get3A_4 = vector.load %arg2[%get3A_2, %get3A_3] : memref<9x128xf32, #tpu.memory_space<vmem>>, vector<9x128xf32>
    %dot_general3A = arith.constant dense<0.000000e+00> : vector<512x128xf32>
    %dot_general3A_5 = tpu.matmul %get3A_1, %get3A_4, %dot_general3A {dimension_numbers = #tpu.dot_dimension_numbers<[1], [0], [0], [1], [0, 0, 1, 1], [], []>, transpose_lhs_hint = false} : vector<512x9xf32>, vector<9x128xf32>, vector<512x128xf32> -> vector<512x128xf32>
    %get3A_6 = arith.constant 0 : index
    %get3A_7 = arith.constant 0 : index
    %get3A_8 = vector.load %arg3[%get3A_6, %get3A_7] : memref<1x128xf32, #tpu.memory_space<vmem>>, vector<1x128xf32>
    %add3A = vector.broadcast %get3A_8 : vector<1x128xf32> to vector<512x128xf32>
    %add3A_9 = arith.addf %dot_general3A_5, %add3A : vector<512x128xf32>
    %max3A = arith.constant 0.000000e+00 : f32
    %max3A_10 = vector.broadcast %max3A : f32 to vector<512x128xf32>
    %max3A_11 = arith.maximumf %add3A_9, %max3A_10 : vector<512x128xf32>
    %get3A_12 = arith.constant 0 : index
    %get3A_13 = arith.constant 0 : index
    %get3A_14 = vector.load %arg4[%get3A_12, %get3A_13] : memref<128x128xf32, #tpu.memory_space<vmem>>, vector<128x128xf32>
    %dot_general3A_15 = arith.constant dense<0.000000e+00> : vector<512x128xf32>
    %dot_general3A_16 = tpu.matmul %max3A_11, %get3A_14, %dot_general3A_15 {dimension_numbers = #tpu.dot_dimension_numbers<[1], [0], [0], [1], [0, 0, 1, 1], [], []>, transpose_lhs_hint = false} : vector<512x128xf32>, vector<128x128xf32>, vector<512x128xf32> -> vector<512x128xf32>
    %get3A_17 = arith.constant 0 : index
    %get3A_18 = arith.constant 0 : index
    %get3A_19 = vector.load %arg5[%get3A_17, %get3A_18] : memref<1x128xf32, #tpu.memory_space<vmem>>, vector<1x128xf32>
    %add3A_20 = vector.broadcast %get3A_19 : vector<1x128xf32> to vector<512x128xf32>
    %add3A_21 = arith.addf %dot_general3A_16, %add3A_20 : vector<512x128xf32>
    %swap3A = arith.constant 0 : index
    %swap3A_22 = arith.constant 0 : index
    %swap3A_23 = vector.load %arg6[%swap3A, %swap3A_22] : memref<512x128xf32, #tpu.memory_space<vmem>>, vector<512x128xf32>
    tpu.vector_store %arg6[%swap3A, %swap3A_22], %add3A_21 {strides = array<i32>} : memref<512x128xf32, #tpu.memory_space<vmem>>, vector<512x128xf32>,
    return
  }
  func.func @transform_0(%arg0: i32) -> (i32, i32) {
    %c0_i32 = arith.constant 0 : i32
    %c0_i32_0 = arith.constant 0 : i32
    return %arg0, %c0_i32 : i32, i32
  }
  func.func @transform_1(%arg0: i32) -> (i32, i32) {
    %c0_i32 = arith.constant 0 : i32
    %c0_i32_0 = arith.constant 0 : i32
    %c0_i32_1 = arith.constant 0 : i32
    return %c0_i32, %c0_i32_0 : i32, i32
  }
  func.func @transform_2(%arg0: i32) -> (i32, i32) {
    %c0_i32 = arith.constant 0 : i32
    %c0_i32_0 = arith.constant 0 : i32
    %c0_i32_1 = arith.constant 0 : i32
    return %c0_i32, %c0_i32_0 : i32, i32
  }
  func.func @transform_3(%arg0: i32) -> (i32, i32) {
    %c0_i32 = arith.constant 0 : i32
    %c0_i32_0 = arith.constant 0 : i32
    %c0_i32_1 = arith.constant 0 : i32
    return %c0_i32, %c0_i32_0 : i32, i32
  }
  func.func @transform_4(%arg0: i32) -> (i32, i32) {
    %c0_i32 = arith.constant 0 : i32
    %c0_i32_0 = arith.constant 0 : i32
    %c0_i32_1 = arith.constant 0 : i32
    return %c0_i32, %c0_i32_0 : i32, i32
  }
  func.func @transform_5(%arg0: i32) -> (i32, i32) {
    %c0_i32 = arith.constant 0 : i32
    %c0_i32_0 = arith.constant 0 : i32
    return %arg0, %c0_i32 : i32, i32
  }
}

module attributes {stable_mosaic.version = 14 : i64} {
  func.func @body(%arg0: i32, %arg1: memref<512x128xf32, #tpu.memory_space<vmem>>, %arg2: memref<512x128xf32, #tpu.memory_space<vmem>>, %arg3: memref<128x128xf32, #tpu.memory_space<vmem>>, %arg4: memref<1x128xf32, #tpu.memory_space<vmem>>, %arg5: memref<128x128xf32, #tpu.memory_space<vmem>>, %arg6: memref<1x128xf32, #tpu.memory_space<vmem>>, %arg7: memref<512x128xf32, #tpu.memory_space<vmem>>, %arg8: memref<16x128xf32, #tpu.memory_space<vmem>>, %arg9: memref<16x128xf32, #tpu.memory_space<vmem>>) attributes {dimension_semantics = [#tpu.dimension_semantics<arbitrary>], iteration_bounds = array<i64: 100>, scalar_prefetch = 0 : i64, scratch_operands = 1 : i64, tpu.core_type = #tpu.core_type<tc>, window_params = [{transform_indices = @transform_0, window_bounds = array<i64: 512, 128>}, {transform_indices = @transform_1, window_bounds = array<i64: 512, 128>}, {pipeline_mode = #tpu.pipeline_mode<synchronous>, transform_indices = @transform_2, window_bounds = array<i64: 128, 128>}, {pipeline_mode = #tpu.pipeline_mode<synchronous>, transform_indices = @transform_3, window_bounds = array<i64: 1, 128>}, {pipeline_mode = #tpu.pipeline_mode<synchronous>, transform_indices = @transform_4, window_bounds = array<i64: 128, 128>}, {pipeline_mode = #tpu.pipeline_mode<synchronous>, transform_indices = @transform_5, window_bounds = array<i64: 1, 128>}, {transform_indices = @transform_6, window_bounds = array<i64: 512, 128>}, {pipeline_mode = #tpu.pipeline_mode<synchronous>, transform_indices = @transform_7, window_bounds = array<i64: 16, 128>}]} {
    %get3A = arith.constant 0 : index
    %get3A_0 = arith.constant 0 : index
    %get3A_1 = vector.load %arg1[%get3A, %get3A_0] : memref<512x128xf32, #tpu.memory_space<vmem>>, vector<512x128xf32>
    %get3A_2 = arith.constant 0 : index
    %get3A_3 = arith.constant 0 : index
    %get3A_4 = vector.load %arg2[%get3A_2, %get3A_3] : memref<512x128xf32, #tpu.memory_space<vmem>>, vector<512x128xf32>
    %add3A = arith.addf %get3A_1, %get3A_4 : vector<512x128xf32>
    %get3A_5 = arith.constant 0 : index
    %get3A_6 = arith.constant 0 : index
    %get3A_7 = vector.load %arg3[%get3A_5, %get3A_6] : memref<128x128xf32, #tpu.memory_space<vmem>>, vector<128x128xf32>
    %dot_general3A = arith.constant dense<0.000000e+00> : vector<512x128xf32>
    %dot_general3A_8 = tpu.matmul %add3A, %get3A_7, %dot_general3A {dimension_numbers = #tpu.dot_dimension_numbers<[1], [0], [0], [1], [0, 0, 1, 1], [], []>, transpose_lhs_hint = false} : vector<512x128xf32>, vector<128x128xf32>, vector<512x128xf32> -> vector<512x128xf32>
    %get3A_9 = arith.constant 0 : index
    %get3A_10 = arith.constant 0 : index
    %get3A_11 = vector.load %arg4[%get3A_9, %get3A_10] : memref<1x128xf32, #tpu.memory_space<vmem>>, vector<1x128xf32>
    %add3A_12 = vector.broadcast %get3A_11 : vector<1x128xf32> to vector<512x128xf32>
    %add3A_13 = arith.addf %dot_general3A_8, %add3A_12 : vector<512x128xf32>
    %max3A = arith.constant 0.000000e+00 : f32
    %max3A_14 = vector.broadcast %max3A : f32 to vector<512x128xf32>
    %max3A_15 = arith.maximumf %add3A_13, %max3A_14 : vector<512x128xf32>
    %get3A_16 = arith.constant 0 : index
    %get3A_17 = arith.constant 0 : index
    %get3A_18 = vector.load %arg5[%get3A_16, %get3A_17] : memref<128x128xf32, #tpu.memory_space<vmem>>, vector<128x128xf32>
    %dot_general3A_19 = arith.constant dense<0.000000e+00> : vector<512x128xf32>
    %dot_general3A_20 = tpu.matmul %max3A_15, %get3A_18, %dot_general3A_19 {dimension_numbers = #tpu.dot_dimension_numbers<[1], [0], [0], [1], [0, 0, 1, 1], [], []>, transpose_lhs_hint = false} : vector<512x128xf32>, vector<128x128xf32>, vector<512x128xf32> -> vector<512x128xf32>
    %get3A_21 = arith.constant 0 : index
    %get3A_22 = arith.constant 0 : index
    %get3A_23 = vector.load %arg6[%get3A_21, %get3A_22] : memref<1x128xf32, #tpu.memory_space<vmem>>, vector<1x128xf32>
    %add3A_24 = vector.broadcast %get3A_23 : vector<1x128xf32> to vector<512x128xf32>
    %add3A_25 = arith.addf %dot_general3A_20, %add3A_24 : vector<512x128xf32>
    %max3A_26 = arith.constant 0.000000e+00 : f32
    %max3A_27 = vector.broadcast %max3A_26 : f32 to vector<512x128xf32>
    %max3A_28 = arith.maximumf %add3A_25, %max3A_27 : vector<512x128xf32>
    %swap3A = arith.constant 0 : index
    %swap3A_29 = arith.constant 0 : index
    %swap3A_30 = vector.load %arg7[%swap3A, %swap3A_29] : memref<512x128xf32, #tpu.memory_space<vmem>>, vector<512x128xf32>
    tpu.vector_store %arg7[%swap3A, %swap3A_29], %max3A_28 {strides = array<i32>} : memref<512x128xf32, #tpu.memory_space<vmem>>, vector<512x128xf32>,
    %mul3A = arith.constant 512 : i32
    %mul3A_31 = arith.muli %arg0, %mul3A : i32
    %iota3A = tpu.iota {dimensions = array<i32: 0>} : vector<512x128xi32>
    %add3A_32 = vector.broadcast %mul3A_31 : i32 to vector<512x128xi32>
    %add3A_33 = arith.addi %add3A_32, %iota3A : vector<512x128xi32>
    %lt3A = arith.constant 50000 : i32
    %lt3A_34 = vector.broadcast %lt3A : i32 to vector<512x128xi32>
    %lt3A_35 = arith.cmpi slt, %add3A_33, %lt3A_34 : vector<512x128xi32>
    %jit3A = arith.constant 0.000000e+00 : f32
    %broadcast_in_dim3A = vector.broadcast %jit3A : f32 to vector<512x128xf32>
    %select_n3A = arith.select %lt3A_35, %max3A_28, %broadcast_in_dim3A : vector<512x128xi1>, vector<512x128xf32>
    %reshape3A = vector.shape_cast %select_n3A : vector<512x128xf32> to vector<64x8x128xf32>
    %reduce_sum3A = arith.constant dense<0.000000e+00> : vector<8x128xf32>
    %reduce_sum3A_36 = vector.multi_reduction <add>, %reshape3A, %reduce_sum3A [0] : vector<64x8x128xf32> to vector<8x128xf32>
    %mul3A_37 = arith.mulf %select_n3A, %select_n3A : vector<512x128xf32>
    %reshape3A_38 = vector.shape_cast %mul3A_37 : vector<512x128xf32> to vector<64x8x128xf32>
    %reduce_sum3A_39 = arith.constant dense<0.000000e+00> : vector<8x128xf32>
    %reduce_sum3A_40 = vector.multi_reduction <add>, %reshape3A_38, %reduce_sum3A_39 [0] : vector<64x8x128xf32> to vector<8x128xf32>
    %eq3A = arith.constant 0 : i32
    %eq3A_41 = arith.cmpi eq, %arg0, %eq3A : i32
    %convert_element_type3A = arith.extui %eq3A_41 : i1 to i32
    %cond3A = arith.constant 0 : i32
    %cond3A_42 = arith.cmpi ne, %convert_element_type3A, %cond3A : i32
    scf.if %cond3A_42 {
      %broadcast_in_dim3A_63 = arith.constant 0.000000e+00 : f32
      %broadcast_in_dim3A_64 = vector.broadcast %broadcast_in_dim3A_63 : f32 to vector<16x128xf32>
      %swap3A_65 = arith.constant 0 : index
      %swap3A_66 = arith.constant 0 : index
      %swap3A_67 = vector.load %arg9[%swap3A_65, %swap3A_66] : memref<16x128xf32, #tpu.memory_space<vmem>>, vector<16x128xf32>
      tpu.vector_store %arg9[%swap3A_65, %swap3A_66], %broadcast_in_dim3A_64 {strides = array<i32>} : memref<16x128xf32, #tpu.memory_space<vmem>>, vector<16x128xf32>,
    } else {
    }
    %get3A_43 = arith.constant 0 : index
    %get3A_44 = arith.constant 0 : index
    %get3A_45 = vector.load %arg9[%get3A_43, %get3A_44] : memref<16x128xf32, #tpu.memory_space<vmem>>, vector<8x128xf32>
    %add3A_46 = arith.addf %get3A_45, %reduce_sum3A_36 : vector<8x128xf32>
    %swap3A_47 = arith.constant 0 : index
    %swap3A_48 = arith.constant 0 : index
    %swap3A_49 = vector.load %arg9[%swap3A_47, %swap3A_48] : memref<16x128xf32, #tpu.memory_space<vmem>>, vector<8x128xf32>
    tpu.vector_store %arg9[%swap3A_47, %swap3A_48], %add3A_46 {strides = array<i32>} : memref<16x128xf32, #tpu.memory_space<vmem>>, vector<8x128xf32>,
    %get3A_50 = arith.constant 8 : index
    %get3A_51 = arith.constant 0 : index
    %get3A_52 = vector.load %arg9[%get3A_50, %get3A_51] : memref<16x128xf32, #tpu.memory_space<vmem>>, vector<8x128xf32>
    %add3A_53 = arith.addf %get3A_52, %reduce_sum3A_40 : vector<8x128xf32>
    %swap3A_54 = arith.constant 8 : index
    %swap3A_55 = arith.constant 0 : index
    %swap3A_56 = vector.load %arg9[%swap3A_54, %swap3A_55] : memref<16x128xf32, #tpu.memory_space<vmem>>, vector<8x128xf32>
    tpu.vector_store %arg9[%swap3A_54, %swap3A_55], %add3A_53 {strides = array<i32>} : memref<16x128xf32, #tpu.memory_space<vmem>>, vector<8x128xf32>,
    %get3A_57 = arith.constant 0 : index
    %get3A_58 = arith.constant 0 : index
    %get3A_59 = vector.load %arg9[%get3A_57, %get3A_58] : memref<16x128xf32, #tpu.memory_space<vmem>>, vector<16x128xf32>
    %swap3A_60 = arith.constant 0 : index
    %swap3A_61 = arith.constant 0 : index
    %swap3A_62 = vector.load %arg8[%swap3A_60, %swap3A_61] : memref<16x128xf32, #tpu.memory_space<vmem>>, vector<16x128xf32>
    tpu.vector_store %arg8[%swap3A_60, %swap3A_61], %get3A_59 {strides = array<i32>} : memref<16x128xf32, #tpu.memory_space<vmem>>, vector<16x128xf32>,
    return
  }
  func.func @transform_0(%arg0: i32) -> (i32, i32) {
    %c0_i32 = arith.constant 0 : i32
    %c0_i32_0 = arith.constant 0 : i32
    return %arg0, %c0_i32 : i32, i32
  }
  func.func @transform_1(%arg0: i32) -> (i32, i32) {
    %c0_i32 = arith.constant 0 : i32
    %c0_i32_0 = arith.constant 0 : i32
    return %arg0, %c0_i32 : i32, i32
  }
  func.func @transform_2(%arg0: i32) -> (i32, i32) {
    %c0_i32 = arith.constant 0 : i32
    %c0_i32_0 = arith.constant 0 : i32
    %c0_i32_1 = arith.constant 0 : i32
    return %c0_i32, %c0_i32_0 : i32, i32
  }
  func.func @transform_3(%arg0: i32) -> (i32, i32) {
    %c0_i32 = arith.constant 0 : i32
    %c0_i32_0 = arith.constant 0 : i32
    %c0_i32_1 = arith.constant 0 : i32
    return %c0_i32, %c0_i32_0 : i32, i32
  }
  func.func @transform_4(%arg0: i32) -> (i32, i32) {
    %c0_i32 = arith.constant 0 : i32
    %c0_i32_0 = arith.constant 0 : i32
    %c0_i32_1 = arith.constant 0 : i32
    return %c0_i32, %c0_i32_0 : i32, i32
  }
  func.func @transform_5(%arg0: i32) -> (i32, i32) {
    %c0_i32 = arith.constant 0 : i32
    %c0_i32_0 = arith.constant 0 : i32
    %c0_i32_1 = arith.constant 0 : i32
    return %c0_i32, %c0_i32_0 : i32, i32
  }
  func.func @transform_6(%arg0: i32) -> (i32, i32) {
    %c0_i32 = arith.constant 0 : i32
    %c0_i32_0 = arith.constant 0 : i32
    return %arg0, %c0_i32 : i32, i32
  }
  func.func @transform_7(%arg0: i32) -> (i32, i32) {
    %c0_i32 = arith.constant 0 : i32
    %c0_i32_0 = arith.constant 0 : i32
    %c0_i32_1 = arith.constant 0 : i32
    return %c0_i32, %c0_i32_0 : i32, i32
  }
}

module attributes {stable_mosaic.version = 14 : i64} {
  func.func @body(%arg0: i32, %arg1: memref<512x128xf32, #tpu.memory_space<vmem>>, %arg2: memref<16x128xf32, #tpu.memory_space<vmem>>, %arg3: memref<1x128xf32, #tpu.memory_space<vmem>>, %arg4: memref<1x128xf32, #tpu.memory_space<vmem>>, %arg5: memref<512x128xf32, #tpu.memory_space<vmem>>) attributes {dimension_semantics = [#tpu.dimension_semantics<arbitrary>], iteration_bounds = array<i64: 100>, scalar_prefetch = 0 : i64, scratch_operands = 0 : i64, tpu.core_type = #tpu.core_type<tc>, window_params = [{transform_indices = @transform_0, window_bounds = array<i64: 512, 128>}, {pipeline_mode = #tpu.pipeline_mode<synchronous>, transform_indices = @transform_1, window_bounds = array<i64: 16, 128>}, {pipeline_mode = #tpu.pipeline_mode<synchronous>, transform_indices = @transform_2, window_bounds = array<i64: 1, 128>}, {pipeline_mode = #tpu.pipeline_mode<synchronous>, transform_indices = @transform_3, window_bounds = array<i64: 1, 128>}, {transform_indices = @transform_4, window_bounds = array<i64: 512, 128>}]} {
    %get3A = arith.constant 0 : index
    %get3A_0 = arith.constant 0 : index
    %get3A_1 = vector.load %arg2[%get3A, %get3A_0] : memref<16x128xf32, #tpu.memory_space<vmem>>, vector<8x128xf32>
    %reduce_sum3A = arith.constant dense<0.000000e+00> : vector<128xf32>
    %reduce_sum3A_2 = vector.multi_reduction <add>, %get3A_1, %reduce_sum3A [0] : vector<8x128xf32> to vector<128xf32>
    %broadcast_in_dim3A = vector.shape_cast %reduce_sum3A_2 : vector<128xf32> to vector<1x128xf32>
    %get3A_3 = arith.constant 8 : index
    %get3A_4 = arith.constant 0 : index
    %get3A_5 = vector.load %arg2[%get3A_3, %get3A_4] : memref<16x128xf32, #tpu.memory_space<vmem>>, vector<8x128xf32>
    %reduce_sum3A_6 = arith.constant dense<0.000000e+00> : vector<128xf32>
    %reduce_sum3A_7 = vector.multi_reduction <add>, %get3A_5, %reduce_sum3A_6 [0] : vector<8x128xf32> to vector<128xf32>
    %broadcast_in_dim3A_8 = vector.shape_cast %reduce_sum3A_7 : vector<128xf32> to vector<1x128xf32>
    %div3A = arith.constant 5.000000e+04 : f32
    %div3A_9 = vector.broadcast %div3A : f32 to vector<1x128xf32>
    %div3A_10 = arith.divf %broadcast_in_dim3A, %div3A_9 : vector<1x128xf32>
    %div3A_11 = arith.constant 5.000000e+04 : f32
    %div3A_12 = vector.broadcast %div3A_11 : f32 to vector<1x128xf32>
    %div3A_13 = arith.divf %broadcast_in_dim3A_8, %div3A_12 : vector<1x128xf32>
    %mul3A = arith.mulf %div3A_10, %div3A_10 : vector<1x128xf32>
    %sub3A = arith.subf %div3A_13, %mul3A : vector<1x128xf32>
    %get3A_14 = arith.constant 0 : index
    %get3A_15 = arith.constant 0 : index
    %get3A_16 = vector.load %arg3[%get3A_14, %get3A_15] : memref<1x128xf32, #tpu.memory_space<vmem>>, vector<1x128xf32>
    %add3A = arith.constant 9.99999974E-6 : f32
    %add3A_17 = vector.broadcast %add3A : f32 to vector<1x128xf32>
    %add3A_18 = arith.addf %sub3A, %add3A_17 : vector<1x128xf32>
    %rsqrt3A = math.rsqrt %add3A_18 : vector<1x128xf32>
    %mul3A_19 = arith.mulf %get3A_16, %rsqrt3A : vector<1x128xf32>
    %get3A_20 = arith.constant 0 : index
    %get3A_21 = arith.constant 0 : index
    %get3A_22 = vector.load %arg4[%get3A_20, %get3A_21] : memref<1x128xf32, #tpu.memory_space<vmem>>, vector<1x128xf32>
    %mul3A_23 = arith.mulf %div3A_10, %mul3A_19 : vector<1x128xf32>
    %sub3A_24 = arith.subf %get3A_22, %mul3A_23 : vector<1x128xf32>
    %get3A_25 = arith.constant 0 : index
    %get3A_26 = arith.constant 0 : index
    %get3A_27 = vector.load %arg1[%get3A_25, %get3A_26] : memref<512x128xf32, #tpu.memory_space<vmem>>, vector<512x128xf32>
    %mul3A_28 = vector.broadcast %mul3A_19 : vector<1x128xf32> to vector<512x128xf32>
    %mul3A_29 = arith.mulf %get3A_27, %mul3A_28 : vector<512x128xf32>
    %add3A_30 = vector.broadcast %sub3A_24 : vector<1x128xf32> to vector<512x128xf32>
    %add3A_31 = arith.addf %mul3A_29, %add3A_30 : vector<512x128xf32>
    %swap3A = arith.constant 0 : index
    %swap3A_32 = arith.constant 0 : index
    %swap3A_33 = vector.load %arg5[%swap3A, %swap3A_32] : memref<512x128xf32, #tpu.memory_space<vmem>>, vector<512x128xf32>
    tpu.vector_store %arg5[%swap3A, %swap3A_32], %add3A_31 {strides = array<i32>} : memref<512x128xf32, #tpu.memory_space<vmem>>, vector<512x128xf32>,
    return
  }
  func.func @transform_0(%arg0: i32) -> (i32, i32) {
    %c0_i32 = arith.constant 0 : i32
    %c0_i32_0 = arith.constant 0 : i32
    return %arg0, %c0_i32 : i32, i32
  }
  func.func @transform_1(%arg0: i32) -> (i32, i32) {
    %c0_i32 = arith.constant 0 : i32
    %c0_i32_0 = arith.constant 0 : i32
    %c0_i32_1 = arith.constant 0 : i32
    return %c0_i32, %c0_i32_0 : i32, i32
  }
  func.func @transform_2(%arg0: i32) -> (i32, i32) {
    %c0_i32 = arith.constant 0 : i32
    %c0_i32_0 = arith.constant 0 : i32
    %c0_i32_1 = arith.constant 0 : i32
    return %c0_i32, %c0_i32_0 : i32, i32
  }
  func.func @transform_3(%arg0: i32) -> (i32, i32) {
    %c0_i32 = arith.constant 0 : i32
    %c0_i32_0 = arith.constant 0 : i32
    %c0_i32_1 = arith.constant 0 : i32
    return %c0_i32, %c0_i32_0 : i32, i32
  }
  func.func @transform_4(%arg0: i32) -> (i32, i32) {
    %c0_i32 = arith.constant 0 : i32
    %c0_i32_0 = arith.constant 0 : i32
    return %arg0, %c0_i32 : i32, i32
  }
}

module attributes {stable_mosaic.version = 14 : i64} {
  func.func @body(%arg0: memref<2048x128xf32, #tpu.memory_space<vmem>>, %arg1: memref<1024x25xf32, #tpu.memory_space<vmem>>, %arg2: memref<25x128xf32, #tpu.memory_space<vmem>>, %arg3: memref<1x128xf32, #tpu.memory_space<vmem>>, %arg4: memref<128x128xf32, #tpu.memory_space<vmem>>, %arg5: memref<1x128xf32, #tpu.memory_space<vmem>>, %arg6: memref<128x128xf32, #tpu.memory_space<vmem>>, %arg7: memref<1x128xf32, #tpu.memory_space<vmem>>, %arg8: memref<256x128xf32, #tpu.memory_space<vmem>>, %arg9: memref<1x128xf32, #tpu.memory_space<vmem>>, %arg10: memref<128x64xf32, #tpu.memory_space<vmem>>, %arg11: memref<1x64xf32, #tpu.memory_space<vmem>>, %arg12: memref<64x1xf32, #tpu.memory_space<vmem>>, %arg13: memref<1x1xf32, #tpu.memory_space<vmem>>, %arg14: memref<1024x1xf32, #tpu.memory_space<vmem>>) attributes {dimension_semantics = [], scalar_prefetch = 0 : i64, scratch_operands = 0 : i64, tpu.core_type = #tpu.core_type<tc>} {
    %get3A = arith.constant 0 : index
    %get3A_0 = arith.constant 0 : index
    %get3A_1 = vector.load %arg0[%get3A, %get3A_0] : memref<2048x128xf32, #tpu.memory_space<vmem>>, vector<1024x128xf32>
    %get3A_2 = arith.constant 1024 : index
    %get3A_3 = arith.constant 0 : index
    %get3A_4 = vector.load %arg0[%get3A_2, %get3A_3] : memref<2048x128xf32, #tpu.memory_space<vmem>>, vector<1024x128xf32>
    %add3A = arith.addf %get3A_1, %get3A_4 : vector<1024x128xf32>
    %get3A_5 = arith.constant 0 : index
    %get3A_6 = arith.constant 0 : index
    %get3A_7 = vector.load %arg1[%get3A_5, %get3A_6] : memref<1024x25xf32, #tpu.memory_space<vmem>>, vector<1024x25xf32>
    %get3A_8 = arith.constant 0 : index
    %get3A_9 = arith.constant 0 : index
    %get3A_10 = vector.load %arg2[%get3A_8, %get3A_9] : memref<25x128xf32, #tpu.memory_space<vmem>>, vector<25x128xf32>
    %dot_general3A = arith.constant dense<0.000000e+00> : vector<1024x128xf32>
    %dot_general3A_11 = tpu.matmul %get3A_7, %get3A_10, %dot_general3A {dimension_numbers = #tpu.dot_dimension_numbers<[1], [0], [0], [1], [0, 0, 1, 1], [], []>, transpose_lhs_hint = false} : vector<1024x25xf32>, vector<25x128xf32>, vector<1024x128xf32> -> vector<1024x128xf32>
    %get3A_12 = arith.constant 0 : index
    %get3A_13 = arith.constant 0 : index
    %get3A_14 = vector.load %arg3[%get3A_12, %get3A_13] : memref<1x128xf32, #tpu.memory_space<vmem>>, vector<1x128xf32>
    %add3A_15 = vector.broadcast %get3A_14 : vector<1x128xf32> to vector<1024x128xf32>
    %add3A_16 = arith.addf %dot_general3A_11, %add3A_15 : vector<1024x128xf32>
    %max3A = arith.constant 0.000000e+00 : f32
    %max3A_17 = vector.broadcast %max3A : f32 to vector<1024x128xf32>
    %max3A_18 = arith.maximumf %add3A_16, %max3A_17 : vector<1024x128xf32>
    %get3A_19 = arith.constant 0 : index
    %get3A_20 = arith.constant 0 : index
    %get3A_21 = vector.load %arg4[%get3A_19, %get3A_20] : memref<128x128xf32, #tpu.memory_space<vmem>>, vector<128x128xf32>
    %dot_general3A_22 = arith.constant dense<0.000000e+00> : vector<1024x128xf32>
    %dot_general3A_23 = tpu.matmul %max3A_18, %get3A_21, %dot_general3A_22 {dimension_numbers = #tpu.dot_dimension_numbers<[1], [0], [0], [1], [0, 0, 1, 1], [], []>, transpose_lhs_hint = false} : vector<1024x128xf32>, vector<128x128xf32>, vector<1024x128xf32> -> vector<1024x128xf32>
    %get3A_24 = arith.constant 0 : index
    %get3A_25 = arith.constant 0 : index
    %get3A_26 = vector.load %arg5[%get3A_24, %get3A_25] : memref<1x128xf32, #tpu.memory_space<vmem>>, vector<1x128xf32>
    %add3A_27 = vector.broadcast %get3A_26 : vector<1x128xf32> to vector<1024x128xf32>
    %add3A_28 = arith.addf %dot_general3A_23, %add3A_27 : vector<1024x128xf32>
    %max3A_29 = arith.constant 0.000000e+00 : f32
    %max3A_30 = vector.broadcast %max3A_29 : f32 to vector<1024x128xf32>
    %max3A_31 = arith.maximumf %add3A_28, %max3A_30 : vector<1024x128xf32>
    %get3A_32 = arith.constant 0 : index
    %get3A_33 = arith.constant 0 : index
    %get3A_34 = vector.load %arg6[%get3A_32, %get3A_33] : memref<128x128xf32, #tpu.memory_space<vmem>>, vector<128x128xf32>
    %dot_general3A_35 = arith.constant dense<0.000000e+00> : vector<1024x128xf32>
    %dot_general3A_36 = tpu.matmul %max3A_31, %get3A_34, %dot_general3A_35 {dimension_numbers = #tpu.dot_dimension_numbers<[1], [0], [0], [1], [0, 0, 1, 1], [], []>, transpose_lhs_hint = false} : vector<1024x128xf32>, vector<128x128xf32>, vector<1024x128xf32> -> vector<1024x128xf32>
    %get3A_37 = arith.constant 0 : index
    %get3A_38 = arith.constant 0 : index
    %get3A_39 = vector.load %arg7[%get3A_37, %get3A_38] : memref<1x128xf32, #tpu.memory_space<vmem>>, vector<1x128xf32>
    %add3A_40 = vector.broadcast %get3A_39 : vector<1x128xf32> to vector<1024x128xf32>
    %add3A_41 = arith.addf %dot_general3A_36, %add3A_40 : vector<1024x128xf32>
    %concatenate3A = tpu.concatenate %add3A, %add3A_41 in 1 : vector<1024x128xf32>, vector<1024x128xf32> -> vector<1024x256xf32>
    %get3A_42 = arith.constant 0 : index
    %get3A_43 = arith.constant 0 : index
    %get3A_44 = vector.load %arg8[%get3A_42, %get3A_43] : memref<256x128xf32, #tpu.memory_space<vmem>>, vector<256x128xf32>
    %dot_general3A_45 = arith.constant dense<0.000000e+00> : vector<1024x128xf32>
    %dot_general3A_46 = tpu.matmul %concatenate3A, %get3A_44, %dot_general3A_45 {dimension_numbers = #tpu.dot_dimension_numbers<[1], [0], [0], [1], [0, 0, 1, 1], [], []>, transpose_lhs_hint = false} : vector<1024x256xf32>, vector<256x128xf32>, vector<1024x128xf32> -> vector<1024x128xf32>
    %get3A_47 = arith.constant 0 : index
    %get3A_48 = arith.constant 0 : index
    %get3A_49 = vector.load %arg9[%get3A_47, %get3A_48] : memref<1x128xf32, #tpu.memory_space<vmem>>, vector<1x128xf32>
    %add3A_50 = vector.broadcast %get3A_49 : vector<1x128xf32> to vector<1024x128xf32>
    %add3A_51 = arith.addf %dot_general3A_46, %add3A_50 : vector<1024x128xf32>
    %max3A_52 = arith.constant 0.000000e+00 : f32
    %max3A_53 = vector.broadcast %max3A_52 : f32 to vector<1024x128xf32>
    %max3A_54 = arith.maximumf %add3A_51, %max3A_53 : vector<1024x128xf32>
    %get3A_55 = arith.constant 0 : index
    %get3A_56 = arith.constant 0 : index
    %get3A_57 = vector.load %arg10[%get3A_55, %get3A_56] : memref<128x64xf32, #tpu.memory_space<vmem>>, vector<128x64xf32>
    %dot_general3A_58 = arith.constant dense<0.000000e+00> : vector<1024x64xf32>
    %dot_general3A_59 = tpu.matmul %max3A_54, %get3A_57, %dot_general3A_58 {dimension_numbers = #tpu.dot_dimension_numbers<[1], [0], [0], [1], [0, 0, 1, 1], [], []>, transpose_lhs_hint = false} : vector<1024x128xf32>, vector<128x64xf32>, vector<1024x64xf32> -> vector<1024x64xf32>
    %get3A_60 = arith.constant 0 : index
    %get3A_61 = arith.constant 0 : index
    %get3A_62 = vector.load %arg11[%get3A_60, %get3A_61] : memref<1x64xf32, #tpu.memory_space<vmem>>, vector<1x64xf32>
    %add3A_63 = vector.broadcast %get3A_62 : vector<1x64xf32> to vector<1024x64xf32>
    %add3A_64 = arith.addf %dot_general3A_59, %add3A_63 : vector<1024x64xf32>
    %max3A_65 = arith.constant 0.000000e+00 : f32
    %max3A_66 = vector.broadcast %max3A_65 : f32 to vector<1024x64xf32>
    %max3A_67 = arith.maximumf %add3A_64, %max3A_66 : vector<1024x64xf32>
    %get3A_68 = arith.constant 0 : index
    %get3A_69 = arith.constant 0 : index
    %get3A_70 = vector.load %arg12[%get3A_68, %get3A_69] : memref<64x1xf32, #tpu.memory_space<vmem>>, vector<64x1xf32>
    %dot_general3A_71 = arith.constant dense<0.000000e+00> : vector<1024x1xf32>
    %dot_general3A_72 = tpu.matmul %max3A_67, %get3A_70, %dot_general3A_71 {dimension_numbers = #tpu.dot_dimension_numbers<[1], [0], [0], [1], [0, 0, 1, 1], [], []>, transpose_lhs_hint = false} : vector<1024x64xf32>, vector<64x1xf32>, vector<1024x1xf32> -> vector<1024x1xf32>
    %get3A_73 = arith.constant 0 : index
    %get3A_74 = arith.constant 0 : index
    %get3A_75 = vector.load %arg13[%get3A_73, %get3A_74] : memref<1x1xf32, #tpu.memory_space<vmem>>, vector<1x1xf32>
    %add3A_76 = vector.broadcast %get3A_75 : vector<1x1xf32> to vector<1024x1xf32>
    %add3A_77 = arith.addf %dot_general3A_72, %add3A_76 : vector<1024x1xf32>
    %swap3A = arith.constant 0 : index
    %swap3A_78 = arith.constant 0 : index
    %swap3A_79 = vector.load %arg14[%swap3A, %swap3A_78] : memref<1024x1xf32, #tpu.memory_space<vmem>>, vector<1024x1xf32>
    tpu.vector_store %arg14[%swap3A, %swap3A_78], %add3A_77 {strides = array<i32>} : memref<1024x1xf32, #tpu.memory_space<vmem>>, vector<1024x1xf32>,
    return
  }
}

</mosaic_0001>

<sc_bundles>
// kernel: kernel.11.cloned.1.call-start
scs
__scs_entry_jumppad:
0x0: {  	(pc) =	sbr.rel $0x88, $3  }
0x1: {  	(tag) =	ssettag $0x0;
	lr =	simm.s32 $0x1  }
0x2: {  	[smem:$0x3F81] =	sst lr;
	_ =	strace $0xD0000000  }
0x3: {  	_ = 	snop  }
0x4: {  	_ = 	snop  }
0x5: {  	_ = 	snop  }
0x6: {  	_ = 	snop  }
0x7: {  	_ = 	snop  }
__scs_overlays_trampoline_lowered:
0x8: {  	[smem:$0x3F90] =	sst s0  }
0x9: {  	[smem:$0x3F91] =	sst s1  }
0xa: {  	[smem:$0x3F92] =	sst s2  }
0xb: {  	[smem:$0x3F93] =	sst s3  }
0xc: {  	[smem:$0x3F94] =	sst s4  }
0xd: {  	[smem:$0x3F95] =	sst s5  }
0xe: {  	[smem:$0x3F96] =	sst s6  }
0xf: {  	[smem:$0x3F97] =	sst s7  }
0x10: {  	[smem:$0x3F98] =	sst s8  }
0x11: {  	[smem:$0x3F99] =	sst s9;
	s0 =	simm.s32 @!p0 $0x0  }
0x12: {  	s1 =	sld [smem:$0x3F7F];
	s0 =	simm.s32 @p0 $0x1  }
0x13: {  	[smem:$0x3F9A] =	sst s0;
	s0 =	simm.s32 @!p1 $0x0  }
0x14: {  	s2 =	sld [smem:$0x3F7E];
	s0 =	simm.s32 @p1 $0x1  }
0x15: {  	[smem:$0x3F9B] =	sst s0;
	s0 =	simm.s32 @!p2 $0x0  }
0x16: {  	s3 =	sld [smem:$0x3FDB];
	s0 =	simm.s32 @p2 $0x1  }
0x17: {  	s4 =	simm.s32 $0x1BF5;
	[smem:$0x3F9D] =	sst s0  }
0x18: {  	s0 =	sld [smem:$0x3F80];
	_ =	swait.ge [sflag:s4], $0x0  }
0x19: {  	s7 =	sld [smem:$0x3F81]  }
0x1a: {  	s8 =	sadd.s32 $0xFFFFE003, lr  }
0x1b: {  	s9 =	sadd.s32 $0xFFFFFEF7, lr;
	s5 =	simm.s32 $0xFFFFFFFF;
	p2 =	slt.u32 s8, $0xFFFFF086  }
0x1c: {  	p1 =	slt.u32 s9, $0xF7A;
	s5 =	simm.s32 @!p2 $0x0  }
0x1d: {  	s5 =	simm.s32 @p1 $0x1;
	p0 =	seq.s32 s7, s2  }
0x1e: {  	s7 =	smul.u32 @!p0 $0xF7A, s2;
	p2 =	seq.s32 @!p0 s5, $0x0  }
0x1f: {  	s9 =	smul.u32 $0xF7A, s1;
	s8 =	simm.s32 @!p0 $0x1BF5;
	p2 =	por !p2, p0  }
0x20: {  	[sflag:s8] =	ssyncset.s32 @!p0 $0xFFFFF086;
	s6 =	sadd.s32 @!p0 s3, s7;
	s7 =	simm.s32 @!p0 $0x108  }
0x21: {  	s3 =	sadd.s32 s3, s9;
	s6 =	sadd.s32 @!p0 $0x88, s6;
	s7 =	simm.s32 @p2 $0x1082  }
0x22: {  	[simem:s7], [sflag:s8] =	dma.local @!p0 [hbm:s6], $0xF7A  }
0x23: {  	s9 =	sor.u32 $0xD0000000, s2;
	s6 =	simm.s32 $0x108;
	_ =	swait.ge @!p0 [sflag:s8], $0x0  }
0x24: {  	s3 =	sadd.s32 $0x88, s3;
	s6 =	simm.s32 @!p1 $0x1082;
	[sflag:s4] =	ssyncset.s32 $0xFFFFF086  }
0x25: {  	[simem:s6], [sflag:s4] =	dma.local [hbm:s3], $0xF7A  }
0x26: {  	[smem:$0x3F81] =	sst s1;
	(tag) =	ssettag s2;
	_ =	strace s9  }
0x27: {  	s1 =	sld [smem:$0x3F91]  }
0x28: {  	s2 =	sld [smem:$0x3F92]  }
0x29: {  	s4 =	sld [smem:$0x3F94]  }
0x2a: {  	p0 =	seq.s32 s5, $0x0;
	s5 =	sld [smem:$0x3F95]  }
0x2b: {  	s6 =	sld [smem:$0x3F96]  }
0x2c: {  	s7 =	sld [smem:$0x3F97]  }
0x2d: {  	s3 =	simm.s32 $0x108;
	s8 =	sld [smem:$0x3F98]  }
0x2e: {  	s3 =	simm.s32 @!p0 $0x1082;
	s9 =	sld [smem:$0x3F99]  }
0x2f: {  	lr =	sadd.s32 s0, s3;
	s0 =	sld [smem:$0x3F90]  }
0x30: {  	s3 =	sld [smem:$0x3F93]  }
0x31: {  	[smem:$0x3F9C] =	sst s10  }
0x32: {  	s10 =	sld [smem:$0x3F9A];
	_ =	sdelay $0x3  }
0x33: {  	p0 =	seq.s32 s10, $0x1;
	s10 =	sld [smem:$0x3F9C];
	_ =	sdelay $0x3  }
0x34: {  	[smem:$0x3F9C] =	sst s10  }
0x35: {  	s10 =	sld [smem:$0x3F9B];
	_ =	sdelay $0x3  }
0x36: {  	p1 =	seq.s32 s10, $0x1;
	s10 =	sld [smem:$0x3F9C];
	_ =	sdelay $0x3  }
0x37: {  	[smem:$0x3F9C] =	sst s10  }
0x38: {  	s10 =	sld [smem:$0x3F9D]  }
0x39: {  	_ = 	snop;
	(pc) =	sbr.ind lr, $3  }
0x3a: {  	_ = 	snop  }
0x3b: {  	_ = 	snop  }
0x3c: {  	p2 =	seq.s32 s10, $0x1;
	s10 =	sld [smem:$0x3F9C]  }
0x3d: {  	_ =	shalt  }
0x3e: {  	_ =	shalt  }
0x3f: {  	_ =	shalt  }
0x40: {  	_ =	shalt  }
0x41: {  	_ =	shalt  }
0x42: {  	_ =	shalt  }
0x43: {  	_ =	shalt  }
0x44: {  	_ =	shalt  }
0x45: {  	_ =	shalt  }
0x46: {  	_ =	shalt  }
0x47: {  	_ =	shalt  }
0x48: {  	_ =	shalt  }
0x49: {  	_ =	shalt  }
0x4a: {  	_ =	shalt  }
0x4b: {  	_ =	shalt  }
0x4c: {  	_ =	shalt  }
0x4d: {  	_ =	shalt  }
0x4e: {  	_ =	shalt  }
0x4f: {  	_ =	shalt  }
0x50: {  	_ =	shalt  }
0x51: {  	_ =	shalt  }
0x52: {  	_ =	shalt  }
0x53: {  	_ =	shalt  }
0x54: {  	_ =	shalt  }
0x55: {  	_ =	shalt  }
0x56: {  	_ =	shalt  }
0x57: {  	_ =	shalt  }
0x58: {  	_ =	shalt  }
0x59: {  	_ =	shalt  }
0x5a: {  	_ =	shalt  }
0x5b: {  	_ =	shalt  }
0x5c: {  	_ =	shalt  }
0x5d: {  	_ =	shalt  }
0x5e: {  	_ =	shalt  }
0x5f: {  	_ =	shalt  }
0x60: {  	_ =	shalt  }
0x61: {  	_ =	shalt  }
0x62: {  	_ =	shalt  }
0x63: {  	_ =	shalt  }
0x64: {  	_ =	shalt  }
0x65: {  	_ =	shalt  }
0x66: {  	_ =	shalt  }
0x67: {  	_ =	shalt  }
0x68: {  	_ =	shalt  }
0x69: {  	_ =	shalt  }
0x6a: {  	_ =	shalt  }
0x6b: {  	_ =	shalt  }
0x6c: {  	_ =	shalt  }
0x6d: {  	_ =	shalt  }
0x6e: {  	_ =	shalt  }
0x6f: {  	_ =	shalt  }
0x70: {  	_ =	shalt  }
0x71: {  	_ =	shalt  }
0x72: {  	_ =	shalt  }
0x73: {  	_ =	shalt  }
0x74: {  	_ =	shalt  }
0x75: {  	_ =	shalt  }
0x76: {  	_ =	shalt  }
0x77: {  	_ =	shalt  }
0x78: {  	_ =	shalt  }
0x79: {  	_ =	shalt  }
0x7a: {  	_ =	shalt  }
0x7b: {  	_ =	shalt  }
0x7c: {  	_ =	shalt  }
0x7d: {  	_ =	shalt  }
0x7e: {  	_ =	shalt  }
0x7f: {  	_ =	shalt  }
0x80: {  	_ =	shalt  }
0x81: {  	_ =	shalt  }
0x82: {  	_ =	shalt  }
0x83: {  	_ =	shalt  }
0x84: {  	_ =	shalt  }
0x85: {  	_ =	shalt  }
0x86: {  	_ =	shalt  }
0x87: {  	_ =	shalt  }
.Lfunc_end0:
.L_simem_size_0:
called_computation_lowered:
.L_overlay_start_0:
0x88: {  	s2 =	sld [smem:$0x3FD9]  }
0x89: {  	s3 =	sld [smem:$0x3FFE];
	_ =	sdelay $0x1  }
0x8a: {  	s1 =	srdreg.scid  }
0x8b: {  	s0 =	sand.u32 $0x1, s1  }
0x8c: {  	s16 =	sshll.u32 s0, $0xA;
	s2 =	sadd.s32 s3, s2  }
0x8d: {  	s2 =	sadd.s32 s2, s16  }
0x8e: {  	[smem:$0x3FA8] =	sst s2  }
0x8f: {  	_ = 	snop  }
0x90: {  	(tm) =	ssettm $0x1  }
0x91: {  	s17 =	sld [smem:$0x3FFB];
	_ =	sdelay $0x3  }
0x92: {  	_ =	strace s17  }
0x93: {  	s2 =	sld [smem:$0x3FFC];
	_ =	sdelay $0x3  }
0x94: {  	_ =	strace s2  }
0x95: {  	s2 =	sld [smem:$0x3FFD];
	_ =	sdelay $0x3  }
0x96: {  	_ =	strace s2  }
0x97: {  	_ =	strace $0x8FFFFFFF  }
0x98: {  	s18 =	sld [smem:$0x3FDB];
	_ =	sdelay $0x1  }
0x99: {  	s19 =	simm.s32 $_scs_section_size  }
0x9a: {  	s4 =	simm.s32 $_size__tile_overlayer_lowered;
	s5 =	simm.s32 $_tile_overlayer_lowered  }
0x9b: {  	s22 =	simm.s32 $0x1BFF;
	s21 =	sshll.u32 s5, $0x1;
	s2 =	sadd.s32 s19, s18  }
0x9c: {  	s6 =	simm.s32 $0x0;
	s20 =	sshll.u32 s4, $0x1;
	s4 =	sadd.s32 s21, s2  }
0x9d: {  	[timem:s6], [sflag:s22] =	dma.local [hbm:s4], s20  }
0x9e: {  	_ =	swait.ge [sflag:s22], s20  }
0x9f: {  	s3 =	ssub.s32 $0x0, s20;
	[sflag:s22] =	ssyncset.done $0x0  }
0xa0: {  	[sflag:s22] =	ssyncadd.s32 s3;
	_ =	sdelay $0x1  }
0xa1: {  	s23 =	simm.s32 $0x1B8B  }
0xa2: {  	_ =	swait.ge [sflag:s23], $0x1  }
0xa3: {  	[sflag:s23] =	ssyncset.done $0x0  }
0xa4: {  	s25 =	simm.s32 $0x1B8E;
	s24 =	sld [smem:$0x3FFE];
	[sflag:s23] =	ssyncadd.s32 $0xFFFFFFFF  }
0xa5: {  	s26 =	simm.s32 $execute0_lowered;
	[smem:$0x3FD2] =	sst s25  }
0xa6: {  	s4 =	sshll.u32 s26, $0x1;
	_ =	strace $0x80000046;
	[dreg:$0x1] =	wrdreg $0xFFFFFFFF  }
0xa7: {  	s28 =	simm.s32 $_size_execute0_lowered;
	s2 =	sadd.s32 s2, s4;
	[dreg:$0x0] =	wrdreg $0x0  }
0xa8: {  	s4 =	sshll.u32 s28, $0x1;
	[dreg:$0x2] =	wrdreg s2  }
0xa9: {  	[dreg:$0x3] =	wrdreg s4  }
0xaa: {  	[dreg:$0x4] =	wrdreg $0xC0  }
0xab: {  	_ =	task [dreg:s6], $0x5FFFF  }
0xac: {  	[dreg:$0x1] =	wrdreg $0xFFFFFFFF  }
0xad: {  	[dreg:$0x0] =	wrdreg $0x60  }
0xae: {  	[dreg:$0x2] =	wrdreg s24  }
0xaf: {  	[dreg:$0x3] =	wrdreg $0x6A800  }
0xb0: {  	[dreg:$0x4] =	wrdreg $0x9  }
0xb1: {  	_ =	task.clear_ibuf [dreg:s6], $0x5FFFF;
	_ =	strace $0x90000046  }
0xb2: {  	s29 =	simm.s32 $0x9;
	_ =	strace $0x80000048  }
0xb3: {  	_ =	swait.ge [sflag:s29], $0x1  }
0xb4: {  	[sflag:s29] =	ssyncadd.s32 $0xFFFFFFFF  }
0xb5: {  	_ =	strace $0x90000048  }
0xb6: {  	_ =	sfence  }
0xb7: {  	s30 =	sld [smem:$0x0];
	_ =	sdelay $0x2  }
0xb8: {  	s31 =	sshll.u32 s1, $0xD;
	s1 =	sshrl.u32 s1, $0x2  }
0xb9: {  	s3 =	sand.u32 $0x4000, s31;
	s1 =	sadd.s32 s1, s30  }
0xba: {  	s0 =	sor.u32 s3, s0;
	s1 =	sshll.u32 s1, $0x11  }
0xbb: {  	s0 =	sor.u32 s1, s0  }
0xbc: {  	s0 =	sadd.s32 $0x8F2B, s0  }
0xbd: {  	[sflag:s0] =	ssyncadd.remote.s32 $0x1  }
0xbe: {  	_ =	sfence.sel $0xFFFF  }
0xbf: {  	[dreg:$0x0] =	wrdreg $0xFFFFFFFF;
	(pc) =	sbr.abs _section_cstart, $3  }
0xc0: {  	[dreg:$0x1] =	wrdreg $0xFFFFFFFF  }
0xc1: {  	_ =	task.clear_ibuf [dreg:s6], $0x2FFFF;
	_ =	strace $0x9FFFFFFF  }
0xc2: {  	(tm) =	ssettm $0x7FFFFFFF  }
0xc3: {  	_ =	shalt  }
tec
execute0_lowered:
.L_overlay_start_1:
0x0: {  	(tag) =	ssettag $0x1  }
0x1: {  	s0 =	rddreg [dreg:$0x0]  }
0x2: {  	s1 =	rddreg [dreg:$0x1]  }
0x3: {  	s2 =	simm.s32 $0x0;
	s3 =	srdreg.scid;
	s14 =	stileid.u32  }
0x4: {  	s28 =	simm.s32 $0x900;
	s29 =	simm.s32 $0x4A80;
	s30 =	simm.s32 $0x2  }
0x5: {  	s31 =	simm.s32 $0x980;
	[smem:$0x7FF] =	sst s2;
	s4 =	sadd.s32 $0xFDC00, s0  }
0x6: {  	s3 =	sand.u32 $0x1, s3;
	s5 =	sadd.s32 $0x4400, s0;
	s9 =	smul.u32 $0x65000, s14  }
0x7: {  	s6 =	sadd.s32 $0x1D000, s0;
	s7 =	sadd.s32 $0x35C00, s0;
	s20 =	smul.u32 $0x320, s14  }
0x8: {  	s0 =	sadd.s32 $0x1C5C00, s0;
	s16 =	sshll.u32 s14, $0x6;
	s22 =	smul.u32 $0x64000, s14  }
0x9: {  	s14 =	smul.u32 $0xC600, s14;
	_ =	strace $0x80000047;
	s8 =	ssub.s32 $0x2, s3  }
0xa: {  	s11 =	smul.u32 $0x6400, s3;
	s10 =	sshrl.u32 s8, $0x1;
	s26 =	sshrl.u32 s9, $0x2  }
0xb: {  	s3 =	simm.s32 $0x3;
	s10 =	ssub.s32 s8, s10;
	s9 =	sadd.s32 s26, s1  }
0xc: {  	s8 =	sor.u32 $0x1C07, s16;
	s15 =	sadd.s32 s20, s11;
	s16 =	sadd.s32 $0x3200, s11  }
0xd: {  	v0 =	vmov s11;
	s11 =	simm.s32 $0x6;
	s17 =	sadd.s32 $0x4000, s9;
	s12 =	sadd.s32 $0x8000, s9  }
0xe: {  	s18 =	sadd.s32 $0xC000, s9;
	s19 =	sadd.s32 $0x10000, s9;
	[dreg:$0x3] =	wrdreg s12  }
0xf: {  	s13 =	sadd.s32 $0x14000, s9;
	s21 =	sadd.s32 $0x18000, s9;
	[dreg:$0x4] =	wrdreg s18  }
0x10: {  	s15 =	sshll.u32 s15, $0x4;
	s24 =	smax.u32 s10, $0x1;
	[dreg:$0x5] =	wrdreg s19  }
0x11: {  	s25 =	sshrl.u32 s9, $0x3;
	s9 =	simm.s32 $0xA00;
	[dreg:$0x6] =	wrdreg s13  }
0x12: {  	s10 =	simm.s32 $0x5;
	[dreg:$0x7] =	wrdreg s21;
	s13 =	sshrl.u32 s22, $0x2  }
0x13: {  	s12 =	sadd.s32 s20, s16;
	s23 =	sadd.s32 s0, s15;
	[dreg:$0xb] =	wrdreg s24  }
0x14: {  	[dreg:$0xc] =	wrdreg s25;
	s20 =	simm.s32 $0x7;
	s26 =	sshrl.u32 s17, $0x3  }
0x15: {  	s22 =	simm.s32 $0x480;
	s24 =	simm.s32 $0xA80;
	s25 =	simm.s32 $0x2A80  }
0x16: {  	s15 =	simm.s32 $0x0;
	s13 =	sadd.s32 s13, s1;
	[dreg:$0x9] =	wrdreg s23  }
0x17: {  	s12 =	sshll.u32 s12, $0x4;
	[dreg:$0xd] =	wrdreg s26;
	s23 =	simm.s32 $0x40  }
0x18: {  	s26 =	simm.s32 $0x1;
	[dreg:$0x8] =	wrdreg s13;
	s0 =	sadd.s32 s0, s12  }
0x19: {  	v1 =	vmov s16;
	s12 =	simm.s32 $0x440;
	[dreg:$0xa] =	wrdreg s0;
	s0 =	simm.s32 $0x4  }
.LBB2_1:
0x1a: {  	[dreg:$0xe] =	wrdreg s15  }
0x1b: {  	s13 =	rddreg [dreg:$0xc]  }
0x1c: {  	[spmem:s13], [sflag:s8] =	dma.local [hbm:s7], $0x800  }
0x1d: {  	_ =	swait.ge [sflag:s20], $0x800  }
0x1e: {  	[sflag:s20] =	ssyncset.done $0x0  }
0x1f: {  	s15 =	rddreg [dreg:$0xd];
	[sflag:s20] =	ssyncadd.s32 $0xFFFFF800  }
0x20: {  	[spmem:s15], [sflag:s8] =	dma.local [hbm:s7], $0x800  }
0x21: {  	_ =	swait.ge [sflag:s20], $0x800  }
0x22: {  	s16 =	rddreg [dreg:$0x3]  }
0x23: {  	[sflag:s20] =	ssyncset.done $0x0;
	s13 =	sshrl.u32 s16, $0x3  }
0x24: {  	[sflag:s20] =	ssyncadd.s32 $0xFFFFF800;
	[dreg:$0xf] =	wrdreg s13  }
0x25: {  	[spmem:s13], [sflag:s8] =	dma.local [hbm:s7], $0x800  }
0x26: {  	_ =	swait.ge [sflag:s20], $0x800  }
0x27: {  	s17 =	rddreg [dreg:$0x4]  }
0x28: {  	[sflag:s20] =	ssyncset.done $0x0;
	s13 =	sshrl.u32 s17, $0x3  }
0x29: {  	[sflag:s20] =	ssyncadd.s32 $0xFFFFF800;
	[dreg:$0x10] =	wrdreg s13  }
0x2a: {  	[spmem:s13], [sflag:s8] =	dma.local [hbm:s7], $0x800  }
0x2b: {  	_ =	swait.ge [sflag:s20], $0x800  }
0x2c: {  	s18 =	rddreg [dreg:$0x5]  }
0x2d: {  	[sflag:s20] =	ssyncset.done $0x0;
	s13 =	sshrl.u32 s18, $0x3  }
0x2e: {  	[sflag:s20] =	ssyncadd.s32 $0xFFFFF800;
	[dreg:$0x11] =	wrdreg s13  }
0x2f: {  	[spmem:s13], [sflag:s8] =	dma.local [hbm:s7], $0x800  }
0x30: {  	_ =	swait.ge [sflag:s20], $0x800  }
0x31: {  	s19 =	rddreg [dreg:$0x6]  }
0x32: {  	[sflag:s20] =	ssyncset.done $0x0;
	s13 =	sshrl.u32 s19, $0x3  }
0x33: {  	[sflag:s20] =	ssyncadd.s32 $0xFFFFF800;
	[dreg:$0x12] =	wrdreg s13  }
0x34: {  	[spmem:s13], [sflag:s8] =	dma.local [hbm:s7], $0x800  }
0x35: {  	_ =	swait.ge [sflag:s20], $0x800  }
0x36: {  	s21 =	rddreg [dreg:$0x7]  }
0x37: {  	[sflag:s20] =	ssyncset.done $0x0;
	s13 =	sshrl.u32 s21, $0x3  }
0x38: {  	[sflag:s20] =	ssyncadd.s32 $0xFFFFF800;
	[dreg:$0x13] =	wrdreg s13  }
0x39: {  	[spmem:s13], [sflag:s8] =	dma.local [hbm:s7], $0x280  }
0x3a: {  	_ =	swait.ge [sflag:s20], $0x280  }
0x3b: {  	[sflag:s20] =	ssyncset.done $0x0  }
0x3c: {  	[sflag:s20] =	ssyncadd.s32 $0xFFFFFD80  }
0x3d: {  	s21 =	simm.s32 $0x0;
	[bflag:$0x0] =	sbarrier.arrive $0xFFFF  }
.LBB2_2:
0x3e: {  	s15 =	smul.u32 $0x480, s21;
	_ =	sdelay $0x1  }
0x3f: {  	s15 =	sadd.s32 s14, s15  }
0x40: {  	s15 =	sshrl.u32 s15, $0x3  }
0x41: {  	s17 =	simm.s32 $0x0;
	s16 =	sadd.s32 s5, s15  }
0x42: {  	[tilespmem:s17], [sflag:$0x7] =	stream.linear.gather [hbm4b:s16+s17], $0x480, $0x38;
	[tilespmem:$0x1FE80] =	vst v63  }
0x43: {  	_ =	swait.ge [sflag:s20], $0x480  }
0x44: {  	[sflag:s20] =	ssyncset.done $0x0  }
0x45: {  	s15 =	sadd.s32 s6, s15;
	[sflag:s20] =	ssyncadd.s32 $0xFFFFFB80  }
0x46: {  	[tilespmem:s22], [sflag:$0x7] =	stream.linear.gather [hbm4b:s15+s17], $0x480, $0x38;
	[tilespmem:$0x1FE80] =	vst v63  }
0x47: {  	_ =	swait.ge [sflag:s20], $0x480  }
0x48: {  	[sflag:s20] =	ssyncset.done $0x0  }
0x49: {  	s16 =	simm.s32 $0x40;
	s15 =	simm.s32 $0x0;
	[sflag:s20] =	ssyncadd.s32 $0xFFFFFB80  }
.LBB2_3:
0x4a: {  	p0 =	sne.s32 s16, $0x11C0;
	v2 =	vld [tilespmem:s15+$0x480];
	_ =	sdelay $0x2  }
.Ltmp0:
0x4b: {  	(pc) =	sbr.rel @p0 .LBB2_3-.Ltmp0, $4  }
0x4c: {  	_ = 	snop  }
0x4d: {  	v2 =	vsub.s32 v2, v0  }
0x4e: {  	v2 =	vmin.u32 v2, $0x3200  }
0x4f: {  	[tilespmem:s15+$0x480] =	vst v2;
	s15 =	sshra.s32 s16, $0x2;
	s16 =	sadd.s32 $0x40, s16  }
0x50: {  	v2 =	vld [tilespmem:s15+$0x480];
	_ =	sdelay $0x4  }
0x51: {  	v2 =	vsub.s32 v2, v0  }
0x52: {  	v2 =	vmin.u32 v2, $0x3200  }
0x53: {  	[tilespmem:s15+$0x480] =	vst v2  }
0x54: {  	v2 =	vld [tilespmem:$0x480]  }
0x55: {  	v3 =	vld [tilespmem:$0x490]  }
0x56: {  	v4 =	vld [tilespmem:$0x4A0]  }
0x57: {  	v5 =	vld [tilespmem:$0x4B0];
	_ =	sdelay $0x1  }
0x58: {  	[tilespmem:$0x900] =	vst v2  }
0x59: {  	[tilespmem:$0x910] =	vst v3  }
0x5a: {  	[tilespmem:$0x920] =	vst v4  }
0x5b: {  	[tilespmem:$0x930] =	vst v5  }
0x5c: {  	[tilespmem:s24], [sflag:$0x1] =	stream.indirect.gather [hbm4b:s4+s23], $0x80, s2, s23, $0xb8;
	[tilespmem:$0x1FE80] =	vst v63  }
0x5d: {  	v2 =	vld [tilespmem:$0x4C0]  }
0x5e: {  	v3 =	vld [tilespmem:$0x4D0]  }
0x5f: {  	v62 =	vld [tilespmem:$0x4E0]  }
0x60: {  	v63 =	vld [tilespmem:$0x4F0];
	_ =	sdelay $0x1  }
0x61: {  	[tilespmem:$0x980] =	vst v2  }
0x62: {  	[tilespmem:$0x990] =	vst v3  }
0x63: {  	[tilespmem:$0x9A0] =	vst v62  }
0x64: {  	[tilespmem:$0x9B0] =	vst v63  }
0x65: {  	[tilespmem:s25], [sflag:$0x2] =	stream.indirect.gather [hbm4b:s4+s23], $0x80, s23, s23, $0xb8;
	[tilespmem:$0x1FE80] =	vst v63  }
0x66: {  	_ =	swait.ge [sflag:s26], $0x2000  }
0x67: {  	p0 =	por $0x1, $0x1;
	[sflag:s26] =	ssyncset.done $0x0  }
0x68: {  	s16 =	simm.s32 @!p0 $0x6;
	[sflag:s26] =	ssyncadd.s32 $0xFFFFE000  }
0x69: {  	[spmem:s1] =	stream.indirect.scatter.add.f32 [tilespmem:s24], [sflag:$0x4], $0x80, s28, s23, $0xb8;
	[tilespmem:$0x1FE80] =	vst v63  }
0x6a: {  	_ =	swait.ge @!p0 [sflag:s16], $0x2000  }
0x6b: {  	[sflag:s16] =	ssyncset.done @!p0 $0x0  }
0x6c: {  	s15 =	simm.s32 $0x520;
	[sflag:s16] =	ssyncadd.s32 @!p0 $0xFFFFE000  }
0x6d: {  	v2 =	vld [tilespmem:s15+$0xFFFFFFE0];
	_ =	sdelay $0x4  }
0x6e: {  	[tilespmem:$0xA00] =	vst v2  }
0x6f: {  	v2 =	vld [tilespmem:s15+$0xFFFFFFF0];
	_ =	sdelay $0x4  }
0x70: {  	[tilespmem:$0xA10] =	vst v2  }
0x71: {  	v2 =	vld [tilespmem:s15+$0x0];
	_ =	sdelay $0x4  }
0x72: {  	[tilespmem:$0xA20] =	vst v2  }
0x73: {  	v2 =	vld [tilespmem:s15+$0x10];
	_ =	sdelay $0x4  }
0x74: {  	s18 =	simm.s32 $0x80;
	[tilespmem:$0xA30] =	vst v2  }
0x75: {  	[tilespmem:s29], [sflag:$0x3] =	stream.indirect.gather [hbm4b:s4+s23], $0x80, s18, s23, $0xb8;
	[tilespmem:$0x1FE80] =	vst v63  }
0x76: {  	_ =	swait.ge [sflag:s30], $0x2000  }
0x77: {  	[sflag:s30] =	ssyncset.done $0x0  }
0x78: {  	[sflag:s30] =	ssyncadd.s32 $0xFFFFE000  }
0x79: {  	[spmem:s1] =	stream.indirect.scatter.add.f32 [tilespmem:s25], [sflag:$0x5], $0x80, s31, s23, $0xb8;
	[tilespmem:$0x1FE80] =	vst v63  }
0x7a: {  	_ =	swait.ge [sflag:s0], $0x2000  }
0x7b: {  	[sflag:s0] =	ssyncset.done $0x0  }
0x7c: {  	[sflag:s0] =	ssyncadd.s32 $0xFFFFE000  }
0x7d: {  	v2 =	vld [tilespmem:s15+$0x20];
	_ =	sdelay $0x4  }
0x7e: {  	[tilespmem:$0x900] =	vst v2  }
0x7f: {  	v2 =	vld [tilespmem:s15+$0x30];
	_ =	sdelay $0x4  }
0x80: {  	[tilespmem:$0x910] =	vst v2  }
0x81: {  	v2 =	vld [tilespmem:s15+$0x40];
	_ =	sdelay $0x4  }
0x82: {  	[tilespmem:$0x920] =	vst v2  }
0x83: {  	v2 =	vld [tilespmem:s15+$0x50];
	_ =	sdelay $0x4  }
0x84: {  	s19 =	simm.s32 $0xC0;
	[tilespmem:$0x930] =	vst v2  }
0x85: {  	[tilespmem:s24], [sflag:$0x1] =	stream.indirect.gather [hbm4b:s4+s23], $0x80, s19, s23, $0xb8;
	[tilespmem:$0x1FE80] =	vst v63  }
0x86: {  	_ =	swait.ge [sflag:s3], $0x2000  }
0x87: {  	[sflag:s3] =	ssyncset.done $0x0  }
0x88: {  	[sflag:s3] =	ssyncadd.s32 $0xFFFFE000  }
0x89: {  	[spmem:s1] =	stream.indirect.scatter.add.f32 [tilespmem:s29], [sflag:$0x6], $0x80, s9, s23, $0xb8;
	[tilespmem:$0x1FE80] =	vst v63  }
0x8a: {  	_ =	swait.ge [sflag:s10], $0x2000  }
0x8b: {  	[sflag:s10] =	ssyncset.done $0x0  }
0x8c: {  	[sflag:s10] =	ssyncadd.s32 $0xFFFFE000  }
0x8d: {  	v2 =	vld [tilespmem:s15+$0x60];
	_ =	sdelay $0x4  }
0x8e: {  	[tilespmem:$0x980] =	vst v2  }
0x8f: {  	v2 =	vld [tilespmem:s15+$0x70];
	_ =	sdelay $0x4  }
0x90: {  	[tilespmem:$0x990] =	vst v2  }
0x91: {  	v2 =	vld [tilespmem:s15+$0x80];
	_ =	sdelay $0x4  }
0x92: {  	[tilespmem:$0x9A0] =	vst v2  }
0x93: {  	s17 =	simm.s32 $0x2;
	s16 =	simm.s32 $0x100;
	s18 =	simm.s32 $0x100;
	v2 =	vld [tilespmem:s15+$0x90]  }
.LBB2_5:
0x94: {  	_ =	sdelay $0x2  }
0x95: {  	s16 =	sadd.s32 $0xC0, s16  }
0x96: {  	s15 =	sadd.s32 $0xC0, s15;
	s19 =	smov.u32 s17;
	s17 =	sadd.s32 $0x3, s17;
	[tilespmem:$0x9B0] =	vst v2  }
0x97: {  	[tilespmem:s25], [sflag:$0x2] =	stream.indirect.gather [hbm4b:s4+s23], $0x80, s18, s23, $0xb8;
	[tilespmem:$0x1FE80] =	vst v63  }
0x98: {  	p0 =	sne.s32 s17, $0xE;
	s18 =	smov.u32 s16;
	_ =	swait.ge [sflag:s26], $0x2000  }
0x99: {  	p1 =	sgt.u32 s19, $0xE;
	[sflag:s26] =	ssyncset.done $0x0  }
0x9a: {  	s19 =	simm.s32 @!p1 $0x6;
	[sflag:s26] =	ssyncadd.s32 $0xFFFFE000  }
0x9b: {  	[spmem:s1] =	stream.indirect.scatter.add.f32 [tilespmem:s24], [sflag:$0x4], $0x80, s28, s23, $0xb8;
	[tilespmem:$0x1FE80] =	vst v63  }
0x9c: {  	_ =	swait.ge @!p1 [sflag:s19], $0x2000  }
0x9d: {  	[sflag:s19] =	ssyncset.done @!p1 $0x0  }
0x9e: {  	[sflag:s19] =	ssyncadd.s32 @!p1 $0xFFFFE000  }
0x9f: {  	v2 =	vld [tilespmem:s15+$0xFFFFFFE0];
	_ =	sdelay $0x4  }
0xa0: {  	[tilespmem:$0xA00] =	vst v2  }
0xa1: {  	v2 =	vld [tilespmem:s15+$0xFFFFFFF0];
	_ =	sdelay $0x4  }
0xa2: {  	[tilespmem:$0xA10] =	vst v2  }
0xa3: {  	v2 =	vld [tilespmem:s15+$0x0];
	_ =	sdelay $0x4  }
0xa4: {  	[tilespmem:$0xA20] =	vst v2  }
0xa5: {  	v2 =	vld [tilespmem:s15+$0x10];
	_ =	sdelay $0x3  }
0xa6: {  	s19 =	sadd.s32 $0xFFFFFF80, s16  }
0xa7: {  	[tilespmem:$0xA30] =	vst v2  }
0xa8: {  	[tilespmem:s29], [sflag:$0x3] =	stream.indirect.gather [hbm4b:s4+s23], $0x80, s19, s23, $0xb8;
	[tilespmem:$0x1FE80] =	vst v63  }
0xa9: {  	_ =	swait.ge [sflag:s30], $0x2000  }
0xaa: {  	[sflag:s30] =	ssyncset.done $0x0  }
0xab: {  	[sflag:s30] =	ssyncadd.s32 $0xFFFFE000  }
0xac: {  	[spmem:s1] =	stream.indirect.scatter.add.f32 [tilespmem:s25], [sflag:$0x5], $0x80, s31, s23, $0xb8;
	[tilespmem:$0x1FE80] =	vst v63  }
0xad: {  	_ =	swait.ge [sflag:s0], $0x2000  }
0xae: {  	[sflag:s0] =	ssyncset.done $0x0  }
0xaf: {  	[sflag:s0] =	ssyncadd.s32 $0xFFFFE000  }
0xb0: {  	v2 =	vld [tilespmem:s15+$0x20];
	_ =	sdelay $0x4  }
0xb1: {  	[tilespmem:$0x900] =	vst v2  }
0xb2: {  	v2 =	vld [tilespmem:s15+$0x30];
	_ =	sdelay $0x4  }
0xb3: {  	[tilespmem:$0x910] =	vst v2  }
0xb4: {  	v2 =	vld [tilespmem:s15+$0x40];
	_ =	sdelay $0x4  }
0xb5: {  	[tilespmem:$0x920] =	vst v2  }
0xb6: {  	v2 =	vld [tilespmem:s15+$0x50];
	_ =	sdelay $0x3  }
0xb7: {  	s19 =	sadd.s32 $0xFFFFFFC0, s16  }
0xb8: {  	[tilespmem:$0x930] =	vst v2  }
0xb9: {  	[tilespmem:s24], [sflag:$0x1] =	stream.indirect.gather [hbm4b:s4+s23], $0x80, s19, s23, $0xb8;
	[tilespmem:$0x1FE80] =	vst v63  }
0xba: {  	_ =	swait.ge [sflag:s3], $0x2000  }
0xbb: {  	[sflag:s3] =	ssyncset.done $0x0  }
0xbc: {  	[sflag:s3] =	ssyncadd.s32 $0xFFFFE000  }
0xbd: {  	[spmem:s1] =	stream.indirect.scatter.add.f32 [tilespmem:s29], [sflag:$0x6], $0x80, s9, s23, $0xb8;
	[tilespmem:$0x1FE80] =	vst v63  }
0xbe: {  	_ =	swait.ge [sflag:s10], $0x2000  }
0xbf: {  	[sflag:s10] =	ssyncset.done $0x0  }
0xc0: {  	[sflag:s10] =	ssyncadd.s32 $0xFFFFE000  }
0xc1: {  	v2 =	vld [tilespmem:s15+$0x60];
	_ =	sdelay $0x4  }
0xc2: {  	[tilespmem:$0x980] =	vst v2  }
0xc3: {  	v2 =	vld [tilespmem:s15+$0x70];
	_ =	sdelay $0x4  }
0xc4: {  	[tilespmem:$0x990] =	vst v2  }
0xc5: {  	v2 =	vld [tilespmem:s15+$0x80];
	_ =	sdelay $0x1  }
.Ltmp1:
0xc6: {  	(pc) =	sbr.rel @p0 .LBB2_5-.Ltmp1, $3  }
0xc7: {  	_ =	sdelay $0x1  }
0xc8: {  	[tilespmem:$0x9A0] =	vst v2  }
0xc9: {  	v2 =	vld [tilespmem:s15+$0x90]  }
0xca: {  	_ =	sdelay $0x3  }
0xcb: {  	[tilespmem:$0x9B0] =	vst v2  }
0xcc: {  	[tilespmem:s25], [sflag:$0x2] =	stream.indirect.gather [hbm4b:s4+s23], $0x80, s18, s23, $0xb8;
	[tilespmem:$0x1FE80] =	vst v63  }
0xcd: {  	_ =	swait.ge [sflag:s26], $0x2000  }
0xce: {  	[sflag:s26] =	ssyncset.done $0x0  }
0xcf: {  	[sflag:s26] =	ssyncadd.s32 $0xFFFFE000  }
0xd0: {  	[spmem:s1] =	stream.indirect.scatter.add.f32 [tilespmem:s24], [sflag:$0x4], $0x80, s28, s23, $0xb8;
	[tilespmem:$0x1FE80] =	vst v63  }
0xd1: {  	_ =	swait.ge [sflag:s11], $0x2000  }
0xd2: {  	[sflag:s11] =	ssyncset.done $0x0  }
0xd3: {  	[sflag:s11] =	ssyncadd.s32 $0xFFFFE000  }
0xd4: {  	v2 =	vld [tilespmem:$0x8C0]  }
0xd5: {  	v3 =	vld [tilespmem:$0x8D0]  }
0xd6: {  	v4 =	vld [tilespmem:$0x8E0]  }
0xd7: {  	v5 =	vld [tilespmem:$0x8F0];
	_ =	sdelay $0x1  }
0xd8: {  	[tilespmem:$0xA00] =	vst v2  }
0xd9: {  	[tilespmem:$0xA10] =	vst v3  }
0xda: {  	[tilespmem:$0xA20] =	vst v4  }
0xdb: {  	[tilespmem:$0xA30] =	vst v5  }
0xdc: {  	[tilespmem:s29], [sflag:$0x3] =	stream.indirect.gather [hbm4b:s4+s23], $0x80, s12, s23, $0xb8;
	[tilespmem:$0x1FE80] =	vst v63  }
0xdd: {  	_ =	swait.ge [sflag:s30], $0x2000  }
0xde: {  	[sflag:s30] =	ssyncset.done $0x0  }
0xdf: {  	[sflag:s30] =	ssyncadd.s32 $0xFFFFE000  }
0xe0: {  	[spmem:s1] =	stream.indirect.scatter.add.f32 [tilespmem:s25], [sflag:$0x5], $0x80, s31, s23, $0xb8;
	[tilespmem:$0x1FE80] =	vst v63  }
0xe1: {  	_ =	swait.ge [sflag:s3], $0x2000  }
0xe2: {  	[sflag:s3] =	ssyncset.done $0x0  }
0xe3: {  	[sflag:s3] =	ssyncadd.s32 $0xFFFFE000  }
0xe4: {  	[spmem:s1] =	stream.indirect.scatter.add.f32 [tilespmem:s29], [sflag:$0x6], $0x80, s9, s23, $0xb8;
	[tilespmem:$0x1FE80] =	vst v63  }
0xe5: {  	_ =	swait.ge [sflag:s0], $0x2000  }
0xe6: {  	[sflag:s0] =	ssyncset.done $0x0  }
0xe7: {  	s21 =	sadd.s32 $0x1, s21;
	[sflag:s0] =	ssyncadd.s32 $0xFFFFE000  }
0xe8: {  	p0 =	sne.s32 s21, $0x2C;
	_ =	swait.ge [sflag:s10], $0x2000  }
.Ltmp2:
0xe9: {  	[sflag:s10] =	ssyncset.done $0x0;
	(pc) =	sbr.rel @p0 .LBB2_2-.Ltmp2, $4  }
0xea: {  	[sflag:s10] =	ssyncadd.s32 $0xFFFFE000  }
0xeb: {  	_ =	swait.ge [sflag:s11], $0x2000  }
0xec: {  	[sflag:s11] =	ssyncset.done $0x0  }
0xed: {  	[sflag:s11] =	ssyncadd.s32 $0xFFFFE000  }
0xee: {  	[bflag:$0x0] =	sbarrier.arrive $0xFFFF  }
0xef: {  	s13 =	rddreg [dreg:$0x8]  }
0xf0: {  	s19 =	rddreg [dreg:$0x9];
	s15 =	sshrl.u32 s13, $0x3  }
0xf1: {  	[dreg:$0x14] =	wrdreg s15  }
0xf2: {  	[hbm:s19], [sflag:s8] =	dma.local [spmem:s15], $0x3200  }
0xf3: {  	_ =	swait.ge [sflag:s20], $0x3200  }
0xf4: {  	[sflag:s20] =	ssyncset.done $0x0  }
0xf5: {  	[sflag:s20] =	ssyncadd.s32 $0xFFFFCE00  }
0xf6: {  	[bflag:$0x0] =	sbarrier.arrive $0xFFFF  }
0xf7: {  	s21 =	rddreg [dreg:$0xc]  }
0xf8: {  	[spmem:s21], [sflag:s8] =	dma.local [hbm:s7], $0x800  }
0xf9: {  	_ =	swait.ge [sflag:s20], $0x800  }
0xfa: {  	[sflag:s20] =	ssyncset.done $0x0  }
0xfb: {  	s15 =	rddreg [dreg:$0xd];
	[sflag:s20] =	ssyncadd.s32 $0xFFFFF800  }
0xfc: {  	[spmem:s15], [sflag:s8] =	dma.local [hbm:s7], $0x800  }
0xfd: {  	_ =	swait.ge [sflag:s20], $0x800  }
0xfe: {  	[sflag:s20] =	ssyncset.done $0x0  }
0xff: {  	s16 =	rddreg [dreg:$0xf];
	[sflag:s20] =	ssyncadd.s32 $0xFFFFF800  }
0x100: {  	[spmem:s16], [sflag:s8] =	dma.local [hbm:s7], $0x800  }
0x101: {  	_ =	swait.ge [sflag:s20], $0x800  }
0x102: {  	[sflag:s20] =	ssyncset.done $0x0  }
0x103: {  	s17 =	rddreg [dreg:$0x10];
	[sflag:s20] =	ssyncadd.s32 $0xFFFFF800  }
0x104: {  	[spmem:s17], [sflag:s8] =	dma.local [hbm:s7], $0x800  }
0x105: {  	_ =	swait.ge [sflag:s20], $0x800  }
0x106: {  	[sflag:s20] =	ssyncset.done $0x0  }
0x107: {  	s18 =	rddreg [dreg:$0x11];
	[sflag:s20] =	ssyncadd.s32 $0xFFFFF800  }
0x108: {  	[spmem:s18], [sflag:s8] =	dma.local [hbm:s7], $0x800  }
0x109: {  	_ =	swait.ge [sflag:s20], $0x800  }
0x10a: {  	[sflag:s20] =	ssyncset.done $0x0  }
0x10b: {  	s19 =	rddreg [dreg:$0x12];
	[sflag:s20] =	ssyncadd.s32 $0xFFFFF800  }
0x10c: {  	[spmem:s19], [sflag:s8] =	dma.local [hbm:s7], $0x800  }
0x10d: {  	_ =	swait.ge [sflag:s20], $0x800  }
0x10e: {  	[sflag:s20] =	ssyncset.done $0x0  }
0x10f: {  	s21 =	rddreg [dreg:$0x13];
	[sflag:s20] =	ssyncadd.s32 $0xFFFFF800  }
0x110: {  	[spmem:s21], [sflag:s8] =	dma.local [hbm:s7], $0x280  }
0x111: {  	_ =	swait.ge [sflag:s20], $0x280  }
0x112: {  	[sflag:s20] =	ssyncset.done $0x0  }
0x113: {  	[sflag:s20] =	ssyncadd.s32 $0xFFFFFD80  }
0x114: {  	s15 =	simm.s32 $0x0;
	s16 =	simm.s32 $0x0;
	[bflag:$0x0] =	sbarrier.arrive $0xFFFF  }
.LBB2_8:
0x115: {  	s17 =	smul.u32 $0x480, s16;
	_ =	sdelay $0x1  }
0x116: {  	s17 =	sadd.s32 s14, s17  }
0x117: {  	s17 =	sshrl.u32 s17, $0x3  }
0x118: {  	s18 =	sadd.s32 s5, s17  }
0x119: {  	[tilespmem:s15], [sflag:$0x7] =	stream.linear.gather [hbm4b:s18+s15], $0x480, $0x38;
	[tilespmem:$0x1FE80] =	vst v63  }
0x11a: {  	_ =	swait.ge [sflag:s20], $0x480  }
0x11b: {  	[sflag:s20] =	ssyncset.done $0x0  }
0x11c: {  	s17 =	sadd.s32 s6, s17;
	[sflag:s20] =	ssyncadd.s32 $0xFFFFFB80  }
0x11d: {  	[tilespmem:s22], [sflag:$0x7] =	stream.linear.gather [hbm4b:s17+s15], $0x480, $0x38;
	[tilespmem:$0x1FE80] =	vst v63  }
0x11e: {  	_ =	swait.ge [sflag:s20], $0x480  }
0x11f: {  	[sflag:s20] =	ssyncset.done $0x0  }
0x120: {  	s18 =	simm.s32 $0x40;
	s17 =	simm.s32 $0x0;
	[sflag:s20] =	ssyncadd.s32 $0xFFFFFB80  }
.LBB2_9:
0x121: {  	p0 =	sne.s32 s18, $0x11C0;
	v2 =	vld [tilespmem:s17+$0x480];
	_ =	sdelay $0x2  }
.Ltmp3:
0x122: {  	(pc) =	sbr.rel @p0 .LBB2_9-.Ltmp3, $4  }
0x123: {  	_ = 	snop  }
0x124: {  	v2 =	vsub.s32 v2, v1  }
0x125: {  	v2 =	vmin.u32 v2, $0x3200  }
0x126: {  	[tilespmem:s17+$0x480] =	vst v2;
	s17 =	sshra.s32 s18, $0x2;
	s18 =	sadd.s32 $0x40, s18  }
0x127: {  	v2 =	vld [tilespmem:s17+$0x480];
	_ =	sdelay $0x4  }
0x128: {  	v2 =	vsub.s32 v2, v1  }
0x129: {  	v2 =	vmin.u32 v2, $0x3200  }
0x12a: {  	[tilespmem:s17+$0x480] =	vst v2  }
0x12b: {  	v2 =	vld [tilespmem:$0x480]  }
0x12c: {  	v3 =	vld [tilespmem:$0x490]  }
0x12d: {  	v4 =	vld [tilespmem:$0x4A0]  }
0x12e: {  	v5 =	vld [tilespmem:$0x4B0];
	_ =	sdelay $0x1  }
0x12f: {  	[tilespmem:$0x900] =	vst v2  }
0x130: {  	[tilespmem:$0x910] =	vst v3  }
0x131: {  	[tilespmem:$0x920] =	vst v4  }
0x132: {  	[tilespmem:$0x930] =	vst v5  }
0x133: {  	[tilespmem:s24], [sflag:$0x1] =	stream.indirect.gather [hbm4b:s4+s23], $0x80, s2, s23, $0xb8;
	[tilespmem:$0x1FE80] =	vst v63  }
0x134: {  	v2 =	vld [tilespmem:$0x4C0]  }
0x135: {  	v3 =	vld [tilespmem:$0x4D0]  }
0x136: {  	v62 =	vld [tilespmem:$0x4E0]  }
0x137: {  	v63 =	vld [tilespmem:$0x4F0];
	_ =	sdelay $0x1  }
0x138: {  	[tilespmem:$0x980] =	vst v2  }
0x139: {  	[tilespmem:$0x990] =	vst v3  }
0x13a: {  	[tilespmem:$0x9A0] =	vst v62  }
0x13b: {  	[tilespmem:$0x9B0] =	vst v63  }
0x13c: {  	[tilespmem:s25], [sflag:$0x2] =	stream.indirect.gather [hbm4b:s4+s23], $0x80, s23, s23, $0xb8;
	[tilespmem:$0x1FE80] =	vst v63  }
0x13d: {  	_ =	swait.ge [sflag:s26], $0x2000  }
0x13e: {  	p0 =	por $0x1, $0x1;
	[sflag:s26] =	ssyncset.done $0x0  }
0x13f: {  	s18 =	simm.s32 @!p0 $0x6;
	[sflag:s26] =	ssyncadd.s32 $0xFFFFE000  }
0x140: {  	[spmem:s1] =	stream.indirect.scatter.add.f32 [tilespmem:s24], [sflag:$0x4], $0x80, s28, s23, $0xb8;
	[tilespmem:$0x1FE80] =	vst v63  }
0x141: {  	_ =	swait.ge @!p0 [sflag:s18], $0x2000  }
0x142: {  	[sflag:s18] =	ssyncset.done @!p0 $0x0  }
0x143: {  	s17 =	simm.s32 $0x520;
	[sflag:s18] =	ssyncadd.s32 @!p0 $0xFFFFE000  }
0x144: {  	v2 =	vld [tilespmem:s17+$0xFFFFFFE0];
	_ =	sdelay $0x4  }
0x145: {  	[tilespmem:$0xA00] =	vst v2  }
0x146: {  	v2 =	vld [tilespmem:s17+$0xFFFFFFF0];
	_ =	sdelay $0x4  }
0x147: {  	[tilespmem:$0xA10] =	vst v2  }
0x148: {  	v2 =	vld [tilespmem:s17+$0x0];
	_ =	sdelay $0x4  }
0x149: {  	[tilespmem:$0xA20] =	vst v2  }
0x14a: {  	v2 =	vld [tilespmem:s17+$0x10];
	_ =	sdelay $0x4  }
0x14b: {  	s19 =	simm.s32 $0x80;
	[tilespmem:$0xA30] =	vst v2  }
0x14c: {  	[tilespmem:s29], [sflag:$0x3] =	stream.indirect.gather [hbm4b:s4+s23], $0x80, s19, s23, $0xb8;
	[tilespmem:$0x1FE80] =	vst v63  }
0x14d: {  	_ =	swait.ge [sflag:s30], $0x2000  }
0x14e: {  	[sflag:s30] =	ssyncset.done $0x0  }
0x14f: {  	[sflag:s30] =	ssyncadd.s32 $0xFFFFE000  }
0x150: {  	[spmem:s1] =	stream.indirect.scatter.add.f32 [tilespmem:s25], [sflag:$0x5], $0x80, s31, s23, $0xb8;
	[tilespmem:$0x1FE80] =	vst v63  }
0x151: {  	_ =	swait.ge [sflag:s0], $0x2000  }
0x152: {  	[sflag:s0] =	ssyncset.done $0x0  }
0x153: {  	[sflag:s0] =	ssyncadd.s32 $0xFFFFE000  }
0x154: {  	v2 =	vld [tilespmem:s17+$0x20];
	_ =	sdelay $0x4  }
0x155: {  	[tilespmem:$0x900] =	vst v2  }
0x156: {  	v2 =	vld [tilespmem:s17+$0x30];
	_ =	sdelay $0x4  }
0x157: {  	[tilespmem:$0x910] =	vst v2  }
0x158: {  	v2 =	vld [tilespmem:s17+$0x40];
	_ =	sdelay $0x4  }
0x159: {  	[tilespmem:$0x920] =	vst v2  }
0x15a: {  	v2 =	vld [tilespmem:s17+$0x50];
	_ =	sdelay $0x4  }
0x15b: {  	s21 =	simm.s32 $0xC0;
	[tilespmem:$0x930] =	vst v2  }
0x15c: {  	[tilespmem:s24], [sflag:$0x1] =	stream.indirect.gather [hbm4b:s4+s23], $0x80, s21, s23, $0xb8;
	[tilespmem:$0x1FE80] =	vst v63  }
0x15d: {  	_ =	swait.ge [sflag:s3], $0x2000  }
0x15e: {  	[sflag:s3] =	ssyncset.done $0x0  }
0x15f: {  	[sflag:s3] =	ssyncadd.s32 $0xFFFFE000  }
0x160: {  	[spmem:s1] =	stream.indirect.scatter.add.f32 [tilespmem:s29], [sflag:$0x6], $0x80, s9, s23, $0xb8;
	[tilespmem:$0x1FE80] =	vst v63  }
0x161: {  	_ =	swait.ge [sflag:s10], $0x2000  }
0x162: {  	[sflag:s10] =	ssyncset.done $0x0  }
0x163: {  	[sflag:s10] =	ssyncadd.s32 $0xFFFFE000  }
0x164: {  	v2 =	vld [tilespmem:s17+$0x60];
	_ =	sdelay $0x4  }
0x165: {  	[tilespmem:$0x980] =	vst v2  }
0x166: {  	v2 =	vld [tilespmem:s17+$0x70];
	_ =	sdelay $0x4  }
0x167: {  	[tilespmem:$0x990] =	vst v2  }
0x168: {  	v2 =	vld [tilespmem:s17+$0x80];
	_ =	sdelay $0x4  }
0x169: {  	[tilespmem:$0x9A0] =	vst v2  }
0x16a: {  	s18 =	simm.s32 $0x100;
	s19 =	simm.s32 $0x2;
	s21 =	simm.s32 $0x100;
	v2 =	vld [tilespmem:s17+$0x90]  }
.LBB2_11:
0x16b: {  	_ =	sdelay $0x2  }
0x16c: {  	s18 =	sadd.s32 $0xC0, s18  }
0x16d: {  	s17 =	sadd.s32 $0xC0, s17;
	s13 =	smov.u32 s19;
	s19 =	sadd.s32 $0x3, s19;
	[tilespmem:$0x9B0] =	vst v2  }
0x16e: {  	[tilespmem:s25], [sflag:$0x2] =	stream.indirect.gather [hbm4b:s4+s23], $0x80, s21, s23, $0xb8;
	[tilespmem:$0x1FE80] =	vst v63  }
0x16f: {  	p0 =	sne.s32 s19, $0xE;
	s21 =	smov.u32 s18;
	_ =	swait.ge [sflag:s26], $0x2000  }
0x170: {  	p1 =	sgt.u32 s13, $0xE;
	[sflag:s26] =	ssyncset.done $0x0  }
0x171: {  	s13 =	simm.s32 @!p1 $0x6;
	[sflag:s26] =	ssyncadd.s32 $0xFFFFE000  }
0x172: {  	[spmem:s1] =	stream.indirect.scatter.add.f32 [tilespmem:s24], [sflag:$0x4], $0x80, s28, s23, $0xb8;
	[tilespmem:$0x1FE80] =	vst v63  }
0x173: {  	_ =	swait.ge @!p1 [sflag:s13], $0x2000  }
0x174: {  	[sflag:s13] =	ssyncset.done @!p1 $0x0  }
0x175: {  	[sflag:s13] =	ssyncadd.s32 @!p1 $0xFFFFE000  }
0x176: {  	v2 =	vld [tilespmem:s17+$0xFFFFFFE0];
	_ =	sdelay $0x4  }
0x177: {  	[tilespmem:$0xA00] =	vst v2  }
0x178: {  	v2 =	vld [tilespmem:s17+$0xFFFFFFF0];
	_ =	sdelay $0x4  }
0x179: {  	[tilespmem:$0xA10] =	vst v2  }
0x17a: {  	v2 =	vld [tilespmem:s17+$0x0];
	_ =	sdelay $0x4  }
0x17b: {  	[tilespmem:$0xA20] =	vst v2  }
0x17c: {  	v2 =	vld [tilespmem:s17+$0x10];
	_ =	sdelay $0x3  }
0x17d: {  	s13 =	sadd.s32 $0xFFFFFF80, s18  }
0x17e: {  	[tilespmem:$0xA30] =	vst v2  }
0x17f: {  	[tilespmem:s29], [sflag:$0x3] =	stream.indirect.gather [hbm4b:s4+s23], $0x80, s13, s23, $0xb8;
	[tilespmem:$0x1FE80] =	vst v63  }
0x180: {  	_ =	swait.ge [sflag:s30], $0x2000  }
0x181: {  	[sflag:s30] =	ssyncset.done $0x0  }
0x182: {  	[sflag:s30] =	ssyncadd.s32 $0xFFFFE000  }
0x183: {  	[spmem:s1] =	stream.indirect.scatter.add.f32 [tilespmem:s25], [sflag:$0x5], $0x80, s31, s23, $0xb8;
	[tilespmem:$0x1FE80] =	vst v63  }
0x184: {  	_ =	swait.ge [sflag:s0], $0x2000  }
0x185: {  	[sflag:s0] =	ssyncset.done $0x0  }
0x186: {  	[sflag:s0] =	ssyncadd.s32 $0xFFFFE000  }
0x187: {  	v2 =	vld [tilespmem:s17+$0x20];
	_ =	sdelay $0x4  }
0x188: {  	[tilespmem:$0x900] =	vst v2  }
0x189: {  	v2 =	vld [tilespmem:s17+$0x30];
	_ =	sdelay $0x4  }
0x18a: {  	[tilespmem:$0x910] =	vst v2  }
0x18b: {  	v2 =	vld [tilespmem:s17+$0x40];
	_ =	sdelay $0x4  }
0x18c: {  	[tilespmem:$0x920] =	vst v2  }
0x18d: {  	v2 =	vld [tilespmem:s17+$0x50];
	_ =	sdelay $0x3  }
0x18e: {  	s13 =	sadd.s32 $0xFFFFFFC0, s18  }
0x18f: {  	[tilespmem:$0x930] =	vst v2  }
0x190: {  	[tilespmem:s24], [sflag:$0x1] =	stream.indirect.gather [hbm4b:s4+s23], $0x80, s13, s23, $0xb8;
	[tilespmem:$0x1FE80] =	vst v63  }
0x191: {  	_ =	swait.ge [sflag:s3], $0x2000  }
0x192: {  	[sflag:s3] =	ssyncset.done $0x0  }
0x193: {  	[sflag:s3] =	ssyncadd.s32 $0xFFFFE000  }
0x194: {  	[spmem:s1] =	stream.indirect.scatter.add.f32 [tilespmem:s29], [sflag:$0x6], $0x80, s9, s23, $0xb8;
	[tilespmem:$0x1FE80] =	vst v63  }
0x195: {  	_ =	swait.ge [sflag:s10], $0x2000  }
0x196: {  	[sflag:s10] =	ssyncset.done $0x0  }
0x197: {  	[sflag:s10] =	ssyncadd.s32 $0xFFFFE000  }
0x198: {  	v2 =	vld [tilespmem:s17+$0x60];
	_ =	sdelay $0x4  }
0x199: {  	[tilespmem:$0x980] =	vst v2  }
0x19a: {  	v2 =	vld [tilespmem:s17+$0x70];
	_ =	sdelay $0x4  }
0x19b: {  	[tilespmem:$0x990] =	vst v2  }
0x19c: {  	v2 =	vld [tilespmem:s17+$0x80];
	_ =	sdelay $0x1  }
.Ltmp4:
0x19d: {  	(pc) =	sbr.rel @p0 .LBB2_11-.Ltmp4, $3  }
0x19e: {  	_ =	sdelay $0x1  }
0x19f: {  	[tilespmem:$0x9A0] =	vst v2  }
0x1a0: {  	v2 =	vld [tilespmem:s17+$0x90]  }
0x1a1: {  	_ =	sdelay $0x3  }
0x1a2: {  	[tilespmem:$0x9B0] =	vst v2  }
0x1a3: {  	[tilespmem:s25], [sflag:$0x2] =	stream.indirect.gather [hbm4b:s4+s23], $0x80, s21, s23, $0xb8;
	[tilespmem:$0x1FE80] =	vst v63  }
0x1a4: {  	_ =	swait.ge [sflag:s26], $0x2000  }
0x1a5: {  	[sflag:s26] =	ssyncset.done $0x0  }
0x1a6: {  	[sflag:s26] =	ssyncadd.s32 $0xFFFFE000  }
0x1a7: {  	[spmem:s1] =	stream.indirect.scatter.add.f32 [tilespmem:s24], [sflag:$0x4], $0x80, s28, s23, $0xb8;
	[tilespmem:$0x1FE80] =	vst v63  }
0x1a8: {  	_ =	swait.ge [sflag:s11], $0x2000  }
0x1a9: {  	[sflag:s11] =	ssyncset.done $0x0  }
0x1aa: {  	[sflag:s11] =	ssyncadd.s32 $0xFFFFE000  }
0x1ab: {  	v2 =	vld [tilespmem:$0x8C0]  }
0x1ac: {  	v3 =	vld [tilespmem:$0x8D0]  }
0x1ad: {  	v4 =	vld [tilespmem:$0x8E0]  }
0x1ae: {  	v5 =	vld [tilespmem:$0x8F0];
	_ =	sdelay $0x1  }
0x1af: {  	[tilespmem:$0xA00] =	vst v2  }
0x1b0: {  	[tilespmem:$0xA10] =	vst v3  }
0x1b1: {  	[tilespmem:$0xA20] =	vst v4  }
0x1b2: {  	[tilespmem:$0xA30] =	vst v5  }
0x1b3: {  	[tilespmem:s29], [sflag:$0x3] =	stream.indirect.gather [hbm4b:s4+s23], $0x80, s12, s23, $0xb8;
	[tilespmem:$0x1FE80] =	vst v63  }
0x1b4: {  	_ =	swait.ge [sflag:s30], $0x2000  }
0x1b5: {  	[sflag:s30] =	ssyncset.done $0x0  }
0x1b6: {  	[sflag:s30] =	ssyncadd.s32 $0xFFFFE000  }
0x1b7: {  	[spmem:s1] =	stream.indirect.scatter.add.f32 [tilespmem:s25], [sflag:$0x5], $0x80, s31, s23, $0xb8;
	[tilespmem:$0x1FE80] =	vst v63  }
0x1b8: {  	_ =	swait.ge [sflag:s3], $0x2000  }
0x1b9: {  	[sflag:s3] =	ssyncset.done $0x0  }
0x1ba: {  	[sflag:s3] =	ssyncadd.s32 $0xFFFFE000  }
0x1bb: {  	[spmem:s1] =	stream.indirect.scatter.add.f32 [tilespmem:s29], [sflag:$0x6], $0x80, s9, s23, $0xb8;
	[tilespmem:$0x1FE80] =	vst v63  }
0x1bc: {  	_ =	swait.ge [sflag:s0], $0x2000  }
0x1bd: {  	[sflag:s0] =	ssyncset.done $0x0  }
0x1be: {  	s16 =	sadd.s32 $0x1, s16;
	[sflag:s0] =	ssyncadd.s32 $0xFFFFE000  }
0x1bf: {  	p0 =	sne.s32 s16, $0x2C;
	_ =	swait.ge [sflag:s10], $0x2000  }
.Ltmp5:
0x1c0: {  	[sflag:s10] =	ssyncset.done $0x0;
	(pc) =	sbr.rel @p0 .LBB2_8-.Ltmp5, $4  }
0x1c1: {  	[sflag:s10] =	ssyncadd.s32 $0xFFFFE000  }
0x1c2: {  	_ =	swait.ge [sflag:s11], $0x2000  }
0x1c3: {  	[sflag:s11] =	ssyncset.done $0x0  }
0x1c4: {  	[sflag:s11] =	ssyncadd.s32 $0xFFFFE000  }
0x1c5: {  	[bflag:$0x0] =	sbarrier.arrive $0xFFFF  }
0x1c6: {  	s13 =	rddreg [dreg:$0xa]  }
0x1c7: {  	s15 =	rddreg [dreg:$0x14]  }
0x1c8: {  	[hbm:s13], [sflag:s8] =	dma.local [spmem:s15], $0x3200  }
0x1c9: {  	_ =	swait.ge [sflag:s20], $0x3200  }
0x1ca: {  	s19 =	rddreg [dreg:$0xe]  }
0x1cb: {  	s21 =	rddreg [dreg:$0xb];
	s15 =	sadd.s32 $0x1, s19  }
0x1cc: {  	p0 =	sne.s32 s15, s21  }
.Ltmp6:
0x1cd: {  	_ = 	snop;
	(pc) =	sbr.rel @p0 .LBB2_1-.Ltmp6, $3  }
0x1ce: {  	[sflag:s20] =	ssyncset.done $0x0  }
0x1cf: {  	[sflag:s20] =	ssyncadd.s32 $0xFFFFCE00  }
0x1d0: {  	[bflag:$0x0] =	sbarrier.arrive $0xFFFF;
	_ =	sdelay $0x1  }
0x1d1: {  	_ =	sfence.sel $0x180000  }
0x1d2: {  	[bflag:$0x0] =	sbarrier.arrive $0xFFFF  }
0x1d3: {  	_ =	strace $0x90000047  }
0x1d4: {  	s0 =	stileid.u32;
	[bflag:$0x2] =	sbarrier.arrive $0xFFFF  }
0x1d5: {  	p0 =	sne.s32 s0, $0x0;
	s0 =	rddreg [dreg:$0x2]  }
0x1d6: {  	s0 =	sadd.s32 @!p0 $0x100000, s0  }
0x1d7: {  	[sflag:s0] =	ssyncadd.tile.s32 @!p0 $0x1;
	_ =	shalt  }
.Lfunc_end2:
_tile_overlayer_lowered:
.L_overlay_start_2:
0x1d8: {  	(tag) =	ssettag $0x2  }
0x1d9: {  	s0 =	rddreg [dreg:$0x0];
	s2 =	stileid.u32  }
0x1da: {  	s1 =	rddreg [dreg:$0x1];
	p0 =	sne.s32 s2, $0x0  }
0x1db: {  	s3 =	rddreg [dreg:$0x2];
	[bflag:$0x3] =	sbarrier.arrive $0xFFFF;
	s2 =	simm.s32 @!p0 $0x1C07  }
0x1dc: {  	[timem:s3], [sflag:s2] =	dma.local @!p0 [hbm:s0], s1  }
0x1dd: {  	s0 =	simm.s32 @!p0 $0x7  }
0x1de: {  	_ =	swait.ge @!p0 [sflag:s0], s1  }
0x1df: {  	s1 =	ssub.s32 @!p0 $0x0, s1;
	[sflag:s0] =	ssyncset.done @!p0 $0x0  }
0x1e0: {  	[sflag:s0] =	ssyncadd.s32 @!p0 s1  }
0x1e1: {  	[bflag:$0x3] =	sbarrier.arrive $0xFFFF  }
0x1e2: {  	_ =	shalt  }

// kernel: kernel.14.cloned.1.call-start
scs
__scs_entry_jumppad:
0x0: {  	(pc) =	sbr.rel $0x88, $3  }
0x1: {  	(tag) =	ssettag $0x0;
	lr =	simm.s32 $0x1  }
0x2: {  	[smem:$0x3F81] =	sst lr;
	_ =	strace $0xD0000000  }
0x3: {  	_ = 	snop  }
0x4: {  	_ = 	snop  }
0x5: {  	_ = 	snop  }
0x6: {  	_ = 	snop  }
0x7: {  	_ = 	snop  }
__scs_overlays_trampoline_lowered:
0x8: {  	[smem:$0x3F90] =	sst s0  }
0x9: {  	[smem:$0x3F91] =	sst s1  }
0xa: {  	[smem:$0x3F92] =	sst s2  }
0xb: {  	[smem:$0x3F93] =	sst s3  }
0xc: {  	[smem:$0x3F94] =	sst s4  }
0xd: {  	[smem:$0x3F95] =	sst s5  }
0xe: {  	[smem:$0x3F96] =	sst s6  }
0xf: {  	[smem:$0x3F97] =	sst s7  }
0x10: {  	[smem:$0x3F98] =	sst s8  }
0x11: {  	[smem:$0x3F99] =	sst s9;
	s0 =	simm.s32 @!p0 $0x0  }
0x12: {  	s1 =	sld [smem:$0x3F7F];
	s0 =	simm.s32 @p0 $0x1  }
0x13: {  	[smem:$0x3F9A] =	sst s0;
	s0 =	simm.s32 @!p1 $0x0  }
0x14: {  	s2 =	sld [smem:$0x3F7E];
	s0 =	simm.s32 @p1 $0x1  }
0x15: {  	[smem:$0x3F9B] =	sst s0;
	s0 =	simm.s32 @!p2 $0x0  }
0x16: {  	s3 =	sld [smem:$0x3FDB];
	s0 =	simm.s32 @p2 $0x1  }
0x17: {  	s4 =	simm.s32 $0x1BF5;
	[smem:$0x3F9D] =	sst s0  }
0x18: {  	s0 =	sld [smem:$0x3F80];
	_ =	swait.ge [sflag:s4], $0x0  }
0x19: {  	s7 =	sld [smem:$0x3F81]  }
0x1a: {  	s8 =	sadd.s32 $0xFFFFE003, lr  }
0x1b: {  	s9 =	sadd.s32 $0xFFFFFEF7, lr;
	s5 =	simm.s32 $0xFFFFFFFF;
	p2 =	slt.u32 s8, $0xFFFFF086  }
0x1c: {  	p1 =	slt.u32 s9, $0xF7A;
	s5 =	simm.s32 @!p2 $0x0  }
0x1d: {  	s5 =	simm.s32 @p1 $0x1;
	p0 =	seq.s32 s7, s2  }
0x1e: {  	s7 =	smul.u32 @!p0 $0xF7A, s2;
	p2 =	seq.s32 @!p0 s5, $0x0  }
0x1f: {  	s9 =	smul.u32 $0xF7A, s1;
	s8 =	simm.s32 @!p0 $0x1BF5;
	p2 =	por !p2, p0  }
0x20: {  	[sflag:s8] =	ssyncset.s32 @!p0 $0xFFFFF086;
	s6 =	sadd.s32 @!p0 s3, s7;
	s7 =	simm.s32 @!p0 $0x108  }
0x21: {  	s3 =	sadd.s32 s3, s9;
	s6 =	sadd.s32 @!p0 $0x88, s6;
	s7 =	simm.s32 @p2 $0x1082  }
0x22: {  	[simem:s7], [sflag:s8] =	dma.local @!p0 [hbm:s6], $0xF7A  }
0x23: {  	s9 =	sor.u32 $0xD0000000, s2;
	s6 =	simm.s32 $0x108;
	_ =	swait.ge @!p0 [sflag:s8], $0x0  }
0x24: {  	s3 =	sadd.s32 $0x88, s3;
	s6 =	simm.s32 @!p1 $0x1082;
	[sflag:s4] =	ssyncset.s32 $0xFFFFF086  }
0x25: {  	[simem:s6], [sflag:s4] =	dma.local [hbm:s3], $0xF7A  }
0x26: {  	[smem:$0x3F81] =	sst s1;
	(tag) =	ssettag s2;
	_ =	strace s9  }
0x27: {  	s1 =	sld [smem:$0x3F91]  }
0x28: {  	s2 =	sld [smem:$0x3F92]  }
0x29: {  	s4 =	sld [smem:$0x3F94]  }
0x2a: {  	p0 =	seq.s32 s5, $0x0;
	s5 =	sld [smem:$0x3F95]  }
0x2b: {  	s6 =	sld [smem:$0x3F96]  }
0x2c: {  	s7 =	sld [smem:$0x3F97]  }
0x2d: {  	s3 =	simm.s32 $0x108;
	s8 =	sld [smem:$0x3F98]  }
0x2e: {  	s3 =	simm.s32 @!p0 $0x1082;
	s9 =	sld [smem:$0x3F99]  }
0x2f: {  	lr =	sadd.s32 s0, s3;
	s0 =	sld [smem:$0x3F90]  }
0x30: {  	s3 =	sld [smem:$0x3F93]  }
0x31: {  	[smem:$0x3F9C] =	sst s10  }
0x32: {  	s10 =	sld [smem:$0x3F9A];
	_ =	sdelay $0x3  }
0x33: {  	p0 =	seq.s32 s10, $0x1;
	s10 =	sld [smem:$0x3F9C];
	_ =	sdelay $0x3  }
0x34: {  	[smem:$0x3F9C] =	sst s10  }
0x35: {  	s10 =	sld [smem:$0x3F9B];
	_ =	sdelay $0x3  }
0x36: {  	p1 =	seq.s32 s10, $0x1;
	s10 =	sld [smem:$0x3F9C];
	_ =	sdelay $0x3  }
0x37: {  	[smem:$0x3F9C] =	sst s10  }
0x38: {  	s10 =	sld [smem:$0x3F9D]  }
0x39: {  	_ = 	snop;
	(pc) =	sbr.ind lr, $3  }
0x3a: {  	_ = 	snop  }
0x3b: {  	_ = 	snop  }
0x3c: {  	p2 =	seq.s32 s10, $0x1;
	s10 =	sld [smem:$0x3F9C]  }
0x3d: {  	_ =	shalt  }
0x3e: {  	_ =	shalt  }
0x3f: {  	_ =	shalt  }
0x40: {  	_ =	shalt  }
0x41: {  	_ =	shalt  }
0x42: {  	_ =	shalt  }
0x43: {  	_ =	shalt  }
0x44: {  	_ =	shalt  }
0x45: {  	_ =	shalt  }
0x46: {  	_ =	shalt  }
0x47: {  	_ =	shalt  }
0x48: {  	_ =	shalt  }
0x49: {  	_ =	shalt  }
0x4a: {  	_ =	shalt  }
0x4b: {  	_ =	shalt  }
0x4c: {  	_ =	shalt  }
0x4d: {  	_ =	shalt  }
0x4e: {  	_ =	shalt  }
0x4f: {  	_ =	shalt  }
0x50: {  	_ =	shalt  }
0x51: {  	_ =	shalt  }
0x52: {  	_ =	shalt  }
0x53: {  	_ =	shalt  }
0x54: {  	_ =	shalt  }
0x55: {  	_ =	shalt  }
0x56: {  	_ =	shalt  }
0x57: {  	_ =	shalt  }
0x58: {  	_ =	shalt  }
0x59: {  	_ =	shalt  }
0x5a: {  	_ =	shalt  }
0x5b: {  	_ =	shalt  }
0x5c: {  	_ =	shalt  }
0x5d: {  	_ =	shalt  }
0x5e: {  	_ =	shalt  }
0x5f: {  	_ =	shalt  }
0x60: {  	_ =	shalt  }
0x61: {  	_ =	shalt  }
0x62: {  	_ =	shalt  }
0x63: {  	_ =	shalt  }
0x64: {  	_ =	shalt  }
0x65: {  	_ =	shalt  }
0x66: {  	_ =	shalt  }
0x67: {  	_ =	shalt  }
0x68: {  	_ =	shalt  }
0x69: {  	_ =	shalt  }
0x6a: {  	_ =	shalt  }
0x6b: {  	_ =	shalt  }
0x6c: {  	_ =	shalt  }
0x6d: {  	_ =	shalt  }
0x6e: {  	_ =	shalt  }
0x6f: {  	_ =	shalt  }
0x70: {  	_ =	shalt  }
0x71: {  	_ =	shalt  }
0x72: {  	_ =	shalt  }
0x73: {  	_ =	shalt  }
0x74: {  	_ =	shalt  }
0x75: {  	_ =	shalt  }
0x76: {  	_ =	shalt  }
0x77: {  	_ =	shalt  }
0x78: {  	_ =	shalt  }
0x79: {  	_ =	shalt  }
0x7a: {  	_ =	shalt  }
0x7b: {  	_ =	shalt  }
0x7c: {  	_ =	shalt  }
0x7d: {  	_ =	shalt  }
0x7e: {  	_ =	shalt  }
0x7f: {  	_ =	shalt  }
0x80: {  	_ =	shalt  }
0x81: {  	_ =	shalt  }
0x82: {  	_ =	shalt  }
0x83: {  	_ =	shalt  }
0x84: {  	_ =	shalt  }
0x85: {  	_ =	shalt  }
0x86: {  	_ =	shalt  }
0x87: {  	_ =	shalt  }
.Lfunc_end0:
.L_simem_size_0:
called_computation.1_lowered:
.L_overlay_start_0:
0x88: {  	s2 =	sld [smem:$0x3FD9]  }
0x89: {  	s3 =	sld [smem:$0x3FFE];
	_ =	sdelay $0x1  }
0x8a: {  	s1 =	srdreg.scid  }
0x8b: {  	s0 =	sand.u32 $0x1, s1  }
0x8c: {  	s16 =	sshll.u32 s0, $0xA;
	s2 =	sadd.s32 s3, s2  }
0x8d: {  	s2 =	sadd.s32 s2, s16  }
0x8e: {  	[smem:$0x3FA8] =	sst s2  }
0x8f: {  	_ = 	snop  }
0x90: {  	(tm) =	ssettm $0x1  }
0x91: {  	s17 =	sld [smem:$0x3FFB];
	_ =	sdelay $0x3  }
0x92: {  	_ =	strace s17  }
0x93: {  	s2 =	sld [smem:$0x3FFC];
	_ =	sdelay $0x3  }
0x94: {  	_ =	strace s2  }
0x95: {  	s2 =	sld [smem:$0x3FFD];
	_ =	sdelay $0x3  }
0x96: {  	_ =	strace s2  }
0x97: {  	_ =	strace $0x8FFFFFFF  }
0x98: {  	s18 =	sld [smem:$0x3FDB];
	_ =	sdelay $0x1  }
0x99: {  	s19 =	simm.s32 $_scs_section_size  }
0x9a: {  	s4 =	simm.s32 $_size__tile_overlayer_lowered;
	s5 =	simm.s32 $_tile_overlayer_lowered  }
0x9b: {  	s22 =	simm.s32 $0x1BFF;
	s21 =	sshll.u32 s5, $0x1;
	s2 =	sadd.s32 s19, s18  }
0x9c: {  	s6 =	simm.s32 $0x0;
	s20 =	sshll.u32 s4, $0x1;
	s4 =	sadd.s32 s21, s2  }
0x9d: {  	[timem:s6], [sflag:s22] =	dma.local [hbm:s4], s20  }
0x9e: {  	_ =	swait.ge [sflag:s22], s20  }
0x9f: {  	s3 =	ssub.s32 $0x0, s20;
	[sflag:s22] =	ssyncset.done $0x0  }
0xa0: {  	[sflag:s22] =	ssyncadd.s32 s3;
	_ =	sdelay $0x1  }
0xa1: {  	s23 =	simm.s32 $0x1B8B  }
0xa2: {  	_ =	swait.ge [sflag:s23], $0x1  }
0xa3: {  	[sflag:s23] =	ssyncset.done $0x0  }
0xa4: {  	s25 =	simm.s32 $0x1B8E;
	s24 =	sld [smem:$0x3FFE];
	[sflag:s23] =	ssyncadd.s32 $0xFFFFFFFF  }
0xa5: {  	s26 =	simm.s32 $execute0_lowered;
	[smem:$0x3FD2] =	sst s25  }
0xa6: {  	s4 =	sshll.u32 s26, $0x1;
	_ =	strace $0x80000049;
	[dreg:$0x1] =	wrdreg $0xFFFFFFFF  }
0xa7: {  	s28 =	simm.s32 $_size_execute0_lowered;
	s2 =	sadd.s32 s2, s4;
	[dreg:$0x0] =	wrdreg $0x0  }
0xa8: {  	s4 =	sshll.u32 s28, $0x1;
	[dreg:$0x2] =	wrdreg s2  }
0xa9: {  	[dreg:$0x3] =	wrdreg s4  }
0xaa: {  	[dreg:$0x4] =	wrdreg $0xC0  }
0xab: {  	_ =	task [dreg:s6], $0x5FFFF  }
0xac: {  	[dreg:$0x1] =	wrdreg $0xFFFFFFFF  }
0xad: {  	[dreg:$0x0] =	wrdreg $0x60  }
0xae: {  	[dreg:$0x2] =	wrdreg s24  }
0xaf: {  	[dreg:$0x3] =	wrdreg $0x6A800  }
0xb0: {  	[dreg:$0x4] =	wrdreg $0x9  }
0xb1: {  	_ =	task.clear_ibuf [dreg:s6], $0x5FFFF;
	_ =	strace $0x90000049  }
0xb2: {  	s29 =	simm.s32 $0x9;
	_ =	strace $0x8000004B  }
0xb3: {  	_ =	swait.ge [sflag:s29], $0x1  }
0xb4: {  	[sflag:s29] =	ssyncadd.s32 $0xFFFFFFFF  }
0xb5: {  	_ =	strace $0x9000004B  }
0xb6: {  	_ =	sfence  }
0xb7: {  	s30 =	sld [smem:$0x0];
	_ =	sdelay $0x2  }
0xb8: {  	s31 =	sshll.u32 s1, $0xD;
	s1 =	sshrl.u32 s1, $0x2  }
0xb9: {  	s3 =	sand.u32 $0x4000, s31;
	s1 =	sadd.s32 s1, s30  }
0xba: {  	s0 =	sor.u32 s3, s0;
	s1 =	sshll.u32 s1, $0x11  }
0xbb: {  	s0 =	sor.u32 s1, s0  }
0xbc: {  	s0 =	sadd.s32 $0x8F2B, s0  }
0xbd: {  	[sflag:s0] =	ssyncadd.remote.s32 $0x1  }
0xbe: {  	_ =	sfence.sel $0xFFFF  }
0xbf: {  	[dreg:$0x0] =	wrdreg $0xFFFFFFFF;
	(pc) =	sbr.abs _section_cstart, $3  }
0xc0: {  	[dreg:$0x1] =	wrdreg $0xFFFFFFFF  }
0xc1: {  	_ =	task.clear_ibuf [dreg:s6], $0x2FFFF;
	_ =	strace $0x9FFFFFFF  }
0xc2: {  	(tm) =	ssettm $0x7FFFFFFF  }
0xc3: {  	_ =	shalt  }
tec
execute0_lowered:
.L_overlay_start_1:
0x0: {  	(tag) =	ssettag $0x1  }
0x1: {  	s0 =	rddreg [dreg:$0x0]  }
0x2: {  	s1 =	rddreg [dreg:$0x1]  }
0x3: {  	s2 =	simm.s32 $0x0;
	s3 =	srdreg.scid;
	s14 =	stileid.u32  }
0x4: {  	s28 =	simm.s32 $0x900;
	s29 =	simm.s32 $0x4A80;
	s30 =	simm.s32 $0x2  }
0x5: {  	s31 =	simm.s32 $0x980;
	[smem:$0x7FF] =	sst s2;
	s4 =	sadd.s32 $0x36400, s0  }
0x6: {  	s3 =	sand.u32 $0x1, s3;
	s5 =	sadd.s32 $0x4400, s0;
	s9 =	smul.u32 $0x65000, s14  }
0x7: {  	s6 =	sadd.s32 $0x1D000, s0;
	s7 =	sadd.s32 $0x35C00, s0;
	s20 =	smul.u32 $0x320, s14  }
0x8: {  	s0 =	sadd.s32 $0xFE400, s0;
	s16 =	sshll.u32 s14, $0x6;
	s22 =	smul.u32 $0x64000, s14  }
0x9: {  	s14 =	smul.u32 $0xC600, s14;
	_ =	strace $0x8000004A;
	s8 =	ssub.s32 $0x2, s3  }
0xa: {  	s11 =	smul.u32 $0x6400, s3;
	s10 =	sshrl.u32 s8, $0x1;
	s26 =	sshrl.u32 s9, $0x2  }
0xb: {  	s3 =	simm.s32 $0x3;
	s10 =	ssub.s32 s8, s10;
	s9 =	sadd.s32 s26, s1  }
0xc: {  	s8 =	sor.u32 $0x1C07, s16;
	s15 =	sadd.s32 s20, s11;
	s16 =	sadd.s32 $0x3200, s11  }
0xd: {  	v0 =	vmov s11;
	s11 =	simm.s32 $0x6;
	s17 =	sadd.s32 $0x4000, s9;
	s12 =	sadd.s32 $0x8000, s9  }
0xe: {  	s18 =	sadd.s32 $0xC000, s9;
	s19 =	sadd.s32 $0x10000, s9;
	[dreg:$0x3] =	wrdreg s12  }
0xf: {  	s13 =	sadd.s32 $0x14000, s9;
	s21 =	sadd.s32 $0x18000, s9;
	[dreg:$0x4] =	wrdreg s18  }
0x10: {  	s15 =	sshll.u32 s15, $0x4;
	s24 =	smax.u32 s10, $0x1;
	[dreg:$0x5] =	wrdreg s19  }
0x11: {  	s25 =	sshrl.u32 s9, $0x3;
	s9 =	simm.s32 $0xA00;
	[dreg:$0x6] =	wrdreg s13  }
0x12: {  	s10 =	simm.s32 $0x5;
	[dreg:$0x7] =	wrdreg s21;
	s13 =	sshrl.u32 s22, $0x2  }
0x13: {  	s12 =	sadd.s32 s20, s16;
	s23 =	sadd.s32 s0, s15;
	[dreg:$0xb] =	wrdreg s24  }
0x14: {  	[dreg:$0xc] =	wrdreg s25;
	s20 =	simm.s32 $0x7;
	s26 =	sshrl.u32 s17, $0x3  }
0x15: {  	s22 =	simm.s32 $0x480;
	s24 =	simm.s32 $0xA80;
	s25 =	simm.s32 $0x2A80  }
0x16: {  	s15 =	simm.s32 $0x0;
	s13 =	sadd.s32 s13, s1;
	[dreg:$0x9] =	wrdreg s23  }
0x17: {  	s12 =	sshll.u32 s12, $0x4;
	[dreg:$0xd] =	wrdreg s26;
	s23 =	simm.s32 $0x40  }
0x18: {  	s26 =	simm.s32 $0x1;
	[dreg:$0x8] =	wrdreg s13;
	s0 =	sadd.s32 s0, s12  }
0x19: {  	v1 =	vmov s16;
	s12 =	simm.s32 $0x440;
	[dreg:$0xa] =	wrdreg s0;
	s0 =	simm.s32 $0x4  }
.LBB2_1:
0x1a: {  	[dreg:$0xe] =	wrdreg s15  }
0x1b: {  	s13 =	rddreg [dreg:$0xc]  }
0x1c: {  	[spmem:s13], [sflag:s8] =	dma.local [hbm:s7], $0x800  }
0x1d: {  	_ =	swait.ge [sflag:s20], $0x800  }
0x1e: {  	[sflag:s20] =	ssyncset.done $0x0  }
0x1f: {  	s15 =	rddreg [dreg:$0xd];
	[sflag:s20] =	ssyncadd.s32 $0xFFFFF800  }
0x20: {  	[spmem:s15], [sflag:s8] =	dma.local [hbm:s7], $0x800  }
0x21: {  	_ =	swait.ge [sflag:s20], $0x800  }
0x22: {  	s16 =	rddreg [dreg:$0x3]  }
0x23: {  	[sflag:s20] =	ssyncset.done $0x0;
	s13 =	sshrl.u32 s16, $0x3  }
0x24: {  	[sflag:s20] =	ssyncadd.s32 $0xFFFFF800;
	[dreg:$0xf] =	wrdreg s13  }
0x25: {  	[spmem:s13], [sflag:s8] =	dma.local [hbm:s7], $0x800  }
0x26: {  	_ =	swait.ge [sflag:s20], $0x800  }
0x27: {  	s17 =	rddreg [dreg:$0x4]  }
0x28: {  	[sflag:s20] =	ssyncset.done $0x0;
	s13 =	sshrl.u32 s17, $0x3  }
0x29: {  	[sflag:s20] =	ssyncadd.s32 $0xFFFFF800;
	[dreg:$0x10] =	wrdreg s13  }
0x2a: {  	[spmem:s13], [sflag:s8] =	dma.local [hbm:s7], $0x800  }
0x2b: {  	_ =	swait.ge [sflag:s20], $0x800  }
0x2c: {  	s18 =	rddreg [dreg:$0x5]  }
0x2d: {  	[sflag:s20] =	ssyncset.done $0x0;
	s13 =	sshrl.u32 s18, $0x3  }
0x2e: {  	[sflag:s20] =	ssyncadd.s32 $0xFFFFF800;
	[dreg:$0x11] =	wrdreg s13  }
0x2f: {  	[spmem:s13], [sflag:s8] =	dma.local [hbm:s7], $0x800  }
0x30: {  	_ =	swait.ge [sflag:s20], $0x800  }
0x31: {  	s19 =	rddreg [dreg:$0x6]  }
0x32: {  	[sflag:s20] =	ssyncset.done $0x0;
	s13 =	sshrl.u32 s19, $0x3  }
0x33: {  	[sflag:s20] =	ssyncadd.s32 $0xFFFFF800;
	[dreg:$0x12] =	wrdreg s13  }
0x34: {  	[spmem:s13], [sflag:s8] =	dma.local [hbm:s7], $0x800  }
0x35: {  	_ =	swait.ge [sflag:s20], $0x800  }
0x36: {  	s21 =	rddreg [dreg:$0x7]  }
0x37: {  	[sflag:s20] =	ssyncset.done $0x0;
	s13 =	sshrl.u32 s21, $0x3  }
0x38: {  	[sflag:s20] =	ssyncadd.s32 $0xFFFFF800;
	[dreg:$0x13] =	wrdreg s13  }
0x39: {  	[spmem:s13], [sflag:s8] =	dma.local [hbm:s7], $0x280  }
0x3a: {  	_ =	swait.ge [sflag:s20], $0x280  }
0x3b: {  	[sflag:s20] =	ssyncset.done $0x0  }
0x3c: {  	[sflag:s20] =	ssyncadd.s32 $0xFFFFFD80  }
0x3d: {  	s21 =	simm.s32 $0x0;
	[bflag:$0x0] =	sbarrier.arrive $0xFFFF  }
.LBB2_2:
0x3e: {  	s15 =	smul.u32 $0x480, s21;
	_ =	sdelay $0x1  }
0x3f: {  	s15 =	sadd.s32 s14, s15  }
0x40: {  	s15 =	sshrl.u32 s15, $0x3  }
0x41: {  	s17 =	simm.s32 $0x0;
	s16 =	sadd.s32 s5, s15  }
0x42: {  	[tilespmem:s17], [sflag:$0x7] =	stream.linear.gather [hbm4b:s16+s17], $0x480, $0x38;
	[tilespmem:$0x1FE80] =	vst v63  }
0x43: {  	_ =	swait.ge [sflag:s20], $0x480  }
0x44: {  	[sflag:s20] =	ssyncset.done $0x0  }
0x45: {  	s15 =	sadd.s32 s6, s15;
	[sflag:s20] =	ssyncadd.s32 $0xFFFFFB80  }
0x46: {  	[tilespmem:s22], [sflag:$0x7] =	stream.linear.gather [hbm4b:s15+s17], $0x480, $0x38;
	[tilespmem:$0x1FE80] =	vst v63  }
0x47: {  	_ =	swait.ge [sflag:s20], $0x480  }
0x48: {  	[sflag:s20] =	ssyncset.done $0x0  }
0x49: {  	s16 =	simm.s32 $0x40;
	s15 =	simm.s32 $0x0;
	[sflag:s20] =	ssyncadd.s32 $0xFFFFFB80  }
.LBB2_3:
0x4a: {  	p0 =	sne.s32 s16, $0x11C0;
	v2 =	vld [tilespmem:s15+$0x480];
	_ =	sdelay $0x2  }
.Ltmp0:
0x4b: {  	(pc) =	sbr.rel @p0 .LBB2_3-.Ltmp0, $4  }
0x4c: {  	_ = 	snop  }
0x4d: {  	v2 =	vsub.s32 v2, v0  }
0x4e: {  	v2 =	vmin.u32 v2, $0x3200  }
0x4f: {  	[tilespmem:s15+$0x480] =	vst v2;
	s15 =	sshra.s32 s16, $0x2;
	s16 =	sadd.s32 $0x40, s16  }
0x50: {  	v2 =	vld [tilespmem:s15+$0x480];
	_ =	sdelay $0x4  }
0x51: {  	v2 =	vsub.s32 v2, v0  }
0x52: {  	v2 =	vmin.u32 v2, $0x3200  }
0x53: {  	[tilespmem:s15+$0x480] =	vst v2  }
0x54: {  	v2 =	vld [tilespmem:$0x480]  }
0x55: {  	v3 =	vld [tilespmem:$0x490]  }
0x56: {  	v4 =	vld [tilespmem:$0x4A0]  }
0x57: {  	v5 =	vld [tilespmem:$0x4B0];
	_ =	sdelay $0x1  }
0x58: {  	[tilespmem:$0x900] =	vst v2  }
0x59: {  	[tilespmem:$0x910] =	vst v3  }
0x5a: {  	[tilespmem:$0x920] =	vst v4  }
0x5b: {  	[tilespmem:$0x930] =	vst v5  }
0x5c: {  	[tilespmem:s24], [sflag:$0x1] =	stream.indirect.gather [hbm4b:s4+s23], $0x80, s2, s23, $0xb8;
	[tilespmem:$0x1FE80] =	vst v63  }
0x5d: {  	v2 =	vld [tilespmem:$0x4C0]  }
0x5e: {  	v3 =	vld [tilespmem:$0x4D0]  }
0x5f: {  	v62 =	vld [tilespmem:$0x4E0]  }
0x60: {  	v63 =	vld [tilespmem:$0x4F0];
	_ =	sdelay $0x1  }
0x61: {  	[tilespmem:$0x980] =	vst v2  }
0x62: {  	[tilespmem:$0x990] =	vst v3  }
0x63: {  	[tilespmem:$0x9A0] =	vst v62  }
0x64: {  	[tilespmem:$0x9B0] =	vst v63  }
0x65: {  	[tilespmem:s25], [sflag:$0x2] =	stream.indirect.gather [hbm4b:s4+s23], $0x80, s23, s23, $0xb8;
	[tilespmem:$0x1FE80] =	vst v63  }
0x66: {  	_ =	swait.ge [sflag:s26], $0x2000  }
0x67: {  	p0 =	por $0x1, $0x1;
	[sflag:s26] =	ssyncset.done $0x0  }
0x68: {  	s16 =	simm.s32 @!p0 $0x6;
	[sflag:s26] =	ssyncadd.s32 $0xFFFFE000  }
0x69: {  	[spmem:s1] =	stream.indirect.scatter.add.f32 [tilespmem:s24], [sflag:$0x4], $0x80, s28, s23, $0xb8;
	[tilespmem:$0x1FE80] =	vst v63  }
0x6a: {  	_ =	swait.ge @!p0 [sflag:s16], $0x2000  }
0x6b: {  	[sflag:s16] =	ssyncset.done @!p0 $0x0  }
0x6c: {  	s15 =	simm.s32 $0x520;
	[sflag:s16] =	ssyncadd.s32 @!p0 $0xFFFFE000  }
0x6d: {  	v2 =	vld [tilespmem:s15+$0xFFFFFFE0];
	_ =	sdelay $0x4  }
0x6e: {  	[tilespmem:$0xA00] =	vst v2  }
0x6f: {  	v2 =	vld [tilespmem:s15+$0xFFFFFFF0];
	_ =	sdelay $0x4  }
0x70: {  	[tilespmem:$0xA10] =	vst v2  }
0x71: {  	v2 =	vld [tilespmem:s15+$0x0];
	_ =	sdelay $0x4  }
0x72: {  	[tilespmem:$0xA20] =	vst v2  }
0x73: {  	v2 =	vld [tilespmem:s15+$0x10];
	_ =	sdelay $0x4  }
0x74: {  	s18 =	simm.s32 $0x80;
	[tilespmem:$0xA30] =	vst v2  }
0x75: {  	[tilespmem:s29], [sflag:$0x3] =	stream.indirect.gather [hbm4b:s4+s23], $0x80, s18, s23, $0xb8;
	[tilespmem:$0x1FE80] =	vst v63  }
0x76: {  	_ =	swait.ge [sflag:s30], $0x2000  }
0x77: {  	[sflag:s30] =	ssyncset.done $0x0  }
0x78: {  	[sflag:s30] =	ssyncadd.s32 $0xFFFFE000  }
0x79: {  	[spmem:s1] =	stream.indirect.scatter.add.f32 [tilespmem:s25], [sflag:$0x5], $0x80, s31, s23, $0xb8;
	[tilespmem:$0x1FE80] =	vst v63  }
0x7a: {  	_ =	swait.ge [sflag:s0], $0x2000  }
0x7b: {  	[sflag:s0] =	ssyncset.done $0x0  }
0x7c: {  	[sflag:s0] =	ssyncadd.s32 $0xFFFFE000  }
0x7d: {  	v2 =	vld [tilespmem:s15+$0x20];
	_ =	sdelay $0x4  }
0x7e: {  	[tilespmem:$0x900] =	vst v2  }
0x7f: {  	v2 =	vld [tilespmem:s15+$0x30];
	_ =	sdelay $0x4  }
0x80: {  	[tilespmem:$0x910] =	vst v2  }
0x81: {  	v2 =	vld [tilespmem:s15+$0x40];
	_ =	sdelay $0x4  }
0x82: {  	[tilespmem:$0x920] =	vst v2  }
0x83: {  	v2 =	vld [tilespmem:s15+$0x50];
	_ =	sdelay $0x4  }
0x84: {  	s19 =	simm.s32 $0xC0;
	[tilespmem:$0x930] =	vst v2  }
0x85: {  	[tilespmem:s24], [sflag:$0x1] =	stream.indirect.gather [hbm4b:s4+s23], $0x80, s19, s23, $0xb8;
	[tilespmem:$0x1FE80] =	vst v63  }
0x86: {  	_ =	swait.ge [sflag:s3], $0x2000  }
0x87: {  	[sflag:s3] =	ssyncset.done $0x0  }
0x88: {  	[sflag:s3] =	ssyncadd.s32 $0xFFFFE000  }
0x89: {  	[spmem:s1] =	stream.indirect.scatter.add.f32 [tilespmem:s29], [sflag:$0x6], $0x80, s9, s23, $0xb8;
	[tilespmem:$0x1FE80] =	vst v63  }
0x8a: {  	_ =	swait.ge [sflag:s10], $0x2000  }
0x8b: {  	[sflag:s10] =	ssyncset.done $0x0  }
0x8c: {  	[sflag:s10] =	ssyncadd.s32 $0xFFFFE000  }
0x8d: {  	v2 =	vld [tilespmem:s15+$0x60];
	_ =	sdelay $0x4  }
0x8e: {  	[tilespmem:$0x980] =	vst v2  }
0x8f: {  	v2 =	vld [tilespmem:s15+$0x70];
	_ =	sdelay $0x4  }
0x90: {  	[tilespmem:$0x990] =	vst v2  }
0x91: {  	v2 =	vld [tilespmem:s15+$0x80];
	_ =	sdelay $0x4  }
0x92: {  	[tilespmem:$0x9A0] =	vst v2  }
0x93: {  	s17 =	simm.s32 $0x2;
	s16 =	simm.s32 $0x100;
	s18 =	simm.s32 $0x100;
	v2 =	vld [tilespmem:s15+$0x90]  }
.LBB2_5:
0x94: {  	_ =	sdelay $0x2  }
0x95: {  	s16 =	sadd.s32 $0xC0, s16  }
0x96: {  	s15 =	sadd.s32 $0xC0, s15;
	s19 =	smov.u32 s17;
	s17 =	sadd.s32 $0x3, s17;
	[tilespmem:$0x9B0] =	vst v2  }
0x97: {  	[tilespmem:s25], [sflag:$0x2] =	stream.indirect.gather [hbm4b:s4+s23], $0x80, s18, s23, $0xb8;
	[tilespmem:$0x1FE80] =	vst v63  }
0x98: {  	p0 =	sne.s32 s17, $0xE;
	s18 =	smov.u32 s16;
	_ =	swait.ge [sflag:s26], $0x2000  }
0x99: {  	p1 =	sgt.u32 s19, $0xE;
	[sflag:s26] =	ssyncset.done $0x0  }
0x9a: {  	s19 =	simm.s32 @!p1 $0x6;
	[sflag:s26] =	ssyncadd.s32 $0xFFFFE000  }
0x9b: {  	[spmem:s1] =	stream.indirect.scatter.add.f32 [tilespmem:s24], [sflag:$0x4], $0x80, s28, s23, $0xb8;
	[tilespmem:$0x1FE80] =	vst v63  }
0x9c: {  	_ =	swait.ge @!p1 [sflag:s19], $0x2000  }
0x9d: {  	[sflag:s19] =	ssyncset.done @!p1 $0x0  }
0x9e: {  	[sflag:s19] =	ssyncadd.s32 @!p1 $0xFFFFE000  }
0x9f: {  	v2 =	vld [tilespmem:s15+$0xFFFFFFE0];
	_ =	sdelay $0x4  }
0xa0: {  	[tilespmem:$0xA00] =	vst v2  }
0xa1: {  	v2 =	vld [tilespmem:s15+$0xFFFFFFF0];
	_ =	sdelay $0x4  }
0xa2: {  	[tilespmem:$0xA10] =	vst v2  }
0xa3: {  	v2 =	vld [tilespmem:s15+$0x0];
	_ =	sdelay $0x4  }
0xa4: {  	[tilespmem:$0xA20] =	vst v2  }
0xa5: {  	v2 =	vld [tilespmem:s15+$0x10];
	_ =	sdelay $0x3  }
0xa6: {  	s19 =	sadd.s32 $0xFFFFFF80, s16  }
0xa7: {  	[tilespmem:$0xA30] =	vst v2  }
0xa8: {  	[tilespmem:s29], [sflag:$0x3] =	stream.indirect.gather [hbm4b:s4+s23], $0x80, s19, s23, $0xb8;
	[tilespmem:$0x1FE80] =	vst v63  }
0xa9: {  	_ =	swait.ge [sflag:s30], $0x2000  }
0xaa: {  	[sflag:s30] =	ssyncset.done $0x0  }
0xab: {  	[sflag:s30] =	ssyncadd.s32 $0xFFFFE000  }
0xac: {  	[spmem:s1] =	stream.indirect.scatter.add.f32 [tilespmem:s25], [sflag:$0x5], $0x80, s31, s23, $0xb8;
	[tilespmem:$0x1FE80] =	vst v63  }
0xad: {  	_ =	swait.ge [sflag:s0], $0x2000  }
0xae: {  	[sflag:s0] =	ssyncset.done $0x0  }
0xaf: {  	[sflag:s0] =	ssyncadd.s32 $0xFFFFE000  }
0xb0: {  	v2 =	vld [tilespmem:s15+$0x20];
	_ =	sdelay $0x4  }
0xb1: {  	[tilespmem:$0x900] =	vst v2  }
0xb2: {  	v2 =	vld [tilespmem:s15+$0x30];
	_ =	sdelay $0x4  }
0xb3: {  	[tilespmem:$0x910] =	vst v2  }
0xb4: {  	v2 =	vld [tilespmem:s15+$0x40];
	_ =	sdelay $0x4  }
0xb5: {  	[tilespmem:$0x920] =	vst v2  }
0xb6: {  	v2 =	vld [tilespmem:s15+$0x50];
	_ =	sdelay $0x3  }
0xb7: {  	s19 =	sadd.s32 $0xFFFFFFC0, s16  }
0xb8: {  	[tilespmem:$0x930] =	vst v2  }
0xb9: {  	[tilespmem:s24], [sflag:$0x1] =	stream.indirect.gather [hbm4b:s4+s23], $0x80, s19, s23, $0xb8;
	[tilespmem:$0x1FE80] =	vst v63  }
0xba: {  	_ =	swait.ge [sflag:s3], $0x2000  }
0xbb: {  	[sflag:s3] =	ssyncset.done $0x0  }
0xbc: {  	[sflag:s3] =	ssyncadd.s32 $0xFFFFE000  }
0xbd: {  	[spmem:s1] =	stream.indirect.scatter.add.f32 [tilespmem:s29], [sflag:$0x6], $0x80, s9, s23, $0xb8;
	[tilespmem:$0x1FE80] =	vst v63  }
0xbe: {  	_ =	swait.ge [sflag:s10], $0x2000  }
0xbf: {  	[sflag:s10] =	ssyncset.done $0x0  }
0xc0: {  	[sflag:s10] =	ssyncadd.s32 $0xFFFFE000  }
0xc1: {  	v2 =	vld [tilespmem:s15+$0x60];
	_ =	sdelay $0x4  }
0xc2: {  	[tilespmem:$0x980] =	vst v2  }
0xc3: {  	v2 =	vld [tilespmem:s15+$0x70];
	_ =	sdelay $0x4  }
0xc4: {  	[tilespmem:$0x990] =	vst v2  }
0xc5: {  	v2 =	vld [tilespmem:s15+$0x80];
	_ =	sdelay $0x1  }
.Ltmp1:
0xc6: {  	(pc) =	sbr.rel @p0 .LBB2_5-.Ltmp1, $3  }
0xc7: {  	_ =	sdelay $0x1  }
0xc8: {  	[tilespmem:$0x9A0] =	vst v2  }
0xc9: {  	v2 =	vld [tilespmem:s15+$0x90]  }
0xca: {  	_ =	sdelay $0x3  }
0xcb: {  	[tilespmem:$0x9B0] =	vst v2  }
0xcc: {  	[tilespmem:s25], [sflag:$0x2] =	stream.indirect.gather [hbm4b:s4+s23], $0x80, s18, s23, $0xb8;
	[tilespmem:$0x1FE80] =	vst v63  }
0xcd: {  	_ =	swait.ge [sflag:s26], $0x2000  }
0xce: {  	[sflag:s26] =	ssyncset.done $0x0  }
0xcf: {  	[sflag:s26] =	ssyncadd.s32 $0xFFFFE000  }
0xd0: {  	[spmem:s1] =	stream.indirect.scatter.add.f32 [tilespmem:s24], [sflag:$0x4], $0x80, s28, s23, $0xb8;
	[tilespmem:$0x1FE80] =	vst v63  }
0xd1: {  	_ =	swait.ge [sflag:s11], $0x2000  }
0xd2: {  	[sflag:s11] =	ssyncset.done $0x0  }
0xd3: {  	[sflag:s11] =	ssyncadd.s32 $0xFFFFE000  }
0xd4: {  	v2 =	vld [tilespmem:$0x8C0]  }
0xd5: {  	v3 =	vld [tilespmem:$0x8D0]  }
0xd6: {  	v4 =	vld [tilespmem:$0x8E0]  }
0xd7: {  	v5 =	vld [tilespmem:$0x8F0];
	_ =	sdelay $0x1  }
0xd8: {  	[tilespmem:$0xA00] =	vst v2  }
0xd9: {  	[tilespmem:$0xA10] =	vst v3  }
0xda: {  	[tilespmem:$0xA20] =	vst v4  }
0xdb: {  	[tilespmem:$0xA30] =	vst v5  }
0xdc: {  	[tilespmem:s29], [sflag:$0x3] =	stream.indirect.gather [hbm4b:s4+s23], $0x80, s12, s23, $0xb8;
	[tilespmem:$0x1FE80] =	vst v63  }
0xdd: {  	_ =	swait.ge [sflag:s30], $0x2000  }
0xde: {  	[sflag:s30] =	ssyncset.done $0x0  }
0xdf: {  	[sflag:s30] =	ssyncadd.s32 $0xFFFFE000  }
0xe0: {  	[spmem:s1] =	stream.indirect.scatter.add.f32 [tilespmem:s25], [sflag:$0x5], $0x80, s31, s23, $0xb8;
	[tilespmem:$0x1FE80] =	vst v63  }
0xe1: {  	_ =	swait.ge [sflag:s3], $0x2000  }
0xe2: {  	[sflag:s3] =	ssyncset.done $0x0  }
0xe3: {  	[sflag:s3] =	ssyncadd.s32 $0xFFFFE000  }
0xe4: {  	[spmem:s1] =	stream.indirect.scatter.add.f32 [tilespmem:s29], [sflag:$0x6], $0x80, s9, s23, $0xb8;
	[tilespmem:$0x1FE80] =	vst v63  }
0xe5: {  	_ =	swait.ge [sflag:s0], $0x2000  }
0xe6: {  	[sflag:s0] =	ssyncset.done $0x0  }
0xe7: {  	s21 =	sadd.s32 $0x1, s21;
	[sflag:s0] =	ssyncadd.s32 $0xFFFFE000  }
0xe8: {  	p0 =	sne.s32 s21, $0x2C;
	_ =	swait.ge [sflag:s10], $0x2000  }
.Ltmp2:
0xe9: {  	[sflag:s10] =	ssyncset.done $0x0;
	(pc) =	sbr.rel @p0 .LBB2_2-.Ltmp2, $4  }
0xea: {  	[sflag:s10] =	ssyncadd.s32 $0xFFFFE000  }
0xeb: {  	_ =	swait.ge [sflag:s11], $0x2000  }
0xec: {  	[sflag:s11] =	ssyncset.done $0x0  }
0xed: {  	[sflag:s11] =	ssyncadd.s32 $0xFFFFE000  }
0xee: {  	[bflag:$0x0] =	sbarrier.arrive $0xFFFF  }
0xef: {  	s13 =	rddreg [dreg:$0x8]  }
0xf0: {  	s19 =	rddreg [dreg:$0x9];
	s15 =	sshrl.u32 s13, $0x3  }
0xf1: {  	[dreg:$0x14] =	wrdreg s15  }
0xf2: {  	[hbm:s19], [sflag:s8] =	dma.local [spmem:s15], $0x3200  }
0xf3: {  	_ =	swait.ge [sflag:s20], $0x3200  }
0xf4: {  	[sflag:s20] =	ssyncset.done $0x0  }
0xf5: {  	[sflag:s20] =	ssyncadd.s32 $0xFFFFCE00  }
0xf6: {  	[bflag:$0x0] =	sbarrier.arrive $0xFFFF  }
0xf7: {  	s21 =	rddreg [dreg:$0xc]  }
0xf8: {  	[spmem:s21], [sflag:s8] =	dma.local [hbm:s7], $0x800  }
0xf9: {  	_ =	swait.ge [sflag:s20], $0x800  }
0xfa: {  	[sflag:s20] =	ssyncset.done $0x0  }
0xfb: {  	s15 =	rddreg [dreg:$0xd];
	[sflag:s20] =	ssyncadd.s32 $0xFFFFF800  }
0xfc: {  	[spmem:s15], [sflag:s8] =	dma.local [hbm:s7], $0x800  }
0xfd: {  	_ =	swait.ge [sflag:s20], $0x800  }
0xfe: {  	[sflag:s20] =	ssyncset.done $0x0  }
0xff: {  	s16 =	rddreg [dreg:$0xf];
	[sflag:s20] =	ssyncadd.s32 $0xFFFFF800  }
0x100: {  	[spmem:s16], [sflag:s8] =	dma.local [hbm:s7], $0x800  }
0x101: {  	_ =	swait.ge [sflag:s20], $0x800  }
0x102: {  	[sflag:s20] =	ssyncset.done $0x0  }
0x103: {  	s17 =	rddreg [dreg:$0x10];
	[sflag:s20] =	ssyncadd.s32 $0xFFFFF800  }
0x104: {  	[spmem:s17], [sflag:s8] =	dma.local [hbm:s7], $0x800  }
0x105: {  	_ =	swait.ge [sflag:s20], $0x800  }
0x106: {  	[sflag:s20] =	ssyncset.done $0x0  }
0x107: {  	s18 =	rddreg [dreg:$0x11];
	[sflag:s20] =	ssyncadd.s32 $0xFFFFF800  }
0x108: {  	[spmem:s18], [sflag:s8] =	dma.local [hbm:s7], $0x800  }
0x109: {  	_ =	swait.ge [sflag:s20], $0x800  }
0x10a: {  	[sflag:s20] =	ssyncset.done $0x0  }
0x10b: {  	s19 =	rddreg [dreg:$0x12];
	[sflag:s20] =	ssyncadd.s32 $0xFFFFF800  }
0x10c: {  	[spmem:s19], [sflag:s8] =	dma.local [hbm:s7], $0x800  }
0x10d: {  	_ =	swait.ge [sflag:s20], $0x800  }
0x10e: {  	[sflag:s20] =	ssyncset.done $0x0  }
0x10f: {  	s21 =	rddreg [dreg:$0x13];
	[sflag:s20] =	ssyncadd.s32 $0xFFFFF800  }
0x110: {  	[spmem:s21], [sflag:s8] =	dma.local [hbm:s7], $0x280  }
0x111: {  	_ =	swait.ge [sflag:s20], $0x280  }
0x112: {  	[sflag:s20] =	ssyncset.done $0x0  }
0x113: {  	[sflag:s20] =	ssyncadd.s32 $0xFFFFFD80  }
0x114: {  	s15 =	simm.s32 $0x0;
	s16 =	simm.s32 $0x0;
	[bflag:$0x0] =	sbarrier.arrive $0xFFFF  }
.LBB2_8:
0x115: {  	s17 =	smul.u32 $0x480, s16;
	_ =	sdelay $0x1  }
0x116: {  	s17 =	sadd.s32 s14, s17  }
0x117: {  	s17 =	sshrl.u32 s17, $0x3  }
0x118: {  	s18 =	sadd.s32 s5, s17  }
0x119: {  	[tilespmem:s15], [sflag:$0x7] =	stream.linear.gather [hbm4b:s18+s15], $0x480, $0x38;
	[tilespmem:$0x1FE80] =	vst v63  }
0x11a: {  	_ =	swait.ge [sflag:s20], $0x480  }
0x11b: {  	[sflag:s20] =	ssyncset.done $0x0  }
0x11c: {  	s17 =	sadd.s32 s6, s17;
	[sflag:s20] =	ssyncadd.s32 $0xFFFFFB80  }
0x11d: {  	[tilespmem:s22], [sflag:$0x7] =	stream.linear.gather [hbm4b:s17+s15], $0x480, $0x38;
	[tilespmem:$0x1FE80] =	vst v63  }
0x11e: {  	_ =	swait.ge [sflag:s20], $0x480  }
0x11f: {  	[sflag:s20] =	ssyncset.done $0x0  }
0x120: {  	s18 =	simm.s32 $0x40;
	s17 =	simm.s32 $0x0;
	[sflag:s20] =	ssyncadd.s32 $0xFFFFFB80  }
.LBB2_9:
0x121: {  	p0 =	sne.s32 s18, $0x11C0;
	v2 =	vld [tilespmem:s17+$0x480];
	_ =	sdelay $0x2  }
.Ltmp3:
0x122: {  	(pc) =	sbr.rel @p0 .LBB2_9-.Ltmp3, $4  }
0x123: {  	_ = 	snop  }
0x124: {  	v2 =	vsub.s32 v2, v1  }
0x125: {  	v2 =	vmin.u32 v2, $0x3200  }
0x126: {  	[tilespmem:s17+$0x480] =	vst v2;
	s17 =	sshra.s32 s18, $0x2;
	s18 =	sadd.s32 $0x40, s18  }
0x127: {  	v2 =	vld [tilespmem:s17+$0x480];
	_ =	sdelay $0x4  }
0x128: {  	v2 =	vsub.s32 v2, v1  }
0x129: {  	v2 =	vmin.u32 v2, $0x3200  }
0x12a: {  	[tilespmem:s17+$0x480] =	vst v2  }
0x12b: {  	v2 =	vld [tilespmem:$0x480]  }
0x12c: {  	v3 =	vld [tilespmem:$0x490]  }
0x12d: {  	v4 =	vld [tilespmem:$0x4A0]  }
0x12e: {  	v5 =	vld [tilespmem:$0x4B0];
	_ =	sdelay $0x1  }
0x12f: {  	[tilespmem:$0x900] =	vst v2  }
0x130: {  	[tilespmem:$0x910] =	vst v3  }
0x131: {  	[tilespmem:$0x920] =	vst v4  }
0x132: {  	[tilespmem:$0x930] =	vst v5  }
0x133: {  	[tilespmem:s24], [sflag:$0x1] =	stream.indirect.gather [hbm4b:s4+s23], $0x80, s2, s23, $0xb8;
	[tilespmem:$0x1FE80] =	vst v63  }
0x134: {  	v2 =	vld [tilespmem:$0x4C0]  }
0x135: {  	v3 =	vld [tilespmem:$0x4D0]  }
0x136: {  	v62 =	vld [tilespmem:$0x4E0]  }
0x137: {  	v63 =	vld [tilespmem:$0x4F0];
	_ =	sdelay $0x1  }
0x138: {  	[tilespmem:$0x980] =	vst v2  }
0x139: {  	[tilespmem:$0x990] =	vst v3  }
0x13a: {  	[tilespmem:$0x9A0] =	vst v62  }
0x13b: {  	[tilespmem:$0x9B0] =	vst v63  }
0x13c: {  	[tilespmem:s25], [sflag:$0x2] =	stream.indirect.gather [hbm4b:s4+s23], $0x80, s23, s23, $0xb8;
	[tilespmem:$0x1FE80] =	vst v63  }
0x13d: {  	_ =	swait.ge [sflag:s26], $0x2000  }
0x13e: {  	p0 =	por $0x1, $0x1;
	[sflag:s26] =	ssyncset.done $0x0  }
0x13f: {  	s18 =	simm.s32 @!p0 $0x6;
	[sflag:s26] =	ssyncadd.s32 $0xFFFFE000  }
0x140: {  	[spmem:s1] =	stream.indirect.scatter.add.f32 [tilespmem:s24], [sflag:$0x4], $0x80, s28, s23, $0xb8;
	[tilespmem:$0x1FE80] =	vst v63  }
0x141: {  	_ =	swait.ge @!p0 [sflag:s18], $0x2000  }
0x142: {  	[sflag:s18] =	ssyncset.done @!p0 $0x0  }
0x143: {  	s17 =	simm.s32 $0x520;
	[sflag:s18] =	ssyncadd.s32 @!p0 $0xFFFFE000  }
0x144: {  	v2 =	vld [tilespmem:s17+$0xFFFFFFE0];
	_ =	sdelay $0x4  }
0x145: {  	[tilespmem:$0xA00] =	vst v2  }
0x146: {  	v2 =	vld [tilespmem:s17+$0xFFFFFFF0];
	_ =	sdelay $0x4  }
0x147: {  	[tilespmem:$0xA10] =	vst v2  }
0x148: {  	v2 =	vld [tilespmem:s17+$0x0];
	_ =	sdelay $0x4  }
0x149: {  	[tilespmem:$0xA20] =	vst v2  }
0x14a: {  	v2 =	vld [tilespmem:s17+$0x10];
	_ =	sdelay $0x4  }
0x14b: {  	s19 =	simm.s32 $0x80;
	[tilespmem:$0xA30] =	vst v2  }
0x14c: {  	[tilespmem:s29], [sflag:$0x3] =	stream.indirect.gather [hbm4b:s4+s23], $0x80, s19, s23, $0xb8;
	[tilespmem:$0x1FE80] =	vst v63  }
0x14d: {  	_ =	swait.ge [sflag:s30], $0x2000  }
0x14e: {  	[sflag:s30] =	ssyncset.done $0x0  }
0x14f: {  	[sflag:s30] =	ssyncadd.s32 $0xFFFFE000  }
0x150: {  	[spmem:s1] =	stream.indirect.scatter.add.f32 [tilespmem:s25], [sflag:$0x5], $0x80, s31, s23, $0xb8;
	[tilespmem:$0x1FE80] =	vst v63  }
0x151: {  	_ =	swait.ge [sflag:s0], $0x2000  }
0x152: {  	[sflag:s0] =	ssyncset.done $0x0  }
0x153: {  	[sflag:s0] =	ssyncadd.s32 $0xFFFFE000  }
0x154: {  	v2 =	vld [tilespmem:s17+$0x20];
	_ =	sdelay $0x4  }
0x155: {  	[tilespmem:$0x900] =	vst v2  }
0x156: {  	v2 =	vld [tilespmem:s17+$0x30];
	_ =	sdelay $0x4  }
0x157: {  	[tilespmem:$0x910] =	vst v2  }
0x158: {  	v2 =	vld [tilespmem:s17+$0x40];
	_ =	sdelay $0x4  }
0x159: {  	[tilespmem:$0x920] =	vst v2  }
0x15a: {  	v2 =	vld [tilespmem:s17+$0x50];
	_ =	sdelay $0x4  }
0x15b: {  	s21 =	simm.s32 $0xC0;
	[tilespmem:$0x930] =	vst v2  }
0x15c: {  	[tilespmem:s24], [sflag:$0x1] =	stream.indirect.gather [hbm4b:s4+s23], $0x80, s21, s23, $0xb8;
	[tilespmem:$0x1FE80] =	vst v63  }
0x15d: {  	_ =	swait.ge [sflag:s3], $0x2000  }
0x15e: {  	[sflag:s3] =	ssyncset.done $0x0  }
0x15f: {  	[sflag:s3] =	ssyncadd.s32 $0xFFFFE000  }
0x160: {  	[spmem:s1] =	stream.indirect.scatter.add.f32 [tilespmem:s29], [sflag:$0x6], $0x80, s9, s23, $0xb8;
	[tilespmem:$0x1FE80] =	vst v63  }
0x161: {  	_ =	swait.ge [sflag:s10], $0x2000  }
0x162: {  	[sflag:s10] =	ssyncset.done $0x0  }
0x163: {  	[sflag:s10] =	ssyncadd.s32 $0xFFFFE000  }
0x164: {  	v2 =	vld [tilespmem:s17+$0x60];
	_ =	sdelay $0x4  }
0x165: {  	[tilespmem:$0x980] =	vst v2  }
0x166: {  	v2 =	vld [tilespmem:s17+$0x70];
	_ =	sdelay $0x4  }
0x167: {  	[tilespmem:$0x990] =	vst v2  }
0x168: {  	v2 =	vld [tilespmem:s17+$0x80];
	_ =	sdelay $0x4  }
0x169: {  	[tilespmem:$0x9A0] =	vst v2  }
0x16a: {  	s18 =	simm.s32 $0x100;
	s19 =	simm.s32 $0x2;
	s21 =	simm.s32 $0x100;
	v2 =	vld [tilespmem:s17+$0x90]  }
.LBB2_11:
0x16b: {  	_ =	sdelay $0x2  }
0x16c: {  	s18 =	sadd.s32 $0xC0, s18  }
0x16d: {  	s17 =	sadd.s32 $0xC0, s17;
	s13 =	smov.u32 s19;
	s19 =	sadd.s32 $0x3, s19;
	[tilespmem:$0x9B0] =	vst v2  }
0x16e: {  	[tilespmem:s25], [sflag:$0x2] =	stream.indirect.gather [hbm4b:s4+s23], $0x80, s21, s23, $0xb8;
	[tilespmem:$0x1FE80] =	vst v63  }
0x16f: {  	p0 =	sne.s32 s19, $0xE;
	s21 =	smov.u32 s18;
	_ =	swait.ge [sflag:s26], $0x2000  }
0x170: {  	p1 =	sgt.u32 s13, $0xE;
	[sflag:s26] =	ssyncset.done $0x0  }
0x171: {  	s13 =	simm.s32 @!p1 $0x6;
	[sflag:s26] =	ssyncadd.s32 $0xFFFFE000  }
0x172: {  	[spmem:s1] =	stream.indirect.scatter.add.f32 [tilespmem:s24], [sflag:$0x4], $0x80, s28, s23, $0xb8;
	[tilespmem:$0x1FE80] =	vst v63  }
0x173: {  	_ =	swait.ge @!p1 [sflag:s13], $0x2000  }
0x174: {  	[sflag:s13] =	ssyncset.done @!p1 $0x0  }
0x175: {  	[sflag:s13] =	ssyncadd.s32 @!p1 $0xFFFFE000  }
0x176: {  	v2 =	vld [tilespmem:s17+$0xFFFFFFE0];
	_ =	sdelay $0x4  }
0x177: {  	[tilespmem:$0xA00] =	vst v2  }
0x178: {  	v2 =	vld [tilespmem:s17+$0xFFFFFFF0];
	_ =	sdelay $0x4  }
0x179: {  	[tilespmem:$0xA10] =	vst v2  }
0x17a: {  	v2 =	vld [tilespmem:s17+$0x0];
	_ =	sdelay $0x4  }
0x17b: {  	[tilespmem:$0xA20] =	vst v2  }
0x17c: {  	v2 =	vld [tilespmem:s17+$0x10];
	_ =	sdelay $0x3  }
0x17d: {  	s13 =	sadd.s32 $0xFFFFFF80, s18  }
0x17e: {  	[tilespmem:$0xA30] =	vst v2  }
0x17f: {  	[tilespmem:s29], [sflag:$0x3] =	stream.indirect.gather [hbm4b:s4+s23], $0x80, s13, s23, $0xb8;
	[tilespmem:$0x1FE80] =	vst v63  }
0x180: {  	_ =	swait.ge [sflag:s30], $0x2000  }
0x181: {  	[sflag:s30] =	ssyncset.done $0x0  }
0x182: {  	[sflag:s30] =	ssyncadd.s32 $0xFFFFE000  }
0x183: {  	[spmem:s1] =	stream.indirect.scatter.add.f32 [tilespmem:s25], [sflag:$0x5], $0x80, s31, s23, $0xb8;
	[tilespmem:$0x1FE80] =	vst v63  }
0x184: {  	_ =	swait.ge [sflag:s0], $0x2000  }
0x185: {  	[sflag:s0] =	ssyncset.done $0x0  }
0x186: {  	[sflag:s0] =	ssyncadd.s32 $0xFFFFE000  }
0x187: {  	v2 =	vld [tilespmem:s17+$0x20];
	_ =	sdelay $0x4  }
0x188: {  	[tilespmem:$0x900] =	vst v2  }
0x189: {  	v2 =	vld [tilespmem:s17+$0x30];
	_ =	sdelay $0x4  }
0x18a: {  	[tilespmem:$0x910] =	vst v2  }
0x18b: {  	v2 =	vld [tilespmem:s17+$0x40];
	_ =	sdelay $0x4  }
0x18c: {  	[tilespmem:$0x920] =	vst v2  }
0x18d: {  	v2 =	vld [tilespmem:s17+$0x50];
	_ =	sdelay $0x3  }
0x18e: {  	s13 =	sadd.s32 $0xFFFFFFC0, s18  }
0x18f: {  	[tilespmem:$0x930] =	vst v2  }
0x190: {  	[tilespmem:s24], [sflag:$0x1] =	stream.indirect.gather [hbm4b:s4+s23], $0x80, s13, s23, $0xb8;
	[tilespmem:$0x1FE80] =	vst v63  }
0x191: {  	_ =	swait.ge [sflag:s3], $0x2000  }
0x192: {  	[sflag:s3] =	ssyncset.done $0x0  }
0x193: {  	[sflag:s3] =	ssyncadd.s32 $0xFFFFE000  }
0x194: {  	[spmem:s1] =	stream.indirect.scatter.add.f32 [tilespmem:s29], [sflag:$0x6], $0x80, s9, s23, $0xb8;
	[tilespmem:$0x1FE80] =	vst v63  }
0x195: {  	_ =	swait.ge [sflag:s10], $0x2000  }
0x196: {  	[sflag:s10] =	ssyncset.done $0x0  }
0x197: {  	[sflag:s10] =	ssyncadd.s32 $0xFFFFE000  }
0x198: {  	v2 =	vld [tilespmem:s17+$0x60];
	_ =	sdelay $0x4  }
0x199: {  	[tilespmem:$0x980] =	vst v2  }
0x19a: {  	v2 =	vld [tilespmem:s17+$0x70];
	_ =	sdelay $0x4  }
0x19b: {  	[tilespmem:$0x990] =	vst v2  }
0x19c: {  	v2 =	vld [tilespmem:s17+$0x80];
	_ =	sdelay $0x1  }
.Ltmp4:
0x19d: {  	(pc) =	sbr.rel @p0 .LBB2_11-.Ltmp4, $3  }
0x19e: {  	_ =	sdelay $0x1  }
0x19f: {  	[tilespmem:$0x9A0] =	vst v2  }
0x1a0: {  	v2 =	vld [tilespmem:s17+$0x90]  }
0x1a1: {  	_ =	sdelay $0x3  }
0x1a2: {  	[tilespmem:$0x9B0] =	vst v2  }
0x1a3: {  	[tilespmem:s25], [sflag:$0x2] =	stream.indirect.gather [hbm4b:s4+s23], $0x80, s21, s23, $0xb8;
	[tilespmem:$0x1FE80] =	vst v63  }
0x1a4: {  	_ =	swait.ge [sflag:s26], $0x2000  }
0x1a5: {  	[sflag:s26] =	ssyncset.done $0x0  }
0x1a6: {  	[sflag:s26] =	ssyncadd.s32 $0xFFFFE000  }
0x1a7: {  	[spmem:s1] =	stream.indirect.scatter.add.f32 [tilespmem:s24], [sflag:$0x4], $0x80, s28, s23, $0xb8;
	[tilespmem:$0x1FE80] =	vst v63  }
0x1a8: {  	_ =	swait.ge [sflag:s11], $0x2000  }
0x1a9: {  	[sflag:s11] =	ssyncset.done $0x0  }
0x1aa: {  	[sflag:s11] =	ssyncadd.s32 $0xFFFFE000  }
0x1ab: {  	v2 =	vld [tilespmem:$0x8C0]  }
0x1ac: {  	v3 =	vld [tilespmem:$0x8D0]  }
0x1ad: {  	v4 =	vld [tilespmem:$0x8E0]  }
0x1ae: {  	v5 =	vld [tilespmem:$0x8F0];
	_ =	sdelay $0x1  }
0x1af: {  	[tilespmem:$0xA00] =	vst v2  }
0x1b0: {  	[tilespmem:$0xA10] =	vst v3  }
0x1b1: {  	[tilespmem:$0xA20] =	vst v4  }
0x1b2: {  	[tilespmem:$0xA30] =	vst v5  }
0x1b3: {  	[tilespmem:s29], [sflag:$0x3] =	stream.indirect.gather [hbm4b:s4+s23], $0x80, s12, s23, $0xb8;
	[tilespmem:$0x1FE80] =	vst v63  }
0x1b4: {  	_ =	swait.ge [sflag:s30], $0x2000  }
0x1b5: {  	[sflag:s30] =	ssyncset.done $0x0  }
0x1b6: {  	[sflag:s30] =	ssyncadd.s32 $0xFFFFE000  }
0x1b7: {  	[spmem:s1] =	stream.indirect.scatter.add.f32 [tilespmem:s25], [sflag:$0x5], $0x80, s31, s23, $0xb8;
	[tilespmem:$0x1FE80] =	vst v63  }
0x1b8: {  	_ =	swait.ge [sflag:s3], $0x2000  }
0x1b9: {  	[sflag:s3] =	ssyncset.done $0x0  }
0x1ba: {  	[sflag:s3] =	ssyncadd.s32 $0xFFFFE000  }
0x1bb: {  	[spmem:s1] =	stream.indirect.scatter.add.f32 [tilespmem:s29], [sflag:$0x6], $0x80, s9, s23, $0xb8;
	[tilespmem:$0x1FE80] =	vst v63  }
0x1bc: {  	_ =	swait.ge [sflag:s0], $0x2000  }
0x1bd: {  	[sflag:s0] =	ssyncset.done $0x0  }
0x1be: {  	s16 =	sadd.s32 $0x1, s16;
	[sflag:s0] =	ssyncadd.s32 $0xFFFFE000  }
0x1bf: {  	p0 =	sne.s32 s16, $0x2C;
	_ =	swait.ge [sflag:s10], $0x2000  }
.Ltmp5:
0x1c0: {  	[sflag:s10] =	ssyncset.done $0x0;
	(pc) =	sbr.rel @p0 .LBB2_8-.Ltmp5, $4  }
0x1c1: {  	[sflag:s10] =	ssyncadd.s32 $0xFFFFE000  }
0x1c2: {  	_ =	swait.ge [sflag:s11], $0x2000  }
0x1c3: {  	[sflag:s11] =	ssyncset.done $0x0  }
0x1c4: {  	[sflag:s11] =	ssyncadd.s32 $0xFFFFE000  }
0x1c5: {  	[bflag:$0x0] =	sbarrier.arrive $0xFFFF  }
0x1c6: {  	s13 =	rddreg [dreg:$0xa]  }
0x1c7: {  	s15 =	rddreg [dreg:$0x14]  }
0x1c8: {  	[hbm:s13], [sflag:s8] =	dma.local [spmem:s15], $0x3200  }
0x1c9: {  	_ =	swait.ge [sflag:s20], $0x3200  }
0x1ca: {  	s19 =	rddreg [dreg:$0xe]  }
0x1cb: {  	s21 =	rddreg [dreg:$0xb];
	s15 =	sadd.s32 $0x1, s19  }
0x1cc: {  	p0 =	sne.s32 s15, s21  }
.Ltmp6:
0x1cd: {  	_ = 	snop;
	(pc) =	sbr.rel @p0 .LBB2_1-.Ltmp6, $3  }
0x1ce: {  	[sflag:s20] =	ssyncset.done $0x0  }
0x1cf: {  	[sflag:s20] =	ssyncadd.s32 $0xFFFFCE00  }
0x1d0: {  	[bflag:$0x0] =	sbarrier.arrive $0xFFFF;
	_ =	sdelay $0x1  }
0x1d1: {  	_ =	sfence.sel $0x180000  }
0x1d2: {  	[bflag:$0x0] =	sbarrier.arrive $0xFFFF  }
0x1d3: {  	_ =	strace $0x9000004A  }
0x1d4: {  	s0 =	stileid.u32;
	[bflag:$0x2] =	sbarrier.arrive $0xFFFF  }
0x1d5: {  	p0 =	sne.s32 s0, $0x0;
	s0 =	rddreg [dreg:$0x2]  }
0x1d6: {  	s0 =	sadd.s32 @!p0 $0x100000, s0  }
0x1d7: {  	[sflag:s0] =	ssyncadd.tile.s32 @!p0 $0x1;
	_ =	shalt  }
.Lfunc_end2:
_tile_overlayer_lowered:
.L_overlay_start_2:
0x1d8: {  	(tag) =	ssettag $0x2  }
0x1d9: {  	s0 =	rddreg [dreg:$0x0];
	s2 =	stileid.u32  }
0x1da: {  	s1 =	rddreg [dreg:$0x1];
	p0 =	sne.s32 s2, $0x0  }
0x1db: {  	s3 =	rddreg [dreg:$0x2];
	[bflag:$0x3] =	sbarrier.arrive $0xFFFF;
	s2 =	simm.s32 @!p0 $0x1C07  }
0x1dc: {  	[timem:s3], [sflag:s2] =	dma.local @!p0 [hbm:s0], s1  }
0x1dd: {  	s0 =	simm.s32 @!p0 $0x7  }
0x1de: {  	_ =	swait.ge @!p0 [sflag:s0], s1  }
0x1df: {  	s1 =	ssub.s32 @!p0 $0x0, s1;
	[sflag:s0] =	ssyncset.done @!p0 $0x0  }
0x1e0: {  	[sflag:s0] =	ssyncadd.s32 @!p0 s1  }
0x1e1: {  	[bflag:$0x3] =	sbarrier.arrive $0xFFFF  }
0x1e2: {  	_ =	shalt  }

// kernel: kernel.17.cloned.1.call-start
scs
__scs_entry_jumppad:
0x0: {  	(pc) =	sbr.rel $0x88, $3  }
0x1: {  	(tag) =	ssettag $0x0;
	lr =	simm.s32 $0x1  }
0x2: {  	[smem:$0x3F81] =	sst lr;
	_ =	strace $0xD0000000  }
0x3: {  	_ = 	snop  }
0x4: {  	_ = 	snop  }
0x5: {  	_ = 	snop  }
0x6: {  	_ = 	snop  }
0x7: {  	_ = 	snop  }
__scs_overlays_trampoline_lowered:
0x8: {  	[smem:$0x3F90] =	sst s0  }
0x9: {  	[smem:$0x3F91] =	sst s1  }
0xa: {  	[smem:$0x3F92] =	sst s2  }
0xb: {  	[smem:$0x3F93] =	sst s3  }
0xc: {  	[smem:$0x3F94] =	sst s4  }
0xd: {  	[smem:$0x3F95] =	sst s5  }
0xe: {  	[smem:$0x3F96] =	sst s6  }
0xf: {  	[smem:$0x3F97] =	sst s7  }
0x10: {  	[smem:$0x3F98] =	sst s8  }
0x11: {  	[smem:$0x3F99] =	sst s9;
	s0 =	simm.s32 @!p0 $0x0  }
0x12: {  	s1 =	sld [smem:$0x3F7F];
	s0 =	simm.s32 @p0 $0x1  }
0x13: {  	[smem:$0x3F9A] =	sst s0;
	s0 =	simm.s32 @!p1 $0x0  }
0x14: {  	s2 =	sld [smem:$0x3F7E];
	s0 =	simm.s32 @p1 $0x1  }
0x15: {  	[smem:$0x3F9B] =	sst s0;
	s0 =	simm.s32 @!p2 $0x0  }
0x16: {  	s3 =	sld [smem:$0x3FDB];
	s0 =	simm.s32 @p2 $0x1  }
0x17: {  	s4 =	simm.s32 $0x1BF5;
	[smem:$0x3F9D] =	sst s0  }
0x18: {  	s0 =	sld [smem:$0x3F80];
	_ =	swait.ge [sflag:s4], $0x0  }
0x19: {  	s7 =	sld [smem:$0x3F81]  }
0x1a: {  	s8 =	sadd.s32 $0xFFFFE003, lr  }
0x1b: {  	s9 =	sadd.s32 $0xFFFFFEF7, lr;
	s5 =	simm.s32 $0xFFFFFFFF;
	p2 =	slt.u32 s8, $0xFFFFF086  }
0x1c: {  	p1 =	slt.u32 s9, $0xF7A;
	s5 =	simm.s32 @!p2 $0x0  }
0x1d: {  	s5 =	simm.s32 @p1 $0x1;
	p0 =	seq.s32 s7, s2  }
0x1e: {  	s7 =	smul.u32 @!p0 $0xF7A, s2;
	p2 =	seq.s32 @!p0 s5, $0x0  }
0x1f: {  	s9 =	smul.u32 $0xF7A, s1;
	s8 =	simm.s32 @!p0 $0x1BF5;
	p2 =	por !p2, p0  }
0x20: {  	[sflag:s8] =	ssyncset.s32 @!p0 $0xFFFFF086;
	s6 =	sadd.s32 @!p0 s3, s7;
	s7 =	simm.s32 @!p0 $0x108  }
0x21: {  	s3 =	sadd.s32 s3, s9;
	s6 =	sadd.s32 @!p0 $0x88, s6;
	s7 =	simm.s32 @p2 $0x1082  }
0x22: {  	[simem:s7], [sflag:s8] =	dma.local @!p0 [hbm:s6], $0xF7A  }
0x23: {  	s9 =	sor.u32 $0xD0000000, s2;
	s6 =	simm.s32 $0x108;
	_ =	swait.ge @!p0 [sflag:s8], $0x0  }
0x24: {  	s3 =	sadd.s32 $0x88, s3;
	s6 =	simm.s32 @!p1 $0x1082;
	[sflag:s4] =	ssyncset.s32 $0xFFFFF086  }
0x25: {  	[simem:s6], [sflag:s4] =	dma.local [hbm:s3], $0xF7A  }
0x26: {  	[smem:$0x3F81] =	sst s1;
	(tag) =	ssettag s2;
	_ =	strace s9  }
0x27: {  	s1 =	sld [smem:$0x3F91]  }
0x28: {  	s2 =	sld [smem:$0x3F92]  }
0x29: {  	s4 =	sld [smem:$0x3F94]  }
0x2a: {  	p0 =	seq.s32 s5, $0x0;
	s5 =	sld [smem:$0x3F95]  }
0x2b: {  	s6 =	sld [smem:$0x3F96]  }
0x2c: {  	s7 =	sld [smem:$0x3F97]  }
0x2d: {  	s3 =	simm.s32 $0x108;
	s8 =	sld [smem:$0x3F98]  }
0x2e: {  	s3 =	simm.s32 @!p0 $0x1082;
	s9 =	sld [smem:$0x3F99]  }
0x2f: {  	lr =	sadd.s32 s0, s3;
	s0 =	sld [smem:$0x3F90]  }
0x30: {  	s3 =	sld [smem:$0x3F93]  }
0x31: {  	[smem:$0x3F9C] =	sst s10  }
0x32: {  	s10 =	sld [smem:$0x3F9A];
	_ =	sdelay $0x3  }
0x33: {  	p0 =	seq.s32 s10, $0x1;
	s10 =	sld [smem:$0x3F9C];
	_ =	sdelay $0x3  }
0x34: {  	[smem:$0x3F9C] =	sst s10  }
0x35: {  	s10 =	sld [smem:$0x3F9B];
	_ =	sdelay $0x3  }
0x36: {  	p1 =	seq.s32 s10, $0x1;
	s10 =	sld [smem:$0x3F9C];
	_ =	sdelay $0x3  }
0x37: {  	[smem:$0x3F9C] =	sst s10  }
0x38: {  	s10 =	sld [smem:$0x3F9D]  }
0x39: {  	_ = 	snop;
	(pc) =	sbr.ind lr, $3  }
0x3a: {  	_ = 	snop  }
0x3b: {  	_ = 	snop  }
0x3c: {  	p2 =	seq.s32 s10, $0x1;
	s10 =	sld [smem:$0x3F9C]  }
0x3d: {  	_ =	shalt  }
0x3e: {  	_ =	shalt  }
0x3f: {  	_ =	shalt  }
0x40: {  	_ =	shalt  }
0x41: {  	_ =	shalt  }
0x42: {  	_ =	shalt  }
0x43: {  	_ =	shalt  }
0x44: {  	_ =	shalt  }
0x45: {  	_ =	shalt  }
0x46: {  	_ =	shalt  }
0x47: {  	_ =	shalt  }
0x48: {  	_ =	shalt  }
0x49: {  	_ =	shalt  }
0x4a: {  	_ =	shalt  }
0x4b: {  	_ =	shalt  }
0x4c: {  	_ =	shalt  }
0x4d: {  	_ =	shalt  }
0x4e: {  	_ =	shalt  }
0x4f: {  	_ =	shalt  }
0x50: {  	_ =	shalt  }
0x51: {  	_ =	shalt  }
0x52: {  	_ =	shalt  }
0x53: {  	_ =	shalt  }
0x54: {  	_ =	shalt  }
0x55: {  	_ =	shalt  }
0x56: {  	_ =	shalt  }
0x57: {  	_ =	shalt  }
0x58: {  	_ =	shalt  }
0x59: {  	_ =	shalt  }
0x5a: {  	_ =	shalt  }
0x5b: {  	_ =	shalt  }
0x5c: {  	_ =	shalt  }
0x5d: {  	_ =	shalt  }
0x5e: {  	_ =	shalt  }
0x5f: {  	_ =	shalt  }
0x60: {  	_ =	shalt  }
0x61: {  	_ =	shalt  }
0x62: {  	_ =	shalt  }
0x63: {  	_ =	shalt  }
0x64: {  	_ =	shalt  }
0x65: {  	_ =	shalt  }
0x66: {  	_ =	shalt  }
0x67: {  	_ =	shalt  }
0x68: {  	_ =	shalt  }
0x69: {  	_ =	shalt  }
0x6a: {  	_ =	shalt  }
0x6b: {  	_ =	shalt  }
0x6c: {  	_ =	shalt  }
0x6d: {  	_ =	shalt  }
0x6e: {  	_ =	shalt  }
0x6f: {  	_ =	shalt  }
0x70: {  	_ =	shalt  }
0x71: {  	_ =	shalt  }
0x72: {  	_ =	shalt  }
0x73: {  	_ =	shalt  }
0x74: {  	_ =	shalt  }
0x75: {  	_ =	shalt  }
0x76: {  	_ =	shalt  }
0x77: {  	_ =	shalt  }
0x78: {  	_ =	shalt  }
0x79: {  	_ =	shalt  }
0x7a: {  	_ =	shalt  }
0x7b: {  	_ =	shalt  }
0x7c: {  	_ =	shalt  }
0x7d: {  	_ =	shalt  }
0x7e: {  	_ =	shalt  }
0x7f: {  	_ =	shalt  }
0x80: {  	_ =	shalt  }
0x81: {  	_ =	shalt  }
0x82: {  	_ =	shalt  }
0x83: {  	_ =	shalt  }
0x84: {  	_ =	shalt  }
0x85: {  	_ =	shalt  }
0x86: {  	_ =	shalt  }
0x87: {  	_ =	shalt  }
.Lfunc_end0:
.L_simem_size_0:
called_computation.2_lowered:
.L_overlay_start_0:
0x88: {  	s2 =	sld [smem:$0x3FD9]  }
0x89: {  	s3 =	sld [smem:$0x3FFE];
	_ =	sdelay $0x1  }
0x8a: {  	s1 =	srdreg.scid  }
0x8b: {  	s0 =	sand.u32 $0x1, s1  }
0x8c: {  	s16 =	sshll.u32 s0, $0xA;
	s2 =	sadd.s32 s3, s2  }
0x8d: {  	s2 =	sadd.s32 s2, s16  }
0x8e: {  	[smem:$0x3FA8] =	sst s2  }
0x8f: {  	_ = 	snop  }
0x90: {  	(tm) =	ssettm $0x1  }
0x91: {  	s17 =	sld [smem:$0x3FFB];
	_ =	sdelay $0x3  }
0x92: {  	_ =	strace s17  }
0x93: {  	s2 =	sld [smem:$0x3FFC];
	_ =	sdelay $0x3  }
0x94: {  	_ =	strace s2  }
0x95: {  	s2 =	sld [smem:$0x3FFD];
	_ =	sdelay $0x3  }
0x96: {  	_ =	strace s2  }
0x97: {  	_ =	strace $0x8FFFFFFF  }
0x98: {  	s18 =	sld [smem:$0x3FDB];
	_ =	sdelay $0x1  }
0x99: {  	s19 =	simm.s32 $_scs_section_size  }
0x9a: {  	s4 =	simm.s32 $_size__tile_overlayer_lowered;
	s5 =	simm.s32 $_tile_overlayer_lowered  }
0x9b: {  	s22 =	simm.s32 $0x1BFF;
	s21 =	sshll.u32 s5, $0x1;
	s2 =	sadd.s32 s19, s18  }
0x9c: {  	s6 =	simm.s32 $0x0;
	s20 =	sshll.u32 s4, $0x1;
	s4 =	sadd.s32 s21, s2  }
0x9d: {  	[timem:s6], [sflag:s22] =	dma.local [hbm:s4], s20  }
0x9e: {  	_ =	swait.ge [sflag:s22], s20  }
0x9f: {  	s3 =	ssub.s32 $0x0, s20;
	[sflag:s22] =	ssyncset.done $0x0  }
0xa0: {  	[sflag:s22] =	ssyncadd.s32 s3;
	_ =	sdelay $0x1  }
0xa1: {  	s23 =	simm.s32 $0x1B8B  }
0xa2: {  	_ =	swait.ge [sflag:s23], $0x1  }
0xa3: {  	[sflag:s23] =	ssyncset.done $0x0  }
0xa4: {  	s25 =	simm.s32 $0x1B8E;
	s24 =	sld [smem:$0x3FFE];
	[sflag:s23] =	ssyncadd.s32 $0xFFFFFFFF  }
0xa5: {  	s26 =	simm.s32 $execute0_lowered;
	[smem:$0x3FD2] =	sst s25  }
0xa6: {  	s4 =	sshll.u32 s26, $0x1;
	_ =	strace $0x8000004C;
	[dreg:$0x1] =	wrdreg $0xFFFFFFFF  }
0xa7: {  	s28 =	simm.s32 $_size_execute0_lowered;
	s2 =	sadd.s32 s2, s4;
	[dreg:$0x0] =	wrdreg $0x0  }
0xa8: {  	s4 =	sshll.u32 s28, $0x1;
	[dreg:$0x2] =	wrdreg s2  }
0xa9: {  	[dreg:$0x3] =	wrdreg s4  }
0xaa: {  	[dreg:$0x4] =	wrdreg $0xC0  }
0xab: {  	_ =	task [dreg:s6], $0x5FFFF  }
0xac: {  	[dreg:$0x1] =	wrdreg $0xFFFFFFFF  }
0xad: {  	[dreg:$0x0] =	wrdreg $0x60  }
0xae: {  	[dreg:$0x2] =	wrdreg s24  }
0xaf: {  	[dreg:$0x3] =	wrdreg $0x40800  }
0xb0: {  	[dreg:$0x4] =	wrdreg $0x9  }
0xb1: {  	_ =	task.clear_ibuf [dreg:s6], $0x5FFFF;
	_ =	strace $0x9000004C  }
0xb2: {  	s29 =	simm.s32 $0x9;
	_ =	strace $0x8000004E  }
0xb3: {  	_ =	swait.ge [sflag:s29], $0x1  }
0xb4: {  	[sflag:s29] =	ssyncadd.s32 $0xFFFFFFFF  }
0xb5: {  	_ =	strace $0x9000004E  }
0xb6: {  	_ =	sfence  }
0xb7: {  	s30 =	sld [smem:$0x0];
	_ =	sdelay $0x2  }
0xb8: {  	s31 =	sshll.u32 s1, $0xD;
	s1 =	sshrl.u32 s1, $0x2  }
0xb9: {  	s3 =	sand.u32 $0x4000, s31;
	s1 =	sadd.s32 s1, s30  }
0xba: {  	s0 =	sor.u32 s3, s0;
	s1 =	sshll.u32 s1, $0x11  }
0xbb: {  	s0 =	sor.u32 s1, s0  }
0xbc: {  	s0 =	sadd.s32 $0x8F2B, s0  }
0xbd: {  	[sflag:s0] =	ssyncadd.remote.s32 $0x1  }
0xbe: {  	_ =	sfence.sel $0xFFFF  }
0xbf: {  	[dreg:$0x0] =	wrdreg $0xFFFFFFFF;
	(pc) =	sbr.abs _section_cstart, $3  }
0xc0: {  	[dreg:$0x1] =	wrdreg $0xFFFFFFFF  }
0xc1: {  	_ =	task.clear_ibuf [dreg:s6], $0x2FFFF;
	_ =	strace $0x9FFFFFFF  }
0xc2: {  	(tm) =	ssettm $0x7FFFFFFF  }
0xc3: {  	_ =	shalt  }
tec
execute0_lowered:
.L_overlay_start_1:
0x0: {  	(tag) =	ssettag $0x1  }
0x1: {  	s5 =	rddreg [dreg:$0x0]  }
0x2: {  	s1 =	rddreg [dreg:$0x1]  }
0x3: {  	s0 =	rddreg [dreg:$0x2];
	s2 =	simm.s32 $0x0;
	s3 =	srdreg.scid  }
0x4: {  	[smem:$0x7FF] =	sst s2;
	s7 =	sand.u32 $0x1, s3;
	s3 =	stileid.u32  }
0x5: {  	s8 =	sadd.s32 $0x36400, s5;
	s11 =	sadd.s32 $0x1C6400, s5;
	s6 =	smul.u32 $0x9000, s3  }
0x6: {  	_ =	strace $0x8000004D;
	s4 =	sshll.u32 s7, $0x4;
	s14 =	smul.u32 $0x64000, s7  }
0x7: {  	s9 =	sshll.u32 s3, $0xA;
	s10 =	ssub.s32 $0x2, s7;
	s16 =	smul.u32 $0x6400, s7  }
0x8: {  	s28 =	sshll.u32 s3, $0x6;
	s15 =	sshll.u32 s7, $0xE;
	s30 =	smul.u32 $0x640, s3  }
0x9: {  	s31 =	sshll.u32 s3, $0xD;
	s17 =	smul.u32 $0x6400, s3;
	s4 =	sor.u32 s3, s4  }
0xa: {  	s9 =	sadd.s32 s9, s5;
	s25 =	sshrl.u32 s10, $0x1;
	s12 =	smul.u32 $0x640, s4  }
0xb: {  	s4 =	sadd.s32 $0x35C00, s5;
	s10 =	ssub.s32 s10, s25;
	s26 =	sshrl.u32 s6, $0x2  }
0xc: {  	s5 =	sor.u32 $0x1C01, s28;
	s9 =	sadd.s32 s15, s9;
	s14 =	sadd.s32 s14, s8  }
0xd: {  	s15 =	sadd.s32 s31, s1;
	s13 =	sadd.s32 s26, s1;
	s12 =	sadd.s32 $0x600, s12  }
0xe: {  	s15 =	sshrl.u32 s15, $0x3;
	s29 =	sshrl.u32 s12, $0x3;
	s12 =	sshll.u32 s12, $0x4  }
0xf: {  	s6 =	sadd.s32 s11, s29;
	s7 =	sadd.s32 s8, s12;
	s8 =	sadd.s32 $0x4400, s9  }
0x10: {  	s12 =	sadd.s32 s30, s16;
	s9 =	smax.u32 s10, $0x1;
	s10 =	sadd.s32 s17, s14  }
0x11: {  	s14 =	simm.s32 $0x80;
	s16 =	simm.s32 $0x0;
	s12 =	sshrl.u32 s12, $0x3  }
0x12: {  	v0 =	vimm.s32 $0x400;
	s11 =	sadd.s32 s12, s11;
	s12 =	sshrl.u32 s13, $0x3;
	s13 =	simm.s32 $0x1  }
.LBB2_1:
0x13: {  	[spmem:s12], [sflag:s5] =	dma.local [hbm:s4], $0x480  }
0x14: {  	_ =	swait.ge [sflag:s13], $0x480  }
0x15: {  	[sflag:s13] =	ssyncset.done $0x0  }
0x16: {  	[sflag:s13] =	ssyncadd.s32 $0xFFFFFB80  }
0x17: {  	s17 =	sadd.s32 $0x0, s11;
	[bflag:$0x0] =	sbarrier.arrive $0xFFFF  }
0x18: {  	[tilespmem:s2], [sflag:$0x1] =	stream.linear.gather [hbm4b:s17+s2], $0x80, $0x38;
	[tilespmem:$0x6480] =	vst v63  }
0x19: {  	_ =	swait.ge [sflag:s13], $0x80  }
0x1a: {  	[sflag:s13] =	ssyncset.done $0x0  }
0x1b: {  	[sflag:s13] =	ssyncadd.s32 $0xFFFFFF80  }
0x1c: {  	[tilespmem:s14], [sflag:$0x1] =	stream.linear.gather [hbm4b:s10+s2], $0x4000, $0x38;
	[tilespmem:$0x6480] =	vst v63  }
0x1d: {  	_ =	swait.ge [sflag:s13], $0x4000  }
0x1e: {  	[sflag:s13] =	ssyncset.done $0x0  }
0x1f: {  	[sflag:s13] =	ssyncadd.s32 $0xFFFFC000  }
0x20: {  	[spmem:s1] =	stream.indirect.scatter.add.f32 [tilespmem:s14], [sflag:$0x1], $0x80, s2, s14, $0xb8;
	[tilespmem:$0x6480] =	vst v63  }
0x21: {  	s18 =	simm.s32 $0x10;
	_ =	swait.ge [sflag:s13], $0x4000  }
0x22: {  	s19 =	simm.s32 $0x20;
	s17 =	sadd.s32 $0x800, s10;
	[sflag:s13] =	ssyncset.done $0x0  }
.LBB2_2:
0x23: {  	s20 =	sadd.s32 s18, s11  }
0x24: {  	[sflag:s13] =	ssyncadd.s32 $0xFFFFC000;
	s18 =	smov.u32 s19;
	s21 =	sadd.s32 $0x10, s19  }
0x25: {  	[tilespmem:s2], [sflag:$0x1] =	stream.linear.gather [hbm4b:s20+s2], $0x80, $0x38;
	[tilespmem:$0x6480] =	vst v63  }
0x26: {  	p0 =	sne.s32 s19, $0xB0;
	_ =	swait.ge [sflag:s13], $0x80  }
0x27: {  	[sflag:s13] =	ssyncset.done $0x0  }
0x28: {  	[sflag:s13] =	ssyncadd.s32 $0xFFFFFF80  }
0x29: {  	[tilespmem:s14], [sflag:$0x1] =	stream.linear.gather [hbm4b:s17+s2], $0x4000, $0x38;
	[tilespmem:$0x6480] =	vst v63  }
0x2a: {  	_ =	swait.ge [sflag:s13], $0x4000  }
.Ltmp0:
0x2b: {  	[sflag:s13] =	ssyncset.done $0x0;
	(pc) =	sbr.rel @p0 .LBB2_2-.Ltmp0, $4  }
0x2c: {  	[sflag:s13] =	ssyncadd.s32 $0xFFFFC000  }
0x2d: {  	[spmem:s1] =	stream.indirect.scatter.add.f32 [tilespmem:s14], [sflag:$0x1], $0x80, s2, s14, $0xb8;
	[tilespmem:$0x6480] =	vst v63  }
0x2e: {  	_ =	swait.ge [sflag:s13], $0x4000  }
0x2f: {  	s19 =	smov.u32 s21;
	s17 =	sadd.s32 $0x800, s17;
	[sflag:s13] =	ssyncset.done $0x0  }
0x30: {  	s18 =	sadd.s32 s18, s11;
	[sflag:s13] =	ssyncadd.s32 $0xFFFFC000  }
0x31: {  	[tilespmem:s2], [sflag:$0x1] =	stream.linear.gather [hbm4b:s18+s2], $0x80, $0x38;
	[tilespmem:$0x6480] =	vst v63  }
0x32: {  	_ =	swait.ge [sflag:s13], $0x80  }
0x33: {  	[sflag:s13] =	ssyncset.done $0x0  }
0x34: {  	[sflag:s13] =	ssyncadd.s32 $0xFFFFFF80  }
0x35: {  	[tilespmem:s14], [sflag:$0x1] =	stream.linear.gather [hbm4b:s17+s2], $0x4000, $0x38;
	[tilespmem:$0x6480] =	vst v63  }
0x36: {  	_ =	swait.ge [sflag:s13], $0x4000  }
0x37: {  	[sflag:s13] =	ssyncset.done $0x0  }
0x38: {  	[sflag:s13] =	ssyncadd.s32 $0xFFFFC000  }
0x39: {  	[spmem:s1] =	stream.indirect.scatter.add.f32 [tilespmem:s14], [sflag:$0x1], $0x80, s2, s14, $0xb8;
	[tilespmem:$0x6480] =	vst v63  }
0x3a: {  	_ =	swait.ge [sflag:s13], $0x4000  }
0x3b: {  	[sflag:s13] =	ssyncset.done $0x0  }
0x3c: {  	[sflag:s13] =	ssyncadd.s32 $0xFFFFC000  }
0x3d: {  	[tilespmem:s14], [sflag:$0x1] =	stream.linear.gather [hbm4b:s4+s2], $0x4000, $0x38;
	[tilespmem:$0x6480] =	vst v63  }
0x3e: {  	_ =	swait.ge [sflag:s13], $0x4000  }
0x3f: {  	[sflag:s13] =	ssyncset.done $0x0  }
0x40: {  	[sflag:s13] =	ssyncadd.s32 $0xFFFFC000  }
0x41: {  	[tilespmem:s2], [sflag:$0x1] =	stream.linear.gather [hbm4b:s6+s2], $0x40, $0x38;
	[tilespmem:$0x6480] =	vst v63  }
0x42: {  	_ =	swait.ge [sflag:s13], $0x40  }
0x43: {  	[sflag:s13] =	ssyncset.done $0x0  }
0x44: {  	[sflag:s13] =	ssyncadd.s32 $0xFFFFFFC0  }
0x45: {  	[tilespmem:$0x40] =	vst v0  }
0x46: {  	[tilespmem:$0x50] =	vst v0  }
0x47: {  	[tilespmem:$0x60] =	vst v0  }
0x48: {  	[tilespmem:$0x70] =	vst v0  }
0x49: {  	[tilespmem:s14], [sflag:$0x1] =	stream.linear.gather [hbm4b:s7+s2], $0x2000, $0x38;
	[tilespmem:$0x6480] =	vst v63  }
0x4a: {  	_ =	swait.ge [sflag:s13], $0x2000  }
0x4b: {  	[sflag:s13] =	ssyncset.done $0x0  }
0x4c: {  	[sflag:s13] =	ssyncadd.s32 $0xFFFFE000  }
0x4d: {  	[spmem:s1] =	stream.indirect.scatter.add.f32 [tilespmem:s14], [sflag:$0x1], $0x80, s2, s14, $0xb8;
	[tilespmem:$0x6480] =	vst v63  }
0x4e: {  	_ =	swait.ge [sflag:s13], $0x4000  }
0x4f: {  	s16 =	sadd.s32 $0x1, s16;
	[sflag:s13] =	ssyncset.done $0x0  }
0x50: {  	p0 =	sne.s32 s16, s9;
	[sflag:s13] =	ssyncadd.s32 $0xFFFFC000  }
.Ltmp1:
0x51: {  	[bflag:$0x0] =	sbarrier.arrive $0xFFFF;
	(pc) =	sbr.rel @p0 .LBB2_1-.Ltmp1, $4  }
0x52: {  	[hbm:s8], [sflag:s5] =	dma.local [spmem:s15], $0x400  }
0x53: {  	_ =	swait.ge [sflag:s13], $0x400  }
0x54: {  	[sflag:s13] =	ssyncset.done $0x0  }
0x55: {  	[sflag:s13] =	ssyncadd.s32 $0xFFFFFC00  }
0x56: {  	_ =	sfence.sel $0x180000  }
0x57: {  	[bflag:$0x0] =	sbarrier.arrive $0xFFFF  }
0x58: {  	p0 =	sne.s32 s3, $0x0;
	_ =	strace $0x9000004D  }
0x59: {  	s0 =	sadd.s32 @!p0 $0x100000, s0;
	[bflag:$0x2] =	sbarrier.arrive $0xFFFF  }
0x5a: {  	[sflag:s0] =	ssyncadd.tile.s32 @!p0 $0x1;
	_ =	shalt  }
.Lfunc_end2:
_tile_overlayer_lowered:
.L_overlay_start_2:
0x5b: {  	(tag) =	ssettag $0x2  }
0x5c: {  	s0 =	rddreg [dreg:$0x0];
	s2 =	stileid.u32  }
0x5d: {  	s1 =	rddreg [dreg:$0x1];
	p0 =	sne.s32 s2, $0x0  }
0x5e: {  	s3 =	rddreg [dreg:$0x2];
	[bflag:$0x3] =	sbarrier.arrive $0xFFFF;
	s2 =	simm.s32 @!p0 $0x1C01  }
0x5f: {  	[timem:s3], [sflag:s2] =	dma.local @!p0 [hbm:s0], s1  }
0x60: {  	s0 =	simm.s32 @!p0 $0x1  }
0x61: {  	_ =	swait.ge @!p0 [sflag:s0], s1  }
0x62: {  	s1 =	ssub.s32 @!p0 $0x0, s1;
	[sflag:s0] =	ssyncset.done @!p0 $0x0  }
0x63: {  	[sflag:s0] =	ssyncadd.s32 @!p0 s1  }
0x64: {  	[bflag:$0x3] =	sbarrier.arrive $0xFFFF  }
0x65: {  	_ =	shalt  }

</sc_bundles>
